<compile_context>
chip_gen: v7x
topology: tpu7x:2x2x1
jax: 0.10.2.dev20260603
libtpu: 0.0.44.dev20260713+nightly
codegen_flags: <defaults>
</compile_context>

<pallas_src>
import functools

import jax
import jax.numpy as jnp
from jax import lax
from jax.experimental import pallas as pl
from jax.experimental.pallas import tpu as pltpu
from jax.experimental.pallas import tpu_sc as plsc

_N = 4096
_K = 10
_INV_T = 10.0
_L = 16
_NC, _NS = 2, 16
_NW = _NC * _NS
_RPW = _N // _NW
_NCHUNK = _N // _L
_NGRP = _NCHUNK // _L


def _merge_desc(av, ai, bv, bi):
    rv = lax.rev(bv, (0,))
    ri = lax.rev(bi, (0,))
    take = rv > av
    nv = jnp.where(take, rv, av)
    ni = jnp.where(take, ri, ai)
    return plsc.sort_key_val(nv, ni, descending=True)


def _merge_unsorted(av, ai, v, i):
    sv, si = plsc.sort_key_val(v, i, descending=False)
    take = sv > av
    nv = jnp.where(take, sv, av)
    ni = jnp.where(take, si, ai)
    return plsc.sort_key_val(nv, ni, descending=True)


def _top16_of_vregs(pairs, n_acc):
    del n_acc
    accs = [plsc.sort_key_val(v, i, descending=True) for v, i in pairs]
    while len(accs) > 1:
        odd = accs[-1] if len(accs) % 2 else None
        accs = [_merge_desc(*accs[i], *accs[i + 1])
                for i in range(0, len(accs) - 1, 2)]
        if odd is not None:
            accs.append(odd)
    return accs[0]


_B = 8
_NBATCH = _RPW // _B


_PB = 4


def _sc_body(init_hbm, pred_hbm, out_hbm,
             ib0, ib1, pb0, pb1, val_blk, mbuf,
             si0, si1, sp0, sp1):
    wid = lax.axis_index("s") * _NC + lax.axis_index("c")
    base = wid * _RPW
    lanes = lax.iota(jnp.int32, _L)
    lastb = base + _RPW - _B
    lastp = base + _RPW - _PB

    pltpu.async_copy(init_hbm.at[pl.ds(base, _B)], ib0, si0)
    pltpu.async_copy(init_hbm.at[pl.ds(base + _B, _B)], ib1, si1)
    pltpu.async_copy(pred_hbm.at[pl.ds(base, _PB)], pb0, sp0)
    pltpu.async_copy(pred_hbm.at[pl.ds(base + _PB, _PB)], pb1, sp1)

    def stage1(row, r, buf, mbuf):
        rvec = jnp.full((_L,), r, jnp.int32)
        plsc.store_scatter(buf, [rvec, jnp.full((_L,), row, jnp.int32)],
                           jnp.full((_L,), -1.0, jnp.float32),
                           mask=lanes == 0)

        def grp(g, _):
            m = None
            for k in range(_L):
                e = buf[r, pl.ds(g * 256 + k * _L, _L)]
                m = e if m is None else jnp.maximum(m, e)
            mbuf[pl.ds(g * _L, _L)] = m
            return 0

        lax.fori_loop(0, _NGRP, grp, 0)

    def stage23(row, r, rp, buf, pbuf, mbuf):
        rvec = jnp.full((_L,), r, jnp.int32)
        grp_pairs = [(mbuf[pl.ds(g * _L, _L)], g * _L + lanes)
                     for g in range(_NGRP)]
        _, cid = _top16_of_vregs(grp_pairs, 4)
        cbase = (cid // _L) * 256 + (cid % _L)
        cand_pairs = []
        for j in range(_L):
            cols = cbase + j * _L
            cand_pairs.append((plsc.load_gather(buf, [rvec, cols]), cols))
        _, fcol = _top16_of_vregs(cand_pairs, 4)
        val_blk[row - base] = \
            plsc.load_gather(pbuf, [jnp.full((_L,), rp, jnp.int32), fcol])

    def do_batch(t, ibuf, isem, mbuf):
        row0 = base + t * _B
        pltpu.make_async_copy(init_hbm.at[pl.ds(row0, _B)], ibuf, isem).wait()

        def half(h, pbuf, psem):
            r0 = row0 + h * _PB
            pltpu.make_async_copy(pred_hbm.at[pl.ds(r0, _PB)],
                                  pbuf, psem).wait()

            def inner(u, _):
                stage1(r0 + u, h * _PB + u, ibuf, mbuf)
                stage23(r0 + u, h * _PB + u, u, ibuf, pbuf, mbuf)
                return 0

            lax.fori_loop(0, _PB, inner, 0)
            nxp = jnp.minimum(r0 + _B, lastp)
            pltpu.async_copy(pred_hbm.at[pl.ds(nxp, _PB)], pbuf, psem)

        half(0, pb0, sp0)
        half(1, pb1, sp1)
        nxt = jnp.minimum(row0 + 2 * _B, lastb)
        pltpu.async_copy(init_hbm.at[pl.ds(nxt, _B)], ibuf, isem)

    def quad_body(q, _):
        do_batch(2 * q, ib0, si0, mbuf)
        do_batch(2 * q + 1, ib1, si1, mbuf)
        return 0

    lax.fori_loop(0, _NBATCH // 2, quad_body, 0)
    pltpu.make_async_copy(init_hbm.at[pl.ds(lastb, _B)], ib0, si0).wait()
    pltpu.make_async_copy(init_hbm.at[pl.ds(lastb, _B)], ib1, si1).wait()
    pltpu.make_async_copy(pred_hbm.at[pl.ds(lastp, _PB)], pb0, sp0).wait()
    pltpu.make_async_copy(pred_hbm.at[pl.ds(lastp, _PB)], pb1, sp1).wait()

    pltpu.sync_copy(val_blk, out_hbm.at[pl.ds(base, _RPW)])


@functools.cache
def _sc_topk_gather():
    return functools.partial(
        pl.kernel,
        out_type=jax.ShapeDtypeStruct((_N, _L), jnp.float32),
        mesh=plsc.VectorSubcoreMesh(core_axis_name="c", subcore_axis_name="s",
                                    num_cores=_NC, num_subcores=_NS),
        scratch_types=[
            pltpu.VMEM((_B, _N), jnp.float32),
            pltpu.VMEM((_B, _N), jnp.float32),
            pltpu.VMEM((_PB, _N), jnp.float32),
            pltpu.VMEM((_PB, _N), jnp.float32),
            pltpu.VMEM((_RPW, _L), jnp.float32),
            pltpu.VMEM((_NCHUNK,), jnp.float32),
            pltpu.SemaphoreType.DMA,
            pltpu.SemaphoreType.DMA,
            pltpu.SemaphoreType.DMA,
            pltpu.SemaphoreType.DMA,
        ],
        compiler_params=pltpu.CompilerParams(needs_layout_passes=False),
    )(_sc_body)


_R = 128
_G = _N // _R


def _tc_dense_body(aff, xt, xp, z, zp, lm_ref, ls_ref, den_ref, acc):
    g = pl.program_id(0)

    @pl.when(g == 0)
    def _():
        acc[0] = 0.0
        acc[1] = 0.0

    rows = g * _R + lax.broadcasted_iota(jnp.int32, (_R, _N), 0)
    cols = lax.broadcasted_iota(jnp.int32, (_R, _N), 1)
    sim = jnp.exp(aff[...] * _INV_T)
    sim = jnp.where(cols == rows, 0.0, sim)
    den_ref[...] = jnp.sum(sim, axis=1, keepdims=True)

    dx = xp[...] - xt[...]
    dz = zp[...] - z[...]
    acc[0] = acc[0] + jnp.sum(dx * dx)
    acc[1] = acc[1] + jnp.sum(dz * dz)

    @pl.when(g == _G - 1)
    def _():
        lm_ref[0, 0] = acc[0] / (_N * 1024.0)
        ls_ref[0, 0] = acc[1] / (_N * 256.0)


_tc_dense = pl.pallas_call(
    _tc_dense_body,
    grid=(_G,),
    in_specs=[
        pl.BlockSpec((_R, _N), lambda g: (g, 0)),
        pl.BlockSpec((_R, 1024), lambda g: (g, 0)),
        pl.BlockSpec((_R, 1024), lambda g: (g, 0)),
        pl.BlockSpec((_R, 256), lambda g: (g, 0)),
        pl.BlockSpec((_R, 256), lambda g: (g, 0)),
    ],
    out_specs=[
        pl.BlockSpec(memory_space=pltpu.SMEM),
        pl.BlockSpec(memory_space=pltpu.SMEM),
        pl.BlockSpec((_R, 1), lambda g: (g, 0)),
    ],
    out_shape=[
        jax.ShapeDtypeStruct((1, 1), jnp.float32),
        jax.ShapeDtypeStruct((1, 1), jnp.float32),
        jax.ShapeDtypeStruct((_N, 1), jnp.float32),
    ],
    scratch_shapes=[pltpu.SMEM((2,), jnp.float32)],
)


def _tc_reg_body(pp, den, lr_ref):
    pos = jnp.exp(pp[...] * _INV_T)
    terms = -jnp.log(pos / den[...] + 1e-8)
    kmask = lax.broadcasted_iota(jnp.int32, (_N, _L), 1) < _K
    lr_ref[0, 0] = jnp.sum(jnp.where(kmask, terms, 0.0)) / _N


_tc_reg = pl.pallas_call(
    _tc_reg_body,
    in_specs=[
        pl.BlockSpec((_N, _L), lambda: (0, 0)),
        pl.BlockSpec((_N, 1), lambda: (0, 0)),
    ],
    out_specs=pl.BlockSpec(memory_space=pltpu.SMEM),
    out_shape=jax.ShapeDtypeStruct((1, 1), jnp.float32),
)


def kernel(affinity_mat, aff_init, x_true, x_predict, z, z_pred, eta):
    pos_pred = _sc_topk_gather()(aff_init, affinity_mat)
    lm, ls, den = _tc_dense(affinity_mat, x_true, x_predict, z, z_pred)
    lr = _tc_reg(pos_pred, den)
    lm = lm[0, 0]
    ls = ls[0, 0]
    lr = lr[0, 0]
    ene = jnp.exp(-eta)
    loss = jnp.sum(jnp.stack([lm, ls, lr]) * ene + eta)
    return (loss, lm, ls, lr, ene)

# --- scband reference (transcript-rebuilt; emitter-appended) ---
"""Pipeline reference for scband-loss-49246095016230 (READ-ONLY COPY).

The authoritative reference and input builder live on the scoring server;
editing this copy changes nothing except your own understanding.
"""

import jax, jax.numpy as jnp
import numpy as np

N = 4096
N_NEIGHBOR = 10
TEMPERATURE = 0.1


def _off_diagonal_idx(n):
    cols = jnp.arange(n - 1)
    rows = jnp.arange(n)[:, None]
    # for row i, skip column i: idx = j + (j >= i)
    return cols[None, :] + (cols[None, :] >= rows).astype(cols.dtype)


def _ncl_loss(affinity_pred, affinity_init, n_neighbor, temperature):
    n = affinity_pred.shape[0]
    idx = _off_diagonal_idx(n)
    pred_nd = jnp.take_along_axis(affinity_pred, idx, axis=1)  # [N, N-1]
    init_nd = jnp.take_along_axis(affinity_init, idx, axis=1)  # [N, N-1]
    _, pos_indx = jax.lax.top_k(init_nd, n_neighbor)           # [N, k]
    sim = jnp.exp(pred_nd / temperature)
    pos_sim = jnp.take_along_axis(sim, pos_indx, axis=1)
    denom = jnp.sum(sim, axis=-1, keepdims=True)
    loss = jnp.mean(jnp.sum(-jnp.log(pos_sim / denom + 1e-8), axis=1))
    return loss


def setup_inputs(seed: int = 0) -> dict:
    key = jax.random.key(seed)
    ks = jax.random.split(key, 6)
    return {
        "affinity_mat": jax.random.normal(ks[0], (N, N), dtype=jnp.float32),
        "aff_init": jax.random.uniform(ks[1], (N, N), dtype=jnp.float32),
        "x_true": jax.random.normal(ks[2], (N, 1024), dtype=jnp.float32),
        "x_predict": jax.random.normal(ks[3], (N, 1024), dtype=jnp.float32),
        "z": jax.random.normal(ks[4], (N, 256), dtype=jnp.float32),
        "z_pred": jax.random.normal(ks[5], (N, 256), dtype=jnp.float32),
        "eta": jnp.array([0.0, -1.0, -10.0], dtype=jnp.float32),
    }


def reference(affinity_mat, aff_init, x_true, x_predict, z, z_pred, eta):
    # regularizer == 'NC': loop over params named 'affinity_mat' -> single param here
    loss_regularization = _ncl_loss(affinity_mat, aff_init, N_NEIGHBOR, TEMPERATURE)
    loss_model_recon = jnp.mean((x_predict - x_true) ** 2)
    loss_se_recon = jnp.mean((z_pred - z) ** 2)
    loss_ = jnp.stack([loss_model_recon, loss_se_recon, loss_regularization])
    loss = jnp.sum(loss_ * jnp.exp(-eta) + eta)
    return (loss, loss_model_recon, loss_se_recon, loss_regularization, jnp.exp(-eta))

if __name__ == "__main__":
    import jax
    _d = setup_inputs()
    print(jax.jit(kernel)(*tuple(_d.values())))

</pallas_src>

<mosaic_0001>
#map = affine_map<(d0, d1) -> (0, 0)>
module attributes {stable_mosaic.version = 14 : i64} {
  func.func @_sc_body(%arg0: i32, %arg1: i32, %arg2: memref<4096x4096xf32, #tpu.memory_space<hbm>>, %arg3: memref<4096x4096xf32, #tpu.memory_space<hbm>>, %arg4: memref<4096x16xf32, #tpu.memory_space<hbm>>, %arg5: memref<8x4096xf32, #tpu.memory_space<vmem>>, %arg6: memref<8x4096xf32, #tpu.memory_space<vmem>>, %arg7: memref<4x4096xf32, #tpu.memory_space<vmem>>, %arg8: memref<4x4096xf32, #tpu.memory_space<vmem>>, %arg9: memref<128x16xf32, #tpu.memory_space<vmem>>, %arg10: memref<256xf32, #tpu.memory_space<vmem>>, %arg11: memref<!tpu.dma_semaphore, #tpu.memory_space<semaphore_mem>>, %arg12: memref<!tpu.dma_semaphore, #tpu.memory_space<semaphore_mem>>, %arg13: memref<!tpu.dma_semaphore, #tpu.memory_space<semaphore_mem>>, %arg14: memref<!tpu.dma_semaphore, #tpu.memory_space<semaphore_mem>>) attributes {dimension_semantics = [#tpu.dimension_semantics<core_parallel>, #tpu.dimension_semantics<subcore_parallel>], iteration_bounds = array<i64: 2, 16>, scalar_prefetch = 0 : i64, scratch_operands = 10 : i64, tpu.core_type = #tpu.core_type<sc_vector_subcore>, window_params = [{transform_indices = #map}, {transform_indices = #map}, {transform_indices = #map}]} {
    %mul3A = arith.constant 2 : i32
    %mul3A_0 = arith.muli %arg1, %mul3A : i32
    %add3A = arith.addi %mul3A_0, %arg0 : i32
    %mul3A_1 = arith.constant 128 : i32
    %mul3A_2 = arith.muli %add3A, %mul3A_1 : i32
    %iota3A = tpu.iota {dimensions = array<i32: 0>} : vector<16xi32>
    %add3A_3 = arith.constant 128 : i32
    %add3A_4 = arith.addi %mul3A_2, %add3A_3 : i32
    %sub3A = arith.constant 8 : i32
    %sub3A_5 = arith.subi %add3A_4, %sub3A : i32
    %add3A_6 = arith.constant 128 : i32
    %add3A_7 = arith.addi %mul3A_2, %add3A_6 : i32
    %sub3A_8 = arith.constant 4 : i32
    %sub3A_9 = arith.subi %add3A_7, %sub3A_8 : i32
    %dma_start3A = arith.constant 0 : i32
    %dma_start3A_10 = tpu.memref_slice %arg2[%mul3A_2, %dma_start3A] : memref<4096x4096xf32, #tpu.memory_space<hbm>> -> memref<8x4096xf32, #tpu.memory_space<hbm>>
    %dma_start3A_11 = arith.constant 0 : i32
    %dma_start3A_12 = tpu.memref_slice %arg2[%mul3A_2, %dma_start3A_11] : memref<4096x4096xf32, #tpu.memory_space<hbm>> -> memref<8x4096xf32, #tpu.memory_space<hbm>>
    tpu.enqueue_dma source(%dma_start3A_12 : memref<8x4096xf32, #tpu.memory_space<hbm>>) target(%arg5 : memref<8x4096xf32, #tpu.memory_space<vmem>>) target_semaphore(%arg11 : memref<!tpu.dma_semaphore, #tpu.memory_space<semaphore_mem>>)
    %add3A_13 = arith.constant 8 : i32
    %add3A_14 = arith.addi %mul3A_2, %add3A_13 : i32
    %dma_start3A_15 = arith.constant 0 : i32
    %dma_start3A_16 = tpu.memref_slice %arg2[%add3A_14, %dma_start3A_15] : memref<4096x4096xf32, #tpu.memory_space<hbm>> -> memref<8x4096xf32, #tpu.memory_space<hbm>>
    %dma_start3A_17 = arith.constant 0 : i32
    %dma_start3A_18 = tpu.memref_slice %arg2[%add3A_14, %dma_start3A_17] : memref<4096x4096xf32, #tpu.memory_space<hbm>> -> memref<8x4096xf32, #tpu.memory_space<hbm>>
    tpu.enqueue_dma source(%dma_start3A_18 : memref<8x4096xf32, #tpu.memory_space<hbm>>) target(%arg6 : memref<8x4096xf32, #tpu.memory_space<vmem>>) target_semaphore(%arg12 : memref<!tpu.dma_semaphore, #tpu.memory_space<semaphore_mem>>)
    %dma_start3A_19 = arith.constant 0 : i32
    %dma_start3A_20 = tpu.memref_slice %arg3[%mul3A_2, %dma_start3A_19] : memref<4096x4096xf32, #tpu.memory_space<hbm>> -> memref<4x4096xf32, #tpu.memory_space<hbm>>
    %dma_start3A_21 = arith.constant 0 : i32
    %dma_start3A_22 = tpu.memref_slice %arg3[%mul3A_2, %dma_start3A_21] : memref<4096x4096xf32, #tpu.memory_space<hbm>> -> memref<4x4096xf32, #tpu.memory_space<hbm>>
    tpu.enqueue_dma source(%dma_start3A_22 : memref<4x4096xf32, #tpu.memory_space<hbm>>) target(%arg7 : memref<4x4096xf32, #tpu.memory_space<vmem>>) target_semaphore(%arg13 : memref<!tpu.dma_semaphore, #tpu.memory_space<semaphore_mem>>)
    %add3A_23 = arith.constant 4 : i32
    %add3A_24 = arith.addi %mul3A_2, %add3A_23 : i32
    %dma_start3A_25 = arith.constant 0 : i32
    %dma_start3A_26 = tpu.memref_slice %arg3[%add3A_24, %dma_start3A_25] : memref<4096x4096xf32, #tpu.memory_space<hbm>> -> memref<4x4096xf32, #tpu.memory_space<hbm>>
    %dma_start3A_27 = arith.constant 0 : i32
    %dma_start3A_28 = tpu.memref_slice %arg3[%add3A_24, %dma_start3A_27] : memref<4096x4096xf32, #tpu.memory_space<hbm>> -> memref<4x4096xf32, #tpu.memory_space<hbm>>
    tpu.enqueue_dma source(%dma_start3A_28 : memref<4x4096xf32, #tpu.memory_space<hbm>>) target(%arg8 : memref<4x4096xf32, #tpu.memory_space<vmem>>) target_semaphore(%arg14 : memref<!tpu.dma_semaphore, #tpu.memory_space<semaphore_mem>>)
    %scan3A = arith.constant 0 : i32
    %scan3A_29 = arith.constant 0 : i32
    %scan3A_30 = arith.constant 8 : i32
    %scan3A_31 = arith.addi %scan3A_29, %scan3A_30 : i32
    %scan3A_32 = arith.constant 1 : i32
    %scan3A_33 = scf.for %scan3A_50 = %scan3A_29 to %scan3A_31 step %scan3A_32 iter_args(%scan3A_51 = %scan3A) -> (i32)  : i32 {
      %mul3A_52 = arith.constant 2 : i32
      %mul3A_53 = arith.muli %mul3A_52, %scan3A_50 : i32
      %mul3A_54 = arith.constant 8 : i32
      %mul3A_55 = arith.muli %mul3A_53, %mul3A_54 : i32
      %add3A_56 = arith.addi %mul3A_2, %mul3A_55 : i32
      %dma_wait3A_57 = arith.constant 0 : i32
      %dma_wait3A_58 = tpu.memref_slice %arg2[%add3A_56, %dma_wait3A_57] : memref<4096x4096xf32, #tpu.memory_space<hbm>> -> memref<8x4096xf32, #tpu.memory_space<hbm>>
      %dma_wait3A_59 = arith.constant 0 : i32
      %dma_wait3A_60 = tpu.memref_slice %arg2[%add3A_56, %dma_wait3A_59] : memref<4096x4096xf32, #tpu.memory_space<hbm>> -> memref<8x4096xf32, #tpu.memory_space<hbm>>
      tpu.wait_dma2 semaphore(%arg11 : memref<!tpu.dma_semaphore, #tpu.memory_space<semaphore_mem>>) src(%dma_wait3A_60 : memref<8x4096xf32, #tpu.memory_space<hbm>>) dst(%arg5 : memref<8x4096xf32, #tpu.memory_space<vmem>>)
      %add3A_61 = arith.constant 0 : i32
      %add3A_62 = arith.addi %add3A_56, %add3A_61 : i32
      %dma_wait3A_63 = arith.constant 0 : i32
      %dma_wait3A_64 = tpu.memref_slice %arg3[%add3A_62, %dma_wait3A_63] : memref<4096x4096xf32, #tpu.memory_space<hbm>> -> memref<4x4096xf32, #tpu.memory_space<hbm>>
      %dma_wait3A_65 = arith.constant 0 : i32
      %dma_wait3A_66 = tpu.memref_slice %arg3[%add3A_62, %dma_wait3A_65] : memref<4096x4096xf32, #tpu.memory_space<hbm>> -> memref<4x4096xf32, #tpu.memory_space<hbm>>
      tpu.wait_dma2 semaphore(%arg13 : memref<!tpu.dma_semaphore, #tpu.memory_space<semaphore_mem>>) src(%dma_wait3A_66 : memref<4x4096xf32, #tpu.memory_space<hbm>>) dst(%arg7 : memref<4x4096xf32, #tpu.memory_space<vmem>>)
      %scan3A_67 = arith.constant 0 : i32
      %scan3A_68 = arith.constant 0 : i32
      %scan3A_69 = arith.constant 4 : i32
      %scan3A_70 = arith.addi %scan3A_68, %scan3A_69 : i32
      %scan3A_71 = arith.constant 1 : i32
      %scan3A_72 = scf.for %scan3A_166 = %scan3A_68 to %scan3A_70 step %scan3A_71 iter_args(%scan3A_167 = %scan3A_67) -> (i32)  : i32 {
        %add3A_168 = arith.addi %add3A_62, %scan3A_166 : i32
        %add3A_169 = arith.constant 0 : i32
        %add3A_170 = arith.addi %add3A_169, %scan3A_166 : i32
        %broadcast_in_dim3A = vector.broadcast %add3A_170 : i32 to vector<16xi32>
        %broadcast_in_dim3A_171 = vector.broadcast %add3A_168 : i32 to vector<16xi32>
        %broadcast_in_dim3A_172 = arith.constant -1.000000e+00 : f32
        %broadcast_in_dim3A_173 = vector.broadcast %broadcast_in_dim3A_172 : f32 to vector<16xf32>
        %eq3A = arith.constant 0 : i32
        %eq3A_174 = vector.broadcast %eq3A : i32 to vector<16xi32>
        %eq3A_175 = arith.cmpi eq, %iota3A, %eq3A_174 : vector<16xi32>
        tpu.vector_store_idx %arg5[%broadcast_in_dim3A, %broadcast_in_dim3A_171], %broadcast_in_dim3A_173 masked %eq3A_175 : memref<8x4096xf32, #tpu.memory_space<vmem>>[vector<16xi32>, vector<16xi32>], vector<16xf32>, vector<16xi1>
        %scan3A_176 = arith.constant 0 : i32
        %scan3A_177 = arith.constant 0 : i32
        %scan3A_178 = arith.constant 16 : i32
        %scan3A_179 = arith.addi %scan3A_177, %scan3A_178 : i32
        %scan3A_180 = arith.constant 1 : i32
        %scan3A_181 = scf.for %scan3A_1019 = %scan3A_177 to %scan3A_179 step %scan3A_180 iter_args(%scan3A_1020 = %scan3A_176) -> (i32)  : i32 {
          %mul3A_1021 = arith.constant 256 : i32
          %mul3A_1022 = arith.muli %scan3A_1019, %mul3A_1021 : i32
          %add3A_1023 = arith.constant 0 : i32
          %add3A_1024 = arith.addi %mul3A_1022, %add3A_1023 : i32
          %get3A_1025 = arith.index_cast %add3A_170 : i32 to index
          %get3A_1026 = arith.index_cast %add3A_1024 : i32 to index
          %get3A_1027 = tpu.vector_load %arg5[%get3A_1025, %get3A_1026] {strides = array<i32>} : memref<8x4096xf32, #tpu.memory_space<vmem>>, vector<16xf32>,
          %mul3A_1028 = arith.constant 256 : i32
          %mul3A_1029 = arith.muli %scan3A_1019, %mul3A_1028 : i32
          %add3A_1030 = arith.constant 16 : i32
          %add3A_1031 = arith.addi %mul3A_1029, %add3A_1030 : i32
          %get3A_1032 = arith.index_cast %add3A_170 : i32 to index
          %get3A_1033 = arith.index_cast %add3A_1031 : i32 to index
          %get3A_1034 = tpu.vector_load %arg5[%get3A_1032, %get3A_1033] {strides = array<i32>} : memref<8x4096xf32, #tpu.memory_space<vmem>>, vector<16xf32>,
          %max3A = arith.maximumf %get3A_1027, %get3A_1034 : vector<16xf32>
          %mul3A_1035 = arith.constant 256 : i32
          %mul3A_1036 = arith.muli %scan3A_1019, %mul3A_1035 : i32
          %add3A_1037 = arith.constant 32 : i32
          %add3A_1038 = arith.addi %mul3A_1036, %add3A_1037 : i32
          %get3A_1039 = arith.index_cast %add3A_170 : i32 to index
          %get3A_1040 = arith.index_cast %add3A_1038 : i32 to index
          %get3A_1041 = tpu.vector_load %arg5[%get3A_1039, %get3A_1040] {strides = array<i32>} : memref<8x4096xf32, #tpu.memory_space<vmem>>, vector<16xf32>,
          %max3A_1042 = arith.maximumf %max3A, %get3A_1041 : vector<16xf32>
          %mul3A_1043 = arith.constant 256 : i32
          %mul3A_1044 = arith.muli %scan3A_1019, %mul3A_1043 : i32
          %add3A_1045 = arith.constant 48 : i32
          %add3A_1046 = arith.addi %mul3A_1044, %add3A_1045 : i32
          %get3A_1047 = arith.index_cast %add3A_170 : i32 to index
          %get3A_1048 = arith.index_cast %add3A_1046 : i32 to index
          %get3A_1049 = tpu.vector_load %arg5[%get3A_1047, %get3A_1048] {strides = array<i32>} : memref<8x4096xf32, #tpu.memory_space<vmem>>, vector<16xf32>,
          %max3A_1050 = arith.maximumf %max3A_1042, %get3A_1049 : vector<16xf32>
          %mul3A_1051 = arith.constant 256 : i32
          %mul3A_1052 = arith.muli %scan3A_1019, %mul3A_1051 : i32
          %add3A_1053 = arith.constant 64 : i32
          %add3A_1054 = arith.addi %mul3A_1052, %add3A_1053 : i32
          %get3A_1055 = arith.index_cast %add3A_170 : i32 to index
          %get3A_1056 = arith.index_cast %add3A_1054 : i32 to index
          %get3A_1057 = tpu.vector_load %arg5[%get3A_1055, %get3A_1056] {strides = array<i32>} : memref<8x4096xf32, #tpu.memory_space<vmem>>, vector<16xf32>,
          %max3A_1058 = arith.maximumf %max3A_1050, %get3A_1057 : vector<16xf32>
          %mul3A_1059 = arith.constant 256 : i32
          %mul3A_1060 = arith.muli %scan3A_1019, %mul3A_1059 : i32
          %add3A_1061 = arith.constant 80 : i32
          %add3A_1062 = arith.addi %mul3A_1060, %add3A_1061 : i32
          %get3A_1063 = arith.index_cast %add3A_170 : i32 to index
          %get3A_1064 = arith.index_cast %add3A_1062 : i32 to index
          %get3A_1065 = tpu.vector_load %arg5[%get3A_1063, %get3A_1064] {strides = array<i32>} : memref<8x4096xf32, #tpu.memory_space<vmem>>, vector<16xf32>,
          %max3A_1066 = arith.maximumf %max3A_1058, %get3A_1065 : vector<16xf32>
          %mul3A_1067 = arith.constant 256 : i32
          %mul3A_1068 = arith.muli %scan3A_1019, %mul3A_1067 : i32
          %add3A_1069 = arith.constant 96 : i32
          %add3A_1070 = arith.addi %mul3A_1068, %add3A_1069 : i32
          %get3A_1071 = arith.index_cast %add3A_170 : i32 to index
          %get3A_1072 = arith.index_cast %add3A_1070 : i32 to index
          %get3A_1073 = tpu.vector_load %arg5[%get3A_1071, %get3A_1072] {strides = array<i32>} : memref<8x4096xf32, #tpu.memory_space<vmem>>, vector<16xf32>,
          %max3A_1074 = arith.maximumf %max3A_1066, %get3A_1073 : vector<16xf32>
          %mul3A_1075 = arith.constant 256 : i32
          %mul3A_1076 = arith.muli %scan3A_1019, %mul3A_1075 : i32
          %add3A_1077 = arith.constant 112 : i32
          %add3A_1078 = arith.addi %mul3A_1076, %add3A_1077 : i32
          %get3A_1079 = arith.index_cast %add3A_170 : i32 to index
          %get3A_1080 = arith.index_cast %add3A_1078 : i32 to index
          %get3A_1081 = tpu.vector_load %arg5[%get3A_1079, %get3A_1080] {strides = array<i32>} : memref<8x4096xf32, #tpu.memory_space<vmem>>, vector<16xf32>,
          %max3A_1082 = arith.maximumf %max3A_1074, %get3A_1081 : vector<16xf32>
          %mul3A_1083 = arith.constant 256 : i32
          %mul3A_1084 = arith.muli %scan3A_1019, %mul3A_1083 : i32
          %add3A_1085 = arith.constant 128 : i32
          %add3A_1086 = arith.addi %mul3A_1084, %add3A_1085 : i32
          %get3A_1087 = arith.index_cast %add3A_170 : i32 to index
          %get3A_1088 = arith.index_cast %add3A_1086 : i32 to index
          %get3A_1089 = tpu.vector_load %arg5[%get3A_1087, %get3A_1088] {strides = array<i32>} : memref<8x4096xf32, #tpu.memory_space<vmem>>, vector<16xf32>,
          %max3A_1090 = arith.maximumf %max3A_1082, %get3A_1089 : vector<16xf32>
          %mul3A_1091 = arith.constant 256 : i32
          %mul3A_1092 = arith.muli %scan3A_1019, %mul3A_1091 : i32
          %add3A_1093 = arith.constant 144 : i32
          %add3A_1094 = arith.addi %mul3A_1092, %add3A_1093 : i32
          %get3A_1095 = arith.index_cast %add3A_170 : i32 to index
          %get3A_1096 = arith.index_cast %add3A_1094 : i32 to index
          %get3A_1097 = tpu.vector_load %arg5[%get3A_1095, %get3A_1096] {strides = array<i32>} : memref<8x4096xf32, #tpu.memory_space<vmem>>, vector<16xf32>,
          %max3A_1098 = arith.maximumf %max3A_1090, %get3A_1097 : vector<16xf32>
          %mul3A_1099 = arith.constant 256 : i32
          %mul3A_1100 = arith.muli %scan3A_1019, %mul3A_1099 : i32
          %add3A_1101 = arith.constant 160 : i32
          %add3A_1102 = arith.addi %mul3A_1100, %add3A_1101 : i32
          %get3A_1103 = arith.index_cast %add3A_170 : i32 to index
          %get3A_1104 = arith.index_cast %add3A_1102 : i32 to index
          %get3A_1105 = tpu.vector_load %arg5[%get3A_1103, %get3A_1104] {strides = array<i32>} : memref<8x4096xf32, #tpu.memory_space<vmem>>, vector<16xf32>,
          %max3A_1106 = arith.maximumf %max3A_1098, %get3A_1105 : vector<16xf32>
          %mul3A_1107 = arith.constant 256 : i32
          %mul3A_1108 = arith.muli %scan3A_1019, %mul3A_1107 : i32
          %add3A_1109 = arith.constant 176 : i32
          %add3A_1110 = arith.addi %mul3A_1108, %add3A_1109 : i32
          %get3A_1111 = arith.index_cast %add3A_170 : i32 to index
          %get3A_1112 = arith.index_cast %add3A_1110 : i32 to index
          %get3A_1113 = tpu.vector_load %arg5[%get3A_1111, %get3A_1112] {strides = array<i32>} : memref<8x4096xf32, #tpu.memory_space<vmem>>, vector<16xf32>,
          %max3A_1114 = arith.maximumf %max3A_1106, %get3A_1113 : vector<16xf32>
          %mul3A_1115 = arith.constant 256 : i32
          %mul3A_1116 = arith.muli %scan3A_1019, %mul3A_1115 : i32
          %add3A_1117 = arith.constant 192 : i32
          %add3A_1118 = arith.addi %mul3A_1116, %add3A_1117 : i32
          %get3A_1119 = arith.index_cast %add3A_170 : i32 to index
          %get3A_1120 = arith.index_cast %add3A_1118 : i32 to index
          %get3A_1121 = tpu.vector_load %arg5[%get3A_1119, %get3A_1120] {strides = array<i32>} : memref<8x4096xf32, #tpu.memory_space<vmem>>, vector<16xf32>,
          %max3A_1122 = arith.maximumf %max3A_1114, %get3A_1121 : vector<16xf32>
          %mul3A_1123 = arith.constant 256 : i32
          %mul3A_1124 = arith.muli %scan3A_1019, %mul3A_1123 : i32
          %add3A_1125 = arith.constant 208 : i32
          %add3A_1126 = arith.addi %mul3A_1124, %add3A_1125 : i32
          %get3A_1127 = arith.index_cast %add3A_170 : i32 to index
          %get3A_1128 = arith.index_cast %add3A_1126 : i32 to index
          %get3A_1129 = tpu.vector_load %arg5[%get3A_1127, %get3A_1128] {strides = array<i32>} : memref<8x4096xf32, #tpu.memory_space<vmem>>, vector<16xf32>,
          %max3A_1130 = arith.maximumf %max3A_1122, %get3A_1129 : vector<16xf32>
          %mul3A_1131 = arith.constant 256 : i32
          %mul3A_1132 = arith.muli %scan3A_1019, %mul3A_1131 : i32
          %add3A_1133 = arith.constant 224 : i32
          %add3A_1134 = arith.addi %mul3A_1132, %add3A_1133 : i32
          %get3A_1135 = arith.index_cast %add3A_170 : i32 to index
          %get3A_1136 = arith.index_cast %add3A_1134 : i32 to index
          %get3A_1137 = tpu.vector_load %arg5[%get3A_1135, %get3A_1136] {strides = array<i32>} : memref<8x4096xf32, #tpu.memory_space<vmem>>, vector<16xf32>,
          %max3A_1138 = arith.maximumf %max3A_1130, %get3A_1137 : vector<16xf32>
          %mul3A_1139 = arith.constant 256 : i32
          %mul3A_1140 = arith.muli %scan3A_1019, %mul3A_1139 : i32
          %add3A_1141 = arith.constant 240 : i32
          %add3A_1142 = arith.addi %mul3A_1140, %add3A_1141 : i32
          %get3A_1143 = arith.index_cast %add3A_170 : i32 to index
          %get3A_1144 = arith.index_cast %add3A_1142 : i32 to index
          %get3A_1145 = tpu.vector_load %arg5[%get3A_1143, %get3A_1144] {strides = array<i32>} : memref<8x4096xf32, #tpu.memory_space<vmem>>, vector<16xf32>,
          %max3A_1146 = arith.maximumf %max3A_1138, %get3A_1145 : vector<16xf32>
          %mul3A_1147 = arith.constant 16 : i32
          %mul3A_1148 = arith.muli %scan3A_1019, %mul3A_1147 : i32
          %swap3A_1149 = arith.index_cast %mul3A_1148 : i32 to index
          %swap3A_1150 = tpu.vector_load %arg10[%swap3A_1149] {strides = array<i32>} : memref<256xf32, #tpu.memory_space<vmem>>, vector<16xf32>,
          tpu.vector_store %arg10[%swap3A_1149], %max3A_1146 {strides = array<i32>} : memref<256xf32, #tpu.memory_space<vmem>>, vector<16xf32>,
          %scan3A_1151 = arith.constant 0 : i32
          scf.yield %scan3A_1151 : i32
        }
        %scan3A_182 = arith.constant 16 : i32
        %add3A_183 = arith.addi %add3A_62, %scan3A_166 : i32
        %add3A_184 = arith.constant 0 : i32
        %add3A_185 = arith.addi %add3A_184, %scan3A_166 : i32
        %broadcast_in_dim3A_186 = vector.broadcast %add3A_185 : i32 to vector<16xi32>
        %get3A = arith.constant 0 : index
        %get3A_187 = tpu.vector_load %arg10[%get3A] {strides = array<i32>} : memref<256xf32, #tpu.memory_space<vmem>>, vector<16xf32>,
        %add3A_188 = arith.constant 0 : i32
        %add3A_189 = vector.broadcast %add3A_188 : i32 to vector<16xi32>
        %add3A_190 = arith.addi %add3A_189, %iota3A : vector<16xi32>
        %get3A_191 = arith.constant 16 : index
        %get3A_192 = tpu.vector_load %arg10[%get3A_191] {strides = array<i32>} : memref<256xf32, #tpu.memory_space<vmem>>, vector<16xf32>,
        %add3A_193 = arith.constant 16 : i32
        %add3A_194 = vector.broadcast %add3A_193 : i32 to vector<16xi32>
        %add3A_195 = arith.addi %add3A_194, %iota3A : vector<16xi32>
        %get3A_196 = arith.constant 32 : index
        %get3A_197 = tpu.vector_load %arg10[%get3A_196] {strides = array<i32>} : memref<256xf32, #tpu.memory_space<vmem>>, vector<16xf32>,
        %add3A_198 = arith.constant 32 : i32
        %add3A_199 = vector.broadcast %add3A_198 : i32 to vector<16xi32>
        %add3A_200 = arith.addi %add3A_199, %iota3A : vector<16xi32>
        %get3A_201 = arith.constant 48 : index
        %get3A_202 = tpu.vector_load %arg10[%get3A_201] {strides = array<i32>} : memref<256xf32, #tpu.memory_space<vmem>>, vector<16xf32>,
        %add3A_203 = arith.constant 48 : i32
        %add3A_204 = vector.broadcast %add3A_203 : i32 to vector<16xi32>
        %add3A_205 = arith.addi %add3A_204, %iota3A : vector<16xi32>
        %get3A_206 = arith.constant 64 : index
        %get3A_207 = tpu.vector_load %arg10[%get3A_206] {strides = array<i32>} : memref<256xf32, #tpu.memory_space<vmem>>, vector<16xf32>,
        %add3A_208 = arith.constant 64 : i32
        %add3A_209 = vector.broadcast %add3A_208 : i32 to vector<16xi32>
        %add3A_210 = arith.addi %add3A_209, %iota3A : vector<16xi32>
        %get3A_211 = arith.constant 80 : index
        %get3A_212 = tpu.vector_load %arg10[%get3A_211] {strides = array<i32>} : memref<256xf32, #tpu.memory_space<vmem>>, vector<16xf32>,
        %add3A_213 = arith.constant 80 : i32
        %add3A_214 = vector.broadcast %add3A_213 : i32 to vector<16xi32>
        %add3A_215 = arith.addi %add3A_214, %iota3A : vector<16xi32>
        %get3A_216 = arith.constant 96 : index
        %get3A_217 = tpu.vector_load %arg10[%get3A_216] {strides = array<i32>} : memref<256xf32, #tpu.memory_space<vmem>>, vector<16xf32>,
        %add3A_218 = arith.constant 96 : i32
        %add3A_219 = vector.broadcast %add3A_218 : i32 to vector<16xi32>
        %add3A_220 = arith.addi %add3A_219, %iota3A : vector<16xi32>
        %get3A_221 = arith.constant 112 : index
        %get3A_222 = tpu.vector_load %arg10[%get3A_221] {strides = array<i32>} : memref<256xf32, #tpu.memory_space<vmem>>, vector<16xf32>,
        %add3A_223 = arith.constant 112 : i32
        %add3A_224 = vector.broadcast %add3A_223 : i32 to vector<16xi32>
        %add3A_225 = arith.addi %add3A_224, %iota3A : vector<16xi32>
        %get3A_226 = arith.constant 128 : index
        %get3A_227 = tpu.vector_load %arg10[%get3A_226] {strides = array<i32>} : memref<256xf32, #tpu.memory_space<vmem>>, vector<16xf32>,
        %add3A_228 = arith.constant 128 : i32
        %add3A_229 = vector.broadcast %add3A_228 : i32 to vector<16xi32>
        %add3A_230 = arith.addi %add3A_229, %iota3A : vector<16xi32>
        %get3A_231 = arith.constant 144 : index
        %get3A_232 = tpu.vector_load %arg10[%get3A_231] {strides = array<i32>} : memref<256xf32, #tpu.memory_space<vmem>>, vector<16xf32>,
        %add3A_233 = arith.constant 144 : i32
        %add3A_234 = vector.broadcast %add3A_233 : i32 to vector<16xi32>
        %add3A_235 = arith.addi %add3A_234, %iota3A : vector<16xi32>
        %get3A_236 = arith.constant 160 : index
        %get3A_237 = tpu.vector_load %arg10[%get3A_236] {strides = array<i32>} : memref<256xf32, #tpu.memory_space<vmem>>, vector<16xf32>,
        %add3A_238 = arith.constant 160 : i32
        %add3A_239 = vector.broadcast %add3A_238 : i32 to vector<16xi32>
        %add3A_240 = arith.addi %add3A_239, %iota3A : vector<16xi32>
        %get3A_241 = arith.constant 176 : index
        %get3A_242 = tpu.vector_load %arg10[%get3A_241] {strides = array<i32>} : memref<256xf32, #tpu.memory_space<vmem>>, vector<16xf32>,
        %add3A_243 = arith.constant 176 : i32
        %add3A_244 = vector.broadcast %add3A_243 : i32 to vector<16xi32>
        %add3A_245 = arith.addi %add3A_244, %iota3A : vector<16xi32>
        %get3A_246 = arith.constant 192 : index
        %get3A_247 = tpu.vector_load %arg10[%get3A_246] {strides = array<i32>} : memref<256xf32, #tpu.memory_space<vmem>>, vector<16xf32>,
        %add3A_248 = arith.constant 192 : i32
        %add3A_249 = vector.broadcast %add3A_248 : i32 to vector<16xi32>
        %add3A_250 = arith.addi %add3A_249, %iota3A : vector<16xi32>
        %get3A_251 = arith.constant 208 : index
        %get3A_252 = tpu.vector_load %arg10[%get3A_251] {strides = array<i32>} : memref<256xf32, #tpu.memory_space<vmem>>, vector<16xf32>,
        %add3A_253 = arith.constant 208 : i32
        %add3A_254 = vector.broadcast %add3A_253 : i32 to vector<16xi32>
        %add3A_255 = arith.addi %add3A_254, %iota3A : vector<16xi32>
        %get3A_256 = arith.constant 224 : index
        %get3A_257 = tpu.vector_load %arg10[%get3A_256] {strides = array<i32>} : memref<256xf32, #tpu.memory_space<vmem>>, vector<16xf32>,
        %add3A_258 = arith.constant 224 : i32
        %add3A_259 = vector.broadcast %add3A_258 : i32 to vector<16xi32>
        %add3A_260 = arith.addi %add3A_259, %iota3A : vector<16xi32>
        %get3A_261 = arith.constant 240 : index
        %get3A_262 = tpu.vector_load %arg10[%get3A_261] {strides = array<i32>} : memref<256xf32, #tpu.memory_space<vmem>>, vector<16xf32>,
        %add3A_263 = arith.constant 240 : i32
        %add3A_264 = vector.broadcast %add3A_263 : i32 to vector<16xi32>
        %add3A_265 = arith.addi %add3A_264, %iota3A : vector<16xi32>
        %masked_sort3A = arith.constant dense<true> : vector<16xi1>
        %masked_sort3A_266, %masked_sort3A_267, %masked_sort3A_268 = tpu.sort %get3A_187, %add3A_190 masked %masked_sort3A {descending = true} : (vector<16xf32>, vector<16xi32>, vector<16xi1>) -> (vector<16xi1>, vector<16xf32>, vector<16xi32>)
        %masked_sort3A_269 = arith.constant dense<true> : vector<16xi1>
        %masked_sort3A_270, %masked_sort3A_271, %masked_sort3A_272 = tpu.sort %get3A_192, %add3A_195 masked %masked_sort3A_269 {descending = true} : (vector<16xf32>, vector<16xi32>, vector<16xi1>) -> (vector<16xi1>, vector<16xf32>, vector<16xi32>)
        %masked_sort3A_273 = arith.constant dense<true> : vector<16xi1>
        %masked_sort3A_274, %masked_sort3A_275, %masked_sort3A_276 = tpu.sort %get3A_197, %add3A_200 masked %masked_sort3A_273 {descending = true} : (vector<16xf32>, vector<16xi32>, vector<16xi1>) -> (vector<16xi1>, vector<16xf32>, vector<16xi32>)
        %masked_sort3A_277 = arith.constant dense<true> : vector<16xi1>
        %masked_sort3A_278, %masked_sort3A_279, %masked_sort3A_280 = tpu.sort %get3A_202, %add3A_205 masked %masked_sort3A_277 {descending = true} : (vector<16xf32>, vector<16xi32>, vector<16xi1>) -> (vector<16xi1>, vector<16xf32>, vector<16xi32>)
        %masked_sort3A_281 = arith.constant dense<true> : vector<16xi1>
        %masked_sort3A_282, %masked_sort3A_283, %masked_sort3A_284 = tpu.sort %get3A_207, %add3A_210 masked %masked_sort3A_281 {descending = true} : (vector<16xf32>, vector<16xi32>, vector<16xi1>) -> (vector<16xi1>, vector<16xf32>, vector<16xi32>)
        %masked_sort3A_285 = arith.constant dense<true> : vector<16xi1>
        %masked_sort3A_286, %masked_sort3A_287, %masked_sort3A_288 = tpu.sort %get3A_212, %add3A_215 masked %masked_sort3A_285 {descending = true} : (vector<16xf32>, vector<16xi32>, vector<16xi1>) -> (vector<16xi1>, vector<16xf32>, vector<16xi32>)
        %masked_sort3A_289 = arith.constant dense<true> : vector<16xi1>
        %masked_sort3A_290, %masked_sort3A_291, %masked_sort3A_292 = tpu.sort %get3A_217, %add3A_220 masked %masked_sort3A_289 {descending = true} : (vector<16xf32>, vector<16xi32>, vector<16xi1>) -> (vector<16xi1>, vector<16xf32>, vector<16xi32>)
        %masked_sort3A_293 = arith.constant dense<true> : vector<16xi1>
        %masked_sort3A_294, %masked_sort3A_295, %masked_sort3A_296 = tpu.sort %get3A_222, %add3A_225 masked %masked_sort3A_293 {descending = true} : (vector<16xf32>, vector<16xi32>, vector<16xi1>) -> (vector<16xi1>, vector<16xf32>, vector<16xi32>)
        %masked_sort3A_297 = arith.constant dense<true> : vector<16xi1>
        %masked_sort3A_298, %masked_sort3A_299, %masked_sort3A_300 = tpu.sort %get3A_227, %add3A_230 masked %masked_sort3A_297 {descending = true} : (vector<16xf32>, vector<16xi32>, vector<16xi1>) -> (vector<16xi1>, vector<16xf32>, vector<16xi32>)
        %masked_sort3A_301 = arith.constant dense<true> : vector<16xi1>
        %masked_sort3A_302, %masked_sort3A_303, %masked_sort3A_304 = tpu.sort %get3A_232, %add3A_235 masked %masked_sort3A_301 {descending = true} : (vector<16xf32>, vector<16xi32>, vector<16xi1>) -> (vector<16xi1>, vector<16xf32>, vector<16xi32>)
        %masked_sort3A_305 = arith.constant dense<true> : vector<16xi1>
        %masked_sort3A_306, %masked_sort3A_307, %masked_sort3A_308 = tpu.sort %get3A_237, %add3A_240 masked %masked_sort3A_305 {descending = true} : (vector<16xf32>, vector<16xi32>, vector<16xi1>) -> (vector<16xi1>, vector<16xf32>, vector<16xi32>)
        %masked_sort3A_309 = arith.constant dense<true> : vector<16xi1>
        %masked_sort3A_310, %masked_sort3A_311, %masked_sort3A_312 = tpu.sort %get3A_242, %add3A_245 masked %masked_sort3A_309 {descending = true} : (vector<16xf32>, vector<16xi32>, vector<16xi1>) -> (vector<16xi1>, vector<16xf32>, vector<16xi32>)
        %masked_sort3A_313 = arith.constant dense<true> : vector<16xi1>
        %masked_sort3A_314, %masked_sort3A_315, %masked_sort3A_316 = tpu.sort %get3A_247, %add3A_250 masked %masked_sort3A_313 {descending = true} : (vector<16xf32>, vector<16xi32>, vector<16xi1>) -> (vector<16xi1>, vector<16xf32>, vector<16xi32>)
        %masked_sort3A_317 = arith.constant dense<true> : vector<16xi1>
        %masked_sort3A_318, %masked_sort3A_319, %masked_sort3A_320 = tpu.sort %get3A_252, %add3A_255 masked %masked_sort3A_317 {descending = true} : (vector<16xf32>, vector<16xi32>, vector<16xi1>) -> (vector<16xi1>, vector<16xf32>, vector<16xi32>)
        %masked_sort3A_321 = arith.constant dense<true> : vector<16xi1>
        %masked_sort3A_322, %masked_sort3A_323, %masked_sort3A_324 = tpu.sort %get3A_257, %add3A_260 masked %masked_sort3A_321 {descending = true} : (vector<16xf32>, vector<16xi32>, vector<16xi1>) -> (vector<16xi1>, vector<16xf32>, vector<16xi32>)
        %masked_sort3A_325 = arith.constant dense<true> : vector<16xi1>
        %masked_sort3A_326, %masked_sort3A_327, %masked_sort3A_328 = tpu.sort %get3A_262, %add3A_265 masked %masked_sort3A_325 {descending = true} : (vector<16xf32>, vector<16xi32>, vector<16xi1>) -> (vector<16xi1>, vector<16xf32>, vector<16xi32>)
        %rev3A = arith.constant 15 : i32
        %rev3A_329 = vector.broadcast %rev3A : i32 to vector<16xi32>
        %rev3A_330 = tpu.iota {dimensions = array<i32: 0>} : vector<16xi32>
        %rev3A_331 = arith.subi %rev3A_329, %rev3A_330 : vector<16xi32>
        %rev3A_332 = tpu.dynamic_gather %masked_sort3A_271[%rev3A_331] in [0] : vector<16xf32>, vector<16xi32> -> vector<16xf32>
        %rev3A_333 = arith.constant 15 : i32
        %rev3A_334 = vector.broadcast %rev3A_333 : i32 to vector<16xi32>
        %rev3A_335 = tpu.iota {dimensions = array<i32: 0>} : vector<16xi32>
        %rev3A_336 = arith.subi %rev3A_334, %rev3A_335 : vector<16xi32>
        %rev3A_337 = tpu.dynamic_gather %masked_sort3A_272[%rev3A_336] in [0] : vector<16xi32>, vector<16xi32> -> vector<16xi32>
        %gt3A = arith.cmpf ogt, %rev3A_332, %masked_sort3A_267 : vector<16xf32>
        %select_n3A = arith.select %gt3A, %rev3A_332, %masked_sort3A_267 : vector<16xi1>, vector<16xf32>
        %select_n3A_338 = arith.select %gt3A, %rev3A_337, %masked_sort3A_268 : vector<16xi1>, vector<16xi32>
        %masked_sort3A_339 = arith.constant dense<true> : vector<16xi1>
        %masked_sort3A_340, %masked_sort3A_341, %masked_sort3A_342 = tpu.sort %select_n3A, %select_n3A_338 masked %masked_sort3A_339 {descending = true} : (vector<16xf32>, vector<16xi32>, vector<16xi1>) -> (vector<16xi1>, vector<16xf32>, vector<16xi32>)
        %rev3A_343 = arith.constant 15 : i32
        %rev3A_344 = vector.broadcast %rev3A_343 : i32 to vector<16xi32>
        %rev3A_345 = tpu.iota {dimensions = array<i32: 0>} : vector<16xi32>
        %rev3A_346 = arith.subi %rev3A_344, %rev3A_345 : vector<16xi32>
        %rev3A_347 = tpu.dynamic_gather %masked_sort3A_279[%rev3A_346] in [0] : vector<16xf32>, vector<16xi32> -> vector<16xf32>
        %rev3A_348 = arith.constant 15 : i32
        %rev3A_349 = vector.broadcast %rev3A_348 : i32 to vector<16xi32>
        %rev3A_350 = tpu.iota {dimensions = array<i32: 0>} : vector<16xi32>
        %rev3A_351 = arith.subi %rev3A_349, %rev3A_350 : vector<16xi32>
        %rev3A_352 = tpu.dynamic_gather %masked_sort3A_280[%rev3A_351] in [0] : vector<16xi32>, vector<16xi32> -> vector<16xi32>
        %gt3A_353 = arith.cmpf ogt, %rev3A_347, %masked_sort3A_275 : vector<16xf32>
        %select_n3A_354 = arith.select %gt3A_353, %rev3A_347, %masked_sort3A_275 : vector<16xi1>, vector<16xf32>
        %select_n3A_355 = arith.select %gt3A_353, %rev3A_352, %masked_sort3A_276 : vector<16xi1>, vector<16xi32>
        %masked_sort3A_356 = arith.constant dense<true> : vector<16xi1>
        %masked_sort3A_357, %masked_sort3A_358, %masked_sort3A_359 = tpu.sort %select_n3A_354, %select_n3A_355 masked %masked_sort3A_356 {descending = true} : (vector<16xf32>, vector<16xi32>, vector<16xi1>) -> (vector<16xi1>, vector<16xf32>, vector<16xi32>)
        %rev3A_360 = arith.constant 15 : i32
        %rev3A_361 = vector.broadcast %rev3A_360 : i32 to vector<16xi32>
        %rev3A_362 = tpu.iota {dimensions = array<i32: 0>} : vector<16xi32>
        %rev3A_363 = arith.subi %rev3A_361, %rev3A_362 : vector<16xi32>
        %rev3A_364 = tpu.dynamic_gather %masked_sort3A_287[%rev3A_363] in [0] : vector<16xf32>, vector<16xi32> -> vector<16xf32>
        %rev3A_365 = arith.constant 15 : i32
        %rev3A_366 = vector.broadcast %rev3A_365 : i32 to vector<16xi32>
        %rev3A_367 = tpu.iota {dimensions = array<i32: 0>} : vector<16xi32>
        %rev3A_368 = arith.subi %rev3A_366, %rev3A_367 : vector<16xi32>
        %rev3A_369 = tpu.dynamic_gather %masked_sort3A_288[%rev3A_368] in [0] : vector<16xi32>, vector<16xi32> -> vector<16xi32>
        %gt3A_370 = arith.cmpf ogt, %rev3A_364, %masked_sort3A_283 : vector<16xf32>
        %select_n3A_371 = arith.select %gt3A_370, %rev3A_364, %masked_sort3A_283 : vector<16xi1>, vector<16xf32>
        %select_n3A_372 = arith.select %gt3A_370, %rev3A_369, %masked_sort3A_284 : vector<16xi1>, vector<16xi32>
        %masked_sort3A_373 = arith.constant dense<true> : vector<16xi1>
        %masked_sort3A_374, %masked_sort3A_375, %masked_sort3A_376 = tpu.sort %select_n3A_371, %select_n3A_372 masked %masked_sort3A_373 {descending = true} : (vector<16xf32>, vector<16xi32>, vector<16xi1>) -> (vector<16xi1>, vector<16xf32>, vector<16xi32>)
        %rev3A_377 = arith.constant 15 : i32
        %rev3A_378 = vector.broadcast %rev3A_377 : i32 to vector<16xi32>
        %rev3A_379 = tpu.iota {dimensions = array<i32: 0>} : vector<16xi32>
        %rev3A_380 = arith.subi %rev3A_378, %rev3A_379 : vector<16xi32>
        %rev3A_381 = tpu.dynamic_gather %masked_sort3A_295[%rev3A_380] in [0] : vector<16xf32>, vector<16xi32> -> vector<16xf32>
        %rev3A_382 = arith.constant 15 : i32
        %rev3A_383 = vector.broadcast %rev3A_382 : i32 to vector<16xi32>
        %rev3A_384 = tpu.iota {dimensions = array<i32: 0>} : vector<16xi32>
        %rev3A_385 = arith.subi %rev3A_383, %rev3A_384 : vector<16xi32>
        %rev3A_386 = tpu.dynamic_gather %masked_sort3A_296[%rev3A_385] in [0] : vector<16xi32>, vector<16xi32> -> vector<16xi32>
        %gt3A_387 = arith.cmpf ogt, %rev3A_381, %masked_sort3A_291 : vector<16xf32>
        %select_n3A_388 = arith.select %gt3A_387, %rev3A_381, %masked_sort3A_291 : vector<16xi1>, vector<16xf32>
        %select_n3A_389 = arith.select %gt3A_387, %rev3A_386, %masked_sort3A_292 : vector<16xi1>, vector<16xi32>
        %masked_sort3A_390 = arith.constant dense<true> : vector<16xi1>
        %masked_sort3A_391, %masked_sort3A_392, %masked_sort3A_393 = tpu.sort %select_n3A_388, %select_n3A_389 masked %masked_sort3A_390 {descending = true} : (vector<16xf32>, vector<16xi32>, vector<16xi1>) -> (vector<16xi1>, vector<16xf32>, vector<16xi32>)
        %rev3A_394 = arith.constant 15 : i32
        %rev3A_395 = vector.broadcast %rev3A_394 : i32 to vector<16xi32>
        %rev3A_396 = tpu.iota {dimensions = array<i32: 0>} : vector<16xi32>
        %rev3A_397 = arith.subi %rev3A_395, %rev3A_396 : vector<16xi32>
        %rev3A_398 = tpu.dynamic_gather %masked_sort3A_303[%rev3A_397] in [0] : vector<16xf32>, vector<16xi32> -> vector<16xf32>
        %rev3A_399 = arith.constant 15 : i32
        %rev3A_400 = vector.broadcast %rev3A_399 : i32 to vector<16xi32>
        %rev3A_401 = tpu.iota {dimensions = array<i32: 0>} : vector<16xi32>
        %rev3A_402 = arith.subi %rev3A_400, %rev3A_401 : vector<16xi32>
        %rev3A_403 = tpu.dynamic_gather %masked_sort3A_304[%rev3A_402] in [0] : vector<16xi32>, vector<16xi32> -> vector<16xi32>
        %gt3A_404 = arith.cmpf ogt, %rev3A_398, %masked_sort3A_299 : vector<16xf32>
        %select_n3A_405 = arith.select %gt3A_404, %rev3A_398, %masked_sort3A_299 : vector<16xi1>, vector<16xf32>
        %select_n3A_406 = arith.select %gt3A_404, %rev3A_403, %masked_sort3A_300 : vector<16xi1>, vector<16xi32>
        %masked_sort3A_407 = arith.constant dense<true> : vector<16xi1>
        %masked_sort3A_408, %masked_sort3A_409, %masked_sort3A_410 = tpu.sort %select_n3A_405, %select_n3A_406 masked %masked_sort3A_407 {descending = true} : (vector<16xf32>, vector<16xi32>, vector<16xi1>) -> (vector<16xi1>, vector<16xf32>, vector<16xi32>)
        %rev3A_411 = arith.constant 15 : i32
        %rev3A_412 = vector.broadcast %rev3A_411 : i32 to vector<16xi32>
        %rev3A_413 = tpu.iota {dimensions = array<i32: 0>} : vector<16xi32>
        %rev3A_414 = arith.subi %rev3A_412, %rev3A_413 : vector<16xi32>
        %rev3A_415 = tpu.dynamic_gather %masked_sort3A_311[%rev3A_414] in [0] : vector<16xf32>, vector<16xi32> -> vector<16xf32>
        %rev3A_416 = arith.constant 15 : i32
        %rev3A_417 = vector.broadcast %rev3A_416 : i32 to vector<16xi32>
        %rev3A_418 = tpu.iota {dimensions = array<i32: 0>} : vector<16xi32>
        %rev3A_419 = arith.subi %rev3A_417, %rev3A_418 : vector<16xi32>
        %rev3A_420 = tpu.dynamic_gather %masked_sort3A_312[%rev3A_419] in [0] : vector<16xi32>, vector<16xi32> -> vector<16xi32>
        %gt3A_421 = arith.cmpf ogt, %rev3A_415, %masked_sort3A_307 : vector<16xf32>
        %select_n3A_422 = arith.select %gt3A_421, %rev3A_415, %masked_sort3A_307 : vector<16xi1>, vector<16xf32>
        %select_n3A_423 = arith.select %gt3A_421, %rev3A_420, %masked_sort3A_308 : vector<16xi1>, vector<16xi32>
        %masked_sort3A_424 = arith.constant dense<true> : vector<16xi1>
        %masked_sort3A_425, %masked_sort3A_426, %masked_sort3A_427 = tpu.sort %select_n3A_422, %select_n3A_423 masked %masked_sort3A_424 {descending = true} : (vector<16xf32>, vector<16xi32>, vector<16xi1>) -> (vector<16xi1>, vector<16xf32>, vector<16xi32>)
        %rev3A_428 = arith.constant 15 : i32
        %rev3A_429 = vector.broadcast %rev3A_428 : i32 to vector<16xi32>
        %rev3A_430 = tpu.iota {dimensions = array<i32: 0>} : vector<16xi32>
        %rev3A_431 = arith.subi %rev3A_429, %rev3A_430 : vector<16xi32>
        %rev3A_432 = tpu.dynamic_gather %masked_sort3A_319[%rev3A_431] in [0] : vector<16xf32>, vector<16xi32> -> vector<16xf32>
        %rev3A_433 = arith.constant 15 : i32
        %rev3A_434 = vector.broadcast %rev3A_433 : i32 to vector<16xi32>
        %rev3A_435 = tpu.iota {dimensions = array<i32: 0>} : vector<16xi32>
        %rev3A_436 = arith.subi %rev3A_434, %rev3A_435 : vector<16xi32>
        %rev3A_437 = tpu.dynamic_gather %masked_sort3A_320[%rev3A_436] in [0] : vector<16xi32>, vector<16xi32> -> vector<16xi32>
        %gt3A_438 = arith.cmpf ogt, %rev3A_432, %masked_sort3A_315 : vector<16xf32>
        %select_n3A_439 = arith.select %gt3A_438, %rev3A_432, %masked_sort3A_315 : vector<16xi1>, vector<16xf32>
        %select_n3A_440 = arith.select %gt3A_438, %rev3A_437, %masked_sort3A_316 : vector<16xi1>, vector<16xi32>
        %masked_sort3A_441 = arith.constant dense<true> : vector<16xi1>
        %masked_sort3A_442, %masked_sort3A_443, %masked_sort3A_444 = tpu.sort %select_n3A_439, %select_n3A_440 masked %masked_sort3A_441 {descending = true} : (vector<16xf32>, vector<16xi32>, vector<16xi1>) -> (vector<16xi1>, vector<16xf32>, vector<16xi32>)
        %rev3A_445 = arith.constant 15 : i32
        %rev3A_446 = vector.broadcast %rev3A_445 : i32 to vector<16xi32>
        %rev3A_447 = tpu.iota {dimensions = array<i32: 0>} : vector<16xi32>
        %rev3A_448 = arith.subi %rev3A_446, %rev3A_447 : vector<16xi32>
        %rev3A_449 = tpu.dynamic_gather %masked_sort3A_327[%rev3A_448] in [0] : vector<16xf32>, vector<16xi32> -> vector<16xf32>
        %rev3A_450 = arith.constant 15 : i32
        %rev3A_451 = vector.broadcast %rev3A_450 : i32 to vector<16xi32>
        %rev3A_452 = tpu.iota {dimensions = array<i32: 0>} : vector<16xi32>
        %rev3A_453 = arith.subi %rev3A_451, %rev3A_452 : vector<16xi32>
        %rev3A_454 = tpu.dynamic_gather %masked_sort3A_328[%rev3A_453] in [0] : vector<16xi32>, vector<16xi32> -> vector<16xi32>
        %gt3A_455 = arith.cmpf ogt, %rev3A_449, %masked_sort3A_323 : vector<16xf32>
        %select_n3A_456 = arith.select %gt3A_455, %rev3A_449, %masked_sort3A_323 : vector<16xi1>, vector<16xf32>
        %select_n3A_457 = arith.select %gt3A_455, %rev3A_454, %masked_sort3A_324 : vector<16xi1>, vector<16xi32>
        %masked_sort3A_458 = arith.constant dense<true> : vector<16xi1>
        %masked_sort3A_459, %masked_sort3A_460, %masked_sort3A_461 = tpu.sort %select_n3A_456, %select_n3A_457 masked %masked_sort3A_458 {descending = true} : (vector<16xf32>, vector<16xi32>, vector<16xi1>) -> (vector<16xi1>, vector<16xf32>, vector<16xi32>)
        %rev3A_462 = arith.constant 15 : i32
        %rev3A_463 = vector.broadcast %rev3A_462 : i32 to vector<16xi32>
        %rev3A_464 = tpu.iota {dimensions = array<i32: 0>} : vector<16xi32>
        %rev3A_465 = arith.subi %rev3A_463, %rev3A_464 : vector<16xi32>
        %rev3A_466 = tpu.dynamic_gather %masked_sort3A_358[%rev3A_465] in [0] : vector<16xf32>, vector<16xi32> -> vector<16xf32>
        %rev3A_467 = arith.constant 15 : i32
        %rev3A_468 = vector.broadcast %rev3A_467 : i32 to vector<16xi32>
        %rev3A_469 = tpu.iota {dimensions = array<i32: 0>} : vector<16xi32>
        %rev3A_470 = arith.subi %rev3A_468, %rev3A_469 : vector<16xi32>
        %rev3A_471 = tpu.dynamic_gather %masked_sort3A_359[%rev3A_470] in [0] : vector<16xi32>, vector<16xi32> -> vector<16xi32>
        %gt3A_472 = arith.cmpf ogt, %rev3A_466, %masked_sort3A_341 : vector<16xf32>
        %select_n3A_473 = arith.select %gt3A_472, %rev3A_466, %masked_sort3A_341 : vector<16xi1>, vector<16xf32>
        %select_n3A_474 = arith.select %gt3A_472, %rev3A_471, %masked_sort3A_342 : vector<16xi1>, vector<16xi32>
        %masked_sort3A_475 = arith.constant dense<true> : vector<16xi1>
        %masked_sort3A_476, %masked_sort3A_477, %masked_sort3A_478 = tpu.sort %select_n3A_473, %select_n3A_474 masked %masked_sort3A_475 {descending = true} : (vector<16xf32>, vector<16xi32>, vector<16xi1>) -> (vector<16xi1>, vector<16xf32>, vector<16xi32>)
        %rev3A_479 = arith.constant 15 : i32
        %rev3A_480 = vector.broadcast %rev3A_479 : i32 to vector<16xi32>
        %rev3A_481 = tpu.iota {dimensions = array<i32: 0>} : vector<16xi32>
        %rev3A_482 = arith.subi %rev3A_480, %rev3A_481 : vector<16xi32>
        %rev3A_483 = tpu.dynamic_gather %masked_sort3A_392[%rev3A_482] in [0] : vector<16xf32>, vector<16xi32> -> vector<16xf32>
        %rev3A_484 = arith.constant 15 : i32
        %rev3A_485 = vector.broadcast %rev3A_484 : i32 to vector<16xi32>
        %rev3A_486 = tpu.iota {dimensions = array<i32: 0>} : vector<16xi32>
        %rev3A_487 = arith.subi %rev3A_485, %rev3A_486 : vector<16xi32>
        %rev3A_488 = tpu.dynamic_gather %masked_sort3A_393[%rev3A_487] in [0] : vector<16xi32>, vector<16xi32> -> vector<16xi32>
        %gt3A_489 = arith.cmpf ogt, %rev3A_483, %masked_sort3A_375 : vector<16xf32>
        %select_n3A_490 = arith.select %gt3A_489, %rev3A_483, %masked_sort3A_375 : vector<16xi1>, vector<16xf32>
        %select_n3A_491 = arith.select %gt3A_489, %rev3A_488, %masked_sort3A_376 : vector<16xi1>, vector<16xi32>
        %masked_sort3A_492 = arith.constant dense<true> : vector<16xi1>
        %masked_sort3A_493, %masked_sort3A_494, %masked_sort3A_495 = tpu.sort %select_n3A_490, %select_n3A_491 masked %masked_sort3A_492 {descending = true} : (vector<16xf32>, vector<16xi32>, vector<16xi1>) -> (vector<16xi1>, vector<16xf32>, vector<16xi32>)
        %rev3A_496 = arith.constant 15 : i32
        %rev3A_497 = vector.broadcast %rev3A_496 : i32 to vector<16xi32>
        %rev3A_498 = tpu.iota {dimensions = array<i32: 0>} : vector<16xi32>
        %rev3A_499 = arith.subi %rev3A_497, %rev3A_498 : vector<16xi32>
        %rev3A_500 = tpu.dynamic_gather %masked_sort3A_426[%rev3A_499] in [0] : vector<16xf32>, vector<16xi32> -> vector<16xf32>
        %rev3A_501 = arith.constant 15 : i32
        %rev3A_502 = vector.broadcast %rev3A_501 : i32 to vector<16xi32>
        %rev3A_503 = tpu.iota {dimensions = array<i32: 0>} : vector<16xi32>
        %rev3A_504 = arith.subi %rev3A_502, %rev3A_503 : vector<16xi32>
        %rev3A_505 = tpu.dynamic_gather %masked_sort3A_427[%rev3A_504] in [0] : vector<16xi32>, vector<16xi32> -> vector<16xi32>
        %gt3A_506 = arith.cmpf ogt, %rev3A_500, %masked_sort3A_409 : vector<16xf32>
        %select_n3A_507 = arith.select %gt3A_506, %rev3A_500, %masked_sort3A_409 : vector<16xi1>, vector<16xf32>
        %select_n3A_508 = arith.select %gt3A_506, %rev3A_505, %masked_sort3A_410 : vector<16xi1>, vector<16xi32>
        %masked_sort3A_509 = arith.constant dense<true> : vector<16xi1>
        %masked_sort3A_510, %masked_sort3A_511, %masked_sort3A_512 = tpu.sort %select_n3A_507, %select_n3A_508 masked %masked_sort3A_509 {descending = true} : (vector<16xf32>, vector<16xi32>, vector<16xi1>) -> (vector<16xi1>, vector<16xf32>, vector<16xi32>)
        %rev3A_513 = arith.constant 15 : i32
        %rev3A_514 = vector.broadcast %rev3A_513 : i32 to vector<16xi32>
        %rev3A_515 = tpu.iota {dimensions = array<i32: 0>} : vector<16xi32>
        %rev3A_516 = arith.subi %rev3A_514, %rev3A_515 : vector<16xi32>
        %rev3A_517 = tpu.dynamic_gather %masked_sort3A_460[%rev3A_516] in [0] : vector<16xf32>, vector<16xi32> -> vector<16xf32>
        %rev3A_518 = arith.constant 15 : i32
        %rev3A_519 = vector.broadcast %rev3A_518 : i32 to vector<16xi32>
        %rev3A_520 = tpu.iota {dimensions = array<i32: 0>} : vector<16xi32>
        %rev3A_521 = arith.subi %rev3A_519, %rev3A_520 : vector<16xi32>
        %rev3A_522 = tpu.dynamic_gather %masked_sort3A_461[%rev3A_521] in [0] : vector<16xi32>, vector<16xi32> -> vector<16xi32>
        %gt3A_523 = arith.cmpf ogt, %rev3A_517, %masked_sort3A_443 : vector<16xf32>
        %select_n3A_524 = arith.select %gt3A_523, %rev3A_517, %masked_sort3A_443 : vector<16xi1>, vector<16xf32>
        %select_n3A_525 = arith.select %gt3A_523, %rev3A_522, %masked_sort3A_444 : vector<16xi1>, vector<16xi32>
        %masked_sort3A_526 = arith.constant dense<true> : vector<16xi1>
        %masked_sort3A_527, %masked_sort3A_528, %masked_sort3A_529 = tpu.sort %select_n3A_524, %select_n3A_525 masked %masked_sort3A_526 {descending = true} : (vector<16xf32>, vector<16xi32>, vector<16xi1>) -> (vector<16xi1>, vector<16xf32>, vector<16xi32>)
        %rev3A_530 = arith.constant 15 : i32
        %rev3A_531 = vector.broadcast %rev3A_530 : i32 to vector<16xi32>
        %rev3A_532 = tpu.iota {dimensions = array<i32: 0>} : vector<16xi32>
        %rev3A_533 = arith.subi %rev3A_531, %rev3A_532 : vector<16xi32>
        %rev3A_534 = tpu.dynamic_gather %masked_sort3A_494[%rev3A_533] in [0] : vector<16xf32>, vector<16xi32> -> vector<16xf32>
        %rev3A_535 = arith.constant 15 : i32
        %rev3A_536 = vector.broadcast %rev3A_535 : i32 to vector<16xi32>
        %rev3A_537 = tpu.iota {dimensions = array<i32: 0>} : vector<16xi32>
        %rev3A_538 = arith.subi %rev3A_536, %rev3A_537 : vector<16xi32>
        %rev3A_539 = tpu.dynamic_gather %masked_sort3A_495[%rev3A_538] in [0] : vector<16xi32>, vector<16xi32> -> vector<16xi32>
        %gt3A_540 = arith.cmpf ogt, %rev3A_534, %masked_sort3A_477 : vector<16xf32>
        %select_n3A_541 = arith.select %gt3A_540, %rev3A_534, %masked_sort3A_477 : vector<16xi1>, vector<16xf32>
        %select_n3A_542 = arith.select %gt3A_540, %rev3A_539, %masked_sort3A_478 : vector<16xi1>, vector<16xi32>
        %masked_sort3A_543 = arith.constant dense<true> : vector<16xi1>
        %masked_sort3A_544, %masked_sort3A_545, %masked_sort3A_546 = tpu.sort %select_n3A_541, %select_n3A_542 masked %masked_sort3A_543 {descending = true} : (vector<16xf32>, vector<16xi32>, vector<16xi1>) -> (vector<16xi1>, vector<16xf32>, vector<16xi32>)
        %rev3A_547 = arith.constant 15 : i32
        %rev3A_548 = vector.broadcast %rev3A_547 : i32 to vector<16xi32>
        %rev3A_549 = tpu.iota {dimensions = array<i32: 0>} : vector<16xi32>
        %rev3A_550 = arith.subi %rev3A_548, %rev3A_549 : vector<16xi32>
        %rev3A_551 = tpu.dynamic_gather %masked_sort3A_528[%rev3A_550] in [0] : vector<16xf32>, vector<16xi32> -> vector<16xf32>
        %rev3A_552 = arith.constant 15 : i32
        %rev3A_553 = vector.broadcast %rev3A_552 : i32 to vector<16xi32>
        %rev3A_554 = tpu.iota {dimensions = array<i32: 0>} : vector<16xi32>
        %rev3A_555 = arith.subi %rev3A_553, %rev3A_554 : vector<16xi32>
        %rev3A_556 = tpu.dynamic_gather %masked_sort3A_529[%rev3A_555] in [0] : vector<16xi32>, vector<16xi32> -> vector<16xi32>
        %gt3A_557 = arith.cmpf ogt, %rev3A_551, %masked_sort3A_511 : vector<16xf32>
        %select_n3A_558 = arith.select %gt3A_557, %rev3A_551, %masked_sort3A_511 : vector<16xi1>, vector<16xf32>
        %select_n3A_559 = arith.select %gt3A_557, %rev3A_556, %masked_sort3A_512 : vector<16xi1>, vector<16xi32>
        %masked_sort3A_560 = arith.constant dense<true> : vector<16xi1>
        %masked_sort3A_561, %masked_sort3A_562, %masked_sort3A_563 = tpu.sort %select_n3A_558, %select_n3A_559 masked %masked_sort3A_560 {descending = true} : (vector<16xf32>, vector<16xi32>, vector<16xi1>) -> (vector<16xi1>, vector<16xf32>, vector<16xi32>)
        %rev3A_564 = arith.constant 15 : i32
        %rev3A_565 = vector.broadcast %rev3A_564 : i32 to vector<16xi32>
        %rev3A_566 = tpu.iota {dimensions = array<i32: 0>} : vector<16xi32>
        %rev3A_567 = arith.subi %rev3A_565, %rev3A_566 : vector<16xi32>
        %rev3A_568 = tpu.dynamic_gather %masked_sort3A_562[%rev3A_567] in [0] : vector<16xf32>, vector<16xi32> -> vector<16xf32>
        %rev3A_569 = arith.constant 15 : i32
        %rev3A_570 = vector.broadcast %rev3A_569 : i32 to vector<16xi32>
        %rev3A_571 = tpu.iota {dimensions = array<i32: 0>} : vector<16xi32>
        %rev3A_572 = arith.subi %rev3A_570, %rev3A_571 : vector<16xi32>
        %rev3A_573 = tpu.dynamic_gather %masked_sort3A_563[%rev3A_572] in [0] : vector<16xi32>, vector<16xi32> -> vector<16xi32>
        %gt3A_574 = arith.cmpf ogt, %rev3A_568, %masked_sort3A_545 : vector<16xf32>
        %select_n3A_575 = arith.select %gt3A_574, %rev3A_568, %masked_sort3A_545 : vector<16xi1>, vector<16xf32>
        %select_n3A_576 = arith.select %gt3A_574, %rev3A_573, %masked_sort3A_546 : vector<16xi1>, vector<16xi32>
        %masked_sort3A_577 = arith.constant dense<true> : vector<16xi1>
        %masked_sort3A_578, %masked_sort3A_579, %masked_sort3A_580 = tpu.sort %select_n3A_575, %select_n3A_576 masked %masked_sort3A_577 {descending = true} : (vector<16xf32>, vector<16xi32>, vector<16xi1>) -> (vector<16xi1>, vector<16xf32>, vector<16xi32>)
        %jit3A = arith.constant 16 : i32
        %div3A = vector.broadcast %jit3A : i32 to vector<16xi32>
        %div3A_581 = arith.divsi %masked_sort3A_580, %div3A : vector<16xi32>
        %sign3A = arith.constant 0 : i32
        %sign3A_582 = vector.broadcast %sign3A : i32 to vector<16xi32>
        %sign3A_583 = arith.cmpi sgt, %masked_sort3A_580, %sign3A_582 : vector<16xi32>
        %sign3A_584 = arith.extui %sign3A_583 : vector<16xi1> to vector<16xi32>
        %sign3A_585 = arith.constant 0 : i32
        %sign3A_586 = vector.broadcast %sign3A_585 : i32 to vector<16xi32>
        %sign3A_587 = arith.cmpi slt, %masked_sort3A_580, %sign3A_586 : vector<16xi32>
        %sign3A_588 = arith.extui %sign3A_587 : vector<16xi1> to vector<16xi32>
        %sign3A_589 = arith.subi %sign3A_584, %sign3A_588 : vector<16xi32>
        %sign3A_590 = arith.constant 0 : i32
        %sign3A_591 = arith.cmpi sgt, %jit3A, %sign3A_590 : i32
        %sign3A_592 = arith.extui %sign3A_591 : i1 to i32
        %sign3A_593 = arith.constant 0 : i32
        %sign3A_594 = arith.cmpi slt, %jit3A, %sign3A_593 : i32
        %sign3A_595 = arith.extui %sign3A_594 : i1 to i32
        %sign3A_596 = arith.subi %sign3A_592, %sign3A_595 : i32
        %ne3A = vector.broadcast %sign3A_596 : i32 to vector<16xi32>
        %ne3A_597 = arith.cmpi ne, %sign3A_589, %ne3A : vector<16xi32>
        %rem3A = vector.broadcast %jit3A : i32 to vector<16xi32>
        %rem3A_598 = arith.remsi %masked_sort3A_580, %rem3A : vector<16xi32>
        %ne3A_599 = arith.constant 0 : i32
        %ne3A_600 = vector.broadcast %ne3A_599 : i32 to vector<16xi32>
        %ne3A_601 = arith.cmpi ne, %rem3A_598, %ne3A_600 : vector<16xi32>
        %and3A = arith.andi %ne3A_597, %ne3A_601 : vector<16xi1>
        %sub3A_602 = arith.constant 1 : i32
        %sub3A_603 = vector.broadcast %sub3A_602 : i32 to vector<16xi32>
        %sub3A_604 = arith.subi %div3A_581, %sub3A_603 : vector<16xi32>
        %select_n3A_605 = arith.select %and3A, %sub3A_604, %div3A_581 : vector<16xi1>, vector<16xi32>
        %mul3A_606 = arith.constant 256 : i32
        %mul3A_607 = vector.broadcast %mul3A_606 : i32 to vector<16xi32>
        %mul3A_608 = arith.muli %select_n3A_605, %mul3A_607 : vector<16xi32>
        %jit3A_609 = arith.constant 16 : i32
        %eq3A_610 = arith.constant 0 : i32
        %eq3A_611 = arith.cmpi eq, %jit3A_609, %eq3A_610 : i32
        %jit3A_612 = arith.constant 1 : i32
        %select_n3A_613 = arith.select %eq3A_611, %jit3A_612, %jit3A_609 : i32
        %rem3A_614 = vector.broadcast %select_n3A_613 : i32 to vector<16xi32>
        %rem3A_615 = arith.remsi %masked_sort3A_580, %rem3A_614 : vector<16xi32>
        %ne3A_616 = arith.constant 0 : i32
        %ne3A_617 = vector.broadcast %ne3A_616 : i32 to vector<16xi32>
        %ne3A_618 = arith.cmpi ne, %rem3A_615, %ne3A_617 : vector<16xi32>
        %lt3A = arith.constant 0 : i32
        %lt3A_619 = vector.broadcast %lt3A : i32 to vector<16xi32>
        %lt3A_620 = arith.cmpi slt, %rem3A_615, %lt3A_619 : vector<16xi32>
        %lt3A_621 = arith.constant 0 : i32
        %lt3A_622 = arith.cmpi slt, %select_n3A_613, %lt3A_621 : i32
        %ne3A_623 = vector.broadcast %lt3A_622 : i1 to vector<16xi1>
        %ne3A_624 = vector.broadcast %ne3A_623 : vector<16xi1> to vector<16xi1>
        %ne3A_625 = arith.xori %lt3A_620, %ne3A_624 : vector<16xi1>
        %and3A_626 = arith.andi %ne3A_625, %ne3A_618 : vector<16xi1>
        %add3A_627 = vector.broadcast %select_n3A_613 : i32 to vector<16xi32>
        %add3A_628 = arith.addi %rem3A_615, %add3A_627 : vector<16xi32>
        %select_n3A_629 = arith.select %and3A_626, %add3A_628, %rem3A_615 : vector<16xi1>, vector<16xi32>
        %add3A_630 = arith.addi %mul3A_608, %select_n3A_629 : vector<16xi32>
        %add3A_631 = arith.constant 0 : i32
        %add3A_632 = vector.broadcast %add3A_631 : i32 to vector<16xi32>
        %add3A_633 = arith.addi %add3A_630, %add3A_632 : vector<16xi32>
        %gather3A = tpu.vector_load_idx %arg5[%broadcast_in_dim3A_186, %add3A_633] : memref<8x4096xf32, #tpu.memory_space<vmem>>[vector<16xi32>, vector<16xi32>], vector<16xf32>,
        %add3A_634 = arith.constant 16 : i32
        %add3A_635 = vector.broadcast %add3A_634 : i32 to vector<16xi32>
        %add3A_636 = arith.addi %add3A_630, %add3A_635 : vector<16xi32>
        %gather3A_637 = tpu.vector_load_idx %arg5[%broadcast_in_dim3A_186, %add3A_636] : memref<8x4096xf32, #tpu.memory_space<vmem>>[vector<16xi32>, vector<16xi32>], vector<16xf32>,
        %add3A_638 = arith.constant 32 : i32
        %add3A_639 = vector.broadcast %add3A_638 : i32 to vector<16xi32>
        %add3A_640 = arith.addi %add3A_630, %add3A_639 : vector<16xi32>
        %gather3A_641 = tpu.vector_load_idx %arg5[%broadcast_in_dim3A_186, %add3A_640] : memref<8x4096xf32, #tpu.memory_space<vmem>>[vector<16xi32>, vector<16xi32>], vector<16xf32>,
        %add3A_642 = arith.constant 48 : i32
        %add3A_643 = vector.broadcast %add3A_642 : i32 to vector<16xi32>
        %add3A_644 = arith.addi %add3A_630, %add3A_643 : vector<16xi32>
        %gather3A_645 = tpu.vector_load_idx %arg5[%broadcast_in_dim3A_186, %add3A_644] : memref<8x4096xf32, #tpu.memory_space<vmem>>[vector<16xi32>, vector<16xi32>], vector<16xf32>,
        %add3A_646 = arith.constant 64 : i32
        %add3A_647 = vector.broadcast %add3A_646 : i32 to vector<16xi32>
        %add3A_648 = arith.addi %add3A_630, %add3A_647 : vector<16xi32>
        %gather3A_649 = tpu.vector_load_idx %arg5[%broadcast_in_dim3A_186, %add3A_648] : memref<8x4096xf32, #tpu.memory_space<vmem>>[vector<16xi32>, vector<16xi32>], vector<16xf32>,
        %add3A_650 = arith.constant 80 : i32
        %add3A_651 = vector.broadcast %add3A_650 : i32 to vector<16xi32>
        %add3A_652 = arith.addi %add3A_630, %add3A_651 : vector<16xi32>
        %gather3A_653 = tpu.vector_load_idx %arg5[%broadcast_in_dim3A_186, %add3A_652] : memref<8x4096xf32, #tpu.memory_space<vmem>>[vector<16xi32>, vector<16xi32>], vector<16xf32>,
        %add3A_654 = arith.constant 96 : i32
        %add3A_655 = vector.broadcast %add3A_654 : i32 to vector<16xi32>
        %add3A_656 = arith.addi %add3A_630, %add3A_655 : vector<16xi32>
        %gather3A_657 = tpu.vector_load_idx %arg5[%broadcast_in_dim3A_186, %add3A_656] : memref<8x4096xf32, #tpu.memory_space<vmem>>[vector<16xi32>, vector<16xi32>], vector<16xf32>,
        %add3A_658 = arith.constant 112 : i32
        %add3A_659 = vector.broadcast %add3A_658 : i32 to vector<16xi32>
        %add3A_660 = arith.addi %add3A_630, %add3A_659 : vector<16xi32>
        %gather3A_661 = tpu.vector_load_idx %arg5[%broadcast_in_dim3A_186, %add3A_660] : memref<8x4096xf32, #tpu.memory_space<vmem>>[vector<16xi32>, vector<16xi32>], vector<16xf32>,
        %add3A_662 = arith.constant 128 : i32
        %add3A_663 = vector.broadcast %add3A_662 : i32 to vector<16xi32>
        %add3A_664 = arith.addi %add3A_630, %add3A_663 : vector<16xi32>
        %gather3A_665 = tpu.vector_load_idx %arg5[%broadcast_in_dim3A_186, %add3A_664] : memref<8x4096xf32, #tpu.memory_space<vmem>>[vector<16xi32>, vector<16xi32>], vector<16xf32>,
        %add3A_666 = arith.constant 144 : i32
        %add3A_667 = vector.broadcast %add3A_666 : i32 to vector<16xi32>
        %add3A_668 = arith.addi %add3A_630, %add3A_667 : vector<16xi32>
        %gather3A_669 = tpu.vector_load_idx %arg5[%broadcast_in_dim3A_186, %add3A_668] : memref<8x4096xf32, #tpu.memory_space<vmem>>[vector<16xi32>, vector<16xi32>], vector<16xf32>,
        %add3A_670 = arith.constant 160 : i32
        %add3A_671 = vector.broadcast %add3A_670 : i32 to vector<16xi32>
        %add3A_672 = arith.addi %add3A_630, %add3A_671 : vector<16xi32>
        %gather3A_673 = tpu.vector_load_idx %arg5[%broadcast_in_dim3A_186, %add3A_672] : memref<8x4096xf32, #tpu.memory_space<vmem>>[vector<16xi32>, vector<16xi32>], vector<16xf32>,
        %add3A_674 = arith.constant 176 : i32
        %add3A_675 = vector.broadcast %add3A_674 : i32 to vector<16xi32>
        %add3A_676 = arith.addi %add3A_630, %add3A_675 : vector<16xi32>
        %gather3A_677 = tpu.vector_load_idx %arg5[%broadcast_in_dim3A_186, %add3A_676] : memref<8x4096xf32, #tpu.memory_space<vmem>>[vector<16xi32>, vector<16xi32>], vector<16xf32>,
        %add3A_678 = arith.constant 192 : i32
        %add3A_679 = vector.broadcast %add3A_678 : i32 to vector<16xi32>
        %add3A_680 = arith.addi %add3A_630, %add3A_679 : vector<16xi32>
        %gather3A_681 = tpu.vector_load_idx %arg5[%broadcast_in_dim3A_186, %add3A_680] : memref<8x4096xf32, #tpu.memory_space<vmem>>[vector<16xi32>, vector<16xi32>], vector<16xf32>,
        %add3A_682 = arith.constant 208 : i32
        %add3A_683 = vector.broadcast %add3A_682 : i32 to vector<16xi32>
        %add3A_684 = arith.addi %add3A_630, %add3A_683 : vector<16xi32>
        %gather3A_685 = tpu.vector_load_idx %arg5[%broadcast_in_dim3A_186, %add3A_684] : memref<8x4096xf32, #tpu.memory_space<vmem>>[vector<16xi32>, vector<16xi32>], vector<16xf32>,
        %add3A_686 = arith.constant 224 : i32
        %add3A_687 = vector.broadcast %add3A_686 : i32 to vector<16xi32>
        %add3A_688 = arith.addi %add3A_630, %add3A_687 : vector<16xi32>
        %gather3A_689 = tpu.vector_load_idx %arg5[%broadcast_in_dim3A_186, %add3A_688] : memref<8x4096xf32, #tpu.memory_space<vmem>>[vector<16xi32>, vector<16xi32>], vector<16xf32>,
        %add3A_690 = arith.constant 240 : i32
        %add3A_691 = vector.broadcast %add3A_690 : i32 to vector<16xi32>
        %add3A_692 = arith.addi %add3A_630, %add3A_691 : vector<16xi32>
        %gather3A_693 = tpu.vector_load_idx %arg5[%broadcast_in_dim3A_186, %add3A_692] : memref<8x4096xf32, #tpu.memory_space<vmem>>[vector<16xi32>, vector<16xi32>], vector<16xf32>,
        %masked_sort3A_694 = arith.constant dense<true> : vector<16xi1>
        %masked_sort3A_695, %masked_sort3A_696, %masked_sort3A_697 = tpu.sort %gather3A, %add3A_633 masked %masked_sort3A_694 {descending = true} : (vector<16xf32>, vector<16xi32>, vector<16xi1>) -> (vector<16xi1>, vector<16xf32>, vector<16xi32>)
        %masked_sort3A_698 = arith.constant dense<true> : vector<16xi1>
        %masked_sort3A_699, %masked_sort3A_700, %masked_sort3A_701 = tpu.sort %gather3A_637, %add3A_636 masked %masked_sort3A_698 {descending = true} : (vector<16xf32>, vector<16xi32>, vector<16xi1>) -> (vector<16xi1>, vector<16xf32>, vector<16xi32>)
        %masked_sort3A_702 = arith.constant dense<true> : vector<16xi1>
        %masked_sort3A_703, %masked_sort3A_704, %masked_sort3A_705 = tpu.sort %gather3A_641, %add3A_640 masked %masked_sort3A_702 {descending = true} : (vector<16xf32>, vector<16xi32>, vector<16xi1>) -> (vector<16xi1>, vector<16xf32>, vector<16xi32>)
        %masked_sort3A_706 = arith.constant dense<true> : vector<16xi1>
        %masked_sort3A_707, %masked_sort3A_708, %masked_sort3A_709 = tpu.sort %gather3A_645, %add3A_644 masked %masked_sort3A_706 {descending = true} : (vector<16xf32>, vector<16xi32>, vector<16xi1>) -> (vector<16xi1>, vector<16xf32>, vector<16xi32>)
        %masked_sort3A_710 = arith.constant dense<true> : vector<16xi1>
        %masked_sort3A_711, %masked_sort3A_712, %masked_sort3A_713 = tpu.sort %gather3A_649, %add3A_648 masked %masked_sort3A_710 {descending = true} : (vector<16xf32>, vector<16xi32>, vector<16xi1>) -> (vector<16xi1>, vector<16xf32>, vector<16xi32>)
        %masked_sort3A_714 = arith.constant dense<true> : vector<16xi1>
        %masked_sort3A_715, %masked_sort3A_716, %masked_sort3A_717 = tpu.sort %gather3A_653, %add3A_652 masked %masked_sort3A_714 {descending = true} : (vector<16xf32>, vector<16xi32>, vector<16xi1>) -> (vector<16xi1>, vector<16xf32>, vector<16xi32>)
        %masked_sort3A_718 = arith.constant dense<true> : vector<16xi1>
        %masked_sort3A_719, %masked_sort3A_720, %masked_sort3A_721 = tpu.sort %gather3A_657, %add3A_656 masked %masked_sort3A_718 {descending = true} : (vector<16xf32>, vector<16xi32>, vector<16xi1>) -> (vector<16xi1>, vector<16xf32>, vector<16xi32>)
        %masked_sort3A_722 = arith.constant dense<true> : vector<16xi1>
        %masked_sort3A_723, %masked_sort3A_724, %masked_sort3A_725 = tpu.sort %gather3A_661, %add3A_660 masked %masked_sort3A_722 {descending = true} : (vector<16xf32>, vector<16xi32>, vector<16xi1>) -> (vector<16xi1>, vector<16xf32>, vector<16xi32>)
        %masked_sort3A_726 = arith.constant dense<true> : vector<16xi1>
        %masked_sort3A_727, %masked_sort3A_728, %masked_sort3A_729 = tpu.sort %gather3A_665, %add3A_664 masked %masked_sort3A_726 {descending = true} : (vector<16xf32>, vector<16xi32>, vector<16xi1>) -> (vector<16xi1>, vector<16xf32>, vector<16xi32>)
        %masked_sort3A_730 = arith.constant dense<true> : vector<16xi1>
        %masked_sort3A_731, %masked_sort3A_732, %masked_sort3A_733 = tpu.sort %gather3A_669, %add3A_668 masked %masked_sort3A_730 {descending = true} : (vector<16xf32>, vector<16xi32>, vector<16xi1>) -> (vector<16xi1>, vector<16xf32>, vector<16xi32>)
        %masked_sort3A_734 = arith.constant dense<true> : vector<16xi1>
        %masked_sort3A_735, %masked_sort3A_736, %masked_sort3A_737 = tpu.sort %gather3A_673, %add3A_672 masked %masked_sort3A_734 {descending = true} : (vector<16xf32>, vector<16xi32>, vector<16xi1>) -> (vector<16xi1>, vector<16xf32>, vector<16xi32>)
        %masked_sort3A_738 = arith.constant dense<true> : vector<16xi1>
        %masked_sort3A_739, %masked_sort3A_740, %masked_sort3A_741 = tpu.sort %gather3A_677, %add3A_676 masked %masked_sort3A_738 {descending = true} : (vector<16xf32>, vector<16xi32>, vector<16xi1>) -> (vector<16xi1>, vector<16xf32>, vector<16xi32>)
        %masked_sort3A_742 = arith.constant dense<true> : vector<16xi1>
        %masked_sort3A_743, %masked_sort3A_744, %masked_sort3A_745 = tpu.sort %gather3A_681, %add3A_680 masked %masked_sort3A_742 {descending = true} : (vector<16xf32>, vector<16xi32>, vector<16xi1>) -> (vector<16xi1>, vector<16xf32>, vector<16xi32>)
        %masked_sort3A_746 = arith.constant dense<true> : vector<16xi1>
        %masked_sort3A_747, %masked_sort3A_748, %masked_sort3A_749 = tpu.sort %gather3A_685, %add3A_684 masked %masked_sort3A_746 {descending = true} : (vector<16xf32>, vector<16xi32>, vector<16xi1>) -> (vector<16xi1>, vector<16xf32>, vector<16xi32>)
        %masked_sort3A_750 = arith.constant dense<true> : vector<16xi1>
        %masked_sort3A_751, %masked_sort3A_752, %masked_sort3A_753 = tpu.sort %gather3A_689, %add3A_688 masked %masked_sort3A_750 {descending = true} : (vector<16xf32>, vector<16xi32>, vector<16xi1>) -> (vector<16xi1>, vector<16xf32>, vector<16xi32>)
        %masked_sort3A_754 = arith.constant dense<true> : vector<16xi1>
        %masked_sort3A_755, %masked_sort3A_756, %masked_sort3A_757 = tpu.sort %gather3A_693, %add3A_692 masked %masked_sort3A_754 {descending = true} : (vector<16xf32>, vector<16xi32>, vector<16xi1>) -> (vector<16xi1>, vector<16xf32>, vector<16xi32>)
        %rev3A_758 = arith.constant 15 : i32
        %rev3A_759 = vector.broadcast %rev3A_758 : i32 to vector<16xi32>
        %rev3A_760 = tpu.iota {dimensions = array<i32: 0>} : vector<16xi32>
        %rev3A_761 = arith.subi %rev3A_759, %rev3A_760 : vector<16xi32>
        %rev3A_762 = tpu.dynamic_gather %masked_sort3A_700[%rev3A_761] in [0] : vector<16xf32>, vector<16xi32> -> vector<16xf32>
        %rev3A_763 = arith.constant 15 : i32
        %rev3A_764 = vector.broadcast %rev3A_763 : i32 to vector<16xi32>
        %rev3A_765 = tpu.iota {dimensions = array<i32: 0>} : vector<16xi32>
        %rev3A_766 = arith.subi %rev3A_764, %rev3A_765 : vector<16xi32>
        %rev3A_767 = tpu.dynamic_gather %masked_sort3A_701[%rev3A_766] in [0] : vector<16xi32>, vector<16xi32> -> vector<16xi32>
        %gt3A_768 = arith.cmpf ogt, %rev3A_762, %masked_sort3A_696 : vector<16xf32>
        %select_n3A_769 = arith.select %gt3A_768, %rev3A_762, %masked_sort3A_696 : vector<16xi1>, vector<16xf32>
        %select_n3A_770 = arith.select %gt3A_768, %rev3A_767, %masked_sort3A_697 : vector<16xi1>, vector<16xi32>
        %masked_sort3A_771 = arith.constant dense<true> : vector<16xi1>
        %masked_sort3A_772, %masked_sort3A_773, %masked_sort3A_774 = tpu.sort %select_n3A_769, %select_n3A_770 masked %masked_sort3A_771 {descending = true} : (vector<16xf32>, vector<16xi32>, vector<16xi1>) -> (vector<16xi1>, vector<16xf32>, vector<16xi32>)
        %rev3A_775 = arith.constant 15 : i32
        %rev3A_776 = vector.broadcast %rev3A_775 : i32 to vector<16xi32>
        %rev3A_777 = tpu.iota {dimensions = array<i32: 0>} : vector<16xi32>
        %rev3A_778 = arith.subi %rev3A_776, %rev3A_777 : vector<16xi32>
        %rev3A_779 = tpu.dynamic_gather %masked_sort3A_708[%rev3A_778] in [0] : vector<16xf32>, vector<16xi32> -> vector<16xf32>
        %rev3A_780 = arith.constant 15 : i32
        %rev3A_781 = vector.broadcast %rev3A_780 : i32 to vector<16xi32>
        %rev3A_782 = tpu.iota {dimensions = array<i32: 0>} : vector<16xi32>
        %rev3A_783 = arith.subi %rev3A_781, %rev3A_782 : vector<16xi32>
        %rev3A_784 = tpu.dynamic_gather %masked_sort3A_709[%rev3A_783] in [0] : vector<16xi32>, vector<16xi32> -> vector<16xi32>
        %gt3A_785 = arith.cmpf ogt, %rev3A_779, %masked_sort3A_704 : vector<16xf32>
        %select_n3A_786 = arith.select %gt3A_785, %rev3A_779, %masked_sort3A_704 : vector<16xi1>, vector<16xf32>
        %select_n3A_787 = arith.select %gt3A_785, %rev3A_784, %masked_sort3A_705 : vector<16xi1>, vector<16xi32>
        %masked_sort3A_788 = arith.constant dense<true> : vector<16xi1>
        %masked_sort3A_789, %masked_sort3A_790, %masked_sort3A_791 = tpu.sort %select_n3A_786, %select_n3A_787 masked %masked_sort3A_788 {descending = true} : (vector<16xf32>, vector<16xi32>, vector<16xi1>) -> (vector<16xi1>, vector<16xf32>, vector<16xi32>)
        %rev3A_792 = arith.constant 15 : i32
        %rev3A_793 = vector.broadcast %rev3A_792 : i32 to vector<16xi32>
        %rev3A_794 = tpu.iota {dimensions = array<i32: 0>} : vector<16xi32>
        %rev3A_795 = arith.subi %rev3A_793, %rev3A_794 : vector<16xi32>
        %rev3A_796 = tpu.dynamic_gather %masked_sort3A_716[%rev3A_795] in [0] : vector<16xf32>, vector<16xi32> -> vector<16xf32>
        %rev3A_797 = arith.constant 15 : i32
        %rev3A_798 = vector.broadcast %rev3A_797 : i32 to vector<16xi32>
        %rev3A_799 = tpu.iota {dimensions = array<i32: 0>} : vector<16xi32>
        %rev3A_800 = arith.subi %rev3A_798, %rev3A_799 : vector<16xi32>
        %rev3A_801 = tpu.dynamic_gather %masked_sort3A_717[%rev3A_800] in [0] : vector<16xi32>, vector<16xi32> -> vector<16xi32>
        %gt3A_802 = arith.cmpf ogt, %rev3A_796, %masked_sort3A_712 : vector<16xf32>
        %select_n3A_803 = arith.select %gt3A_802, %rev3A_796, %masked_sort3A_712 : vector<16xi1>, vector<16xf32>
        %select_n3A_804 = arith.select %gt3A_802, %rev3A_801, %masked_sort3A_713 : vector<16xi1>, vector<16xi32>
        %masked_sort3A_805 = arith.constant dense<true> : vector<16xi1>
        %masked_sort3A_806, %masked_sort3A_807, %masked_sort3A_808 = tpu.sort %select_n3A_803, %select_n3A_804 masked %masked_sort3A_805 {descending = true} : (vector<16xf32>, vector<16xi32>, vector<16xi1>) -> (vector<16xi1>, vector<16xf32>, vector<16xi32>)
        %rev3A_809 = arith.constant 15 : i32
        %rev3A_810 = vector.broadcast %rev3A_809 : i32 to vector<16xi32>
        %rev3A_811 = tpu.iota {dimensions = array<i32: 0>} : vector<16xi32>
        %rev3A_812 = arith.subi %rev3A_810, %rev3A_811 : vector<16xi32>
        %rev3A_813 = tpu.dynamic_gather %masked_sort3A_724[%rev3A_812] in [0] : vector<16xf32>, vector<16xi32> -> vector<16xf32>
        %rev3A_814 = arith.constant 15 : i32
        %rev3A_815 = vector.broadcast %rev3A_814 : i32 to vector<16xi32>
        %rev3A_816 = tpu.iota {dimensions = array<i32: 0>} : vector<16xi32>
        %rev3A_817 = arith.subi %rev3A_815, %rev3A_816 : vector<16xi32>
        %rev3A_818 = tpu.dynamic_gather %masked_sort3A_725[%rev3A_817] in [0] : vector<16xi32>, vector<16xi32> -> vector<16xi32>
        %gt3A_819 = arith.cmpf ogt, %rev3A_813, %masked_sort3A_720 : vector<16xf32>
        %select_n3A_820 = arith.select %gt3A_819, %rev3A_813, %masked_sort3A_720 : vector<16xi1>, vector<16xf32>
        %select_n3A_821 = arith.select %gt3A_819, %rev3A_818, %masked_sort3A_721 : vector<16xi1>, vector<16xi32>
        %masked_sort3A_822 = arith.constant dense<true> : vector<16xi1>
        %masked_sort3A_823, %masked_sort3A_824, %masked_sort3A_825 = tpu.sort %select_n3A_820, %select_n3A_821 masked %masked_sort3A_822 {descending = true} : (vector<16xf32>, vector<16xi32>, vector<16xi1>) -> (vector<16xi1>, vector<16xf32>, vector<16xi32>)
        %rev3A_826 = arith.constant 15 : i32
        %rev3A_827 = vector.broadcast %rev3A_826 : i32 to vector<16xi32>
        %rev3A_828 = tpu.iota {dimensions = array<i32: 0>} : vector<16xi32>
        %rev3A_829 = arith.subi %rev3A_827, %rev3A_828 : vector<16xi32>
        %rev3A_830 = tpu.dynamic_gather %masked_sort3A_732[%rev3A_829] in [0] : vector<16xf32>, vector<16xi32> -> vector<16xf32>
        %rev3A_831 = arith.constant 15 : i32
        %rev3A_832 = vector.broadcast %rev3A_831 : i32 to vector<16xi32>
        %rev3A_833 = tpu.iota {dimensions = array<i32: 0>} : vector<16xi32>
        %rev3A_834 = arith.subi %rev3A_832, %rev3A_833 : vector<16xi32>
        %rev3A_835 = tpu.dynamic_gather %masked_sort3A_733[%rev3A_834] in [0] : vector<16xi32>, vector<16xi32> -> vector<16xi32>
        %gt3A_836 = arith.cmpf ogt, %rev3A_830, %masked_sort3A_728 : vector<16xf32>
        %select_n3A_837 = arith.select %gt3A_836, %rev3A_830, %masked_sort3A_728 : vector<16xi1>, vector<16xf32>
        %select_n3A_838 = arith.select %gt3A_836, %rev3A_835, %masked_sort3A_729 : vector<16xi1>, vector<16xi32>
        %masked_sort3A_839 = arith.constant dense<true> : vector<16xi1>
        %masked_sort3A_840, %masked_sort3A_841, %masked_sort3A_842 = tpu.sort %select_n3A_837, %select_n3A_838 masked %masked_sort3A_839 {descending = true} : (vector<16xf32>, vector<16xi32>, vector<16xi1>) -> (vector<16xi1>, vector<16xf32>, vector<16xi32>)
        %rev3A_843 = arith.constant 15 : i32
        %rev3A_844 = vector.broadcast %rev3A_843 : i32 to vector<16xi32>
        %rev3A_845 = tpu.iota {dimensions = array<i32: 0>} : vector<16xi32>
        %rev3A_846 = arith.subi %rev3A_844, %rev3A_845 : vector<16xi32>
        %rev3A_847 = tpu.dynamic_gather %masked_sort3A_740[%rev3A_846] in [0] : vector<16xf32>, vector<16xi32> -> vector<16xf32>
        %rev3A_848 = arith.constant 15 : i32
        %rev3A_849 = vector.broadcast %rev3A_848 : i32 to vector<16xi32>
        %rev3A_850 = tpu.iota {dimensions = array<i32: 0>} : vector<16xi32>
        %rev3A_851 = arith.subi %rev3A_849, %rev3A_850 : vector<16xi32>
        %rev3A_852 = tpu.dynamic_gather %masked_sort3A_741[%rev3A_851] in [0] : vector<16xi32>, vector<16xi32> -> vector<16xi32>
        %gt3A_853 = arith.cmpf ogt, %rev3A_847, %masked_sort3A_736 : vector<16xf32>
        %select_n3A_854 = arith.select %gt3A_853, %rev3A_847, %masked_sort3A_736 : vector<16xi1>, vector<16xf32>
        %select_n3A_855 = arith.select %gt3A_853, %rev3A_852, %masked_sort3A_737 : vector<16xi1>, vector<16xi32>
        %masked_sort3A_856 = arith.constant dense<true> : vector<16xi1>
        %masked_sort3A_857, %masked_sort3A_858, %masked_sort3A_859 = tpu.sort %select_n3A_854, %select_n3A_855 masked %masked_sort3A_856 {descending = true} : (vector<16xf32>, vector<16xi32>, vector<16xi1>) -> (vector<16xi1>, vector<16xf32>, vector<16xi32>)
        %rev3A_860 = arith.constant 15 : i32
        %rev3A_861 = vector.broadcast %rev3A_860 : i32 to vector<16xi32>
        %rev3A_862 = tpu.iota {dimensions = array<i32: 0>} : vector<16xi32>
        %rev3A_863 = arith.subi %rev3A_861, %rev3A_862 : vector<16xi32>
        %rev3A_864 = tpu.dynamic_gather %masked_sort3A_748[%rev3A_863] in [0] : vector<16xf32>, vector<16xi32> -> vector<16xf32>
        %rev3A_865 = arith.constant 15 : i32
        %rev3A_866 = vector.broadcast %rev3A_865 : i32 to vector<16xi32>
        %rev3A_867 = tpu.iota {dimensions = array<i32: 0>} : vector<16xi32>
        %rev3A_868 = arith.subi %rev3A_866, %rev3A_867 : vector<16xi32>
        %rev3A_869 = tpu.dynamic_gather %masked_sort3A_749[%rev3A_868] in [0] : vector<16xi32>, vector<16xi32> -> vector<16xi32>
        %gt3A_870 = arith.cmpf ogt, %rev3A_864, %masked_sort3A_744 : vector<16xf32>
        %select_n3A_871 = arith.select %gt3A_870, %rev3A_864, %masked_sort3A_744 : vector<16xi1>, vector<16xf32>
        %select_n3A_872 = arith.select %gt3A_870, %rev3A_869, %masked_sort3A_745 : vector<16xi1>, vector<16xi32>
        %masked_sort3A_873 = arith.constant dense<true> : vector<16xi1>
        %masked_sort3A_874, %masked_sort3A_875, %masked_sort3A_876 = tpu.sort %select_n3A_871, %select_n3A_872 masked %masked_sort3A_873 {descending = true} : (vector<16xf32>, vector<16xi32>, vector<16xi1>) -> (vector<16xi1>, vector<16xf32>, vector<16xi32>)
        %rev3A_877 = arith.constant 15 : i32
        %rev3A_878 = vector.broadcast %rev3A_877 : i32 to vector<16xi32>
        %rev3A_879 = tpu.iota {dimensions = array<i32: 0>} : vector<16xi32>
        %rev3A_880 = arith.subi %rev3A_878, %rev3A_879 : vector<16xi32>
        %rev3A_881 = tpu.dynamic_gather %masked_sort3A_756[%rev3A_880] in [0] : vector<16xf32>, vector<16xi32> -> vector<16xf32>
        %rev3A_882 = arith.constant 15 : i32
        %rev3A_883 = vector.broadcast %rev3A_882 : i32 to vector<16xi32>
        %rev3A_884 = tpu.iota {dimensions = array<i32: 0>} : vector<16xi32>
        %rev3A_885 = arith.subi %rev3A_883, %rev3A_884 : vector<16xi32>
        %rev3A_886 = tpu.dynamic_gather %masked_sort3A_757[%rev3A_885] in [0] : vector<16xi32>, vector<16xi32> -> vector<16xi32>
        %gt3A_887 = arith.cmpf ogt, %rev3A_881, %masked_sort3A_752 : vector<16xf32>
        %select_n3A_888 = arith.select %gt3A_887, %rev3A_881, %masked_sort3A_752 : vector<16xi1>, vector<16xf32>
        %select_n3A_889 = arith.select %gt3A_887, %rev3A_886, %masked_sort3A_753 : vector<16xi1>, vector<16xi32>
        %masked_sort3A_890 = arith.constant dense<true> : vector<16xi1>
        %masked_sort3A_891, %masked_sort3A_892, %masked_sort3A_893 = tpu.sort %select_n3A_888, %select_n3A_889 masked %masked_sort3A_890 {descending = true} : (vector<16xf32>, vector<16xi32>, vector<16xi1>) -> (vector<16xi1>, vector<16xf32>, vector<16xi32>)
        %rev3A_894 = arith.constant 15 : i32
        %rev3A_895 = vector.broadcast %rev3A_894 : i32 to vector<16xi32>
        %rev3A_896 = tpu.iota {dimensions = array<i32: 0>} : vector<16xi32>
        %rev3A_897 = arith.subi %rev3A_895, %rev3A_896 : vector<16xi32>
        %rev3A_898 = tpu.dynamic_gather %masked_sort3A_790[%rev3A_897] in [0] : vector<16xf32>, vector<16xi32> -> vector<16xf32>
        %rev3A_899 = arith.constant 15 : i32
        %rev3A_900 = vector.broadcast %rev3A_899 : i32 to vector<16xi32>
        %rev3A_901 = tpu.iota {dimensions = array<i32: 0>} : vector<16xi32>
        %rev3A_902 = arith.subi %rev3A_900, %rev3A_901 : vector<16xi32>
        %rev3A_903 = tpu.dynamic_gather %masked_sort3A_791[%rev3A_902] in [0] : vector<16xi32>, vector<16xi32> -> vector<16xi32>
        %gt3A_904 = arith.cmpf ogt, %rev3A_898, %masked_sort3A_773 : vector<16xf32>
        %select_n3A_905 = arith.select %gt3A_904, %rev3A_898, %masked_sort3A_773 : vector<16xi1>, vector<16xf32>
        %select_n3A_906 = arith.select %gt3A_904, %rev3A_903, %masked_sort3A_774 : vector<16xi1>, vector<16xi32>
        %masked_sort3A_907 = arith.constant dense<true> : vector<16xi1>
        %masked_sort3A_908, %masked_sort3A_909, %masked_sort3A_910 = tpu.sort %select_n3A_905, %select_n3A_906 masked %masked_sort3A_907 {descending = true} : (vector<16xf32>, vector<16xi32>, vector<16xi1>) -> (vector<16xi1>, vector<16xf32>, vector<16xi32>)
        %rev3A_911 = arith.constant 15 : i32
        %rev3A_912 = vector.broadcast %rev3A_911 : i32 to vector<16xi32>
        %rev3A_913 = tpu.iota {dimensions = array<i32: 0>} : vector<16xi32>
        %rev3A_914 = arith.subi %rev3A_912, %rev3A_913 : vector<16xi32>
        %rev3A_915 = tpu.dynamic_gather %masked_sort3A_824[%rev3A_914] in [0] : vector<16xf32>, vector<16xi32> -> vector<16xf32>
        %rev3A_916 = arith.constant 15 : i32
        %rev3A_917 = vector.broadcast %rev3A_916 : i32 to vector<16xi32>
        %rev3A_918 = tpu.iota {dimensions = array<i32: 0>} : vector<16xi32>
        %rev3A_919 = arith.subi %rev3A_917, %rev3A_918 : vector<16xi32>
        %rev3A_920 = tpu.dynamic_gather %masked_sort3A_825[%rev3A_919] in [0] : vector<16xi32>, vector<16xi32> -> vector<16xi32>
        %gt3A_921 = arith.cmpf ogt, %rev3A_915, %masked_sort3A_807 : vector<16xf32>
        %select_n3A_922 = arith.select %gt3A_921, %rev3A_915, %masked_sort3A_807 : vector<16xi1>, vector<16xf32>
        %select_n3A_923 = arith.select %gt3A_921, %rev3A_920, %masked_sort3A_808 : vector<16xi1>, vector<16xi32>
        %masked_sort3A_924 = arith.constant dense<true> : vector<16xi1>
        %masked_sort3A_925, %masked_sort3A_926, %masked_sort3A_927 = tpu.sort %select_n3A_922, %select_n3A_923 masked %masked_sort3A_924 {descending = true} : (vector<16xf32>, vector<16xi32>, vector<16xi1>) -> (vector<16xi1>, vector<16xf32>, vector<16xi32>)
        %rev3A_928 = arith.constant 15 : i32
        %rev3A_929 = vector.broadcast %rev3A_928 : i32 to vector<16xi32>
        %rev3A_930 = tpu.iota {dimensions = array<i32: 0>} : vector<16xi32>
        %rev3A_931 = arith.subi %rev3A_929, %rev3A_930 : vector<16xi32>
        %rev3A_932 = tpu.dynamic_gather %masked_sort3A_858[%rev3A_931] in [0] : vector<16xf32>, vector<16xi32> -> vector<16xf32>
        %rev3A_933 = arith.constant 15 : i32
        %rev3A_934 = vector.broadcast %rev3A_933 : i32 to vector<16xi32>
        %rev3A_935 = tpu.iota {dimensions = array<i32: 0>} : vector<16xi32>
        %rev3A_936 = arith.subi %rev3A_934, %rev3A_935 : vector<16xi32>
        %rev3A_937 = tpu.dynamic_gather %masked_sort3A_859[%rev3A_936] in [0] : vector<16xi32>, vector<16xi32> -> vector<16xi32>
        %gt3A_938 = arith.cmpf ogt, %rev3A_932, %masked_sort3A_841 : vector<16xf32>
        %select_n3A_939 = arith.select %gt3A_938, %rev3A_932, %masked_sort3A_841 : vector<16xi1>, vector<16xf32>
        %select_n3A_940 = arith.select %gt3A_938, %rev3A_937, %masked_sort3A_842 : vector<16xi1>, vector<16xi32>
        %masked_sort3A_941 = arith.constant dense<true> : vector<16xi1>
        %masked_sort3A_942, %masked_sort3A_943, %masked_sort3A_944 = tpu.sort %select_n3A_939, %select_n3A_940 masked %masked_sort3A_941 {descending = true} : (vector<16xf32>, vector<16xi32>, vector<16xi1>) -> (vector<16xi1>, vector<16xf32>, vector<16xi32>)
        %rev3A_945 = arith.constant 15 : i32
        %rev3A_946 = vector.broadcast %rev3A_945 : i32 to vector<16xi32>
        %rev3A_947 = tpu.iota {dimensions = array<i32: 0>} : vector<16xi32>
        %rev3A_948 = arith.subi %rev3A_946, %rev3A_947 : vector<16xi32>
        %rev3A_949 = tpu.dynamic_gather %masked_sort3A_892[%rev3A_948] in [0] : vector<16xf32>, vector<16xi32> -> vector<16xf32>
        %rev3A_950 = arith.constant 15 : i32
        %rev3A_951 = vector.broadcast %rev3A_950 : i32 to vector<16xi32>
        %rev3A_952 = tpu.iota {dimensions = array<i32: 0>} : vector<16xi32>
        %rev3A_953 = arith.subi %rev3A_951, %rev3A_952 : vector<16xi32>
        %rev3A_954 = tpu.dynamic_gather %masked_sort3A_893[%rev3A_953] in [0] : vector<16xi32>, vector<16xi32> -> vector<16xi32>
        %gt3A_955 = arith.cmpf ogt, %rev3A_949, %masked_sort3A_875 : vector<16xf32>
        %select_n3A_956 = arith.select %gt3A_955, %rev3A_949, %masked_sort3A_875 : vector<16xi1>, vector<16xf32>
        %select_n3A_957 = arith.select %gt3A_955, %rev3A_954, %masked_sort3A_876 : vector<16xi1>, vector<16xi32>
        %masked_sort3A_958 = arith.constant dense<true> : vector<16xi1>
        %masked_sort3A_959, %masked_sort3A_960, %masked_sort3A_961 = tpu.sort %select_n3A_956, %select_n3A_957 masked %masked_sort3A_958 {descending = true} : (vector<16xf32>, vector<16xi32>, vector<16xi1>) -> (vector<16xi1>, vector<16xf32>, vector<16xi32>)
        %rev3A_962 = arith.constant 15 : i32
        %rev3A_963 = vector.broadcast %rev3A_962 : i32 to vector<16xi32>
        %rev3A_964 = tpu.iota {dimensions = array<i32: 0>} : vector<16xi32>
        %rev3A_965 = arith.subi %rev3A_963, %rev3A_964 : vector<16xi32>
        %rev3A_966 = tpu.dynamic_gather %masked_sort3A_926[%rev3A_965] in [0] : vector<16xf32>, vector<16xi32> -> vector<16xf32>
        %rev3A_967 = arith.constant 15 : i32
        %rev3A_968 = vector.broadcast %rev3A_967 : i32 to vector<16xi32>
        %rev3A_969 = tpu.iota {dimensions = array<i32: 0>} : vector<16xi32>
        %rev3A_970 = arith.subi %rev3A_968, %rev3A_969 : vector<16xi32>
        %rev3A_971 = tpu.dynamic_gather %masked_sort3A_927[%rev3A_970] in [0] : vector<16xi32>, vector<16xi32> -> vector<16xi32>
        %gt3A_972 = arith.cmpf ogt, %rev3A_966, %masked_sort3A_909 : vector<16xf32>
        %select_n3A_973 = arith.select %gt3A_972, %rev3A_966, %masked_sort3A_909 : vector<16xi1>, vector<16xf32>
        %select_n3A_974 = arith.select %gt3A_972, %rev3A_971, %masked_sort3A_910 : vector<16xi1>, vector<16xi32>
        %masked_sort3A_975 = arith.constant dense<true> : vector<16xi1>
        %masked_sort3A_976, %masked_sort3A_977, %masked_sort3A_978 = tpu.sort %select_n3A_973, %select_n3A_974 masked %masked_sort3A_975 {descending = true} : (vector<16xf32>, vector<16xi32>, vector<16xi1>) -> (vector<16xi1>, vector<16xf32>, vector<16xi32>)
        %rev3A_979 = arith.constant 15 : i32
        %rev3A_980 = vector.broadcast %rev3A_979 : i32 to vector<16xi32>
        %rev3A_981 = tpu.iota {dimensions = array<i32: 0>} : vector<16xi32>
        %rev3A_982 = arith.subi %rev3A_980, %rev3A_981 : vector<16xi32>
        %rev3A_983 = tpu.dynamic_gather %masked_sort3A_960[%rev3A_982] in [0] : vector<16xf32>, vector<16xi32> -> vector<16xf32>
        %rev3A_984 = arith.constant 15 : i32
        %rev3A_985 = vector.broadcast %rev3A_984 : i32 to vector<16xi32>
        %rev3A_986 = tpu.iota {dimensions = array<i32: 0>} : vector<16xi32>
        %rev3A_987 = arith.subi %rev3A_985, %rev3A_986 : vector<16xi32>
        %rev3A_988 = tpu.dynamic_gather %masked_sort3A_961[%rev3A_987] in [0] : vector<16xi32>, vector<16xi32> -> vector<16xi32>
        %gt3A_989 = arith.cmpf ogt, %rev3A_983, %masked_sort3A_943 : vector<16xf32>
        %select_n3A_990 = arith.select %gt3A_989, %rev3A_983, %masked_sort3A_943 : vector<16xi1>, vector<16xf32>
        %select_n3A_991 = arith.select %gt3A_989, %rev3A_988, %masked_sort3A_944 : vector<16xi1>, vector<16xi32>
        %masked_sort3A_992 = arith.constant dense<true> : vector<16xi1>
        %masked_sort3A_993, %masked_sort3A_994, %masked_sort3A_995 = tpu.sort %select_n3A_990, %select_n3A_991 masked %masked_sort3A_992 {descending = true} : (vector<16xf32>, vector<16xi32>, vector<16xi1>) -> (vector<16xi1>, vector<16xf32>, vector<16xi32>)
        %rev3A_996 = arith.constant 15 : i32
        %rev3A_997 = vector.broadcast %rev3A_996 : i32 to vector<16xi32>
        %rev3A_998 = tpu.iota {dimensions = array<i32: 0>} : vector<16xi32>
        %rev3A_999 = arith.subi %rev3A_997, %rev3A_998 : vector<16xi32>
        %rev3A_1000 = tpu.dynamic_gather %masked_sort3A_994[%rev3A_999] in [0] : vector<16xf32>, vector<16xi32> -> vector<16xf32>
        %rev3A_1001 = arith.constant 15 : i32
        %rev3A_1002 = vector.broadcast %rev3A_1001 : i32 to vector<16xi32>
        %rev3A_1003 = tpu.iota {dimensions = array<i32: 0>} : vector<16xi32>
        %rev3A_1004 = arith.subi %rev3A_1002, %rev3A_1003 : vector<16xi32>
        %rev3A_1005 = tpu.dynamic_gather %masked_sort3A_995[%rev3A_1004] in [0] : vector<16xi32>, vector<16xi32> -> vector<16xi32>
        %gt3A_1006 = arith.cmpf ogt, %rev3A_1000, %masked_sort3A_977 : vector<16xf32>
        %select_n3A_1007 = arith.select %gt3A_1006, %rev3A_1000, %masked_sort3A_977 : vector<16xi1>, vector<16xf32>
        %select_n3A_1008 = arith.select %gt3A_1006, %rev3A_1005, %masked_sort3A_978 : vector<16xi1>, vector<16xi32>
        %masked_sort3A_1009 = arith.constant dense<true> : vector<16xi1>
        %masked_sort3A_1010, %masked_sort3A_1011, %masked_sort3A_1012 = tpu.sort %select_n3A_1007, %select_n3A_1008 masked %masked_sort3A_1009 {descending = true} : (vector<16xf32>, vector<16xi32>, vector<16xi1>) -> (vector<16xi1>, vector<16xf32>, vector<16xi32>)
        %broadcast_in_dim3A_1013 = vector.broadcast %scan3A_166 : i32 to vector<16xi32>
        %gather3A_1014 = tpu.vector_load_idx %arg7[%broadcast_in_dim3A_1013, %masked_sort3A_1012] : memref<4x4096xf32, #tpu.memory_space<vmem>>[vector<16xi32>, vector<16xi32>], vector<16xf32>,
        %sub3A_1015 = arith.subi %add3A_183, %mul3A_2 : i32
        %swap3A = arith.index_cast %sub3A_1015 : i32 to index
        %swap3A_1016 = arith.constant 0 : index
        %swap3A_1017 = tpu.vector_load %arg9[%swap3A, %swap3A_1016] {strides = array<i32>} : memref<128x16xf32, #tpu.memory_space<vmem>>, vector<16xf32>,
        tpu.vector_store %arg9[%swap3A, %swap3A_1016], %gather3A_1014 {strides = array<i32>} : memref<128x16xf32, #tpu.memory_space<vmem>>, vector<16xf32>,
        %scan3A_1018 = arith.constant 0 : i32
        scf.yield %scan3A_1018 : i32
      }
      %scan3A_73 = arith.constant 4 : i32
      %add3A_74 = arith.constant 8 : i32
      %add3A_75 = arith.addi %add3A_62, %add3A_74 : i32
      %min3A = arith.minsi %add3A_75, %sub3A_9 : i32
      %dma_start3A_76 = arith.constant 0 : i32
      %dma_start3A_77 = tpu.memref_slice %arg3[%min3A, %dma_start3A_76] : memref<4096x4096xf32, #tpu.memory_space<hbm>> -> memref<4x4096xf32, #tpu.memory_space<hbm>>
      %dma_start3A_78 = arith.constant 0 : i32
      %dma_start3A_79 = tpu.memref_slice %arg3[%min3A, %dma_start3A_78] : memref<4096x4096xf32, #tpu.memory_space<hbm>> -> memref<4x4096xf32, #tpu.memory_space<hbm>>
      tpu.enqueue_dma source(%dma_start3A_79 : memref<4x4096xf32, #tpu.memory_space<hbm>>) target(%arg7 : memref<4x4096xf32, #tpu.memory_space<vmem>>) target_semaphore(%arg13 : memref<!tpu.dma_semaphore, #tpu.memory_space<semaphore_mem>>)
      %add3A_80 = arith.constant 4 : i32
      %add3A_81 = arith.addi %add3A_56, %add3A_80 : i32
      %dma_wait3A_82 = arith.constant 0 : i32
      %dma_wait3A_83 = tpu.memref_slice %arg3[%add3A_81, %dma_wait3A_82] : memref<4096x4096xf32, #tpu.memory_space<hbm>> -> memref<4x4096xf32, #tpu.memory_space<hbm>>
      %dma_wait3A_84 = arith.constant 0 : i32
      %dma_wait3A_85 = tpu.memref_slice %arg3[%add3A_81, %dma_wait3A_84] : memref<4096x4096xf32, #tpu.memory_space<hbm>> -> memref<4x4096xf32, #tpu.memory_space<hbm>>
      tpu.wait_dma2 semaphore(%arg14 : memref<!tpu.dma_semaphore, #tpu.memory_space<semaphore_mem>>) src(%dma_wait3A_85 : memref<4x4096xf32, #tpu.memory_space<hbm>>) dst(%arg8 : memref<4x4096xf32, #tpu.memory_space<vmem>>)
      %scan3A_86 = arith.constant 0 : i32
      %scan3A_87 = arith.constant 0 : i32
      %scan3A_88 = arith.constant 4 : i32
      %scan3A_89 = arith.addi %scan3A_87, %scan3A_88 : i32
      %scan3A_90 = arith.constant 1 : i32
      %scan3A_91 = scf.for %scan3A_166 = %scan3A_87 to %scan3A_89 step %scan3A_90 iter_args(%scan3A_167 = %scan3A_86) -> (i32)  : i32 {
        %add3A_168 = arith.addi %add3A_81, %scan3A_166 : i32
        %add3A_169 = arith.constant 4 : i32
        %add3A_170 = arith.addi %add3A_169, %scan3A_166 : i32
        %broadcast_in_dim3A = vector.broadcast %add3A_170 : i32 to vector<16xi32>
        %broadcast_in_dim3A_171 = vector.broadcast %add3A_168 : i32 to vector<16xi32>
        %broadcast_in_dim3A_172 = arith.constant -1.000000e+00 : f32
        %broadcast_in_dim3A_173 = vector.broadcast %broadcast_in_dim3A_172 : f32 to vector<16xf32>
        %eq3A = arith.constant 0 : i32
        %eq3A_174 = vector.broadcast %eq3A : i32 to vector<16xi32>
        %eq3A_175 = arith.cmpi eq, %iota3A, %eq3A_174 : vector<16xi32>
        tpu.vector_store_idx %arg5[%broadcast_in_dim3A, %broadcast_in_dim3A_171], %broadcast_in_dim3A_173 masked %eq3A_175 : memref<8x4096xf32, #tpu.memory_space<vmem>>[vector<16xi32>, vector<16xi32>], vector<16xf32>, vector<16xi1>
        %scan3A_176 = arith.constant 0 : i32
        %scan3A_177 = arith.constant 0 : i32
        %scan3A_178 = arith.constant 16 : i32
        %scan3A_179 = arith.addi %scan3A_177, %scan3A_178 : i32
        %scan3A_180 = arith.constant 1 : i32
        %scan3A_181 = scf.for %scan3A_1019 = %scan3A_177 to %scan3A_179 step %scan3A_180 iter_args(%scan3A_1020 = %scan3A_176) -> (i32)  : i32 {
          %mul3A_1021 = arith.constant 256 : i32
          %mul3A_1022 = arith.muli %scan3A_1019, %mul3A_1021 : i32
          %add3A_1023 = arith.constant 0 : i32
          %add3A_1024 = arith.addi %mul3A_1022, %add3A_1023 : i32
          %get3A_1025 = arith.index_cast %add3A_170 : i32 to index
          %get3A_1026 = arith.index_cast %add3A_1024 : i32 to index
          %get3A_1027 = tpu.vector_load %arg5[%get3A_1025, %get3A_1026] {strides = array<i32>} : memref<8x4096xf32, #tpu.memory_space<vmem>>, vector<16xf32>,
          %mul3A_1028 = arith.constant 256 : i32
          %mul3A_1029 = arith.muli %scan3A_1019, %mul3A_1028 : i32
          %add3A_1030 = arith.constant 16 : i32
          %add3A_1031 = arith.addi %mul3A_1029, %add3A_1030 : i32
          %get3A_1032 = arith.index_cast %add3A_170 : i32 to index
          %get3A_1033 = arith.index_cast %add3A_1031 : i32 to index
          %get3A_1034 = tpu.vector_load %arg5[%get3A_1032, %get3A_1033] {strides = array<i32>} : memref<8x4096xf32, #tpu.memory_space<vmem>>, vector<16xf32>,
          %max3A = arith.maximumf %get3A_1027, %get3A_1034 : vector<16xf32>
          %mul3A_1035 = arith.constant 256 : i32
          %mul3A_1036 = arith.muli %scan3A_1019, %mul3A_1035 : i32
          %add3A_1037 = arith.constant 32 : i32
          %add3A_1038 = arith.addi %mul3A_1036, %add3A_1037 : i32
          %get3A_1039 = arith.index_cast %add3A_170 : i32 to index
          %get3A_1040 = arith.index_cast %add3A_1038 : i32 to index
          %get3A_1041 = tpu.vector_load %arg5[%get3A_1039, %get3A_1040] {strides = array<i32>} : memref<8x4096xf32, #tpu.memory_space<vmem>>, vector<16xf32>,
          %max3A_1042 = arith.maximumf %max3A, %get3A_1041 : vector<16xf32>
          %mul3A_1043 = arith.constant 256 : i32
          %mul3A_1044 = arith.muli %scan3A_1019, %mul3A_1043 : i32
          %add3A_1045 = arith.constant 48 : i32
          %add3A_1046 = arith.addi %mul3A_1044, %add3A_1045 : i32
          %get3A_1047 = arith.index_cast %add3A_170 : i32 to index
          %get3A_1048 = arith.index_cast %add3A_1046 : i32 to index
          %get3A_1049 = tpu.vector_load %arg5[%get3A_1047, %get3A_1048] {strides = array<i32>} : memref<8x4096xf32, #tpu.memory_space<vmem>>, vector<16xf32>,
          %max3A_1050 = arith.maximumf %max3A_1042, %get3A_1049 : vector<16xf32>
          %mul3A_1051 = arith.constant 256 : i32
          %mul3A_1052 = arith.muli %scan3A_1019, %mul3A_1051 : i32
          %add3A_1053 = arith.constant 64 : i32
          %add3A_1054 = arith.addi %mul3A_1052, %add3A_1053 : i32
          %get3A_1055 = arith.index_cast %add3A_170 : i32 to index
          %get3A_1056 = arith.index_cast %add3A_1054 : i32 to index
          %get3A_1057 = tpu.vector_load %arg5[%get3A_1055, %get3A_1056] {strides = array<i32>} : memref<8x4096xf32, #tpu.memory_space<vmem>>, vector<16xf32>,
          %max3A_1058 = arith.maximumf %max3A_1050, %get3A_1057 : vector<16xf32>
          %mul3A_1059 = arith.constant 256 : i32
          %mul3A_1060 = arith.muli %scan3A_1019, %mul3A_1059 : i32
          %add3A_1061 = arith.constant 80 : i32
          %add3A_1062 = arith.addi %mul3A_1060, %add3A_1061 : i32
          %get3A_1063 = arith.index_cast %add3A_170 : i32 to index
          %get3A_1064 = arith.index_cast %add3A_1062 : i32 to index
          %get3A_1065 = tpu.vector_load %arg5[%get3A_1063, %get3A_1064] {strides = array<i32>} : memref<8x4096xf32, #tpu.memory_space<vmem>>, vector<16xf32>,
          %max3A_1066 = arith.maximumf %max3A_1058, %get3A_1065 : vector<16xf32>
          %mul3A_1067 = arith.constant 256 : i32
          %mul3A_1068 = arith.muli %scan3A_1019, %mul3A_1067 : i32
          %add3A_1069 = arith.constant 96 : i32
          %add3A_1070 = arith.addi %mul3A_1068, %add3A_1069 : i32
          %get3A_1071 = arith.index_cast %add3A_170 : i32 to index
          %get3A_1072 = arith.index_cast %add3A_1070 : i32 to index
          %get3A_1073 = tpu.vector_load %arg5[%get3A_1071, %get3A_1072] {strides = array<i32>} : memref<8x4096xf32, #tpu.memory_space<vmem>>, vector<16xf32>,
          %max3A_1074 = arith.maximumf %max3A_1066, %get3A_1073 : vector<16xf32>
          %mul3A_1075 = arith.constant 256 : i32
          %mul3A_1076 = arith.muli %scan3A_1019, %mul3A_1075 : i32
          %add3A_1077 = arith.constant 112 : i32
          %add3A_1078 = arith.addi %mul3A_1076, %add3A_1077 : i32
          %get3A_1079 = arith.index_cast %add3A_170 : i32 to index
          %get3A_1080 = arith.index_cast %add3A_1078 : i32 to index
          %get3A_1081 = tpu.vector_load %arg5[%get3A_1079, %get3A_1080] {strides = array<i32>} : memref<8x4096xf32, #tpu.memory_space<vmem>>, vector<16xf32>,
          %max3A_1082 = arith.maximumf %max3A_1074, %get3A_1081 : vector<16xf32>
          %mul3A_1083 = arith.constant 256 : i32
          %mul3A_1084 = arith.muli %scan3A_1019, %mul3A_1083 : i32
          %add3A_1085 = arith.constant 128 : i32
          %add3A_1086 = arith.addi %mul3A_1084, %add3A_1085 : i32
          %get3A_1087 = arith.index_cast %add3A_170 : i32 to index
          %get3A_1088 = arith.index_cast %add3A_1086 : i32 to index
          %get3A_1089 = tpu.vector_load %arg5[%get3A_1087, %get3A_1088] {strides = array<i32>} : memref<8x4096xf32, #tpu.memory_space<vmem>>, vector<16xf32>,
          %max3A_1090 = arith.maximumf %max3A_1082, %get3A_1089 : vector<16xf32>
          %mul3A_1091 = arith.constant 256 : i32
          %mul3A_1092 = arith.muli %scan3A_1019, %mul3A_1091 : i32
          %add3A_1093 = arith.constant 144 : i32
          %add3A_1094 = arith.addi %mul3A_1092, %add3A_1093 : i32
          %get3A_1095 = arith.index_cast %add3A_170 : i32 to index
          %get3A_1096 = arith.index_cast %add3A_1094 : i32 to index
          %get3A_1097 = tpu.vector_load %arg5[%get3A_1095, %get3A_1096] {strides = array<i32>} : memref<8x4096xf32, #tpu.memory_space<vmem>>, vector<16xf32>,
          %max3A_1098 = arith.maximumf %max3A_1090, %get3A_1097 : vector<16xf32>
          %mul3A_1099 = arith.constant 256 : i32
          %mul3A_1100 = arith.muli %scan3A_1019, %mul3A_1099 : i32
          %add3A_1101 = arith.constant 160 : i32
          %add3A_1102 = arith.addi %mul3A_1100, %add3A_1101 : i32
          %get3A_1103 = arith.index_cast %add3A_170 : i32 to index
          %get3A_1104 = arith.index_cast %add3A_1102 : i32 to index
          %get3A_1105 = tpu.vector_load %arg5[%get3A_1103, %get3A_1104] {strides = array<i32>} : memref<8x4096xf32, #tpu.memory_space<vmem>>, vector<16xf32>,
          %max3A_1106 = arith.maximumf %max3A_1098, %get3A_1105 : vector<16xf32>
          %mul3A_1107 = arith.constant 256 : i32
          %mul3A_1108 = arith.muli %scan3A_1019, %mul3A_1107 : i32
          %add3A_1109 = arith.constant 176 : i32
          %add3A_1110 = arith.addi %mul3A_1108, %add3A_1109 : i32
          %get3A_1111 = arith.index_cast %add3A_170 : i32 to index
          %get3A_1112 = arith.index_cast %add3A_1110 : i32 to index
          %get3A_1113 = tpu.vector_load %arg5[%get3A_1111, %get3A_1112] {strides = array<i32>} : memref<8x4096xf32, #tpu.memory_space<vmem>>, vector<16xf32>,
          %max3A_1114 = arith.maximumf %max3A_1106, %get3A_1113 : vector<16xf32>
          %mul3A_1115 = arith.constant 256 : i32
          %mul3A_1116 = arith.muli %scan3A_1019, %mul3A_1115 : i32
          %add3A_1117 = arith.constant 192 : i32
          %add3A_1118 = arith.addi %mul3A_1116, %add3A_1117 : i32
          %get3A_1119 = arith.index_cast %add3A_170 : i32 to index
          %get3A_1120 = arith.index_cast %add3A_1118 : i32 to index
          %get3A_1121 = tpu.vector_load %arg5[%get3A_1119, %get3A_1120] {strides = array<i32>} : memref<8x4096xf32, #tpu.memory_space<vmem>>, vector<16xf32>,
          %max3A_1122 = arith.maximumf %max3A_1114, %get3A_1121 : vector<16xf32>
          %mul3A_1123 = arith.constant 256 : i32
          %mul3A_1124 = arith.muli %scan3A_1019, %mul3A_1123 : i32
          %add3A_1125 = arith.constant 208 : i32
          %add3A_1126 = arith.addi %mul3A_1124, %add3A_1125 : i32
          %get3A_1127 = arith.index_cast %add3A_170 : i32 to index
          %get3A_1128 = arith.index_cast %add3A_1126 : i32 to index
          %get3A_1129 = tpu.vector_load %arg5[%get3A_1127, %get3A_1128] {strides = array<i32>} : memref<8x4096xf32, #tpu.memory_space<vmem>>, vector<16xf32>,
          %max3A_1130 = arith.maximumf %max3A_1122, %get3A_1129 : vector<16xf32>
          %mul3A_1131 = arith.constant 256 : i32
          %mul3A_1132 = arith.muli %scan3A_1019, %mul3A_1131 : i32
          %add3A_1133 = arith.constant 224 : i32
          %add3A_1134 = arith.addi %mul3A_1132, %add3A_1133 : i32
          %get3A_1135 = arith.index_cast %add3A_170 : i32 to index
          %get3A_1136 = arith.index_cast %add3A_1134 : i32 to index
          %get3A_1137 = tpu.vector_load %arg5[%get3A_1135, %get3A_1136] {strides = array<i32>} : memref<8x4096xf32, #tpu.memory_space<vmem>>, vector<16xf32>,
          %max3A_1138 = arith.maximumf %max3A_1130, %get3A_1137 : vector<16xf32>
          %mul3A_1139 = arith.constant 256 : i32
          %mul3A_1140 = arith.muli %scan3A_1019, %mul3A_1139 : i32
          %add3A_1141 = arith.constant 240 : i32
          %add3A_1142 = arith.addi %mul3A_1140, %add3A_1141 : i32
          %get3A_1143 = arith.index_cast %add3A_170 : i32 to index
          %get3A_1144 = arith.index_cast %add3A_1142 : i32 to index
          %get3A_1145 = tpu.vector_load %arg5[%get3A_1143, %get3A_1144] {strides = array<i32>} : memref<8x4096xf32, #tpu.memory_space<vmem>>, vector<16xf32>,
          %max3A_1146 = arith.maximumf %max3A_1138, %get3A_1145 : vector<16xf32>
          %mul3A_1147 = arith.constant 16 : i32
          %mul3A_1148 = arith.muli %scan3A_1019, %mul3A_1147 : i32
          %swap3A_1149 = arith.index_cast %mul3A_1148 : i32 to index
          %swap3A_1150 = tpu.vector_load %arg10[%swap3A_1149] {strides = array<i32>} : memref<256xf32, #tpu.memory_space<vmem>>, vector<16xf32>,
          tpu.vector_store %arg10[%swap3A_1149], %max3A_1146 {strides = array<i32>} : memref<256xf32, #tpu.memory_space<vmem>>, vector<16xf32>,
          %scan3A_1151 = arith.constant 0 : i32
          scf.yield %scan3A_1151 : i32
        }
        %scan3A_182 = arith.constant 16 : i32
        %add3A_183 = arith.addi %add3A_81, %scan3A_166 : i32
        %add3A_184 = arith.constant 4 : i32
        %add3A_185 = arith.addi %add3A_184, %scan3A_166 : i32
        %broadcast_in_dim3A_186 = vector.broadcast %add3A_185 : i32 to vector<16xi32>
        %get3A = arith.constant 0 : index
        %get3A_187 = tpu.vector_load %arg10[%get3A] {strides = array<i32>} : memref<256xf32, #tpu.memory_space<vmem>>, vector<16xf32>,
        %add3A_188 = arith.constant 0 : i32
        %add3A_189 = vector.broadcast %add3A_188 : i32 to vector<16xi32>
        %add3A_190 = arith.addi %add3A_189, %iota3A : vector<16xi32>
        %get3A_191 = arith.constant 16 : index
        %get3A_192 = tpu.vector_load %arg10[%get3A_191] {strides = array<i32>} : memref<256xf32, #tpu.memory_space<vmem>>, vector<16xf32>,
        %add3A_193 = arith.constant 16 : i32
        %add3A_194 = vector.broadcast %add3A_193 : i32 to vector<16xi32>
        %add3A_195 = arith.addi %add3A_194, %iota3A : vector<16xi32>
        %get3A_196 = arith.constant 32 : index
        %get3A_197 = tpu.vector_load %arg10[%get3A_196] {strides = array<i32>} : memref<256xf32, #tpu.memory_space<vmem>>, vector<16xf32>,
        %add3A_198 = arith.constant 32 : i32
        %add3A_199 = vector.broadcast %add3A_198 : i32 to vector<16xi32>
        %add3A_200 = arith.addi %add3A_199, %iota3A : vector<16xi32>
        %get3A_201 = arith.constant 48 : index
        %get3A_202 = tpu.vector_load %arg10[%get3A_201] {strides = array<i32>} : memref<256xf32, #tpu.memory_space<vmem>>, vector<16xf32>,
        %add3A_203 = arith.constant 48 : i32
        %add3A_204 = vector.broadcast %add3A_203 : i32 to vector<16xi32>
        %add3A_205 = arith.addi %add3A_204, %iota3A : vector<16xi32>
        %get3A_206 = arith.constant 64 : index
        %get3A_207 = tpu.vector_load %arg10[%get3A_206] {strides = array<i32>} : memref<256xf32, #tpu.memory_space<vmem>>, vector<16xf32>,
        %add3A_208 = arith.constant 64 : i32
        %add3A_209 = vector.broadcast %add3A_208 : i32 to vector<16xi32>
        %add3A_210 = arith.addi %add3A_209, %iota3A : vector<16xi32>
        %get3A_211 = arith.constant 80 : index
        %get3A_212 = tpu.vector_load %arg10[%get3A_211] {strides = array<i32>} : memref<256xf32, #tpu.memory_space<vmem>>, vector<16xf32>,
        %add3A_213 = arith.constant 80 : i32
        %add3A_214 = vector.broadcast %add3A_213 : i32 to vector<16xi32>
        %add3A_215 = arith.addi %add3A_214, %iota3A : vector<16xi32>
        %get3A_216 = arith.constant 96 : index
        %get3A_217 = tpu.vector_load %arg10[%get3A_216] {strides = array<i32>} : memref<256xf32, #tpu.memory_space<vmem>>, vector<16xf32>,
        %add3A_218 = arith.constant 96 : i32
        %add3A_219 = vector.broadcast %add3A_218 : i32 to vector<16xi32>
        %add3A_220 = arith.addi %add3A_219, %iota3A : vector<16xi32>
        %get3A_221 = arith.constant 112 : index
        %get3A_222 = tpu.vector_load %arg10[%get3A_221] {strides = array<i32>} : memref<256xf32, #tpu.memory_space<vmem>>, vector<16xf32>,
        %add3A_223 = arith.constant 112 : i32
        %add3A_224 = vector.broadcast %add3A_223 : i32 to vector<16xi32>
        %add3A_225 = arith.addi %add3A_224, %iota3A : vector<16xi32>
        %get3A_226 = arith.constant 128 : index
        %get3A_227 = tpu.vector_load %arg10[%get3A_226] {strides = array<i32>} : memref<256xf32, #tpu.memory_space<vmem>>, vector<16xf32>,
        %add3A_228 = arith.constant 128 : i32
        %add3A_229 = vector.broadcast %add3A_228 : i32 to vector<16xi32>
        %add3A_230 = arith.addi %add3A_229, %iota3A : vector<16xi32>
        %get3A_231 = arith.constant 144 : index
        %get3A_232 = tpu.vector_load %arg10[%get3A_231] {strides = array<i32>} : memref<256xf32, #tpu.memory_space<vmem>>, vector<16xf32>,
        %add3A_233 = arith.constant 144 : i32
        %add3A_234 = vector.broadcast %add3A_233 : i32 to vector<16xi32>
        %add3A_235 = arith.addi %add3A_234, %iota3A : vector<16xi32>
        %get3A_236 = arith.constant 160 : index
        %get3A_237 = tpu.vector_load %arg10[%get3A_236] {strides = array<i32>} : memref<256xf32, #tpu.memory_space<vmem>>, vector<16xf32>,
        %add3A_238 = arith.constant 160 : i32
        %add3A_239 = vector.broadcast %add3A_238 : i32 to vector<16xi32>
        %add3A_240 = arith.addi %add3A_239, %iota3A : vector<16xi32>
        %get3A_241 = arith.constant 176 : index
        %get3A_242 = tpu.vector_load %arg10[%get3A_241] {strides = array<i32>} : memref<256xf32, #tpu.memory_space<vmem>>, vector<16xf32>,
        %add3A_243 = arith.constant 176 : i32
        %add3A_244 = vector.broadcast %add3A_243 : i32 to vector<16xi32>
        %add3A_245 = arith.addi %add3A_244, %iota3A : vector<16xi32>
        %get3A_246 = arith.constant 192 : index
        %get3A_247 = tpu.vector_load %arg10[%get3A_246] {strides = array<i32>} : memref<256xf32, #tpu.memory_space<vmem>>, vector<16xf32>,
        %add3A_248 = arith.constant 192 : i32
        %add3A_249 = vector.broadcast %add3A_248 : i32 to vector<16xi32>
        %add3A_250 = arith.addi %add3A_249, %iota3A : vector<16xi32>
        %get3A_251 = arith.constant 208 : index
        %get3A_252 = tpu.vector_load %arg10[%get3A_251] {strides = array<i32>} : memref<256xf32, #tpu.memory_space<vmem>>, vector<16xf32>,
        %add3A_253 = arith.constant 208 : i32
        %add3A_254 = vector.broadcast %add3A_253 : i32 to vector<16xi32>
        %add3A_255 = arith.addi %add3A_254, %iota3A : vector<16xi32>
        %get3A_256 = arith.constant 224 : index
        %get3A_257 = tpu.vector_load %arg10[%get3A_256] {strides = array<i32>} : memref<256xf32, #tpu.memory_space<vmem>>, vector<16xf32>,
        %add3A_258 = arith.constant 224 : i32
        %add3A_259 = vector.broadcast %add3A_258 : i32 to vector<16xi32>
        %add3A_260 = arith.addi %add3A_259, %iota3A : vector<16xi32>
        %get3A_261 = arith.constant 240 : index
        %get3A_262 = tpu.vector_load %arg10[%get3A_261] {strides = array<i32>} : memref<256xf32, #tpu.memory_space<vmem>>, vector<16xf32>,
        %add3A_263 = arith.constant 240 : i32
        %add3A_264 = vector.broadcast %add3A_263 : i32 to vector<16xi32>
        %add3A_265 = arith.addi %add3A_264, %iota3A : vector<16xi32>
        %masked_sort3A = arith.constant dense<true> : vector<16xi1>
        %masked_sort3A_266, %masked_sort3A_267, %masked_sort3A_268 = tpu.sort %get3A_187, %add3A_190 masked %masked_sort3A {descending = true} : (vector<16xf32>, vector<16xi32>, vector<16xi1>) -> (vector<16xi1>, vector<16xf32>, vector<16xi32>)
        %masked_sort3A_269 = arith.constant dense<true> : vector<16xi1>
        %masked_sort3A_270, %masked_sort3A_271, %masked_sort3A_272 = tpu.sort %get3A_192, %add3A_195 masked %masked_sort3A_269 {descending = true} : (vector<16xf32>, vector<16xi32>, vector<16xi1>) -> (vector<16xi1>, vector<16xf32>, vector<16xi32>)
        %masked_sort3A_273 = arith.constant dense<true> : vector<16xi1>
        %masked_sort3A_274, %masked_sort3A_275, %masked_sort3A_276 = tpu.sort %get3A_197, %add3A_200 masked %masked_sort3A_273 {descending = true} : (vector<16xf32>, vector<16xi32>, vector<16xi1>) -> (vector<16xi1>, vector<16xf32>, vector<16xi32>)
        %masked_sort3A_277 = arith.constant dense<true> : vector<16xi1>
        %masked_sort3A_278, %masked_sort3A_279, %masked_sort3A_280 = tpu.sort %get3A_202, %add3A_205 masked %masked_sort3A_277 {descending = true} : (vector<16xf32>, vector<16xi32>, vector<16xi1>) -> (vector<16xi1>, vector<16xf32>, vector<16xi32>)
        %masked_sort3A_281 = arith.constant dense<true> : vector<16xi1>
        %masked_sort3A_282, %masked_sort3A_283, %masked_sort3A_284 = tpu.sort %get3A_207, %add3A_210 masked %masked_sort3A_281 {descending = true} : (vector<16xf32>, vector<16xi32>, vector<16xi1>) -> (vector<16xi1>, vector<16xf32>, vector<16xi32>)
        %masked_sort3A_285 = arith.constant dense<true> : vector<16xi1>
        %masked_sort3A_286, %masked_sort3A_287, %masked_sort3A_288 = tpu.sort %get3A_212, %add3A_215 masked %masked_sort3A_285 {descending = true} : (vector<16xf32>, vector<16xi32>, vector<16xi1>) -> (vector<16xi1>, vector<16xf32>, vector<16xi32>)
        %masked_sort3A_289 = arith.constant dense<true> : vector<16xi1>
        %masked_sort3A_290, %masked_sort3A_291, %masked_sort3A_292 = tpu.sort %get3A_217, %add3A_220 masked %masked_sort3A_289 {descending = true} : (vector<16xf32>, vector<16xi32>, vector<16xi1>) -> (vector<16xi1>, vector<16xf32>, vector<16xi32>)
        %masked_sort3A_293 = arith.constant dense<true> : vector<16xi1>
        %masked_sort3A_294, %masked_sort3A_295, %masked_sort3A_296 = tpu.sort %get3A_222, %add3A_225 masked %masked_sort3A_293 {descending = true} : (vector<16xf32>, vector<16xi32>, vector<16xi1>) -> (vector<16xi1>, vector<16xf32>, vector<16xi32>)
        %masked_sort3A_297 = arith.constant dense<true> : vector<16xi1>
        %masked_sort3A_298, %masked_sort3A_299, %masked_sort3A_300 = tpu.sort %get3A_227, %add3A_230 masked %masked_sort3A_297 {descending = true} : (vector<16xf32>, vector<16xi32>, vector<16xi1>) -> (vector<16xi1>, vector<16xf32>, vector<16xi32>)
        %masked_sort3A_301 = arith.constant dense<true> : vector<16xi1>
        %masked_sort3A_302, %masked_sort3A_303, %masked_sort3A_304 = tpu.sort %get3A_232, %add3A_235 masked %masked_sort3A_301 {descending = true} : (vector<16xf32>, vector<16xi32>, vector<16xi1>) -> (vector<16xi1>, vector<16xf32>, vector<16xi32>)
        %masked_sort3A_305 = arith.constant dense<true> : vector<16xi1>
        %masked_sort3A_306, %masked_sort3A_307, %masked_sort3A_308 = tpu.sort %get3A_237, %add3A_240 masked %masked_sort3A_305 {descending = true} : (vector<16xf32>, vector<16xi32>, vector<16xi1>) -> (vector<16xi1>, vector<16xf32>, vector<16xi32>)
        %masked_sort3A_309 = arith.constant dense<true> : vector<16xi1>
        %masked_sort3A_310, %masked_sort3A_311, %masked_sort3A_312 = tpu.sort %get3A_242, %add3A_245 masked %masked_sort3A_309 {descending = true} : (vector<16xf32>, vector<16xi32>, vector<16xi1>) -> (vector<16xi1>, vector<16xf32>, vector<16xi32>)
        %masked_sort3A_313 = arith.constant dense<true> : vector<16xi1>
        %masked_sort3A_314, %masked_sort3A_315, %masked_sort3A_316 = tpu.sort %get3A_247, %add3A_250 masked %masked_sort3A_313 {descending = true} : (vector<16xf32>, vector<16xi32>, vector<16xi1>) -> (vector<16xi1>, vector<16xf32>, vector<16xi32>)
        %masked_sort3A_317 = arith.constant dense<true> : vector<16xi1>
        %masked_sort3A_318, %masked_sort3A_319, %masked_sort3A_320 = tpu.sort %get3A_252, %add3A_255 masked %masked_sort3A_317 {descending = true} : (vector<16xf32>, vector<16xi32>, vector<16xi1>) -> (vector<16xi1>, vector<16xf32>, vector<16xi32>)
        %masked_sort3A_321 = arith.constant dense<true> : vector<16xi1>
        %masked_sort3A_322, %masked_sort3A_323, %masked_sort3A_324 = tpu.sort %get3A_257, %add3A_260 masked %masked_sort3A_321 {descending = true} : (vector<16xf32>, vector<16xi32>, vector<16xi1>) -> (vector<16xi1>, vector<16xf32>, vector<16xi32>)
        %masked_sort3A_325 = arith.constant dense<true> : vector<16xi1>
        %masked_sort3A_326, %masked_sort3A_327, %masked_sort3A_328 = tpu.sort %get3A_262, %add3A_265 masked %masked_sort3A_325 {descending = true} : (vector<16xf32>, vector<16xi32>, vector<16xi1>) -> (vector<16xi1>, vector<16xf32>, vector<16xi32>)
        %rev3A = arith.constant 15 : i32
        %rev3A_329 = vector.broadcast %rev3A : i32 to vector<16xi32>
        %rev3A_330 = tpu.iota {dimensions = array<i32: 0>} : vector<16xi32>
        %rev3A_331 = arith.subi %rev3A_329, %rev3A_330 : vector<16xi32>
        %rev3A_332 = tpu.dynamic_gather %masked_sort3A_271[%rev3A_331] in [0] : vector<16xf32>, vector<16xi32> -> vector<16xf32>
        %rev3A_333 = arith.constant 15 : i32
        %rev3A_334 = vector.broadcast %rev3A_333 : i32 to vector<16xi32>
        %rev3A_335 = tpu.iota {dimensions = array<i32: 0>} : vector<16xi32>
        %rev3A_336 = arith.subi %rev3A_334, %rev3A_335 : vector<16xi32>
        %rev3A_337 = tpu.dynamic_gather %masked_sort3A_272[%rev3A_336] in [0] : vector<16xi32>, vector<16xi32> -> vector<16xi32>
        %gt3A = arith.cmpf ogt, %rev3A_332, %masked_sort3A_267 : vector<16xf32>
        %select_n3A = arith.select %gt3A, %rev3A_332, %masked_sort3A_267 : vector<16xi1>, vector<16xf32>
        %select_n3A_338 = arith.select %gt3A, %rev3A_337, %masked_sort3A_268 : vector<16xi1>, vector<16xi32>
        %masked_sort3A_339 = arith.constant dense<true> : vector<16xi1>
        %masked_sort3A_340, %masked_sort3A_341, %masked_sort3A_342 = tpu.sort %select_n3A, %select_n3A_338 masked %masked_sort3A_339 {descending = true} : (vector<16xf32>, vector<16xi32>, vector<16xi1>) -> (vector<16xi1>, vector<16xf32>, vector<16xi32>)
        %rev3A_343 = arith.constant 15 : i32
        %rev3A_344 = vector.broadcast %rev3A_343 : i32 to vector<16xi32>
        %rev3A_345 = tpu.iota {dimensions = array<i32: 0>} : vector<16xi32>
        %rev3A_346 = arith.subi %rev3A_344, %rev3A_345 : vector<16xi32>
        %rev3A_347 = tpu.dynamic_gather %masked_sort3A_279[%rev3A_346] in [0] : vector<16xf32>, vector<16xi32> -> vector<16xf32>
        %rev3A_348 = arith.constant 15 : i32
        %rev3A_349 = vector.broadcast %rev3A_348 : i32 to vector<16xi32>
        %rev3A_350 = tpu.iota {dimensions = array<i32: 0>} : vector<16xi32>
        %rev3A_351 = arith.subi %rev3A_349, %rev3A_350 : vector<16xi32>
        %rev3A_352 = tpu.dynamic_gather %masked_sort3A_280[%rev3A_351] in [0] : vector<16xi32>, vector<16xi32> -> vector<16xi32>
        %gt3A_353 = arith.cmpf ogt, %rev3A_347, %masked_sort3A_275 : vector<16xf32>
        %select_n3A_354 = arith.select %gt3A_353, %rev3A_347, %masked_sort3A_275 : vector<16xi1>, vector<16xf32>
        %select_n3A_355 = arith.select %gt3A_353, %rev3A_352, %masked_sort3A_276 : vector<16xi1>, vector<16xi32>
        %masked_sort3A_356 = arith.constant dense<true> : vector<16xi1>
        %masked_sort3A_357, %masked_sort3A_358, %masked_sort3A_359 = tpu.sort %select_n3A_354, %select_n3A_355 masked %masked_sort3A_356 {descending = true} : (vector<16xf32>, vector<16xi32>, vector<16xi1>) -> (vector<16xi1>, vector<16xf32>, vector<16xi32>)
        %rev3A_360 = arith.constant 15 : i32
        %rev3A_361 = vector.broadcast %rev3A_360 : i32 to vector<16xi32>
        %rev3A_362 = tpu.iota {dimensions = array<i32: 0>} : vector<16xi32>
        %rev3A_363 = arith.subi %rev3A_361, %rev3A_362 : vector<16xi32>
        %rev3A_364 = tpu.dynamic_gather %masked_sort3A_287[%rev3A_363] in [0] : vector<16xf32>, vector<16xi32> -> vector<16xf32>
        %rev3A_365 = arith.constant 15 : i32
        %rev3A_366 = vector.broadcast %rev3A_365 : i32 to vector<16xi32>
        %rev3A_367 = tpu.iota {dimensions = array<i32: 0>} : vector<16xi32>
        %rev3A_368 = arith.subi %rev3A_366, %rev3A_367 : vector<16xi32>
        %rev3A_369 = tpu.dynamic_gather %masked_sort3A_288[%rev3A_368] in [0] : vector<16xi32>, vector<16xi32> -> vector<16xi32>
        %gt3A_370 = arith.cmpf ogt, %rev3A_364, %masked_sort3A_283 : vector<16xf32>
        %select_n3A_371 = arith.select %gt3A_370, %rev3A_364, %masked_sort3A_283 : vector<16xi1>, vector<16xf32>
        %select_n3A_372 = arith.select %gt3A_370, %rev3A_369, %masked_sort3A_284 : vector<16xi1>, vector<16xi32>
        %masked_sort3A_373 = arith.constant dense<true> : vector<16xi1>
        %masked_sort3A_374, %masked_sort3A_375, %masked_sort3A_376 = tpu.sort %select_n3A_371, %select_n3A_372 masked %masked_sort3A_373 {descending = true} : (vector<16xf32>, vector<16xi32>, vector<16xi1>) -> (vector<16xi1>, vector<16xf32>, vector<16xi32>)
        %rev3A_377 = arith.constant 15 : i32
        %rev3A_378 = vector.broadcast %rev3A_377 : i32 to vector<16xi32>
        %rev3A_379 = tpu.iota {dimensions = array<i32: 0>} : vector<16xi32>
        %rev3A_380 = arith.subi %rev3A_378, %rev3A_379 : vector<16xi32>
        %rev3A_381 = tpu.dynamic_gather %masked_sort3A_295[%rev3A_380] in [0] : vector<16xf32>, vector<16xi32> -> vector<16xf32>
        %rev3A_382 = arith.constant 15 : i32
        %rev3A_383 = vector.broadcast %rev3A_382 : i32 to vector<16xi32>
        %rev3A_384 = tpu.iota {dimensions = array<i32: 0>} : vector<16xi32>
        %rev3A_385 = arith.subi %rev3A_383, %rev3A_384 : vector<16xi32>
        %rev3A_386 = tpu.dynamic_gather %masked_sort3A_296[%rev3A_385] in [0] : vector<16xi32>, vector<16xi32> -> vector<16xi32>
        %gt3A_387 = arith.cmpf ogt, %rev3A_381, %masked_sort3A_291 : vector<16xf32>
        %select_n3A_388 = arith.select %gt3A_387, %rev3A_381, %masked_sort3A_291 : vector<16xi1>, vector<16xf32>
        %select_n3A_389 = arith.select %gt3A_387, %rev3A_386, %masked_sort3A_292 : vector<16xi1>, vector<16xi32>
        %masked_sort3A_390 = arith.constant dense<true> : vector<16xi1>
        %masked_sort3A_391, %masked_sort3A_392, %masked_sort3A_393 = tpu.sort %select_n3A_388, %select_n3A_389 masked %masked_sort3A_390 {descending = true} : (vector<16xf32>, vector<16xi32>, vector<16xi1>) -> (vector<16xi1>, vector<16xf32>, vector<16xi32>)
        %rev3A_394 = arith.constant 15 : i32
        %rev3A_395 = vector.broadcast %rev3A_394 : i32 to vector<16xi32>
        %rev3A_396 = tpu.iota {dimensions = array<i32: 0>} : vector<16xi32>
        %rev3A_397 = arith.subi %rev3A_395, %rev3A_396 : vector<16xi32>
        %rev3A_398 = tpu.dynamic_gather %masked_sort3A_303[%rev3A_397] in [0] : vector<16xf32>, vector<16xi32> -> vector<16xf32>
        %rev3A_399 = arith.constant 15 : i32
        %rev3A_400 = vector.broadcast %rev3A_399 : i32 to vector<16xi32>
        %rev3A_401 = tpu.iota {dimensions = array<i32: 0>} : vector<16xi32>
        %rev3A_402 = arith.subi %rev3A_400, %rev3A_401 : vector<16xi32>
        %rev3A_403 = tpu.dynamic_gather %masked_sort3A_304[%rev3A_402] in [0] : vector<16xi32>, vector<16xi32> -> vector<16xi32>
        %gt3A_404 = arith.cmpf ogt, %rev3A_398, %masked_sort3A_299 : vector<16xf32>
        %select_n3A_405 = arith.select %gt3A_404, %rev3A_398, %masked_sort3A_299 : vector<16xi1>, vector<16xf32>
        %select_n3A_406 = arith.select %gt3A_404, %rev3A_403, %masked_sort3A_300 : vector<16xi1>, vector<16xi32>
        %masked_sort3A_407 = arith.constant dense<true> : vector<16xi1>
        %masked_sort3A_408, %masked_sort3A_409, %masked_sort3A_410 = tpu.sort %select_n3A_405, %select_n3A_406 masked %masked_sort3A_407 {descending = true} : (vector<16xf32>, vector<16xi32>, vector<16xi1>) -> (vector<16xi1>, vector<16xf32>, vector<16xi32>)
        %rev3A_411 = arith.constant 15 : i32
        %rev3A_412 = vector.broadcast %rev3A_411 : i32 to vector<16xi32>
        %rev3A_413 = tpu.iota {dimensions = array<i32: 0>} : vector<16xi32>
        %rev3A_414 = arith.subi %rev3A_412, %rev3A_413 : vector<16xi32>
        %rev3A_415 = tpu.dynamic_gather %masked_sort3A_311[%rev3A_414] in [0] : vector<16xf32>, vector<16xi32> -> vector<16xf32>
        %rev3A_416 = arith.constant 15 : i32
        %rev3A_417 = vector.broadcast %rev3A_416 : i32 to vector<16xi32>
        %rev3A_418 = tpu.iota {dimensions = array<i32: 0>} : vector<16xi32>
        %rev3A_419 = arith.subi %rev3A_417, %rev3A_418 : vector<16xi32>
        %rev3A_420 = tpu.dynamic_gather %masked_sort3A_312[%rev3A_419] in [0] : vector<16xi32>, vector<16xi32> -> vector<16xi32>
        %gt3A_421 = arith.cmpf ogt, %rev3A_415, %masked_sort3A_307 : vector<16xf32>
        %select_n3A_422 = arith.select %gt3A_421, %rev3A_415, %masked_sort3A_307 : vector<16xi1>, vector<16xf32>
        %select_n3A_423 = arith.select %gt3A_421, %rev3A_420, %masked_sort3A_308 : vector<16xi1>, vector<16xi32>
        %masked_sort3A_424 = arith.constant dense<true> : vector<16xi1>
        %masked_sort3A_425, %masked_sort3A_426, %masked_sort3A_427 = tpu.sort %select_n3A_422, %select_n3A_423 masked %masked_sort3A_424 {descending = true} : (vector<16xf32>, vector<16xi32>, vector<16xi1>) -> (vector<16xi1>, vector<16xf32>, vector<16xi32>)
        %rev3A_428 = arith.constant 15 : i32
        %rev3A_429 = vector.broadcast %rev3A_428 : i32 to vector<16xi32>
        %rev3A_430 = tpu.iota {dimensions = array<i32: 0>} : vector<16xi32>
        %rev3A_431 = arith.subi %rev3A_429, %rev3A_430 : vector<16xi32>
        %rev3A_432 = tpu.dynamic_gather %masked_sort3A_319[%rev3A_431] in [0] : vector<16xf32>, vector<16xi32> -> vector<16xf32>
        %rev3A_433 = arith.constant 15 : i32
        %rev3A_434 = vector.broadcast %rev3A_433 : i32 to vector<16xi32>
        %rev3A_435 = tpu.iota {dimensions = array<i32: 0>} : vector<16xi32>
        %rev3A_436 = arith.subi %rev3A_434, %rev3A_435 : vector<16xi32>
        %rev3A_437 = tpu.dynamic_gather %masked_sort3A_320[%rev3A_436] in [0] : vector<16xi32>, vector<16xi32> -> vector<16xi32>
        %gt3A_438 = arith.cmpf ogt, %rev3A_432, %masked_sort3A_315 : vector<16xf32>
        %select_n3A_439 = arith.select %gt3A_438, %rev3A_432, %masked_sort3A_315 : vector<16xi1>, vector<16xf32>
        %select_n3A_440 = arith.select %gt3A_438, %rev3A_437, %masked_sort3A_316 : vector<16xi1>, vector<16xi32>
        %masked_sort3A_441 = arith.constant dense<true> : vector<16xi1>
        %masked_sort3A_442, %masked_sort3A_443, %masked_sort3A_444 = tpu.sort %select_n3A_439, %select_n3A_440 masked %masked_sort3A_441 {descending = true} : (vector<16xf32>, vector<16xi32>, vector<16xi1>) -> (vector<16xi1>, vector<16xf32>, vector<16xi32>)
        %rev3A_445 = arith.constant 15 : i32
        %rev3A_446 = vector.broadcast %rev3A_445 : i32 to vector<16xi32>
        %rev3A_447 = tpu.iota {dimensions = array<i32: 0>} : vector<16xi32>
        %rev3A_448 = arith.subi %rev3A_446, %rev3A_447 : vector<16xi32>
        %rev3A_449 = tpu.dynamic_gather %masked_sort3A_327[%rev3A_448] in [0] : vector<16xf32>, vector<16xi32> -> vector<16xf32>
        %rev3A_450 = arith.constant 15 : i32
        %rev3A_451 = vector.broadcast %rev3A_450 : i32 to vector<16xi32>
        %rev3A_452 = tpu.iota {dimensions = array<i32: 0>} : vector<16xi32>
        %rev3A_453 = arith.subi %rev3A_451, %rev3A_452 : vector<16xi32>
        %rev3A_454 = tpu.dynamic_gather %masked_sort3A_328[%rev3A_453] in [0] : vector<16xi32>, vector<16xi32> -> vector<16xi32>
        %gt3A_455 = arith.cmpf ogt, %rev3A_449, %masked_sort3A_323 : vector<16xf32>
        %select_n3A_456 = arith.select %gt3A_455, %rev3A_449, %masked_sort3A_323 : vector<16xi1>, vector<16xf32>
        %select_n3A_457 = arith.select %gt3A_455, %rev3A_454, %masked_sort3A_324 : vector<16xi1>, vector<16xi32>
        %masked_sort3A_458 = arith.constant dense<true> : vector<16xi1>
        %masked_sort3A_459, %masked_sort3A_460, %masked_sort3A_461 = tpu.sort %select_n3A_456, %select_n3A_457 masked %masked_sort3A_458 {descending = true} : (vector<16xf32>, vector<16xi32>, vector<16xi1>) -> (vector<16xi1>, vector<16xf32>, vector<16xi32>)
        %rev3A_462 = arith.constant 15 : i32
        %rev3A_463 = vector.broadcast %rev3A_462 : i32 to vector<16xi32>
        %rev3A_464 = tpu.iota {dimensions = array<i32: 0>} : vector<16xi32>
        %rev3A_465 = arith.subi %rev3A_463, %rev3A_464 : vector<16xi32>
        %rev3A_466 = tpu.dynamic_gather %masked_sort3A_358[%rev3A_465] in [0] : vector<16xf32>, vector<16xi32> -> vector<16xf32>
        %rev3A_467 = arith.constant 15 : i32
        %rev3A_468 = vector.broadcast %rev3A_467 : i32 to vector<16xi32>
        %rev3A_469 = tpu.iota {dimensions = array<i32: 0>} : vector<16xi32>
        %rev3A_470 = arith.subi %rev3A_468, %rev3A_469 : vector<16xi32>
        %rev3A_471 = tpu.dynamic_gather %masked_sort3A_359[%rev3A_470] in [0] : vector<16xi32>, vector<16xi32> -> vector<16xi32>
        %gt3A_472 = arith.cmpf ogt, %rev3A_466, %masked_sort3A_341 : vector<16xf32>
        %select_n3A_473 = arith.select %gt3A_472, %rev3A_466, %masked_sort3A_341 : vector<16xi1>, vector<16xf32>
        %select_n3A_474 = arith.select %gt3A_472, %rev3A_471, %masked_sort3A_342 : vector<16xi1>, vector<16xi32>
        %masked_sort3A_475 = arith.constant dense<true> : vector<16xi1>
        %masked_sort3A_476, %masked_sort3A_477, %masked_sort3A_478 = tpu.sort %select_n3A_473, %select_n3A_474 masked %masked_sort3A_475 {descending = true} : (vector<16xf32>, vector<16xi32>, vector<16xi1>) -> (vector<16xi1>, vector<16xf32>, vector<16xi32>)
        %rev3A_479 = arith.constant 15 : i32
        %rev3A_480 = vector.broadcast %rev3A_479 : i32 to vector<16xi32>
        %rev3A_481 = tpu.iota {dimensions = array<i32: 0>} : vector<16xi32>
        %rev3A_482 = arith.subi %rev3A_480, %rev3A_481 : vector<16xi32>
        %rev3A_483 = tpu.dynamic_gather %masked_sort3A_392[%rev3A_482] in [0] : vector<16xf32>, vector<16xi32> -> vector<16xf32>
        %rev3A_484 = arith.constant 15 : i32
        %rev3A_485 = vector.broadcast %rev3A_484 : i32 to vector<16xi32>
        %rev3A_486 = tpu.iota {dimensions = array<i32: 0>} : vector<16xi32>
        %rev3A_487 = arith.subi %rev3A_485, %rev3A_486 : vector<16xi32>
        %rev3A_488 = tpu.dynamic_gather %masked_sort3A_393[%rev3A_487] in [0] : vector<16xi32>, vector<16xi32> -> vector<16xi32>
        %gt3A_489 = arith.cmpf ogt, %rev3A_483, %masked_sort3A_375 : vector<16xf32>
        %select_n3A_490 = arith.select %gt3A_489, %rev3A_483, %masked_sort3A_375 : vector<16xi1>, vector<16xf32>
        %select_n3A_491 = arith.select %gt3A_489, %rev3A_488, %masked_sort3A_376 : vector<16xi1>, vector<16xi32>
        %masked_sort3A_492 = arith.constant dense<true> : vector<16xi1>
        %masked_sort3A_493, %masked_sort3A_494, %masked_sort3A_495 = tpu.sort %select_n3A_490, %select_n3A_491 masked %masked_sort3A_492 {descending = true} : (vector<16xf32>, vector<16xi32>, vector<16xi1>) -> (vector<16xi1>, vector<16xf32>, vector<16xi32>)
        %rev3A_496 = arith.constant 15 : i32
        %rev3A_497 = vector.broadcast %rev3A_496 : i32 to vector<16xi32>
        %rev3A_498 = tpu.iota {dimensions = array<i32: 0>} : vector<16xi32>
        %rev3A_499 = arith.subi %rev3A_497, %rev3A_498 : vector<16xi32>
        %rev3A_500 = tpu.dynamic_gather %masked_sort3A_426[%rev3A_499] in [0] : vector<16xf32>, vector<16xi32> -> vector<16xf32>
        %rev3A_501 = arith.constant 15 : i32
        %rev3A_502 = vector.broadcast %rev3A_501 : i32 to vector<16xi32>
        %rev3A_503 = tpu.iota {dimensions = array<i32: 0>} : vector<16xi32>
        %rev3A_504 = arith.subi %rev3A_502, %rev3A_503 : vector<16xi32>
        %rev3A_505 = tpu.dynamic_gather %masked_sort3A_427[%rev3A_504] in [0] : vector<16xi32>, vector<16xi32> -> vector<16xi32>
        %gt3A_506 = arith.cmpf ogt, %rev3A_500, %masked_sort3A_409 : vector<16xf32>
        %select_n3A_507 = arith.select %gt3A_506, %rev3A_500, %masked_sort3A_409 : vector<16xi1>, vector<16xf32>
        %select_n3A_508 = arith.select %gt3A_506, %rev3A_505, %masked_sort3A_410 : vector<16xi1>, vector<16xi32>
        %masked_sort3A_509 = arith.constant dense<true> : vector<16xi1>
        %masked_sort3A_510, %masked_sort3A_511, %masked_sort3A_512 = tpu.sort %select_n3A_507, %select_n3A_508 masked %masked_sort3A_509 {descending = true} : (vector<16xf32>, vector<16xi32>, vector<16xi1>) -> (vector<16xi1>, vector<16xf32>, vector<16xi32>)
        %rev3A_513 = arith.constant 15 : i32
        %rev3A_514 = vector.broadcast %rev3A_513 : i32 to vector<16xi32>
        %rev3A_515 = tpu.iota {dimensions = array<i32: 0>} : vector<16xi32>
        %rev3A_516 = arith.subi %rev3A_514, %rev3A_515 : vector<16xi32>
        %rev3A_517 = tpu.dynamic_gather %masked_sort3A_460[%rev3A_516] in [0] : vector<16xf32>, vector<16xi32> -> vector<16xf32>
        %rev3A_518 = arith.constant 15 : i32
        %rev3A_519 = vector.broadcast %rev3A_518 : i32 to vector<16xi32>
        %rev3A_520 = tpu.iota {dimensions = array<i32: 0>} : vector<16xi32>
        %rev3A_521 = arith.subi %rev3A_519, %rev3A_520 : vector<16xi32>
        %rev3A_522 = tpu.dynamic_gather %masked_sort3A_461[%rev3A_521] in [0] : vector<16xi32>, vector<16xi32> -> vector<16xi32>
        %gt3A_523 = arith.cmpf ogt, %rev3A_517, %masked_sort3A_443 : vector<16xf32>
        %select_n3A_524 = arith.select %gt3A_523, %rev3A_517, %masked_sort3A_443 : vector<16xi1>, vector<16xf32>
        %select_n3A_525 = arith.select %gt3A_523, %rev3A_522, %masked_sort3A_444 : vector<16xi1>, vector<16xi32>
        %masked_sort3A_526 = arith.constant dense<true> : vector<16xi1>
        %masked_sort3A_527, %masked_sort3A_528, %masked_sort3A_529 = tpu.sort %select_n3A_524, %select_n3A_525 masked %masked_sort3A_526 {descending = true} : (vector<16xf32>, vector<16xi32>, vector<16xi1>) -> (vector<16xi1>, vector<16xf32>, vector<16xi32>)
        %rev3A_530 = arith.constant 15 : i32
        %rev3A_531 = vector.broadcast %rev3A_530 : i32 to vector<16xi32>
        %rev3A_532 = tpu.iota {dimensions = array<i32: 0>} : vector<16xi32>
        %rev3A_533 = arith.subi %rev3A_531, %rev3A_532 : vector<16xi32>
        %rev3A_534 = tpu.dynamic_gather %masked_sort3A_494[%rev3A_533] in [0] : vector<16xf32>, vector<16xi32> -> vector<16xf32>
        %rev3A_535 = arith.constant 15 : i32
        %rev3A_536 = vector.broadcast %rev3A_535 : i32 to vector<16xi32>
        %rev3A_537 = tpu.iota {dimensions = array<i32: 0>} : vector<16xi32>
        %rev3A_538 = arith.subi %rev3A_536, %rev3A_537 : vector<16xi32>
        %rev3A_539 = tpu.dynamic_gather %masked_sort3A_495[%rev3A_538] in [0] : vector<16xi32>, vector<16xi32> -> vector<16xi32>
        %gt3A_540 = arith.cmpf ogt, %rev3A_534, %masked_sort3A_477 : vector<16xf32>
        %select_n3A_541 = arith.select %gt3A_540, %rev3A_534, %masked_sort3A_477 : vector<16xi1>, vector<16xf32>
        %select_n3A_542 = arith.select %gt3A_540, %rev3A_539, %masked_sort3A_478 : vector<16xi1>, vector<16xi32>
        %masked_sort3A_543 = arith.constant dense<true> : vector<16xi1>
        %masked_sort3A_544, %masked_sort3A_545, %masked_sort3A_546 = tpu.sort %select_n3A_541, %select_n3A_542 masked %masked_sort3A_543 {descending = true} : (vector<16xf32>, vector<16xi32>, vector<16xi1>) -> (vector<16xi1>, vector<16xf32>, vector<16xi32>)
        %rev3A_547 = arith.constant 15 : i32
        %rev3A_548 = vector.broadcast %rev3A_547 : i32 to vector<16xi32>
        %rev3A_549 = tpu.iota {dimensions = array<i32: 0>} : vector<16xi32>
        %rev3A_550 = arith.subi %rev3A_548, %rev3A_549 : vector<16xi32>
        %rev3A_551 = tpu.dynamic_gather %masked_sort3A_528[%rev3A_550] in [0] : vector<16xf32>, vector<16xi32> -> vector<16xf32>
        %rev3A_552 = arith.constant 15 : i32
        %rev3A_553 = vector.broadcast %rev3A_552 : i32 to vector<16xi32>
        %rev3A_554 = tpu.iota {dimensions = array<i32: 0>} : vector<16xi32>
        %rev3A_555 = arith.subi %rev3A_553, %rev3A_554 : vector<16xi32>
        %rev3A_556 = tpu.dynamic_gather %masked_sort3A_529[%rev3A_555] in [0] : vector<16xi32>, vector<16xi32> -> vector<16xi32>
        %gt3A_557 = arith.cmpf ogt, %rev3A_551, %masked_sort3A_511 : vector<16xf32>
        %select_n3A_558 = arith.select %gt3A_557, %rev3A_551, %masked_sort3A_511 : vector<16xi1>, vector<16xf32>
        %select_n3A_559 = arith.select %gt3A_557, %rev3A_556, %masked_sort3A_512 : vector<16xi1>, vector<16xi32>
        %masked_sort3A_560 = arith.constant dense<true> : vector<16xi1>
        %masked_sort3A_561, %masked_sort3A_562, %masked_sort3A_563 = tpu.sort %select_n3A_558, %select_n3A_559 masked %masked_sort3A_560 {descending = true} : (vector<16xf32>, vector<16xi32>, vector<16xi1>) -> (vector<16xi1>, vector<16xf32>, vector<16xi32>)
        %rev3A_564 = arith.constant 15 : i32
        %rev3A_565 = vector.broadcast %rev3A_564 : i32 to vector<16xi32>
        %rev3A_566 = tpu.iota {dimensions = array<i32: 0>} : vector<16xi32>
        %rev3A_567 = arith.subi %rev3A_565, %rev3A_566 : vector<16xi32>
        %rev3A_568 = tpu.dynamic_gather %masked_sort3A_562[%rev3A_567] in [0] : vector<16xf32>, vector<16xi32> -> vector<16xf32>
        %rev3A_569 = arith.constant 15 : i32
        %rev3A_570 = vector.broadcast %rev3A_569 : i32 to vector<16xi32>
        %rev3A_571 = tpu.iota {dimensions = array<i32: 0>} : vector<16xi32>
        %rev3A_572 = arith.subi %rev3A_570, %rev3A_571 : vector<16xi32>
        %rev3A_573 = tpu.dynamic_gather %masked_sort3A_563[%rev3A_572] in [0] : vector<16xi32>, vector<16xi32> -> vector<16xi32>
        %gt3A_574 = arith.cmpf ogt, %rev3A_568, %masked_sort3A_545 : vector<16xf32>
        %select_n3A_575 = arith.select %gt3A_574, %rev3A_568, %masked_sort3A_545 : vector<16xi1>, vector<16xf32>
        %select_n3A_576 = arith.select %gt3A_574, %rev3A_573, %masked_sort3A_546 : vector<16xi1>, vector<16xi32>
        %masked_sort3A_577 = arith.constant dense<true> : vector<16xi1>
        %masked_sort3A_578, %masked_sort3A_579, %masked_sort3A_580 = tpu.sort %select_n3A_575, %select_n3A_576 masked %masked_sort3A_577 {descending = true} : (vector<16xf32>, vector<16xi32>, vector<16xi1>) -> (vector<16xi1>, vector<16xf32>, vector<16xi32>)
        %jit3A = arith.constant 16 : i32
        %div3A = vector.broadcast %jit3A : i32 to vector<16xi32>
        %div3A_581 = arith.divsi %masked_sort3A_580, %div3A : vector<16xi32>
        %sign3A = arith.constant 0 : i32
        %sign3A_582 = vector.broadcast %sign3A : i32 to vector<16xi32>
        %sign3A_583 = arith.cmpi sgt, %masked_sort3A_580, %sign3A_582 : vector<16xi32>
        %sign3A_584 = arith.extui %sign3A_583 : vector<16xi1> to vector<16xi32>
        %sign3A_585 = arith.constant 0 : i32
        %sign3A_586 = vector.broadcast %sign3A_585 : i32 to vector<16xi32>
        %sign3A_587 = arith.cmpi slt, %masked_sort3A_580, %sign3A_586 : vector<16xi32>
        %sign3A_588 = arith.extui %sign3A_587 : vector<16xi1> to vector<16xi32>
        %sign3A_589 = arith.subi %sign3A_584, %sign3A_588 : vector<16xi32>
        %sign3A_590 = arith.constant 0 : i32
        %sign3A_591 = arith.cmpi sgt, %jit3A, %sign3A_590 : i32
        %sign3A_592 = arith.extui %sign3A_591 : i1 to i32
        %sign3A_593 = arith.constant 0 : i32
        %sign3A_594 = arith.cmpi slt, %jit3A, %sign3A_593 : i32
        %sign3A_595 = arith.extui %sign3A_594 : i1 to i32
        %sign3A_596 = arith.subi %sign3A_592, %sign3A_595 : i32
        %ne3A = vector.broadcast %sign3A_596 : i32 to vector<16xi32>
        %ne3A_597 = arith.cmpi ne, %sign3A_589, %ne3A : vector<16xi32>
        %rem3A = vector.broadcast %jit3A : i32 to vector<16xi32>
        %rem3A_598 = arith.remsi %masked_sort3A_580, %rem3A : vector<16xi32>
        %ne3A_599 = arith.constant 0 : i32
        %ne3A_600 = vector.broadcast %ne3A_599 : i32 to vector<16xi32>
        %ne3A_601 = arith.cmpi ne, %rem3A_598, %ne3A_600 : vector<16xi32>
        %and3A = arith.andi %ne3A_597, %ne3A_601 : vector<16xi1>
        %sub3A_602 = arith.constant 1 : i32
        %sub3A_603 = vector.broadcast %sub3A_602 : i32 to vector<16xi32>
        %sub3A_604 = arith.subi %div3A_581, %sub3A_603 : vector<16xi32>
        %select_n3A_605 = arith.select %and3A, %sub3A_604, %div3A_581 : vector<16xi1>, vector<16xi32>
        %mul3A_606 = arith.constant 256 : i32
        %mul3A_607 = vector.broadcast %mul3A_606 : i32 to vector<16xi32>
        %mul3A_608 = arith.muli %select_n3A_605, %mul3A_607 : vector<16xi32>
        %jit3A_609 = arith.constant 16 : i32
        %eq3A_610 = arith.constant 0 : i32
        %eq3A_611 = arith.cmpi eq, %jit3A_609, %eq3A_610 : i32
        %jit3A_612 = arith.constant 1 : i32
        %select_n3A_613 = arith.select %eq3A_611, %jit3A_612, %jit3A_609 : i32
        %rem3A_614 = vector.broadcast %select_n3A_613 : i32 to vector<16xi32>
        %rem3A_615 = arith.remsi %masked_sort3A_580, %rem3A_614 : vector<16xi32>
        %ne3A_616 = arith.constant 0 : i32
        %ne3A_617 = vector.broadcast %ne3A_616 : i32 to vector<16xi32>
        %ne3A_618 = arith.cmpi ne, %rem3A_615, %ne3A_617 : vector<16xi32>
        %lt3A = arith.constant 0 : i32
        %lt3A_619 = vector.broadcast %lt3A : i32 to vector<16xi32>
        %lt3A_620 = arith.cmpi slt, %rem3A_615, %lt3A_619 : vector<16xi32>
        %lt3A_621 = arith.constant 0 : i32
        %lt3A_622 = arith.cmpi slt, %select_n3A_613, %lt3A_621 : i32
        %ne3A_623 = vector.broadcast %lt3A_622 : i1 to vector<16xi1>
        %ne3A_624 = vector.broadcast %ne3A_623 : vector<16xi1> to vector<16xi1>
        %ne3A_625 = arith.xori %lt3A_620, %ne3A_624 : vector<16xi1>
        %and3A_626 = arith.andi %ne3A_625, %ne3A_618 : vector<16xi1>
        %add3A_627 = vector.broadcast %select_n3A_613 : i32 to vector<16xi32>
        %add3A_628 = arith.addi %rem3A_615, %add3A_627 : vector<16xi32>
        %select_n3A_629 = arith.select %and3A_626, %add3A_628, %rem3A_615 : vector<16xi1>, vector<16xi32>
        %add3A_630 = arith.addi %mul3A_608, %select_n3A_629 : vector<16xi32>
        %add3A_631 = arith.constant 0 : i32
        %add3A_632 = vector.broadcast %add3A_631 : i32 to vector<16xi32>
        %add3A_633 = arith.addi %add3A_630, %add3A_632 : vector<16xi32>
        %gather3A = tpu.vector_load_idx %arg5[%broadcast_in_dim3A_186, %add3A_633] : memref<8x4096xf32, #tpu.memory_space<vmem>>[vector<16xi32>, vector<16xi32>], vector<16xf32>,
        %add3A_634 = arith.constant 16 : i32
        %add3A_635 = vector.broadcast %add3A_634 : i32 to vector<16xi32>
        %add3A_636 = arith.addi %add3A_630, %add3A_635 : vector<16xi32>
        %gather3A_637 = tpu.vector_load_idx %arg5[%broadcast_in_dim3A_186, %add3A_636] : memref<8x4096xf32, #tpu.memory_space<vmem>>[vector<16xi32>, vector<16xi32>], vector<16xf32>,
        %add3A_638 = arith.constant 32 : i32
        %add3A_639 = vector.broadcast %add3A_638 : i32 to vector<16xi32>
        %add3A_640 = arith.addi %add3A_630, %add3A_639 : vector<16xi32>
        %gather3A_641 = tpu.vector_load_idx %arg5[%broadcast_in_dim3A_186, %add3A_640] : memref<8x4096xf32, #tpu.memory_space<vmem>>[vector<16xi32>, vector<16xi32>], vector<16xf32>,
        %add3A_642 = arith.constant 48 : i32
        %add3A_643 = vector.broadcast %add3A_642 : i32 to vector<16xi32>
        %add3A_644 = arith.addi %add3A_630, %add3A_643 : vector<16xi32>
        %gather3A_645 = tpu.vector_load_idx %arg5[%broadcast_in_dim3A_186, %add3A_644] : memref<8x4096xf32, #tpu.memory_space<vmem>>[vector<16xi32>, vector<16xi32>], vector<16xf32>,
        %add3A_646 = arith.constant 64 : i32
        %add3A_647 = vector.broadcast %add3A_646 : i32 to vector<16xi32>
        %add3A_648 = arith.addi %add3A_630, %add3A_647 : vector<16xi32>
        %gather3A_649 = tpu.vector_load_idx %arg5[%broadcast_in_dim3A_186, %add3A_648] : memref<8x4096xf32, #tpu.memory_space<vmem>>[vector<16xi32>, vector<16xi32>], vector<16xf32>,
        %add3A_650 = arith.constant 80 : i32
        %add3A_651 = vector.broadcast %add3A_650 : i32 to vector<16xi32>
        %add3A_652 = arith.addi %add3A_630, %add3A_651 : vector<16xi32>
        %gather3A_653 = tpu.vector_load_idx %arg5[%broadcast_in_dim3A_186, %add3A_652] : memref<8x4096xf32, #tpu.memory_space<vmem>>[vector<16xi32>, vector<16xi32>], vector<16xf32>,
        %add3A_654 = arith.constant 96 : i32
        %add3A_655 = vector.broadcast %add3A_654 : i32 to vector<16xi32>
        %add3A_656 = arith.addi %add3A_630, %add3A_655 : vector<16xi32>
        %gather3A_657 = tpu.vector_load_idx %arg5[%broadcast_in_dim3A_186, %add3A_656] : memref<8x4096xf32, #tpu.memory_space<vmem>>[vector<16xi32>, vector<16xi32>], vector<16xf32>,
        %add3A_658 = arith.constant 112 : i32
        %add3A_659 = vector.broadcast %add3A_658 : i32 to vector<16xi32>
        %add3A_660 = arith.addi %add3A_630, %add3A_659 : vector<16xi32>
        %gather3A_661 = tpu.vector_load_idx %arg5[%broadcast_in_dim3A_186, %add3A_660] : memref<8x4096xf32, #tpu.memory_space<vmem>>[vector<16xi32>, vector<16xi32>], vector<16xf32>,
        %add3A_662 = arith.constant 128 : i32
        %add3A_663 = vector.broadcast %add3A_662 : i32 to vector<16xi32>
        %add3A_664 = arith.addi %add3A_630, %add3A_663 : vector<16xi32>
        %gather3A_665 = tpu.vector_load_idx %arg5[%broadcast_in_dim3A_186, %add3A_664] : memref<8x4096xf32, #tpu.memory_space<vmem>>[vector<16xi32>, vector<16xi32>], vector<16xf32>,
        %add3A_666 = arith.constant 144 : i32
        %add3A_667 = vector.broadcast %add3A_666 : i32 to vector<16xi32>
        %add3A_668 = arith.addi %add3A_630, %add3A_667 : vector<16xi32>
        %gather3A_669 = tpu.vector_load_idx %arg5[%broadcast_in_dim3A_186, %add3A_668] : memref<8x4096xf32, #tpu.memory_space<vmem>>[vector<16xi32>, vector<16xi32>], vector<16xf32>,
        %add3A_670 = arith.constant 160 : i32
        %add3A_671 = vector.broadcast %add3A_670 : i32 to vector<16xi32>
        %add3A_672 = arith.addi %add3A_630, %add3A_671 : vector<16xi32>
        %gather3A_673 = tpu.vector_load_idx %arg5[%broadcast_in_dim3A_186, %add3A_672] : memref<8x4096xf32, #tpu.memory_space<vmem>>[vector<16xi32>, vector<16xi32>], vector<16xf32>,
        %add3A_674 = arith.constant 176 : i32
        %add3A_675 = vector.broadcast %add3A_674 : i32 to vector<16xi32>
        %add3A_676 = arith.addi %add3A_630, %add3A_675 : vector<16xi32>
        %gather3A_677 = tpu.vector_load_idx %arg5[%broadcast_in_dim3A_186, %add3A_676] : memref<8x4096xf32, #tpu.memory_space<vmem>>[vector<16xi32>, vector<16xi32>], vector<16xf32>,
        %add3A_678 = arith.constant 192 : i32
        %add3A_679 = vector.broadcast %add3A_678 : i32 to vector<16xi32>
        %add3A_680 = arith.addi %add3A_630, %add3A_679 : vector<16xi32>
        %gather3A_681 = tpu.vector_load_idx %arg5[%broadcast_in_dim3A_186, %add3A_680] : memref<8x4096xf32, #tpu.memory_space<vmem>>[vector<16xi32>, vector<16xi32>], vector<16xf32>,
        %add3A_682 = arith.constant 208 : i32
        %add3A_683 = vector.broadcast %add3A_682 : i32 to vector<16xi32>
        %add3A_684 = arith.addi %add3A_630, %add3A_683 : vector<16xi32>
        %gather3A_685 = tpu.vector_load_idx %arg5[%broadcast_in_dim3A_186, %add3A_684] : memref<8x4096xf32, #tpu.memory_space<vmem>>[vector<16xi32>, vector<16xi32>], vector<16xf32>,
        %add3A_686 = arith.constant 224 : i32
        %add3A_687 = vector.broadcast %add3A_686 : i32 to vector<16xi32>
        %add3A_688 = arith.addi %add3A_630, %add3A_687 : vector<16xi32>
        %gather3A_689 = tpu.vector_load_idx %arg5[%broadcast_in_dim3A_186, %add3A_688] : memref<8x4096xf32, #tpu.memory_space<vmem>>[vector<16xi32>, vector<16xi32>], vector<16xf32>,
        %add3A_690 = arith.constant 240 : i32
        %add3A_691 = vector.broadcast %add3A_690 : i32 to vector<16xi32>
        %add3A_692 = arith.addi %add3A_630, %add3A_691 : vector<16xi32>
        %gather3A_693 = tpu.vector_load_idx %arg5[%broadcast_in_dim3A_186, %add3A_692] : memref<8x4096xf32, #tpu.memory_space<vmem>>[vector<16xi32>, vector<16xi32>], vector<16xf32>,
        %masked_sort3A_694 = arith.constant dense<true> : vector<16xi1>
        %masked_sort3A_695, %masked_sort3A_696, %masked_sort3A_697 = tpu.sort %gather3A, %add3A_633 masked %masked_sort3A_694 {descending = true} : (vector<16xf32>, vector<16xi32>, vector<16xi1>) -> (vector<16xi1>, vector<16xf32>, vector<16xi32>)
        %masked_sort3A_698 = arith.constant dense<true> : vector<16xi1>
        %masked_sort3A_699, %masked_sort3A_700, %masked_sort3A_701 = tpu.sort %gather3A_637, %add3A_636 masked %masked_sort3A_698 {descending = true} : (vector<16xf32>, vector<16xi32>, vector<16xi1>) -> (vector<16xi1>, vector<16xf32>, vector<16xi32>)
        %masked_sort3A_702 = arith.constant dense<true> : vector<16xi1>
        %masked_sort3A_703, %masked_sort3A_704, %masked_sort3A_705 = tpu.sort %gather3A_641, %add3A_640 masked %masked_sort3A_702 {descending = true} : (vector<16xf32>, vector<16xi32>, vector<16xi1>) -> (vector<16xi1>, vector<16xf32>, vector<16xi32>)
        %masked_sort3A_706 = arith.constant dense<true> : vector<16xi1>
        %masked_sort3A_707, %masked_sort3A_708, %masked_sort3A_709 = tpu.sort %gather3A_645, %add3A_644 masked %masked_sort3A_706 {descending = true} : (vector<16xf32>, vector<16xi32>, vector<16xi1>) -> (vector<16xi1>, vector<16xf32>, vector<16xi32>)
        %masked_sort3A_710 = arith.constant dense<true> : vector<16xi1>
        %masked_sort3A_711, %masked_sort3A_712, %masked_sort3A_713 = tpu.sort %gather3A_649, %add3A_648 masked %masked_sort3A_710 {descending = true} : (vector<16xf32>, vector<16xi32>, vector<16xi1>) -> (vector<16xi1>, vector<16xf32>, vector<16xi32>)
        %masked_sort3A_714 = arith.constant dense<true> : vector<16xi1>
        %masked_sort3A_715, %masked_sort3A_716, %masked_sort3A_717 = tpu.sort %gather3A_653, %add3A_652 masked %masked_sort3A_714 {descending = true} : (vector<16xf32>, vector<16xi32>, vector<16xi1>) -> (vector<16xi1>, vector<16xf32>, vector<16xi32>)
        %masked_sort3A_718 = arith.constant dense<true> : vector<16xi1>
        %masked_sort3A_719, %masked_sort3A_720, %masked_sort3A_721 = tpu.sort %gather3A_657, %add3A_656 masked %masked_sort3A_718 {descending = true} : (vector<16xf32>, vector<16xi32>, vector<16xi1>) -> (vector<16xi1>, vector<16xf32>, vector<16xi32>)
        %masked_sort3A_722 = arith.constant dense<true> : vector<16xi1>
        %masked_sort3A_723, %masked_sort3A_724, %masked_sort3A_725 = tpu.sort %gather3A_661, %add3A_660 masked %masked_sort3A_722 {descending = true} : (vector<16xf32>, vector<16xi32>, vector<16xi1>) -> (vector<16xi1>, vector<16xf32>, vector<16xi32>)
        %masked_sort3A_726 = arith.constant dense<true> : vector<16xi1>
        %masked_sort3A_727, %masked_sort3A_728, %masked_sort3A_729 = tpu.sort %gather3A_665, %add3A_664 masked %masked_sort3A_726 {descending = true} : (vector<16xf32>, vector<16xi32>, vector<16xi1>) -> (vector<16xi1>, vector<16xf32>, vector<16xi32>)
        %masked_sort3A_730 = arith.constant dense<true> : vector<16xi1>
        %masked_sort3A_731, %masked_sort3A_732, %masked_sort3A_733 = tpu.sort %gather3A_669, %add3A_668 masked %masked_sort3A_730 {descending = true} : (vector<16xf32>, vector<16xi32>, vector<16xi1>) -> (vector<16xi1>, vector<16xf32>, vector<16xi32>)
        %masked_sort3A_734 = arith.constant dense<true> : vector<16xi1>
        %masked_sort3A_735, %masked_sort3A_736, %masked_sort3A_737 = tpu.sort %gather3A_673, %add3A_672 masked %masked_sort3A_734 {descending = true} : (vector<16xf32>, vector<16xi32>, vector<16xi1>) -> (vector<16xi1>, vector<16xf32>, vector<16xi32>)
        %masked_sort3A_738 = arith.constant dense<true> : vector<16xi1>
        %masked_sort3A_739, %masked_sort3A_740, %masked_sort3A_741 = tpu.sort %gather3A_677, %add3A_676 masked %masked_sort3A_738 {descending = true} : (vector<16xf32>, vector<16xi32>, vector<16xi1>) -> (vector<16xi1>, vector<16xf32>, vector<16xi32>)
        %masked_sort3A_742 = arith.constant dense<true> : vector<16xi1>
        %masked_sort3A_743, %masked_sort3A_744, %masked_sort3A_745 = tpu.sort %gather3A_681, %add3A_680 masked %masked_sort3A_742 {descending = true} : (vector<16xf32>, vector<16xi32>, vector<16xi1>) -> (vector<16xi1>, vector<16xf32>, vector<16xi32>)
        %masked_sort3A_746 = arith.constant dense<true> : vector<16xi1>
        %masked_sort3A_747, %masked_sort3A_748, %masked_sort3A_749 = tpu.sort %gather3A_685, %add3A_684 masked %masked_sort3A_746 {descending = true} : (vector<16xf32>, vector<16xi32>, vector<16xi1>) -> (vector<16xi1>, vector<16xf32>, vector<16xi32>)
        %masked_sort3A_750 = arith.constant dense<true> : vector<16xi1>
        %masked_sort3A_751, %masked_sort3A_752, %masked_sort3A_753 = tpu.sort %gather3A_689, %add3A_688 masked %masked_sort3A_750 {descending = true} : (vector<16xf32>, vector<16xi32>, vector<16xi1>) -> (vector<16xi1>, vector<16xf32>, vector<16xi32>)
        %masked_sort3A_754 = arith.constant dense<true> : vector<16xi1>
        %masked_sort3A_755, %masked_sort3A_756, %masked_sort3A_757 = tpu.sort %gather3A_693, %add3A_692 masked %masked_sort3A_754 {descending = true} : (vector<16xf32>, vector<16xi32>, vector<16xi1>) -> (vector<16xi1>, vector<16xf32>, vector<16xi32>)
        %rev3A_758 = arith.constant 15 : i32
        %rev3A_759 = vector.broadcast %rev3A_758 : i32 to vector<16xi32>
        %rev3A_760 = tpu.iota {dimensions = array<i32: 0>} : vector<16xi32>
        %rev3A_761 = arith.subi %rev3A_759, %rev3A_760 : vector<16xi32>
        %rev3A_762 = tpu.dynamic_gather %masked_sort3A_700[%rev3A_761] in [0] : vector<16xf32>, vector<16xi32> -> vector<16xf32>
        %rev3A_763 = arith.constant 15 : i32
        %rev3A_764 = vector.broadcast %rev3A_763 : i32 to vector<16xi32>
        %rev3A_765 = tpu.iota {dimensions = array<i32: 0>} : vector<16xi32>
        %rev3A_766 = arith.subi %rev3A_764, %rev3A_765 : vector<16xi32>
        %rev3A_767 = tpu.dynamic_gather %masked_sort3A_701[%rev3A_766] in [0] : vector<16xi32>, vector<16xi32> -> vector<16xi32>
        %gt3A_768 = arith.cmpf ogt, %rev3A_762, %masked_sort3A_696 : vector<16xf32>
        %select_n3A_769 = arith.select %gt3A_768, %rev3A_762, %masked_sort3A_696 : vector<16xi1>, vector<16xf32>
        %select_n3A_770 = arith.select %gt3A_768, %rev3A_767, %masked_sort3A_697 : vector<16xi1>, vector<16xi32>
        %masked_sort3A_771 = arith.constant dense<true> : vector<16xi1>
        %masked_sort3A_772, %masked_sort3A_773, %masked_sort3A_774 = tpu.sort %select_n3A_769, %select_n3A_770 masked %masked_sort3A_771 {descending = true} : (vector<16xf32>, vector<16xi32>, vector<16xi1>) -> (vector<16xi1>, vector<16xf32>, vector<16xi32>)
        %rev3A_775 = arith.constant 15 : i32
        %rev3A_776 = vector.broadcast %rev3A_775 : i32 to vector<16xi32>
        %rev3A_777 = tpu.iota {dimensions = array<i32: 0>} : vector<16xi32>
        %rev3A_778 = arith.subi %rev3A_776, %rev3A_777 : vector<16xi32>
        %rev3A_779 = tpu.dynamic_gather %masked_sort3A_708[%rev3A_778] in [0] : vector<16xf32>, vector<16xi32> -> vector<16xf32>
        %rev3A_780 = arith.constant 15 : i32
        %rev3A_781 = vector.broadcast %rev3A_780 : i32 to vector<16xi32>
        %rev3A_782 = tpu.iota {dimensions = array<i32: 0>} : vector<16xi32>
        %rev3A_783 = arith.subi %rev3A_781, %rev3A_782 : vector<16xi32>
        %rev3A_784 = tpu.dynamic_gather %masked_sort3A_709[%rev3A_783] in [0] : vector<16xi32>, vector<16xi32> -> vector<16xi32>
        %gt3A_785 = arith.cmpf ogt, %rev3A_779, %masked_sort3A_704 : vector<16xf32>
        %select_n3A_786 = arith.select %gt3A_785, %rev3A_779, %masked_sort3A_704 : vector<16xi1>, vector<16xf32>
        %select_n3A_787 = arith.select %gt3A_785, %rev3A_784, %masked_sort3A_705 : vector<16xi1>, vector<16xi32>
        %masked_sort3A_788 = arith.constant dense<true> : vector<16xi1>
        %masked_sort3A_789, %masked_sort3A_790, %masked_sort3A_791 = tpu.sort %select_n3A_786, %select_n3A_787 masked %masked_sort3A_788 {descending = true} : (vector<16xf32>, vector<16xi32>, vector<16xi1>) -> (vector<16xi1>, vector<16xf32>, vector<16xi32>)
        %rev3A_792 = arith.constant 15 : i32
        %rev3A_793 = vector.broadcast %rev3A_792 : i32 to vector<16xi32>
        %rev3A_794 = tpu.iota {dimensions = array<i32: 0>} : vector<16xi32>
        %rev3A_795 = arith.subi %rev3A_793, %rev3A_794 : vector<16xi32>
        %rev3A_796 = tpu.dynamic_gather %masked_sort3A_716[%rev3A_795] in [0] : vector<16xf32>, vector<16xi32> -> vector<16xf32>
        %rev3A_797 = arith.constant 15 : i32
        %rev3A_798 = vector.broadcast %rev3A_797 : i32 to vector<16xi32>
        %rev3A_799 = tpu.iota {dimensions = array<i32: 0>} : vector<16xi32>
        %rev3A_800 = arith.subi %rev3A_798, %rev3A_799 : vector<16xi32>
        %rev3A_801 = tpu.dynamic_gather %masked_sort3A_717[%rev3A_800] in [0] : vector<16xi32>, vector<16xi32> -> vector<16xi32>
        %gt3A_802 = arith.cmpf ogt, %rev3A_796, %masked_sort3A_712 : vector<16xf32>
        %select_n3A_803 = arith.select %gt3A_802, %rev3A_796, %masked_sort3A_712 : vector<16xi1>, vector<16xf32>
        %select_n3A_804 = arith.select %gt3A_802, %rev3A_801, %masked_sort3A_713 : vector<16xi1>, vector<16xi32>
        %masked_sort3A_805 = arith.constant dense<true> : vector<16xi1>
        %masked_sort3A_806, %masked_sort3A_807, %masked_sort3A_808 = tpu.sort %select_n3A_803, %select_n3A_804 masked %masked_sort3A_805 {descending = true} : (vector<16xf32>, vector<16xi32>, vector<16xi1>) -> (vector<16xi1>, vector<16xf32>, vector<16xi32>)
        %rev3A_809 = arith.constant 15 : i32
        %rev3A_810 = vector.broadcast %rev3A_809 : i32 to vector<16xi32>
        %rev3A_811 = tpu.iota {dimensions = array<i32: 0>} : vector<16xi32>
        %rev3A_812 = arith.subi %rev3A_810, %rev3A_811 : vector<16xi32>
        %rev3A_813 = tpu.dynamic_gather %masked_sort3A_724[%rev3A_812] in [0] : vector<16xf32>, vector<16xi32> -> vector<16xf32>
        %rev3A_814 = arith.constant 15 : i32
        %rev3A_815 = vector.broadcast %rev3A_814 : i32 to vector<16xi32>
        %rev3A_816 = tpu.iota {dimensions = array<i32: 0>} : vector<16xi32>
        %rev3A_817 = arith.subi %rev3A_815, %rev3A_816 : vector<16xi32>
        %rev3A_818 = tpu.dynamic_gather %masked_sort3A_725[%rev3A_817] in [0] : vector<16xi32>, vector<16xi32> -> vector<16xi32>
        %gt3A_819 = arith.cmpf ogt, %rev3A_813, %masked_sort3A_720 : vector<16xf32>
        %select_n3A_820 = arith.select %gt3A_819, %rev3A_813, %masked_sort3A_720 : vector<16xi1>, vector<16xf32>
        %select_n3A_821 = arith.select %gt3A_819, %rev3A_818, %masked_sort3A_721 : vector<16xi1>, vector<16xi32>
        %masked_sort3A_822 = arith.constant dense<true> : vector<16xi1>
        %masked_sort3A_823, %masked_sort3A_824, %masked_sort3A_825 = tpu.sort %select_n3A_820, %select_n3A_821 masked %masked_sort3A_822 {descending = true} : (vector<16xf32>, vector<16xi32>, vector<16xi1>) -> (vector<16xi1>, vector<16xf32>, vector<16xi32>)
        %rev3A_826 = arith.constant 15 : i32
        %rev3A_827 = vector.broadcast %rev3A_826 : i32 to vector<16xi32>
        %rev3A_828 = tpu.iota {dimensions = array<i32: 0>} : vector<16xi32>
        %rev3A_829 = arith.subi %rev3A_827, %rev3A_828 : vector<16xi32>
        %rev3A_830 = tpu.dynamic_gather %masked_sort3A_732[%rev3A_829] in [0] : vector<16xf32>, vector<16xi32> -> vector<16xf32>
        %rev3A_831 = arith.constant 15 : i32
        %rev3A_832 = vector.broadcast %rev3A_831 : i32 to vector<16xi32>
        %rev3A_833 = tpu.iota {dimensions = array<i32: 0>} : vector<16xi32>
        %rev3A_834 = arith.subi %rev3A_832, %rev3A_833 : vector<16xi32>
        %rev3A_835 = tpu.dynamic_gather %masked_sort3A_733[%rev3A_834] in [0] : vector<16xi32>, vector<16xi32> -> vector<16xi32>
        %gt3A_836 = arith.cmpf ogt, %rev3A_830, %masked_sort3A_728 : vector<16xf32>
        %select_n3A_837 = arith.select %gt3A_836, %rev3A_830, %masked_sort3A_728 : vector<16xi1>, vector<16xf32>
        %select_n3A_838 = arith.select %gt3A_836, %rev3A_835, %masked_sort3A_729 : vector<16xi1>, vector<16xi32>
        %masked_sort3A_839 = arith.constant dense<true> : vector<16xi1>
        %masked_sort3A_840, %masked_sort3A_841, %masked_sort3A_842 = tpu.sort %select_n3A_837, %select_n3A_838 masked %masked_sort3A_839 {descending = true} : (vector<16xf32>, vector<16xi32>, vector<16xi1>) -> (vector<16xi1>, vector<16xf32>, vector<16xi32>)
        %rev3A_843 = arith.constant 15 : i32
        %rev3A_844 = vector.broadcast %rev3A_843 : i32 to vector<16xi32>
        %rev3A_845 = tpu.iota {dimensions = array<i32: 0>} : vector<16xi32>
        %rev3A_846 = arith.subi %rev3A_844, %rev3A_845 : vector<16xi32>
        %rev3A_847 = tpu.dynamic_gather %masked_sort3A_740[%rev3A_846] in [0] : vector<16xf32>, vector<16xi32> -> vector<16xf32>
        %rev3A_848 = arith.constant 15 : i32
        %rev3A_849 = vector.broadcast %rev3A_848 : i32 to vector<16xi32>
        %rev3A_850 = tpu.iota {dimensions = array<i32: 0>} : vector<16xi32>
        %rev3A_851 = arith.subi %rev3A_849, %rev3A_850 : vector<16xi32>
        %rev3A_852 = tpu.dynamic_gather %masked_sort3A_741[%rev3A_851] in [0] : vector<16xi32>, vector<16xi32> -> vector<16xi32>
        %gt3A_853 = arith.cmpf ogt, %rev3A_847, %masked_sort3A_736 : vector<16xf32>
        %select_n3A_854 = arith.select %gt3A_853, %rev3A_847, %masked_sort3A_736 : vector<16xi1>, vector<16xf32>
        %select_n3A_855 = arith.select %gt3A_853, %rev3A_852, %masked_sort3A_737 : vector<16xi1>, vector<16xi32>
        %masked_sort3A_856 = arith.constant dense<true> : vector<16xi1>
        %masked_sort3A_857, %masked_sort3A_858, %masked_sort3A_859 = tpu.sort %select_n3A_854, %select_n3A_855 masked %masked_sort3A_856 {descending = true} : (vector<16xf32>, vector<16xi32>, vector<16xi1>) -> (vector<16xi1>, vector<16xf32>, vector<16xi32>)
        %rev3A_860 = arith.constant 15 : i32
        %rev3A_861 = vector.broadcast %rev3A_860 : i32 to vector<16xi32>
        %rev3A_862 = tpu.iota {dimensions = array<i32: 0>} : vector<16xi32>
        %rev3A_863 = arith.subi %rev3A_861, %rev3A_862 : vector<16xi32>
        %rev3A_864 = tpu.dynamic_gather %masked_sort3A_748[%rev3A_863] in [0] : vector<16xf32>, vector<16xi32> -> vector<16xf32>
        %rev3A_865 = arith.constant 15 : i32
        %rev3A_866 = vector.broadcast %rev3A_865 : i32 to vector<16xi32>
        %rev3A_867 = tpu.iota {dimensions = array<i32: 0>} : vector<16xi32>
        %rev3A_868 = arith.subi %rev3A_866, %rev3A_867 : vector<16xi32>
        %rev3A_869 = tpu.dynamic_gather %masked_sort3A_749[%rev3A_868] in [0] : vector<16xi32>, vector<16xi32> -> vector<16xi32>
        %gt3A_870 = arith.cmpf ogt, %rev3A_864, %masked_sort3A_744 : vector<16xf32>
        %select_n3A_871 = arith.select %gt3A_870, %rev3A_864, %masked_sort3A_744 : vector<16xi1>, vector<16xf32>
        %select_n3A_872 = arith.select %gt3A_870, %rev3A_869, %masked_sort3A_745 : vector<16xi1>, vector<16xi32>
        %masked_sort3A_873 = arith.constant dense<true> : vector<16xi1>
        %masked_sort3A_874, %masked_sort3A_875, %masked_sort3A_876 = tpu.sort %select_n3A_871, %select_n3A_872 masked %masked_sort3A_873 {descending = true} : (vector<16xf32>, vector<16xi32>, vector<16xi1>) -> (vector<16xi1>, vector<16xf32>, vector<16xi32>)
        %rev3A_877 = arith.constant 15 : i32
        %rev3A_878 = vector.broadcast %rev3A_877 : i32 to vector<16xi32>
        %rev3A_879 = tpu.iota {dimensions = array<i32: 0>} : vector<16xi32>
        %rev3A_880 = arith.subi %rev3A_878, %rev3A_879 : vector<16xi32>
        %rev3A_881 = tpu.dynamic_gather %masked_sort3A_756[%rev3A_880] in [0] : vector<16xf32>, vector<16xi32> -> vector<16xf32>
        %rev3A_882 = arith.constant 15 : i32
        %rev3A_883 = vector.broadcast %rev3A_882 : i32 to vector<16xi32>
        %rev3A_884 = tpu.iota {dimensions = array<i32: 0>} : vector<16xi32>
        %rev3A_885 = arith.subi %rev3A_883, %rev3A_884 : vector<16xi32>
        %rev3A_886 = tpu.dynamic_gather %masked_sort3A_757[%rev3A_885] in [0] : vector<16xi32>, vector<16xi32> -> vector<16xi32>
        %gt3A_887 = arith.cmpf ogt, %rev3A_881, %masked_sort3A_752 : vector<16xf32>
        %select_n3A_888 = arith.select %gt3A_887, %rev3A_881, %masked_sort3A_752 : vector<16xi1>, vector<16xf32>
        %select_n3A_889 = arith.select %gt3A_887, %rev3A_886, %masked_sort3A_753 : vector<16xi1>, vector<16xi32>
        %masked_sort3A_890 = arith.constant dense<true> : vector<16xi1>
        %masked_sort3A_891, %masked_sort3A_892, %masked_sort3A_893 = tpu.sort %select_n3A_888, %select_n3A_889 masked %masked_sort3A_890 {descending = true} : (vector<16xf32>, vector<16xi32>, vector<16xi1>) -> (vector<16xi1>, vector<16xf32>, vector<16xi32>)
        %rev3A_894 = arith.constant 15 : i32
        %rev3A_895 = vector.broadcast %rev3A_894 : i32 to vector<16xi32>
        %rev3A_896 = tpu.iota {dimensions = array<i32: 0>} : vector<16xi32>
        %rev3A_897 = arith.subi %rev3A_895, %rev3A_896 : vector<16xi32>
        %rev3A_898 = tpu.dynamic_gather %masked_sort3A_790[%rev3A_897] in [0] : vector<16xf32>, vector<16xi32> -> vector<16xf32>
        %rev3A_899 = arith.constant 15 : i32
        %rev3A_900 = vector.broadcast %rev3A_899 : i32 to vector<16xi32>
        %rev3A_901 = tpu.iota {dimensions = array<i32: 0>} : vector<16xi32>
        %rev3A_902 = arith.subi %rev3A_900, %rev3A_901 : vector<16xi32>
        %rev3A_903 = tpu.dynamic_gather %masked_sort3A_791[%rev3A_902] in [0] : vector<16xi32>, vector<16xi32> -> vector<16xi32>
        %gt3A_904 = arith.cmpf ogt, %rev3A_898, %masked_sort3A_773 : vector<16xf32>
        %select_n3A_905 = arith.select %gt3A_904, %rev3A_898, %masked_sort3A_773 : vector<16xi1>, vector<16xf32>
        %select_n3A_906 = arith.select %gt3A_904, %rev3A_903, %masked_sort3A_774 : vector<16xi1>, vector<16xi32>
        %masked_sort3A_907 = arith.constant dense<true> : vector<16xi1>
        %masked_sort3A_908, %masked_sort3A_909, %masked_sort3A_910 = tpu.sort %select_n3A_905, %select_n3A_906 masked %masked_sort3A_907 {descending = true} : (vector<16xf32>, vector<16xi32>, vector<16xi1>) -> (vector<16xi1>, vector<16xf32>, vector<16xi32>)
        %rev3A_911 = arith.constant 15 : i32
        %rev3A_912 = vector.broadcast %rev3A_911 : i32 to vector<16xi32>
        %rev3A_913 = tpu.iota {dimensions = array<i32: 0>} : vector<16xi32>
        %rev3A_914 = arith.subi %rev3A_912, %rev3A_913 : vector<16xi32>
        %rev3A_915 = tpu.dynamic_gather %masked_sort3A_824[%rev3A_914] in [0] : vector<16xf32>, vector<16xi32> -> vector<16xf32>
        %rev3A_916 = arith.constant 15 : i32
        %rev3A_917 = vector.broadcast %rev3A_916 : i32 to vector<16xi32>
        %rev3A_918 = tpu.iota {dimensions = array<i32: 0>} : vector<16xi32>
        %rev3A_919 = arith.subi %rev3A_917, %rev3A_918 : vector<16xi32>
        %rev3A_920 = tpu.dynamic_gather %masked_sort3A_825[%rev3A_919] in [0] : vector<16xi32>, vector<16xi32> -> vector<16xi32>
        %gt3A_921 = arith.cmpf ogt, %rev3A_915, %masked_sort3A_807 : vector<16xf32>
        %select_n3A_922 = arith.select %gt3A_921, %rev3A_915, %masked_sort3A_807 : vector<16xi1>, vector<16xf32>
        %select_n3A_923 = arith.select %gt3A_921, %rev3A_920, %masked_sort3A_808 : vector<16xi1>, vector<16xi32>
        %masked_sort3A_924 = arith.constant dense<true> : vector<16xi1>
        %masked_sort3A_925, %masked_sort3A_926, %masked_sort3A_927 = tpu.sort %select_n3A_922, %select_n3A_923 masked %masked_sort3A_924 {descending = true} : (vector<16xf32>, vector<16xi32>, vector<16xi1>) -> (vector<16xi1>, vector<16xf32>, vector<16xi32>)
        %rev3A_928 = arith.constant 15 : i32
        %rev3A_929 = vector.broadcast %rev3A_928 : i32 to vector<16xi32>
        %rev3A_930 = tpu.iota {dimensions = array<i32: 0>} : vector<16xi32>
        %rev3A_931 = arith.subi %rev3A_929, %rev3A_930 : vector<16xi32>
        %rev3A_932 = tpu.dynamic_gather %masked_sort3A_858[%rev3A_931] in [0] : vector<16xf32>, vector<16xi32> -> vector<16xf32>
        %rev3A_933 = arith.constant 15 : i32
        %rev3A_934 = vector.broadcast %rev3A_933 : i32 to vector<16xi32>
        %rev3A_935 = tpu.iota {dimensions = array<i32: 0>} : vector<16xi32>
        %rev3A_936 = arith.subi %rev3A_934, %rev3A_935 : vector<16xi32>
        %rev3A_937 = tpu.dynamic_gather %masked_sort3A_859[%rev3A_936] in [0] : vector<16xi32>, vector<16xi32> -> vector<16xi32>
        %gt3A_938 = arith.cmpf ogt, %rev3A_932, %masked_sort3A_841 : vector<16xf32>
        %select_n3A_939 = arith.select %gt3A_938, %rev3A_932, %masked_sort3A_841 : vector<16xi1>, vector<16xf32>
        %select_n3A_940 = arith.select %gt3A_938, %rev3A_937, %masked_sort3A_842 : vector<16xi1>, vector<16xi32>
        %masked_sort3A_941 = arith.constant dense<true> : vector<16xi1>
        %masked_sort3A_942, %masked_sort3A_943, %masked_sort3A_944 = tpu.sort %select_n3A_939, %select_n3A_940 masked %masked_sort3A_941 {descending = true} : (vector<16xf32>, vector<16xi32>, vector<16xi1>) -> (vector<16xi1>, vector<16xf32>, vector<16xi32>)
        %rev3A_945 = arith.constant 15 : i32
        %rev3A_946 = vector.broadcast %rev3A_945 : i32 to vector<16xi32>
        %rev3A_947 = tpu.iota {dimensions = array<i32: 0>} : vector<16xi32>
        %rev3A_948 = arith.subi %rev3A_946, %rev3A_947 : vector<16xi32>
        %rev3A_949 = tpu.dynamic_gather %masked_sort3A_892[%rev3A_948] in [0] : vector<16xf32>, vector<16xi32> -> vector<16xf32>
        %rev3A_950 = arith.constant 15 : i32
        %rev3A_951 = vector.broadcast %rev3A_950 : i32 to vector<16xi32>
        %rev3A_952 = tpu.iota {dimensions = array<i32: 0>} : vector<16xi32>
        %rev3A_953 = arith.subi %rev3A_951, %rev3A_952 : vector<16xi32>
        %rev3A_954 = tpu.dynamic_gather %masked_sort3A_893[%rev3A_953] in [0] : vector<16xi32>, vector<16xi32> -> vector<16xi32>
        %gt3A_955 = arith.cmpf ogt, %rev3A_949, %masked_sort3A_875 : vector<16xf32>
        %select_n3A_956 = arith.select %gt3A_955, %rev3A_949, %masked_sort3A_875 : vector<16xi1>, vector<16xf32>
        %select_n3A_957 = arith.select %gt3A_955, %rev3A_954, %masked_sort3A_876 : vector<16xi1>, vector<16xi32>
        %masked_sort3A_958 = arith.constant dense<true> : vector<16xi1>
        %masked_sort3A_959, %masked_sort3A_960, %masked_sort3A_961 = tpu.sort %select_n3A_956, %select_n3A_957 masked %masked_sort3A_958 {descending = true} : (vector<16xf32>, vector<16xi32>, vector<16xi1>) -> (vector<16xi1>, vector<16xf32>, vector<16xi32>)
        %rev3A_962 = arith.constant 15 : i32
        %rev3A_963 = vector.broadcast %rev3A_962 : i32 to vector<16xi32>
        %rev3A_964 = tpu.iota {dimensions = array<i32: 0>} : vector<16xi32>
        %rev3A_965 = arith.subi %rev3A_963, %rev3A_964 : vector<16xi32>
        %rev3A_966 = tpu.dynamic_gather %masked_sort3A_926[%rev3A_965] in [0] : vector<16xf32>, vector<16xi32> -> vector<16xf32>
        %rev3A_967 = arith.constant 15 : i32
        %rev3A_968 = vector.broadcast %rev3A_967 : i32 to vector<16xi32>
        %rev3A_969 = tpu.iota {dimensions = array<i32: 0>} : vector<16xi32>
        %rev3A_970 = arith.subi %rev3A_968, %rev3A_969 : vector<16xi32>
        %rev3A_971 = tpu.dynamic_gather %masked_sort3A_927[%rev3A_970] in [0] : vector<16xi32>, vector<16xi32> -> vector<16xi32>
        %gt3A_972 = arith.cmpf ogt, %rev3A_966, %masked_sort3A_909 : vector<16xf32>
        %select_n3A_973 = arith.select %gt3A_972, %rev3A_966, %masked_sort3A_909 : vector<16xi1>, vector<16xf32>
        %select_n3A_974 = arith.select %gt3A_972, %rev3A_971, %masked_sort3A_910 : vector<16xi1>, vector<16xi32>
        %masked_sort3A_975 = arith.constant dense<true> : vector<16xi1>
        %masked_sort3A_976, %masked_sort3A_977, %masked_sort3A_978 = tpu.sort %select_n3A_973, %select_n3A_974 masked %masked_sort3A_975 {descending = true} : (vector<16xf32>, vector<16xi32>, vector<16xi1>) -> (vector<16xi1>, vector<16xf32>, vector<16xi32>)
        %rev3A_979 = arith.constant 15 : i32
        %rev3A_980 = vector.broadcast %rev3A_979 : i32 to vector<16xi32>
        %rev3A_981 = tpu.iota {dimensions = array<i32: 0>} : vector<16xi32>
        %rev3A_982 = arith.subi %rev3A_980, %rev3A_981 : vector<16xi32>
        %rev3A_983 = tpu.dynamic_gather %masked_sort3A_960[%rev3A_982] in [0] : vector<16xf32>, vector<16xi32> -> vector<16xf32>
        %rev3A_984 = arith.constant 15 : i32
        %rev3A_985 = vector.broadcast %rev3A_984 : i32 to vector<16xi32>
        %rev3A_986 = tpu.iota {dimensions = array<i32: 0>} : vector<16xi32>
        %rev3A_987 = arith.subi %rev3A_985, %rev3A_986 : vector<16xi32>
        %rev3A_988 = tpu.dynamic_gather %masked_sort3A_961[%rev3A_987] in [0] : vector<16xi32>, vector<16xi32> -> vector<16xi32>
        %gt3A_989 = arith.cmpf ogt, %rev3A_983, %masked_sort3A_943 : vector<16xf32>
        %select_n3A_990 = arith.select %gt3A_989, %rev3A_983, %masked_sort3A_943 : vector<16xi1>, vector<16xf32>
        %select_n3A_991 = arith.select %gt3A_989, %rev3A_988, %masked_sort3A_944 : vector<16xi1>, vector<16xi32>
        %masked_sort3A_992 = arith.constant dense<true> : vector<16xi1>
        %masked_sort3A_993, %masked_sort3A_994, %masked_sort3A_995 = tpu.sort %select_n3A_990, %select_n3A_991 masked %masked_sort3A_992 {descending = true} : (vector<16xf32>, vector<16xi32>, vector<16xi1>) -> (vector<16xi1>, vector<16xf32>, vector<16xi32>)
        %rev3A_996 = arith.constant 15 : i32
        %rev3A_997 = vector.broadcast %rev3A_996 : i32 to vector<16xi32>
        %rev3A_998 = tpu.iota {dimensions = array<i32: 0>} : vector<16xi32>
        %rev3A_999 = arith.subi %rev3A_997, %rev3A_998 : vector<16xi32>
        %rev3A_1000 = tpu.dynamic_gather %masked_sort3A_994[%rev3A_999] in [0] : vector<16xf32>, vector<16xi32> -> vector<16xf32>
        %rev3A_1001 = arith.constant 15 : i32
        %rev3A_1002 = vector.broadcast %rev3A_1001 : i32 to vector<16xi32>
        %rev3A_1003 = tpu.iota {dimensions = array<i32: 0>} : vector<16xi32>
        %rev3A_1004 = arith.subi %rev3A_1002, %rev3A_1003 : vector<16xi32>
        %rev3A_1005 = tpu.dynamic_gather %masked_sort3A_995[%rev3A_1004] in [0] : vector<16xi32>, vector<16xi32> -> vector<16xi32>
        %gt3A_1006 = arith.cmpf ogt, %rev3A_1000, %masked_sort3A_977 : vector<16xf32>
        %select_n3A_1007 = arith.select %gt3A_1006, %rev3A_1000, %masked_sort3A_977 : vector<16xi1>, vector<16xf32>
        %select_n3A_1008 = arith.select %gt3A_1006, %rev3A_1005, %masked_sort3A_978 : vector<16xi1>, vector<16xi32>
        %masked_sort3A_1009 = arith.constant dense<true> : vector<16xi1>
        %masked_sort3A_1010, %masked_sort3A_1011, %masked_sort3A_1012 = tpu.sort %select_n3A_1007, %select_n3A_1008 masked %masked_sort3A_1009 {descending = true} : (vector<16xf32>, vector<16xi32>, vector<16xi1>) -> (vector<16xi1>, vector<16xf32>, vector<16xi32>)
        %broadcast_in_dim3A_1013 = vector.broadcast %scan3A_166 : i32 to vector<16xi32>
        %gather3A_1014 = tpu.vector_load_idx %arg8[%broadcast_in_dim3A_1013, %masked_sort3A_1012] : memref<4x4096xf32, #tpu.memory_space<vmem>>[vector<16xi32>, vector<16xi32>], vector<16xf32>,
        %sub3A_1015 = arith.subi %add3A_183, %mul3A_2 : i32
        %swap3A = arith.index_cast %sub3A_1015 : i32 to index
        %swap3A_1016 = arith.constant 0 : index
        %swap3A_1017 = tpu.vector_load %arg9[%swap3A, %swap3A_1016] {strides = array<i32>} : memref<128x16xf32, #tpu.memory_space<vmem>>, vector<16xf32>,
        tpu.vector_store %arg9[%swap3A, %swap3A_1016], %gather3A_1014 {strides = array<i32>} : memref<128x16xf32, #tpu.memory_space<vmem>>, vector<16xf32>,
        %scan3A_1018 = arith.constant 0 : i32
        scf.yield %scan3A_1018 : i32
      }
      %scan3A_92 = arith.constant 4 : i32
      %add3A_93 = arith.constant 8 : i32
      %add3A_94 = arith.addi %add3A_81, %add3A_93 : i32
      %min3A_95 = arith.minsi %add3A_94, %sub3A_9 : i32
      %dma_start3A_96 = arith.constant 0 : i32
      %dma_start3A_97 = tpu.memref_slice %arg3[%min3A_95, %dma_start3A_96] : memref<4096x4096xf32, #tpu.memory_space<hbm>> -> memref<4x4096xf32, #tpu.memory_space<hbm>>
      %dma_start3A_98 = arith.constant 0 : i32
      %dma_start3A_99 = tpu.memref_slice %arg3[%min3A_95, %dma_start3A_98] : memref<4096x4096xf32, #tpu.memory_space<hbm>> -> memref<4x4096xf32, #tpu.memory_space<hbm>>
      tpu.enqueue_dma source(%dma_start3A_99 : memref<4x4096xf32, #tpu.memory_space<hbm>>) target(%arg8 : memref<4x4096xf32, #tpu.memory_space<vmem>>) target_semaphore(%arg14 : memref<!tpu.dma_semaphore, #tpu.memory_space<semaphore_mem>>)
      %add3A_100 = arith.constant 16 : i32
      %add3A_101 = arith.addi %add3A_56, %add3A_100 : i32
      %min3A_102 = arith.minsi %add3A_101, %sub3A_5 : i32
      %dma_start3A_103 = arith.constant 0 : i32
      %dma_start3A_104 = tpu.memref_slice %arg2[%min3A_102, %dma_start3A_103] : memref<4096x4096xf32, #tpu.memory_space<hbm>> -> memref<8x4096xf32, #tpu.memory_space<hbm>>
      %dma_start3A_105 = arith.constant 0 : i32
      %dma_start3A_106 = tpu.memref_slice %arg2[%min3A_102, %dma_start3A_105] : memref<4096x4096xf32, #tpu.memory_space<hbm>> -> memref<8x4096xf32, #tpu.memory_space<hbm>>
      tpu.enqueue_dma source(%dma_start3A_106 : memref<8x4096xf32, #tpu.memory_space<hbm>>) target(%arg5 : memref<8x4096xf32, #tpu.memory_space<vmem>>) target_semaphore(%arg11 : memref<!tpu.dma_semaphore, #tpu.memory_space<semaphore_mem>>)
      %mul3A_107 = arith.constant 2 : i32
      %mul3A_108 = arith.muli %mul3A_107, %scan3A_50 : i32
      %add3A_109 = arith.constant 1 : i32
      %add3A_110 = arith.addi %mul3A_108, %add3A_109 : i32
      %mul3A_111 = arith.constant 8 : i32
      %mul3A_112 = arith.muli %add3A_110, %mul3A_111 : i32
      %add3A_113 = arith.addi %mul3A_2, %mul3A_112 : i32
      %dma_wait3A_114 = arith.constant 0 : i32
      %dma_wait3A_115 = tpu.memref_slice %arg2[%add3A_113, %dma_wait3A_114] : memref<4096x4096xf32, #tpu.memory_space<hbm>> -> memref<8x4096xf32, #tpu.memory_space<hbm>>
      %dma_wait3A_116 = arith.constant 0 : i32
      %dma_wait3A_117 = tpu.memref_slice %arg2[%add3A_113, %dma_wait3A_116] : memref<4096x4096xf32, #tpu.memory_space<hbm>> -> memref<8x4096xf32, #tpu.memory_space<hbm>>
      tpu.wait_dma2 semaphore(%arg12 : memref<!tpu.dma_semaphore, #tpu.memory_space<semaphore_mem>>) src(%dma_wait3A_117 : memref<8x4096xf32, #tpu.memory_space<hbm>>) dst(%arg6 : memref<8x4096xf32, #tpu.memory_space<vmem>>)
      %add3A_118 = arith.constant 0 : i32
      %add3A_119 = arith.addi %add3A_113, %add3A_118 : i32
      %dma_wait3A_120 = arith.constant 0 : i32
      %dma_wait3A_121 = tpu.memref_slice %arg3[%add3A_119, %dma_wait3A_120] : memref<4096x4096xf32, #tpu.memory_space<hbm>> -> memref<4x4096xf32, #tpu.memory_space<hbm>>
      %dma_wait3A_122 = arith.constant 0 : i32
      %dma_wait3A_123 = tpu.memref_slice %arg3[%add3A_119, %dma_wait3A_122] : memref<4096x4096xf32, #tpu.memory_space<hbm>> -> memref<4x4096xf32, #tpu.memory_space<hbm>>
      tpu.wait_dma2 semaphore(%arg13 : memref<!tpu.dma_semaphore, #tpu.memory_space<semaphore_mem>>) src(%dma_wait3A_123 : memref<4x4096xf32, #tpu.memory_space<hbm>>) dst(%arg7 : memref<4x4096xf32, #tpu.memory_space<vmem>>)
      %scan3A_124 = arith.constant 0 : i32
      %scan3A_125 = arith.constant 0 : i32
      %scan3A_126 = arith.constant 4 : i32
      %scan3A_127 = arith.addi %scan3A_125, %scan3A_126 : i32
      %scan3A_128 = arith.constant 1 : i32
      %scan3A_129 = scf.for %scan3A_166 = %scan3A_125 to %scan3A_127 step %scan3A_128 iter_args(%scan3A_167 = %scan3A_124) -> (i32)  : i32 {
        %add3A_168 = arith.addi %add3A_119, %scan3A_166 : i32
        %add3A_169 = arith.constant 0 : i32
        %add3A_170 = arith.addi %add3A_169, %scan3A_166 : i32
        %broadcast_in_dim3A = vector.broadcast %add3A_170 : i32 to vector<16xi32>
        %broadcast_in_dim3A_171 = vector.broadcast %add3A_168 : i32 to vector<16xi32>
        %broadcast_in_dim3A_172 = arith.constant -1.000000e+00 : f32
        %broadcast_in_dim3A_173 = vector.broadcast %broadcast_in_dim3A_172 : f32 to vector<16xf32>
        %eq3A = arith.constant 0 : i32
        %eq3A_174 = vector.broadcast %eq3A : i32 to vector<16xi32>
        %eq3A_175 = arith.cmpi eq, %iota3A, %eq3A_174 : vector<16xi32>
        tpu.vector_store_idx %arg6[%broadcast_in_dim3A, %broadcast_in_dim3A_171], %broadcast_in_dim3A_173 masked %eq3A_175 : memref<8x4096xf32, #tpu.memory_space<vmem>>[vector<16xi32>, vector<16xi32>], vector<16xf32>, vector<16xi1>
        %scan3A_176 = arith.constant 0 : i32
        %scan3A_177 = arith.constant 0 : i32
        %scan3A_178 = arith.constant 16 : i32
        %scan3A_179 = arith.addi %scan3A_177, %scan3A_178 : i32
        %scan3A_180 = arith.constant 1 : i32
        %scan3A_181 = scf.for %scan3A_1019 = %scan3A_177 to %scan3A_179 step %scan3A_180 iter_args(%scan3A_1020 = %scan3A_176) -> (i32)  : i32 {
          %mul3A_1021 = arith.constant 256 : i32
          %mul3A_1022 = arith.muli %scan3A_1019, %mul3A_1021 : i32
          %add3A_1023 = arith.constant 0 : i32
          %add3A_1024 = arith.addi %mul3A_1022, %add3A_1023 : i32
          %get3A_1025 = arith.index_cast %add3A_170 : i32 to index
          %get3A_1026 = arith.index_cast %add3A_1024 : i32 to index
          %get3A_1027 = tpu.vector_load %arg6[%get3A_1025, %get3A_1026] {strides = array<i32>} : memref<8x4096xf32, #tpu.memory_space<vmem>>, vector<16xf32>,
          %mul3A_1028 = arith.constant 256 : i32
          %mul3A_1029 = arith.muli %scan3A_1019, %mul3A_1028 : i32
          %add3A_1030 = arith.constant 16 : i32
          %add3A_1031 = arith.addi %mul3A_1029, %add3A_1030 : i32
          %get3A_1032 = arith.index_cast %add3A_170 : i32 to index
          %get3A_1033 = arith.index_cast %add3A_1031 : i32 to index
          %get3A_1034 = tpu.vector_load %arg6[%get3A_1032, %get3A_1033] {strides = array<i32>} : memref<8x4096xf32, #tpu.memory_space<vmem>>, vector<16xf32>,
          %max3A = arith.maximumf %get3A_1027, %get3A_1034 : vector<16xf32>
          %mul3A_1035 = arith.constant 256 : i32
          %mul3A_1036 = arith.muli %scan3A_1019, %mul3A_1035 : i32
          %add3A_1037 = arith.constant 32 : i32
          %add3A_1038 = arith.addi %mul3A_1036, %add3A_1037 : i32
          %get3A_1039 = arith.index_cast %add3A_170 : i32 to index
          %get3A_1040 = arith.index_cast %add3A_1038 : i32 to index
          %get3A_1041 = tpu.vector_load %arg6[%get3A_1039, %get3A_1040] {strides = array<i32>} : memref<8x4096xf32, #tpu.memory_space<vmem>>, vector<16xf32>,
          %max3A_1042 = arith.maximumf %max3A, %get3A_1041 : vector<16xf32>
          %mul3A_1043 = arith.constant 256 : i32
          %mul3A_1044 = arith.muli %scan3A_1019, %mul3A_1043 : i32
          %add3A_1045 = arith.constant 48 : i32
          %add3A_1046 = arith.addi %mul3A_1044, %add3A_1045 : i32
          %get3A_1047 = arith.index_cast %add3A_170 : i32 to index
          %get3A_1048 = arith.index_cast %add3A_1046 : i32 to index
          %get3A_1049 = tpu.vector_load %arg6[%get3A_1047, %get3A_1048] {strides = array<i32>} : memref<8x4096xf32, #tpu.memory_space<vmem>>, vector<16xf32>,
          %max3A_1050 = arith.maximumf %max3A_1042, %get3A_1049 : vector<16xf32>
          %mul3A_1051 = arith.constant 256 : i32
          %mul3A_1052 = arith.muli %scan3A_1019, %mul3A_1051 : i32
          %add3A_1053 = arith.constant 64 : i32
          %add3A_1054 = arith.addi %mul3A_1052, %add3A_1053 : i32
          %get3A_1055 = arith.index_cast %add3A_170 : i32 to index
          %get3A_1056 = arith.index_cast %add3A_1054 : i32 to index
          %get3A_1057 = tpu.vector_load %arg6[%get3A_1055, %get3A_1056] {strides = array<i32>} : memref<8x4096xf32, #tpu.memory_space<vmem>>, vector<16xf32>,
          %max3A_1058 = arith.maximumf %max3A_1050, %get3A_1057 : vector<16xf32>
          %mul3A_1059 = arith.constant 256 : i32
          %mul3A_1060 = arith.muli %scan3A_1019, %mul3A_1059 : i32
          %add3A_1061 = arith.constant 80 : i32
          %add3A_1062 = arith.addi %mul3A_1060, %add3A_1061 : i32
          %get3A_1063 = arith.index_cast %add3A_170 : i32 to index
          %get3A_1064 = arith.index_cast %add3A_1062 : i32 to index
          %get3A_1065 = tpu.vector_load %arg6[%get3A_1063, %get3A_1064] {strides = array<i32>} : memref<8x4096xf32, #tpu.memory_space<vmem>>, vector<16xf32>,
          %max3A_1066 = arith.maximumf %max3A_1058, %get3A_1065 : vector<16xf32>
          %mul3A_1067 = arith.constant 256 : i32
          %mul3A_1068 = arith.muli %scan3A_1019, %mul3A_1067 : i32
          %add3A_1069 = arith.constant 96 : i32
          %add3A_1070 = arith.addi %mul3A_1068, %add3A_1069 : i32
          %get3A_1071 = arith.index_cast %add3A_170 : i32 to index
          %get3A_1072 = arith.index_cast %add3A_1070 : i32 to index
          %get3A_1073 = tpu.vector_load %arg6[%get3A_1071, %get3A_1072] {strides = array<i32>} : memref<8x4096xf32, #tpu.memory_space<vmem>>, vector<16xf32>,
          %max3A_1074 = arith.maximumf %max3A_1066, %get3A_1073 : vector<16xf32>
          %mul3A_1075 = arith.constant 256 : i32
          %mul3A_1076 = arith.muli %scan3A_1019, %mul3A_1075 : i32
          %add3A_1077 = arith.constant 112 : i32
          %add3A_1078 = arith.addi %mul3A_1076, %add3A_1077 : i32
          %get3A_1079 = arith.index_cast %add3A_170 : i32 to index
          %get3A_1080 = arith.index_cast %add3A_1078 : i32 to index
          %get3A_1081 = tpu.vector_load %arg6[%get3A_1079, %get3A_1080] {strides = array<i32>} : memref<8x4096xf32, #tpu.memory_space<vmem>>, vector<16xf32>,
          %max3A_1082 = arith.maximumf %max3A_1074, %get3A_1081 : vector<16xf32>
          %mul3A_1083 = arith.constant 256 : i32
          %mul3A_1084 = arith.muli %scan3A_1019, %mul3A_1083 : i32
          %add3A_1085 = arith.constant 128 : i32
          %add3A_1086 = arith.addi %mul3A_1084, %add3A_1085 : i32
          %get3A_1087 = arith.index_cast %add3A_170 : i32 to index
          %get3A_1088 = arith.index_cast %add3A_1086 : i32 to index
          %get3A_1089 = tpu.vector_load %arg6[%get3A_1087, %get3A_1088] {strides = array<i32>} : memref<8x4096xf32, #tpu.memory_space<vmem>>, vector<16xf32>,
          %max3A_1090 = arith.maximumf %max3A_1082, %get3A_1089 : vector<16xf32>
          %mul3A_1091 = arith.constant 256 : i32
          %mul3A_1092 = arith.muli %scan3A_1019, %mul3A_1091 : i32
          %add3A_1093 = arith.constant 144 : i32
          %add3A_1094 = arith.addi %mul3A_1092, %add3A_1093 : i32
          %get3A_1095 = arith.index_cast %add3A_170 : i32 to index
          %get3A_1096 = arith.index_cast %add3A_1094 : i32 to index
          %get3A_1097 = tpu.vector_load %arg6[%get3A_1095, %get3A_1096] {strides = array<i32>} : memref<8x4096xf32, #tpu.memory_space<vmem>>, vector<16xf32>,
          %max3A_1098 = arith.maximumf %max3A_1090, %get3A_1097 : vector<16xf32>
          %mul3A_1099 = arith.constant 256 : i32
          %mul3A_1100 = arith.muli %scan3A_1019, %mul3A_1099 : i32
          %add3A_1101 = arith.constant 160 : i32
          %add3A_1102 = arith.addi %mul3A_1100, %add3A_1101 : i32
          %get3A_1103 = arith.index_cast %add3A_170 : i32 to index
          %get3A_1104 = arith.index_cast %add3A_1102 : i32 to index
          %get3A_1105 = tpu.vector_load %arg6[%get3A_1103, %get3A_1104] {strides = array<i32>} : memref<8x4096xf32, #tpu.memory_space<vmem>>, vector<16xf32>,
          %max3A_1106 = arith.maximumf %max3A_1098, %get3A_1105 : vector<16xf32>
          %mul3A_1107 = arith.constant 256 : i32
          %mul3A_1108 = arith.muli %scan3A_1019, %mul3A_1107 : i32
          %add3A_1109 = arith.constant 176 : i32
          %add3A_1110 = arith.addi %mul3A_1108, %add3A_1109 : i32
          %get3A_1111 = arith.index_cast %add3A_170 : i32 to index
          %get3A_1112 = arith.index_cast %add3A_1110 : i32 to index
          %get3A_1113 = tpu.vector_load %arg6[%get3A_1111, %get3A_1112] {strides = array<i32>} : memref<8x4096xf32, #tpu.memory_space<vmem>>, vector<16xf32>,
          %max3A_1114 = arith.maximumf %max3A_1106, %get3A_1113 : vector<16xf32>
          %mul3A_1115 = arith.constant 256 : i32
          %mul3A_1116 = arith.muli %scan3A_1019, %mul3A_1115 : i32
          %add3A_1117 = arith.constant 192 : i32
          %add3A_1118 = arith.addi %mul3A_1116, %add3A_1117 : i32
          %get3A_1119 = arith.index_cast %add3A_170 : i32 to index
          %get3A_1120 = arith.index_cast %add3A_1118 : i32 to index
          %get3A_1121 = tpu.vector_load %arg6[%get3A_1119, %get3A_1120] {strides = array<i32>} : memref<8x4096xf32, #tpu.memory_space<vmem>>, vector<16xf32>,
          %max3A_1122 = arith.maximumf %max3A_1114, %get3A_1121 : vector<16xf32>
          %mul3A_1123 = arith.constant 256 : i32
          %mul3A_1124 = arith.muli %scan3A_1019, %mul3A_1123 : i32
          %add3A_1125 = arith.constant 208 : i32
          %add3A_1126 = arith.addi %mul3A_1124, %add3A_1125 : i32
          %get3A_1127 = arith.index_cast %add3A_170 : i32 to index
          %get3A_1128 = arith.index_cast %add3A_1126 : i32 to index
          %get3A_1129 = tpu.vector_load %arg6[%get3A_1127, %get3A_1128] {strides = array<i32>} : memref<8x4096xf32, #tpu.memory_space<vmem>>, vector<16xf32>,
          %max3A_1130 = arith.maximumf %max3A_1122, %get3A_1129 : vector<16xf32>
          %mul3A_1131 = arith.constant 256 : i32
          %mul3A_1132 = arith.muli %scan3A_1019, %mul3A_1131 : i32
          %add3A_1133 = arith.constant 224 : i32
          %add3A_1134 = arith.addi %mul3A_1132, %add3A_1133 : i32
          %get3A_1135 = arith.index_cast %add3A_170 : i32 to index
          %get3A_1136 = arith.index_cast %add3A_1134 : i32 to index
          %get3A_1137 = tpu.vector_load %arg6[%get3A_1135, %get3A_1136] {strides = array<i32>} : memref<8x4096xf32, #tpu.memory_space<vmem>>, vector<16xf32>,
          %max3A_1138 = arith.maximumf %max3A_1130, %get3A_1137 : vector<16xf32>
          %mul3A_1139 = arith.constant 256 : i32
          %mul3A_1140 = arith.muli %scan3A_1019, %mul3A_1139 : i32
          %add3A_1141 = arith.constant 240 : i32
          %add3A_1142 = arith.addi %mul3A_1140, %add3A_1141 : i32
          %get3A_1143 = arith.index_cast %add3A_170 : i32 to index
          %get3A_1144 = arith.index_cast %add3A_1142 : i32 to index
          %get3A_1145 = tpu.vector_load %arg6[%get3A_1143, %get3A_1144] {strides = array<i32>} : memref<8x4096xf32, #tpu.memory_space<vmem>>, vector<16xf32>,
          %max3A_1146 = arith.maximumf %max3A_1138, %get3A_1145 : vector<16xf32>
          %mul3A_1147 = arith.constant 16 : i32
          %mul3A_1148 = arith.muli %scan3A_1019, %mul3A_1147 : i32
          %swap3A_1149 = arith.index_cast %mul3A_1148 : i32 to index
          %swap3A_1150 = tpu.vector_load %arg10[%swap3A_1149] {strides = array<i32>} : memref<256xf32, #tpu.memory_space<vmem>>, vector<16xf32>,
          tpu.vector_store %arg10[%swap3A_1149], %max3A_1146 {strides = array<i32>} : memref<256xf32, #tpu.memory_space<vmem>>, vector<16xf32>,
          %scan3A_1151 = arith.constant 0 : i32
          scf.yield %scan3A_1151 : i32
        }
        %scan3A_182 = arith.constant 16 : i32
        %add3A_183 = arith.addi %add3A_119, %scan3A_166 : i32
        %add3A_184 = arith.constant 0 : i32
        %add3A_185 = arith.addi %add3A_184, %scan3A_166 : i32
        %broadcast_in_dim3A_186 = vector.broadcast %add3A_185 : i32 to vector<16xi32>
        %get3A = arith.constant 0 : index
        %get3A_187 = tpu.vector_load %arg10[%get3A] {strides = array<i32>} : memref<256xf32, #tpu.memory_space<vmem>>, vector<16xf32>,
        %add3A_188 = arith.constant 0 : i32
        %add3A_189 = vector.broadcast %add3A_188 : i32 to vector<16xi32>
        %add3A_190 = arith.addi %add3A_189, %iota3A : vector<16xi32>
        %get3A_191 = arith.constant 16 : index
        %get3A_192 = tpu.vector_load %arg10[%get3A_191] {strides = array<i32>} : memref<256xf32, #tpu.memory_space<vmem>>, vector<16xf32>,
        %add3A_193 = arith.constant 16 : i32
        %add3A_194 = vector.broadcast %add3A_193 : i32 to vector<16xi32>
        %add3A_195 = arith.addi %add3A_194, %iota3A : vector<16xi32>
        %get3A_196 = arith.constant 32 : index
        %get3A_197 = tpu.vector_load %arg10[%get3A_196] {strides = array<i32>} : memref<256xf32, #tpu.memory_space<vmem>>, vector<16xf32>,
        %add3A_198 = arith.constant 32 : i32
        %add3A_199 = vector.broadcast %add3A_198 : i32 to vector<16xi32>
        %add3A_200 = arith.addi %add3A_199, %iota3A : vector<16xi32>
        %get3A_201 = arith.constant 48 : index
        %get3A_202 = tpu.vector_load %arg10[%get3A_201] {strides = array<i32>} : memref<256xf32, #tpu.memory_space<vmem>>, vector<16xf32>,
        %add3A_203 = arith.constant 48 : i32
        %add3A_204 = vector.broadcast %add3A_203 : i32 to vector<16xi32>
        %add3A_205 = arith.addi %add3A_204, %iota3A : vector<16xi32>
        %get3A_206 = arith.constant 64 : index
        %get3A_207 = tpu.vector_load %arg10[%get3A_206] {strides = array<i32>} : memref<256xf32, #tpu.memory_space<vmem>>, vector<16xf32>,
        %add3A_208 = arith.constant 64 : i32
        %add3A_209 = vector.broadcast %add3A_208 : i32 to vector<16xi32>
        %add3A_210 = arith.addi %add3A_209, %iota3A : vector<16xi32>
        %get3A_211 = arith.constant 80 : index
        %get3A_212 = tpu.vector_load %arg10[%get3A_211] {strides = array<i32>} : memref<256xf32, #tpu.memory_space<vmem>>, vector<16xf32>,
        %add3A_213 = arith.constant 80 : i32
        %add3A_214 = vector.broadcast %add3A_213 : i32 to vector<16xi32>
        %add3A_215 = arith.addi %add3A_214, %iota3A : vector<16xi32>
        %get3A_216 = arith.constant 96 : index
        %get3A_217 = tpu.vector_load %arg10[%get3A_216] {strides = array<i32>} : memref<256xf32, #tpu.memory_space<vmem>>, vector<16xf32>,
        %add3A_218 = arith.constant 96 : i32
        %add3A_219 = vector.broadcast %add3A_218 : i32 to vector<16xi32>
        %add3A_220 = arith.addi %add3A_219, %iota3A : vector<16xi32>
        %get3A_221 = arith.constant 112 : index
        %get3A_222 = tpu.vector_load %arg10[%get3A_221] {strides = array<i32>} : memref<256xf32, #tpu.memory_space<vmem>>, vector<16xf32>,
        %add3A_223 = arith.constant 112 : i32
        %add3A_224 = vector.broadcast %add3A_223 : i32 to vector<16xi32>
        %add3A_225 = arith.addi %add3A_224, %iota3A : vector<16xi32>
        %get3A_226 = arith.constant 128 : index
        %get3A_227 = tpu.vector_load %arg10[%get3A_226] {strides = array<i32>} : memref<256xf32, #tpu.memory_space<vmem>>, vector<16xf32>,
        %add3A_228 = arith.constant 128 : i32
        %add3A_229 = vector.broadcast %add3A_228 : i32 to vector<16xi32>
        %add3A_230 = arith.addi %add3A_229, %iota3A : vector<16xi32>
        %get3A_231 = arith.constant 144 : index
        %get3A_232 = tpu.vector_load %arg10[%get3A_231] {strides = array<i32>} : memref<256xf32, #tpu.memory_space<vmem>>, vector<16xf32>,
        %add3A_233 = arith.constant 144 : i32
        %add3A_234 = vector.broadcast %add3A_233 : i32 to vector<16xi32>
        %add3A_235 = arith.addi %add3A_234, %iota3A : vector<16xi32>
        %get3A_236 = arith.constant 160 : index
        %get3A_237 = tpu.vector_load %arg10[%get3A_236] {strides = array<i32>} : memref<256xf32, #tpu.memory_space<vmem>>, vector<16xf32>,
        %add3A_238 = arith.constant 160 : i32
        %add3A_239 = vector.broadcast %add3A_238 : i32 to vector<16xi32>
        %add3A_240 = arith.addi %add3A_239, %iota3A : vector<16xi32>
        %get3A_241 = arith.constant 176 : index
        %get3A_242 = tpu.vector_load %arg10[%get3A_241] {strides = array<i32>} : memref<256xf32, #tpu.memory_space<vmem>>, vector<16xf32>,
        %add3A_243 = arith.constant 176 : i32
        %add3A_244 = vector.broadcast %add3A_243 : i32 to vector<16xi32>
        %add3A_245 = arith.addi %add3A_244, %iota3A : vector<16xi32>
        %get3A_246 = arith.constant 192 : index
        %get3A_247 = tpu.vector_load %arg10[%get3A_246] {strides = array<i32>} : memref<256xf32, #tpu.memory_space<vmem>>, vector<16xf32>,
        %add3A_248 = arith.constant 192 : i32
        %add3A_249 = vector.broadcast %add3A_248 : i32 to vector<16xi32>
        %add3A_250 = arith.addi %add3A_249, %iota3A : vector<16xi32>
        %get3A_251 = arith.constant 208 : index
        %get3A_252 = tpu.vector_load %arg10[%get3A_251] {strides = array<i32>} : memref<256xf32, #tpu.memory_space<vmem>>, vector<16xf32>,
        %add3A_253 = arith.constant 208 : i32
        %add3A_254 = vector.broadcast %add3A_253 : i32 to vector<16xi32>
        %add3A_255 = arith.addi %add3A_254, %iota3A : vector<16xi32>
        %get3A_256 = arith.constant 224 : index
        %get3A_257 = tpu.vector_load %arg10[%get3A_256] {strides = array<i32>} : memref<256xf32, #tpu.memory_space<vmem>>, vector<16xf32>,
        %add3A_258 = arith.constant 224 : i32
        %add3A_259 = vector.broadcast %add3A_258 : i32 to vector<16xi32>
        %add3A_260 = arith.addi %add3A_259, %iota3A : vector<16xi32>
        %get3A_261 = arith.constant 240 : index
        %get3A_262 = tpu.vector_load %arg10[%get3A_261] {strides = array<i32>} : memref<256xf32, #tpu.memory_space<vmem>>, vector<16xf32>,
        %add3A_263 = arith.constant 240 : i32
        %add3A_264 = vector.broadcast %add3A_263 : i32 to vector<16xi32>
        %add3A_265 = arith.addi %add3A_264, %iota3A : vector<16xi32>
        %masked_sort3A = arith.constant dense<true> : vector<16xi1>
        %masked_sort3A_266, %masked_sort3A_267, %masked_sort3A_268 = tpu.sort %get3A_187, %add3A_190 masked %masked_sort3A {descending = true} : (vector<16xf32>, vector<16xi32>, vector<16xi1>) -> (vector<16xi1>, vector<16xf32>, vector<16xi32>)
        %masked_sort3A_269 = arith.constant dense<true> : vector<16xi1>
        %masked_sort3A_270, %masked_sort3A_271, %masked_sort3A_272 = tpu.sort %get3A_192, %add3A_195 masked %masked_sort3A_269 {descending = true} : (vector<16xf32>, vector<16xi32>, vector<16xi1>) -> (vector<16xi1>, vector<16xf32>, vector<16xi32>)
        %masked_sort3A_273 = arith.constant dense<true> : vector<16xi1>
        %masked_sort3A_274, %masked_sort3A_275, %masked_sort3A_276 = tpu.sort %get3A_197, %add3A_200 masked %masked_sort3A_273 {descending = true} : (vector<16xf32>, vector<16xi32>, vector<16xi1>) -> (vector<16xi1>, vector<16xf32>, vector<16xi32>)
        %masked_sort3A_277 = arith.constant dense<true> : vector<16xi1>
        %masked_sort3A_278, %masked_sort3A_279, %masked_sort3A_280 = tpu.sort %get3A_202, %add3A_205 masked %masked_sort3A_277 {descending = true} : (vector<16xf32>, vector<16xi32>, vector<16xi1>) -> (vector<16xi1>, vector<16xf32>, vector<16xi32>)
        %masked_sort3A_281 = arith.constant dense<true> : vector<16xi1>
        %masked_sort3A_282, %masked_sort3A_283, %masked_sort3A_284 = tpu.sort %get3A_207, %add3A_210 masked %masked_sort3A_281 {descending = true} : (vector<16xf32>, vector<16xi32>, vector<16xi1>) -> (vector<16xi1>, vector<16xf32>, vector<16xi32>)
        %masked_sort3A_285 = arith.constant dense<true> : vector<16xi1>
        %masked_sort3A_286, %masked_sort3A_287, %masked_sort3A_288 = tpu.sort %get3A_212, %add3A_215 masked %masked_sort3A_285 {descending = true} : (vector<16xf32>, vector<16xi32>, vector<16xi1>) -> (vector<16xi1>, vector<16xf32>, vector<16xi32>)
        %masked_sort3A_289 = arith.constant dense<true> : vector<16xi1>
        %masked_sort3A_290, %masked_sort3A_291, %masked_sort3A_292 = tpu.sort %get3A_217, %add3A_220 masked %masked_sort3A_289 {descending = true} : (vector<16xf32>, vector<16xi32>, vector<16xi1>) -> (vector<16xi1>, vector<16xf32>, vector<16xi32>)
        %masked_sort3A_293 = arith.constant dense<true> : vector<16xi1>
        %masked_sort3A_294, %masked_sort3A_295, %masked_sort3A_296 = tpu.sort %get3A_222, %add3A_225 masked %masked_sort3A_293 {descending = true} : (vector<16xf32>, vector<16xi32>, vector<16xi1>) -> (vector<16xi1>, vector<16xf32>, vector<16xi32>)
        %masked_sort3A_297 = arith.constant dense<true> : vector<16xi1>
        %masked_sort3A_298, %masked_sort3A_299, %masked_sort3A_300 = tpu.sort %get3A_227, %add3A_230 masked %masked_sort3A_297 {descending = true} : (vector<16xf32>, vector<16xi32>, vector<16xi1>) -> (vector<16xi1>, vector<16xf32>, vector<16xi32>)
        %masked_sort3A_301 = arith.constant dense<true> : vector<16xi1>
        %masked_sort3A_302, %masked_sort3A_303, %masked_sort3A_304 = tpu.sort %get3A_232, %add3A_235 masked %masked_sort3A_301 {descending = true} : (vector<16xf32>, vector<16xi32>, vector<16xi1>) -> (vector<16xi1>, vector<16xf32>, vector<16xi32>)
        %masked_sort3A_305 = arith.constant dense<true> : vector<16xi1>
        %masked_sort3A_306, %masked_sort3A_307, %masked_sort3A_308 = tpu.sort %get3A_237, %add3A_240 masked %masked_sort3A_305 {descending = true} : (vector<16xf32>, vector<16xi32>, vector<16xi1>) -> (vector<16xi1>, vector<16xf32>, vector<16xi32>)
        %masked_sort3A_309 = arith.constant dense<true> : vector<16xi1>
        %masked_sort3A_310, %masked_sort3A_311, %masked_sort3A_312 = tpu.sort %get3A_242, %add3A_245 masked %masked_sort3A_309 {descending = true} : (vector<16xf32>, vector<16xi32>, vector<16xi1>) -> (vector<16xi1>, vector<16xf32>, vector<16xi32>)
        %masked_sort3A_313 = arith.constant dense<true> : vector<16xi1>
        %masked_sort3A_314, %masked_sort3A_315, %masked_sort3A_316 = tpu.sort %get3A_247, %add3A_250 masked %masked_sort3A_313 {descending = true} : (vector<16xf32>, vector<16xi32>, vector<16xi1>) -> (vector<16xi1>, vector<16xf32>, vector<16xi32>)
        %masked_sort3A_317 = arith.constant dense<true> : vector<16xi1>
        %masked_sort3A_318, %masked_sort3A_319, %masked_sort3A_320 = tpu.sort %get3A_252, %add3A_255 masked %masked_sort3A_317 {descending = true} : (vector<16xf32>, vector<16xi32>, vector<16xi1>) -> (vector<16xi1>, vector<16xf32>, vector<16xi32>)
        %masked_sort3A_321 = arith.constant dense<true> : vector<16xi1>
        %masked_sort3A_322, %masked_sort3A_323, %masked_sort3A_324 = tpu.sort %get3A_257, %add3A_260 masked %masked_sort3A_321 {descending = true} : (vector<16xf32>, vector<16xi32>, vector<16xi1>) -> (vector<16xi1>, vector<16xf32>, vector<16xi32>)
        %masked_sort3A_325 = arith.constant dense<true> : vector<16xi1>
        %masked_sort3A_326, %masked_sort3A_327, %masked_sort3A_328 = tpu.sort %get3A_262, %add3A_265 masked %masked_sort3A_325 {descending = true} : (vector<16xf32>, vector<16xi32>, vector<16xi1>) -> (vector<16xi1>, vector<16xf32>, vector<16xi32>)
        %rev3A = arith.constant 15 : i32
        %rev3A_329 = vector.broadcast %rev3A : i32 to vector<16xi32>
        %rev3A_330 = tpu.iota {dimensions = array<i32: 0>} : vector<16xi32>
        %rev3A_331 = arith.subi %rev3A_329, %rev3A_330 : vector<16xi32>
        %rev3A_332 = tpu.dynamic_gather %masked_sort3A_271[%rev3A_331] in [0] : vector<16xf32>, vector<16xi32> -> vector<16xf32>
        %rev3A_333 = arith.constant 15 : i32
        %rev3A_334 = vector.broadcast %rev3A_333 : i32 to vector<16xi32>
        %rev3A_335 = tpu.iota {dimensions = array<i32: 0>} : vector<16xi32>
        %rev3A_336 = arith.subi %rev3A_334, %rev3A_335 : vector<16xi32>
        %rev3A_337 = tpu.dynamic_gather %masked_sort3A_272[%rev3A_336] in [0] : vector<16xi32>, vector<16xi32> -> vector<16xi32>
        %gt3A = arith.cmpf ogt, %rev3A_332, %masked_sort3A_267 : vector<16xf32>
        %select_n3A = arith.select %gt3A, %rev3A_332, %masked_sort3A_267 : vector<16xi1>, vector<16xf32>
        %select_n3A_338 = arith.select %gt3A, %rev3A_337, %masked_sort3A_268 : vector<16xi1>, vector<16xi32>
        %masked_sort3A_339 = arith.constant dense<true> : vector<16xi1>
        %masked_sort3A_340, %masked_sort3A_341, %masked_sort3A_342 = tpu.sort %select_n3A, %select_n3A_338 masked %masked_sort3A_339 {descending = true} : (vector<16xf32>, vector<16xi32>, vector<16xi1>) -> (vector<16xi1>, vector<16xf32>, vector<16xi32>)
        %rev3A_343 = arith.constant 15 : i32
        %rev3A_344 = vector.broadcast %rev3A_343 : i32 to vector<16xi32>
        %rev3A_345 = tpu.iota {dimensions = array<i32: 0>} : vector<16xi32>
        %rev3A_346 = arith.subi %rev3A_344, %rev3A_345 : vector<16xi32>
        %rev3A_347 = tpu.dynamic_gather %masked_sort3A_279[%rev3A_346] in [0] : vector<16xf32>, vector<16xi32> -> vector<16xf32>
        %rev3A_348 = arith.constant 15 : i32
        %rev3A_349 = vector.broadcast %rev3A_348 : i32 to vector<16xi32>
        %rev3A_350 = tpu.iota {dimensions = array<i32: 0>} : vector<16xi32>
        %rev3A_351 = arith.subi %rev3A_349, %rev3A_350 : vector<16xi32>
        %rev3A_352 = tpu.dynamic_gather %masked_sort3A_280[%rev3A_351] in [0] : vector<16xi32>, vector<16xi32> -> vector<16xi32>
        %gt3A_353 = arith.cmpf ogt, %rev3A_347, %masked_sort3A_275 : vector<16xf32>
        %select_n3A_354 = arith.select %gt3A_353, %rev3A_347, %masked_sort3A_275 : vector<16xi1>, vector<16xf32>
        %select_n3A_355 = arith.select %gt3A_353, %rev3A_352, %masked_sort3A_276 : vector<16xi1>, vector<16xi32>
        %masked_sort3A_356 = arith.constant dense<true> : vector<16xi1>
        %masked_sort3A_357, %masked_sort3A_358, %masked_sort3A_359 = tpu.sort %select_n3A_354, %select_n3A_355 masked %masked_sort3A_356 {descending = true} : (vector<16xf32>, vector<16xi32>, vector<16xi1>) -> (vector<16xi1>, vector<16xf32>, vector<16xi32>)
        %rev3A_360 = arith.constant 15 : i32
        %rev3A_361 = vector.broadcast %rev3A_360 : i32 to vector<16xi32>
        %rev3A_362 = tpu.iota {dimensions = array<i32: 0>} : vector<16xi32>
        %rev3A_363 = arith.subi %rev3A_361, %rev3A_362 : vector<16xi32>
        %rev3A_364 = tpu.dynamic_gather %masked_sort3A_287[%rev3A_363] in [0] : vector<16xf32>, vector<16xi32> -> vector<16xf32>
        %rev3A_365 = arith.constant 15 : i32
        %rev3A_366 = vector.broadcast %rev3A_365 : i32 to vector<16xi32>
        %rev3A_367 = tpu.iota {dimensions = array<i32: 0>} : vector<16xi32>
        %rev3A_368 = arith.subi %rev3A_366, %rev3A_367 : vector<16xi32>
        %rev3A_369 = tpu.dynamic_gather %masked_sort3A_288[%rev3A_368] in [0] : vector<16xi32>, vector<16xi32> -> vector<16xi32>
        %gt3A_370 = arith.cmpf ogt, %rev3A_364, %masked_sort3A_283 : vector<16xf32>
        %select_n3A_371 = arith.select %gt3A_370, %rev3A_364, %masked_sort3A_283 : vector<16xi1>, vector<16xf32>
        %select_n3A_372 = arith.select %gt3A_370, %rev3A_369, %masked_sort3A_284 : vector<16xi1>, vector<16xi32>
        %masked_sort3A_373 = arith.constant dense<true> : vector<16xi1>
        %masked_sort3A_374, %masked_sort3A_375, %masked_sort3A_376 = tpu.sort %select_n3A_371, %select_n3A_372 masked %masked_sort3A_373 {descending = true} : (vector<16xf32>, vector<16xi32>, vector<16xi1>) -> (vector<16xi1>, vector<16xf32>, vector<16xi32>)
        %rev3A_377 = arith.constant 15 : i32
        %rev3A_378 = vector.broadcast %rev3A_377 : i32 to vector<16xi32>
        %rev3A_379 = tpu.iota {dimensions = array<i32: 0>} : vector<16xi32>
        %rev3A_380 = arith.subi %rev3A_378, %rev3A_379 : vector<16xi32>
        %rev3A_381 = tpu.dynamic_gather %masked_sort3A_295[%rev3A_380] in [0] : vector<16xf32>, vector<16xi32> -> vector<16xf32>
        %rev3A_382 = arith.constant 15 : i32
        %rev3A_383 = vector.broadcast %rev3A_382 : i32 to vector<16xi32>
        %rev3A_384 = tpu.iota {dimensions = array<i32: 0>} : vector<16xi32>
        %rev3A_385 = arith.subi %rev3A_383, %rev3A_384 : vector<16xi32>
        %rev3A_386 = tpu.dynamic_gather %masked_sort3A_296[%rev3A_385] in [0] : vector<16xi32>, vector<16xi32> -> vector<16xi32>
        %gt3A_387 = arith.cmpf ogt, %rev3A_381, %masked_sort3A_291 : vector<16xf32>
        %select_n3A_388 = arith.select %gt3A_387, %rev3A_381, %masked_sort3A_291 : vector<16xi1>, vector<16xf32>
        %select_n3A_389 = arith.select %gt3A_387, %rev3A_386, %masked_sort3A_292 : vector<16xi1>, vector<16xi32>
        %masked_sort3A_390 = arith.constant dense<true> : vector<16xi1>
        %masked_sort3A_391, %masked_sort3A_392, %masked_sort3A_393 = tpu.sort %select_n3A_388, %select_n3A_389 masked %masked_sort3A_390 {descending = true} : (vector<16xf32>, vector<16xi32>, vector<16xi1>) -> (vector<16xi1>, vector<16xf32>, vector<16xi32>)
        %rev3A_394 = arith.constant 15 : i32
        %rev3A_395 = vector.broadcast %rev3A_394 : i32 to vector<16xi32>
        %rev3A_396 = tpu.iota {dimensions = array<i32: 0>} : vector<16xi32>
        %rev3A_397 = arith.subi %rev3A_395, %rev3A_396 : vector<16xi32>
        %rev3A_398 = tpu.dynamic_gather %masked_sort3A_303[%rev3A_397] in [0] : vector<16xf32>, vector<16xi32> -> vector<16xf32>
        %rev3A_399 = arith.constant 15 : i32
        %rev3A_400 = vector.broadcast %rev3A_399 : i32 to vector<16xi32>
        %rev3A_401 = tpu.iota {dimensions = array<i32: 0>} : vector<16xi32>
        %rev3A_402 = arith.subi %rev3A_400, %rev3A_401 : vector<16xi32>
        %rev3A_403 = tpu.dynamic_gather %masked_sort3A_304[%rev3A_402] in [0] : vector<16xi32>, vector<16xi32> -> vector<16xi32>
        %gt3A_404 = arith.cmpf ogt, %rev3A_398, %masked_sort3A_299 : vector<16xf32>
        %select_n3A_405 = arith.select %gt3A_404, %rev3A_398, %masked_sort3A_299 : vector<16xi1>, vector<16xf32>
        %select_n3A_406 = arith.select %gt3A_404, %rev3A_403, %masked_sort3A_300 : vector<16xi1>, vector<16xi32>
        %masked_sort3A_407 = arith.constant dense<true> : vector<16xi1>
        %masked_sort3A_408, %masked_sort3A_409, %masked_sort3A_410 = tpu.sort %select_n3A_405, %select_n3A_406 masked %masked_sort3A_407 {descending = true} : (vector<16xf32>, vector<16xi32>, vector<16xi1>) -> (vector<16xi1>, vector<16xf32>, vector<16xi32>)
        %rev3A_411 = arith.constant 15 : i32
        %rev3A_412 = vector.broadcast %rev3A_411 : i32 to vector<16xi32>
        %rev3A_413 = tpu.iota {dimensions = array<i32: 0>} : vector<16xi32>
        %rev3A_414 = arith.subi %rev3A_412, %rev3A_413 : vector<16xi32>
        %rev3A_415 = tpu.dynamic_gather %masked_sort3A_311[%rev3A_414] in [0] : vector<16xf32>, vector<16xi32> -> vector<16xf32>
        %rev3A_416 = arith.constant 15 : i32
        %rev3A_417 = vector.broadcast %rev3A_416 : i32 to vector<16xi32>
        %rev3A_418 = tpu.iota {dimensions = array<i32: 0>} : vector<16xi32>
        %rev3A_419 = arith.subi %rev3A_417, %rev3A_418 : vector<16xi32>
        %rev3A_420 = tpu.dynamic_gather %masked_sort3A_312[%rev3A_419] in [0] : vector<16xi32>, vector<16xi32> -> vector<16xi32>
        %gt3A_421 = arith.cmpf ogt, %rev3A_415, %masked_sort3A_307 : vector<16xf32>
        %select_n3A_422 = arith.select %gt3A_421, %rev3A_415, %masked_sort3A_307 : vector<16xi1>, vector<16xf32>
        %select_n3A_423 = arith.select %gt3A_421, %rev3A_420, %masked_sort3A_308 : vector<16xi1>, vector<16xi32>
        %masked_sort3A_424 = arith.constant dense<true> : vector<16xi1>
        %masked_sort3A_425, %masked_sort3A_426, %masked_sort3A_427 = tpu.sort %select_n3A_422, %select_n3A_423 masked %masked_sort3A_424 {descending = true} : (vector<16xf32>, vector<16xi32>, vector<16xi1>) -> (vector<16xi1>, vector<16xf32>, vector<16xi32>)
        %rev3A_428 = arith.constant 15 : i32
        %rev3A_429 = vector.broadcast %rev3A_428 : i32 to vector<16xi32>
        %rev3A_430 = tpu.iota {dimensions = array<i32: 0>} : vector<16xi32>
        %rev3A_431 = arith.subi %rev3A_429, %rev3A_430 : vector<16xi32>
        %rev3A_432 = tpu.dynamic_gather %masked_sort3A_319[%rev3A_431] in [0] : vector<16xf32>, vector<16xi32> -> vector<16xf32>
        %rev3A_433 = arith.constant 15 : i32
        %rev3A_434 = vector.broadcast %rev3A_433 : i32 to vector<16xi32>
        %rev3A_435 = tpu.iota {dimensions = array<i32: 0>} : vector<16xi32>
        %rev3A_436 = arith.subi %rev3A_434, %rev3A_435 : vector<16xi32>
        %rev3A_437 = tpu.dynamic_gather %masked_sort3A_320[%rev3A_436] in [0] : vector<16xi32>, vector<16xi32> -> vector<16xi32>
        %gt3A_438 = arith.cmpf ogt, %rev3A_432, %masked_sort3A_315 : vector<16xf32>
        %select_n3A_439 = arith.select %gt3A_438, %rev3A_432, %masked_sort3A_315 : vector<16xi1>, vector<16xf32>
        %select_n3A_440 = arith.select %gt3A_438, %rev3A_437, %masked_sort3A_316 : vector<16xi1>, vector<16xi32>
        %masked_sort3A_441 = arith.constant dense<true> : vector<16xi1>
        %masked_sort3A_442, %masked_sort3A_443, %masked_sort3A_444 = tpu.sort %select_n3A_439, %select_n3A_440 masked %masked_sort3A_441 {descending = true} : (vector<16xf32>, vector<16xi32>, vector<16xi1>) -> (vector<16xi1>, vector<16xf32>, vector<16xi32>)
        %rev3A_445 = arith.constant 15 : i32
        %rev3A_446 = vector.broadcast %rev3A_445 : i32 to vector<16xi32>
        %rev3A_447 = tpu.iota {dimensions = array<i32: 0>} : vector<16xi32>
        %rev3A_448 = arith.subi %rev3A_446, %rev3A_447 : vector<16xi32>
        %rev3A_449 = tpu.dynamic_gather %masked_sort3A_327[%rev3A_448] in [0] : vector<16xf32>, vector<16xi32> -> vector<16xf32>
        %rev3A_450 = arith.constant 15 : i32
        %rev3A_451 = vector.broadcast %rev3A_450 : i32 to vector<16xi32>
        %rev3A_452 = tpu.iota {dimensions = array<i32: 0>} : vector<16xi32>
        %rev3A_453 = arith.subi %rev3A_451, %rev3A_452 : vector<16xi32>
        %rev3A_454 = tpu.dynamic_gather %masked_sort3A_328[%rev3A_453] in [0] : vector<16xi32>, vector<16xi32> -> vector<16xi32>
        %gt3A_455 = arith.cmpf ogt, %rev3A_449, %masked_sort3A_323 : vector<16xf32>
        %select_n3A_456 = arith.select %gt3A_455, %rev3A_449, %masked_sort3A_323 : vector<16xi1>, vector<16xf32>
        %select_n3A_457 = arith.select %gt3A_455, %rev3A_454, %masked_sort3A_324 : vector<16xi1>, vector<16xi32>
        %masked_sort3A_458 = arith.constant dense<true> : vector<16xi1>
        %masked_sort3A_459, %masked_sort3A_460, %masked_sort3A_461 = tpu.sort %select_n3A_456, %select_n3A_457 masked %masked_sort3A_458 {descending = true} : (vector<16xf32>, vector<16xi32>, vector<16xi1>) -> (vector<16xi1>, vector<16xf32>, vector<16xi32>)
        %rev3A_462 = arith.constant 15 : i32
        %rev3A_463 = vector.broadcast %rev3A_462 : i32 to vector<16xi32>
        %rev3A_464 = tpu.iota {dimensions = array<i32: 0>} : vector<16xi32>
        %rev3A_465 = arith.subi %rev3A_463, %rev3A_464 : vector<16xi32>
        %rev3A_466 = tpu.dynamic_gather %masked_sort3A_358[%rev3A_465] in [0] : vector<16xf32>, vector<16xi32> -> vector<16xf32>
        %rev3A_467 = arith.constant 15 : i32
        %rev3A_468 = vector.broadcast %rev3A_467 : i32 to vector<16xi32>
        %rev3A_469 = tpu.iota {dimensions = array<i32: 0>} : vector<16xi32>
        %rev3A_470 = arith.subi %rev3A_468, %rev3A_469 : vector<16xi32>
        %rev3A_471 = tpu.dynamic_gather %masked_sort3A_359[%rev3A_470] in [0] : vector<16xi32>, vector<16xi32> -> vector<16xi32>
        %gt3A_472 = arith.cmpf ogt, %rev3A_466, %masked_sort3A_341 : vector<16xf32>
        %select_n3A_473 = arith.select %gt3A_472, %rev3A_466, %masked_sort3A_341 : vector<16xi1>, vector<16xf32>
        %select_n3A_474 = arith.select %gt3A_472, %rev3A_471, %masked_sort3A_342 : vector<16xi1>, vector<16xi32>
        %masked_sort3A_475 = arith.constant dense<true> : vector<16xi1>
        %masked_sort3A_476, %masked_sort3A_477, %masked_sort3A_478 = tpu.sort %select_n3A_473, %select_n3A_474 masked %masked_sort3A_475 {descending = true} : (vector<16xf32>, vector<16xi32>, vector<16xi1>) -> (vector<16xi1>, vector<16xf32>, vector<16xi32>)
        %rev3A_479 = arith.constant 15 : i32
        %rev3A_480 = vector.broadcast %rev3A_479 : i32 to vector<16xi32>
        %rev3A_481 = tpu.iota {dimensions = array<i32: 0>} : vector<16xi32>
        %rev3A_482 = arith.subi %rev3A_480, %rev3A_481 : vector<16xi32>
        %rev3A_483 = tpu.dynamic_gather %masked_sort3A_392[%rev3A_482] in [0] : vector<16xf32>, vector<16xi32> -> vector<16xf32>
        %rev3A_484 = arith.constant 15 : i32
        %rev3A_485 = vector.broadcast %rev3A_484 : i32 to vector<16xi32>
        %rev3A_486 = tpu.iota {dimensions = array<i32: 0>} : vector<16xi32>
        %rev3A_487 = arith.subi %rev3A_485, %rev3A_486 : vector<16xi32>
        %rev3A_488 = tpu.dynamic_gather %masked_sort3A_393[%rev3A_487] in [0] : vector<16xi32>, vector<16xi32> -> vector<16xi32>
        %gt3A_489 = arith.cmpf ogt, %rev3A_483, %masked_sort3A_375 : vector<16xf32>
        %select_n3A_490 = arith.select %gt3A_489, %rev3A_483, %masked_sort3A_375 : vector<16xi1>, vector<16xf32>
        %select_n3A_491 = arith.select %gt3A_489, %rev3A_488, %masked_sort3A_376 : vector<16xi1>, vector<16xi32>
        %masked_sort3A_492 = arith.constant dense<true> : vector<16xi1>
        %masked_sort3A_493, %masked_sort3A_494, %masked_sort3A_495 = tpu.sort %select_n3A_490, %select_n3A_491 masked %masked_sort3A_492 {descending = true} : (vector<16xf32>, vector<16xi32>, vector<16xi1>) -> (vector<16xi1>, vector<16xf32>, vector<16xi32>)
        %rev3A_496 = arith.constant 15 : i32
        %rev3A_497 = vector.broadcast %rev3A_496 : i32 to vector<16xi32>
        %rev3A_498 = tpu.iota {dimensions = array<i32: 0>} : vector<16xi32>
        %rev3A_499 = arith.subi %rev3A_497, %rev3A_498 : vector<16xi32>
        %rev3A_500 = tpu.dynamic_gather %masked_sort3A_426[%rev3A_499] in [0] : vector<16xf32>, vector<16xi32> -> vector<16xf32>
        %rev3A_501 = arith.constant 15 : i32
        %rev3A_502 = vector.broadcast %rev3A_501 : i32 to vector<16xi32>
        %rev3A_503 = tpu.iota {dimensions = array<i32: 0>} : vector<16xi32>
        %rev3A_504 = arith.subi %rev3A_502, %rev3A_503 : vector<16xi32>
        %rev3A_505 = tpu.dynamic_gather %masked_sort3A_427[%rev3A_504] in [0] : vector<16xi32>, vector<16xi32> -> vector<16xi32>
        %gt3A_506 = arith.cmpf ogt, %rev3A_500, %masked_sort3A_409 : vector<16xf32>
        %select_n3A_507 = arith.select %gt3A_506, %rev3A_500, %masked_sort3A_409 : vector<16xi1>, vector<16xf32>
        %select_n3A_508 = arith.select %gt3A_506, %rev3A_505, %masked_sort3A_410 : vector<16xi1>, vector<16xi32>
        %masked_sort3A_509 = arith.constant dense<true> : vector<16xi1>
        %masked_sort3A_510, %masked_sort3A_511, %masked_sort3A_512 = tpu.sort %select_n3A_507, %select_n3A_508 masked %masked_sort3A_509 {descending = true} : (vector<16xf32>, vector<16xi32>, vector<16xi1>) -> (vector<16xi1>, vector<16xf32>, vector<16xi32>)
        %rev3A_513 = arith.constant 15 : i32
        %rev3A_514 = vector.broadcast %rev3A_513 : i32 to vector<16xi32>
        %rev3A_515 = tpu.iota {dimensions = array<i32: 0>} : vector<16xi32>
        %rev3A_516 = arith.subi %rev3A_514, %rev3A_515 : vector<16xi32>
        %rev3A_517 = tpu.dynamic_gather %masked_sort3A_460[%rev3A_516] in [0] : vector<16xf32>, vector<16xi32> -> vector<16xf32>
        %rev3A_518 = arith.constant 15 : i32
        %rev3A_519 = vector.broadcast %rev3A_518 : i32 to vector<16xi32>
        %rev3A_520 = tpu.iota {dimensions = array<i32: 0>} : vector<16xi32>
        %rev3A_521 = arith.subi %rev3A_519, %rev3A_520 : vector<16xi32>
        %rev3A_522 = tpu.dynamic_gather %masked_sort3A_461[%rev3A_521] in [0] : vector<16xi32>, vector<16xi32> -> vector<16xi32>
        %gt3A_523 = arith.cmpf ogt, %rev3A_517, %masked_sort3A_443 : vector<16xf32>
        %select_n3A_524 = arith.select %gt3A_523, %rev3A_517, %masked_sort3A_443 : vector<16xi1>, vector<16xf32>
        %select_n3A_525 = arith.select %gt3A_523, %rev3A_522, %masked_sort3A_444 : vector<16xi1>, vector<16xi32>
        %masked_sort3A_526 = arith.constant dense<true> : vector<16xi1>
        %masked_sort3A_527, %masked_sort3A_528, %masked_sort3A_529 = tpu.sort %select_n3A_524, %select_n3A_525 masked %masked_sort3A_526 {descending = true} : (vector<16xf32>, vector<16xi32>, vector<16xi1>) -> (vector<16xi1>, vector<16xf32>, vector<16xi32>)
        %rev3A_530 = arith.constant 15 : i32
        %rev3A_531 = vector.broadcast %rev3A_530 : i32 to vector<16xi32>
        %rev3A_532 = tpu.iota {dimensions = array<i32: 0>} : vector<16xi32>
        %rev3A_533 = arith.subi %rev3A_531, %rev3A_532 : vector<16xi32>
        %rev3A_534 = tpu.dynamic_gather %masked_sort3A_494[%rev3A_533] in [0] : vector<16xf32>, vector<16xi32> -> vector<16xf32>
        %rev3A_535 = arith.constant 15 : i32
        %rev3A_536 = vector.broadcast %rev3A_535 : i32 to vector<16xi32>
        %rev3A_537 = tpu.iota {dimensions = array<i32: 0>} : vector<16xi32>
        %rev3A_538 = arith.subi %rev3A_536, %rev3A_537 : vector<16xi32>
        %rev3A_539 = tpu.dynamic_gather %masked_sort3A_495[%rev3A_538] in [0] : vector<16xi32>, vector<16xi32> -> vector<16xi32>
        %gt3A_540 = arith.cmpf ogt, %rev3A_534, %masked_sort3A_477 : vector<16xf32>
        %select_n3A_541 = arith.select %gt3A_540, %rev3A_534, %masked_sort3A_477 : vector<16xi1>, vector<16xf32>
        %select_n3A_542 = arith.select %gt3A_540, %rev3A_539, %masked_sort3A_478 : vector<16xi1>, vector<16xi32>
        %masked_sort3A_543 = arith.constant dense<true> : vector<16xi1>
        %masked_sort3A_544, %masked_sort3A_545, %masked_sort3A_546 = tpu.sort %select_n3A_541, %select_n3A_542 masked %masked_sort3A_543 {descending = true} : (vector<16xf32>, vector<16xi32>, vector<16xi1>) -> (vector<16xi1>, vector<16xf32>, vector<16xi32>)
        %rev3A_547 = arith.constant 15 : i32
        %rev3A_548 = vector.broadcast %rev3A_547 : i32 to vector<16xi32>
        %rev3A_549 = tpu.iota {dimensions = array<i32: 0>} : vector<16xi32>
        %rev3A_550 = arith.subi %rev3A_548, %rev3A_549 : vector<16xi32>
        %rev3A_551 = tpu.dynamic_gather %masked_sort3A_528[%rev3A_550] in [0] : vector<16xf32>, vector<16xi32> -> vector<16xf32>
        %rev3A_552 = arith.constant 15 : i32
        %rev3A_553 = vector.broadcast %rev3A_552 : i32 to vector<16xi32>
        %rev3A_554 = tpu.iota {dimensions = array<i32: 0>} : vector<16xi32>
        %rev3A_555 = arith.subi %rev3A_553, %rev3A_554 : vector<16xi32>
        %rev3A_556 = tpu.dynamic_gather %masked_sort3A_529[%rev3A_555] in [0] : vector<16xi32>, vector<16xi32> -> vector<16xi32>
        %gt3A_557 = arith.cmpf ogt, %rev3A_551, %masked_sort3A_511 : vector<16xf32>
        %select_n3A_558 = arith.select %gt3A_557, %rev3A_551, %masked_sort3A_511 : vector<16xi1>, vector<16xf32>
        %select_n3A_559 = arith.select %gt3A_557, %rev3A_556, %masked_sort3A_512 : vector<16xi1>, vector<16xi32>
        %masked_sort3A_560 = arith.constant dense<true> : vector<16xi1>
        %masked_sort3A_561, %masked_sort3A_562, %masked_sort3A_563 = tpu.sort %select_n3A_558, %select_n3A_559 masked %masked_sort3A_560 {descending = true} : (vector<16xf32>, vector<16xi32>, vector<16xi1>) -> (vector<16xi1>, vector<16xf32>, vector<16xi32>)
        %rev3A_564 = arith.constant 15 : i32
        %rev3A_565 = vector.broadcast %rev3A_564 : i32 to vector<16xi32>
        %rev3A_566 = tpu.iota {dimensions = array<i32: 0>} : vector<16xi32>
        %rev3A_567 = arith.subi %rev3A_565, %rev3A_566 : vector<16xi32>
        %rev3A_568 = tpu.dynamic_gather %masked_sort3A_562[%rev3A_567] in [0] : vector<16xf32>, vector<16xi32> -> vector<16xf32>
        %rev3A_569 = arith.constant 15 : i32
        %rev3A_570 = vector.broadcast %rev3A_569 : i32 to vector<16xi32>
        %rev3A_571 = tpu.iota {dimensions = array<i32: 0>} : vector<16xi32>
        %rev3A_572 = arith.subi %rev3A_570, %rev3A_571 : vector<16xi32>
        %rev3A_573 = tpu.dynamic_gather %masked_sort3A_563[%rev3A_572] in [0] : vector<16xi32>, vector<16xi32> -> vector<16xi32>
        %gt3A_574 = arith.cmpf ogt, %rev3A_568, %masked_sort3A_545 : vector<16xf32>
        %select_n3A_575 = arith.select %gt3A_574, %rev3A_568, %masked_sort3A_545 : vector<16xi1>, vector<16xf32>
        %select_n3A_576 = arith.select %gt3A_574, %rev3A_573, %masked_sort3A_546 : vector<16xi1>, vector<16xi32>
        %masked_sort3A_577 = arith.constant dense<true> : vector<16xi1>
        %masked_sort3A_578, %masked_sort3A_579, %masked_sort3A_580 = tpu.sort %select_n3A_575, %select_n3A_576 masked %masked_sort3A_577 {descending = true} : (vector<16xf32>, vector<16xi32>, vector<16xi1>) -> (vector<16xi1>, vector<16xf32>, vector<16xi32>)
        %jit3A = arith.constant 16 : i32
        %div3A = vector.broadcast %jit3A : i32 to vector<16xi32>
        %div3A_581 = arith.divsi %masked_sort3A_580, %div3A : vector<16xi32>
        %sign3A = arith.constant 0 : i32
        %sign3A_582 = vector.broadcast %sign3A : i32 to vector<16xi32>
        %sign3A_583 = arith.cmpi sgt, %masked_sort3A_580, %sign3A_582 : vector<16xi32>
        %sign3A_584 = arith.extui %sign3A_583 : vector<16xi1> to vector<16xi32>
        %sign3A_585 = arith.constant 0 : i32
        %sign3A_586 = vector.broadcast %sign3A_585 : i32 to vector<16xi32>
        %sign3A_587 = arith.cmpi slt, %masked_sort3A_580, %sign3A_586 : vector<16xi32>
        %sign3A_588 = arith.extui %sign3A_587 : vector<16xi1> to vector<16xi32>
        %sign3A_589 = arith.subi %sign3A_584, %sign3A_588 : vector<16xi32>
        %sign3A_590 = arith.constant 0 : i32
        %sign3A_591 = arith.cmpi sgt, %jit3A, %sign3A_590 : i32
        %sign3A_592 = arith.extui %sign3A_591 : i1 to i32
        %sign3A_593 = arith.constant 0 : i32
        %sign3A_594 = arith.cmpi slt, %jit3A, %sign3A_593 : i32
        %sign3A_595 = arith.extui %sign3A_594 : i1 to i32
        %sign3A_596 = arith.subi %sign3A_592, %sign3A_595 : i32
        %ne3A = vector.broadcast %sign3A_596 : i32 to vector<16xi32>
        %ne3A_597 = arith.cmpi ne, %sign3A_589, %ne3A : vector<16xi32>
        %rem3A = vector.broadcast %jit3A : i32 to vector<16xi32>
        %rem3A_598 = arith.remsi %masked_sort3A_580, %rem3A : vector<16xi32>
        %ne3A_599 = arith.constant 0 : i32
        %ne3A_600 = vector.broadcast %ne3A_599 : i32 to vector<16xi32>
        %ne3A_601 = arith.cmpi ne, %rem3A_598, %ne3A_600 : vector<16xi32>
        %and3A = arith.andi %ne3A_597, %ne3A_601 : vector<16xi1>
        %sub3A_602 = arith.constant 1 : i32
        %sub3A_603 = vector.broadcast %sub3A_602 : i32 to vector<16xi32>
        %sub3A_604 = arith.subi %div3A_581, %sub3A_603 : vector<16xi32>
        %select_n3A_605 = arith.select %and3A, %sub3A_604, %div3A_581 : vector<16xi1>, vector<16xi32>
        %mul3A_606 = arith.constant 256 : i32
        %mul3A_607 = vector.broadcast %mul3A_606 : i32 to vector<16xi32>
        %mul3A_608 = arith.muli %select_n3A_605, %mul3A_607 : vector<16xi32>
        %jit3A_609 = arith.constant 16 : i32
        %eq3A_610 = arith.constant 0 : i32
        %eq3A_611 = arith.cmpi eq, %jit3A_609, %eq3A_610 : i32
        %jit3A_612 = arith.constant 1 : i32
        %select_n3A_613 = arith.select %eq3A_611, %jit3A_612, %jit3A_609 : i32
        %rem3A_614 = vector.broadcast %select_n3A_613 : i32 to vector<16xi32>
        %rem3A_615 = arith.remsi %masked_sort3A_580, %rem3A_614 : vector<16xi32>
        %ne3A_616 = arith.constant 0 : i32
        %ne3A_617 = vector.broadcast %ne3A_616 : i32 to vector<16xi32>
        %ne3A_618 = arith.cmpi ne, %rem3A_615, %ne3A_617 : vector<16xi32>
        %lt3A = arith.constant 0 : i32
        %lt3A_619 = vector.broadcast %lt3A : i32 to vector<16xi32>
        %lt3A_620 = arith.cmpi slt, %rem3A_615, %lt3A_619 : vector<16xi32>
        %lt3A_621 = arith.constant 0 : i32
        %lt3A_622 = arith.cmpi slt, %select_n3A_613, %lt3A_621 : i32
        %ne3A_623 = vector.broadcast %lt3A_622 : i1 to vector<16xi1>
        %ne3A_624 = vector.broadcast %ne3A_623 : vector<16xi1> to vector<16xi1>
        %ne3A_625 = arith.xori %lt3A_620, %ne3A_624 : vector<16xi1>
        %and3A_626 = arith.andi %ne3A_625, %ne3A_618 : vector<16xi1>
        %add3A_627 = vector.broadcast %select_n3A_613 : i32 to vector<16xi32>
        %add3A_628 = arith.addi %rem3A_615, %add3A_627 : vector<16xi32>
        %select_n3A_629 = arith.select %and3A_626, %add3A_628, %rem3A_615 : vector<16xi1>, vector<16xi32>
        %add3A_630 = arith.addi %mul3A_608, %select_n3A_629 : vector<16xi32>
        %add3A_631 = arith.constant 0 : i32
        %add3A_632 = vector.broadcast %add3A_631 : i32 to vector<16xi32>
        %add3A_633 = arith.addi %add3A_630, %add3A_632 : vector<16xi32>
        %gather3A = tpu.vector_load_idx %arg6[%broadcast_in_dim3A_186, %add3A_633] : memref<8x4096xf32, #tpu.memory_space<vmem>>[vector<16xi32>, vector<16xi32>], vector<16xf32>,
        %add3A_634 = arith.constant 16 : i32
        %add3A_635 = vector.broadcast %add3A_634 : i32 to vector<16xi32>
        %add3A_636 = arith.addi %add3A_630, %add3A_635 : vector<16xi32>
        %gather3A_637 = tpu.vector_load_idx %arg6[%broadcast_in_dim3A_186, %add3A_636] : memref<8x4096xf32, #tpu.memory_space<vmem>>[vector<16xi32>, vector<16xi32>], vector<16xf32>,
        %add3A_638 = arith.constant 32 : i32
        %add3A_639 = vector.broadcast %add3A_638 : i32 to vector<16xi32>
        %add3A_640 = arith.addi %add3A_630, %add3A_639 : vector<16xi32>
        %gather3A_641 = tpu.vector_load_idx %arg6[%broadcast_in_dim3A_186, %add3A_640] : memref<8x4096xf32, #tpu.memory_space<vmem>>[vector<16xi32>, vector<16xi32>], vector<16xf32>,
        %add3A_642 = arith.constant 48 : i32
        %add3A_643 = vector.broadcast %add3A_642 : i32 to vector<16xi32>
        %add3A_644 = arith.addi %add3A_630, %add3A_643 : vector<16xi32>
        %gather3A_645 = tpu.vector_load_idx %arg6[%broadcast_in_dim3A_186, %add3A_644] : memref<8x4096xf32, #tpu.memory_space<vmem>>[vector<16xi32>, vector<16xi32>], vector<16xf32>,
        %add3A_646 = arith.constant 64 : i32
        %add3A_647 = vector.broadcast %add3A_646 : i32 to vector<16xi32>
        %add3A_648 = arith.addi %add3A_630, %add3A_647 : vector<16xi32>
        %gather3A_649 = tpu.vector_load_idx %arg6[%broadcast_in_dim3A_186, %add3A_648] : memref<8x4096xf32, #tpu.memory_space<vmem>>[vector<16xi32>, vector<16xi32>], vector<16xf32>,
        %add3A_650 = arith.constant 80 : i32
        %add3A_651 = vector.broadcast %add3A_650 : i32 to vector<16xi32>
        %add3A_652 = arith.addi %add3A_630, %add3A_651 : vector<16xi32>
        %gather3A_653 = tpu.vector_load_idx %arg6[%broadcast_in_dim3A_186, %add3A_652] : memref<8x4096xf32, #tpu.memory_space<vmem>>[vector<16xi32>, vector<16xi32>], vector<16xf32>,
        %add3A_654 = arith.constant 96 : i32
        %add3A_655 = vector.broadcast %add3A_654 : i32 to vector<16xi32>
        %add3A_656 = arith.addi %add3A_630, %add3A_655 : vector<16xi32>
        %gather3A_657 = tpu.vector_load_idx %arg6[%broadcast_in_dim3A_186, %add3A_656] : memref<8x4096xf32, #tpu.memory_space<vmem>>[vector<16xi32>, vector<16xi32>], vector<16xf32>,
        %add3A_658 = arith.constant 112 : i32
        %add3A_659 = vector.broadcast %add3A_658 : i32 to vector<16xi32>
        %add3A_660 = arith.addi %add3A_630, %add3A_659 : vector<16xi32>
        %gather3A_661 = tpu.vector_load_idx %arg6[%broadcast_in_dim3A_186, %add3A_660] : memref<8x4096xf32, #tpu.memory_space<vmem>>[vector<16xi32>, vector<16xi32>], vector<16xf32>,
        %add3A_662 = arith.constant 128 : i32
        %add3A_663 = vector.broadcast %add3A_662 : i32 to vector<16xi32>
        %add3A_664 = arith.addi %add3A_630, %add3A_663 : vector<16xi32>
        %gather3A_665 = tpu.vector_load_idx %arg6[%broadcast_in_dim3A_186, %add3A_664] : memref<8x4096xf32, #tpu.memory_space<vmem>>[vector<16xi32>, vector<16xi32>], vector<16xf32>,
        %add3A_666 = arith.constant 144 : i32
        %add3A_667 = vector.broadcast %add3A_666 : i32 to vector<16xi32>
        %add3A_668 = arith.addi %add3A_630, %add3A_667 : vector<16xi32>
        %gather3A_669 = tpu.vector_load_idx %arg6[%broadcast_in_dim3A_186, %add3A_668] : memref<8x4096xf32, #tpu.memory_space<vmem>>[vector<16xi32>, vector<16xi32>], vector<16xf32>,
        %add3A_670 = arith.constant 160 : i32
        %add3A_671 = vector.broadcast %add3A_670 : i32 to vector<16xi32>
        %add3A_672 = arith.addi %add3A_630, %add3A_671 : vector<16xi32>
        %gather3A_673 = tpu.vector_load_idx %arg6[%broadcast_in_dim3A_186, %add3A_672] : memref<8x4096xf32, #tpu.memory_space<vmem>>[vector<16xi32>, vector<16xi32>], vector<16xf32>,
        %add3A_674 = arith.constant 176 : i32
        %add3A_675 = vector.broadcast %add3A_674 : i32 to vector<16xi32>
        %add3A_676 = arith.addi %add3A_630, %add3A_675 : vector<16xi32>
        %gather3A_677 = tpu.vector_load_idx %arg6[%broadcast_in_dim3A_186, %add3A_676] : memref<8x4096xf32, #tpu.memory_space<vmem>>[vector<16xi32>, vector<16xi32>], vector<16xf32>,
        %add3A_678 = arith.constant 192 : i32
        %add3A_679 = vector.broadcast %add3A_678 : i32 to vector<16xi32>
        %add3A_680 = arith.addi %add3A_630, %add3A_679 : vector<16xi32>
        %gather3A_681 = tpu.vector_load_idx %arg6[%broadcast_in_dim3A_186, %add3A_680] : memref<8x4096xf32, #tpu.memory_space<vmem>>[vector<16xi32>, vector<16xi32>], vector<16xf32>,
        %add3A_682 = arith.constant 208 : i32
        %add3A_683 = vector.broadcast %add3A_682 : i32 to vector<16xi32>
        %add3A_684 = arith.addi %add3A_630, %add3A_683 : vector<16xi32>
        %gather3A_685 = tpu.vector_load_idx %arg6[%broadcast_in_dim3A_186, %add3A_684] : memref<8x4096xf32, #tpu.memory_space<vmem>>[vector<16xi32>, vector<16xi32>], vector<16xf32>,
        %add3A_686 = arith.constant 224 : i32
        %add3A_687 = vector.broadcast %add3A_686 : i32 to vector<16xi32>
        %add3A_688 = arith.addi %add3A_630, %add3A_687 : vector<16xi32>
        %gather3A_689 = tpu.vector_load_idx %arg6[%broadcast_in_dim3A_186, %add3A_688] : memref<8x4096xf32, #tpu.memory_space<vmem>>[vector<16xi32>, vector<16xi32>], vector<16xf32>,
        %add3A_690 = arith.constant 240 : i32
        %add3A_691 = vector.broadcast %add3A_690 : i32 to vector<16xi32>
        %add3A_692 = arith.addi %add3A_630, %add3A_691 : vector<16xi32>
        %gather3A_693 = tpu.vector_load_idx %arg6[%broadcast_in_dim3A_186, %add3A_692] : memref<8x4096xf32, #tpu.memory_space<vmem>>[vector<16xi32>, vector<16xi32>], vector<16xf32>,
        %masked_sort3A_694 = arith.constant dense<true> : vector<16xi1>
        %masked_sort3A_695, %masked_sort3A_696, %masked_sort3A_697 = tpu.sort %gather3A, %add3A_633 masked %masked_sort3A_694 {descending = true} : (vector<16xf32>, vector<16xi32>, vector<16xi1>) -> (vector<16xi1>, vector<16xf32>, vector<16xi32>)
        %masked_sort3A_698 = arith.constant dense<true> : vector<16xi1>
        %masked_sort3A_699, %masked_sort3A_700, %masked_sort3A_701 = tpu.sort %gather3A_637, %add3A_636 masked %masked_sort3A_698 {descending = true} : (vector<16xf32>, vector<16xi32>, vector<16xi1>) -> (vector<16xi1>, vector<16xf32>, vector<16xi32>)
        %masked_sort3A_702 = arith.constant dense<true> : vector<16xi1>
        %masked_sort3A_703, %masked_sort3A_704, %masked_sort3A_705 = tpu.sort %gather3A_641, %add3A_640 masked %masked_sort3A_702 {descending = true} : (vector<16xf32>, vector<16xi32>, vector<16xi1>) -> (vector<16xi1>, vector<16xf32>, vector<16xi32>)
        %masked_sort3A_706 = arith.constant dense<true> : vector<16xi1>
        %masked_sort3A_707, %masked_sort3A_708, %masked_sort3A_709 = tpu.sort %gather3A_645, %add3A_644 masked %masked_sort3A_706 {descending = true} : (vector<16xf32>, vector<16xi32>, vector<16xi1>) -> (vector<16xi1>, vector<16xf32>, vector<16xi32>)
        %masked_sort3A_710 = arith.constant dense<true> : vector<16xi1>
        %masked_sort3A_711, %masked_sort3A_712, %masked_sort3A_713 = tpu.sort %gather3A_649, %add3A_648 masked %masked_sort3A_710 {descending = true} : (vector<16xf32>, vector<16xi32>, vector<16xi1>) -> (vector<16xi1>, vector<16xf32>, vector<16xi32>)
        %masked_sort3A_714 = arith.constant dense<true> : vector<16xi1>
        %masked_sort3A_715, %masked_sort3A_716, %masked_sort3A_717 = tpu.sort %gather3A_653, %add3A_652 masked %masked_sort3A_714 {descending = true} : (vector<16xf32>, vector<16xi32>, vector<16xi1>) -> (vector<16xi1>, vector<16xf32>, vector<16xi32>)
        %masked_sort3A_718 = arith.constant dense<true> : vector<16xi1>
        %masked_sort3A_719, %masked_sort3A_720, %masked_sort3A_721 = tpu.sort %gather3A_657, %add3A_656 masked %masked_sort3A_718 {descending = true} : (vector<16xf32>, vector<16xi32>, vector<16xi1>) -> (vector<16xi1>, vector<16xf32>, vector<16xi32>)
        %masked_sort3A_722 = arith.constant dense<true> : vector<16xi1>
        %masked_sort3A_723, %masked_sort3A_724, %masked_sort3A_725 = tpu.sort %gather3A_661, %add3A_660 masked %masked_sort3A_722 {descending = true} : (vector<16xf32>, vector<16xi32>, vector<16xi1>) -> (vector<16xi1>, vector<16xf32>, vector<16xi32>)
        %masked_sort3A_726 = arith.constant dense<true> : vector<16xi1>
        %masked_sort3A_727, %masked_sort3A_728, %masked_sort3A_729 = tpu.sort %gather3A_665, %add3A_664 masked %masked_sort3A_726 {descending = true} : (vector<16xf32>, vector<16xi32>, vector<16xi1>) -> (vector<16xi1>, vector<16xf32>, vector<16xi32>)
        %masked_sort3A_730 = arith.constant dense<true> : vector<16xi1>
        %masked_sort3A_731, %masked_sort3A_732, %masked_sort3A_733 = tpu.sort %gather3A_669, %add3A_668 masked %masked_sort3A_730 {descending = true} : (vector<16xf32>, vector<16xi32>, vector<16xi1>) -> (vector<16xi1>, vector<16xf32>, vector<16xi32>)
        %masked_sort3A_734 = arith.constant dense<true> : vector<16xi1>
        %masked_sort3A_735, %masked_sort3A_736, %masked_sort3A_737 = tpu.sort %gather3A_673, %add3A_672 masked %masked_sort3A_734 {descending = true} : (vector<16xf32>, vector<16xi32>, vector<16xi1>) -> (vector<16xi1>, vector<16xf32>, vector<16xi32>)
        %masked_sort3A_738 = arith.constant dense<true> : vector<16xi1>
        %masked_sort3A_739, %masked_sort3A_740, %masked_sort3A_741 = tpu.sort %gather3A_677, %add3A_676 masked %masked_sort3A_738 {descending = true} : (vector<16xf32>, vector<16xi32>, vector<16xi1>) -> (vector<16xi1>, vector<16xf32>, vector<16xi32>)
        %masked_sort3A_742 = arith.constant dense<true> : vector<16xi1>
        %masked_sort3A_743, %masked_sort3A_744, %masked_sort3A_745 = tpu.sort %gather3A_681, %add3A_680 masked %masked_sort3A_742 {descending = true} : (vector<16xf32>, vector<16xi32>, vector<16xi1>) -> (vector<16xi1>, vector<16xf32>, vector<16xi32>)
        %masked_sort3A_746 = arith.constant dense<true> : vector<16xi1>
        %masked_sort3A_747, %masked_sort3A_748, %masked_sort3A_749 = tpu.sort %gather3A_685, %add3A_684 masked %masked_sort3A_746 {descending = true} : (vector<16xf32>, vector<16xi32>, vector<16xi1>) -> (vector<16xi1>, vector<16xf32>, vector<16xi32>)
        %masked_sort3A_750 = arith.constant dense<true> : vector<16xi1>
        %masked_sort3A_751, %masked_sort3A_752, %masked_sort3A_753 = tpu.sort %gather3A_689, %add3A_688 masked %masked_sort3A_750 {descending = true} : (vector<16xf32>, vector<16xi32>, vector<16xi1>) -> (vector<16xi1>, vector<16xf32>, vector<16xi32>)
        %masked_sort3A_754 = arith.constant dense<true> : vector<16xi1>
        %masked_sort3A_755, %masked_sort3A_756, %masked_sort3A_757 = tpu.sort %gather3A_693, %add3A_692 masked %masked_sort3A_754 {descending = true} : (vector<16xf32>, vector<16xi32>, vector<16xi1>) -> (vector<16xi1>, vector<16xf32>, vector<16xi32>)
        %rev3A_758 = arith.constant 15 : i32
        %rev3A_759 = vector.broadcast %rev3A_758 : i32 to vector<16xi32>
        %rev3A_760 = tpu.iota {dimensions = array<i32: 0>} : vector<16xi32>
        %rev3A_761 = arith.subi %rev3A_759, %rev3A_760 : vector<16xi32>
        %rev3A_762 = tpu.dynamic_gather %masked_sort3A_700[%rev3A_761] in [0] : vector<16xf32>, vector<16xi32> -> vector<16xf32>
        %rev3A_763 = arith.constant 15 : i32
        %rev3A_764 = vector.broadcast %rev3A_763 : i32 to vector<16xi32>
        %rev3A_765 = tpu.iota {dimensions = array<i32: 0>} : vector<16xi32>
        %rev3A_766 = arith.subi %rev3A_764, %rev3A_765 : vector<16xi32>
        %rev3A_767 = tpu.dynamic_gather %masked_sort3A_701[%rev3A_766] in [0] : vector<16xi32>, vector<16xi32> -> vector<16xi32>
        %gt3A_768 = arith.cmpf ogt, %rev3A_762, %masked_sort3A_696 : vector<16xf32>
        %select_n3A_769 = arith.select %gt3A_768, %rev3A_762, %masked_sort3A_696 : vector<16xi1>, vector<16xf32>
        %select_n3A_770 = arith.select %gt3A_768, %rev3A_767, %masked_sort3A_697 : vector<16xi1>, vector<16xi32>
        %masked_sort3A_771 = arith.constant dense<true> : vector<16xi1>
        %masked_sort3A_772, %masked_sort3A_773, %masked_sort3A_774 = tpu.sort %select_n3A_769, %select_n3A_770 masked %masked_sort3A_771 {descending = true} : (vector<16xf32>, vector<16xi32>, vector<16xi1>) -> (vector<16xi1>, vector<16xf32>, vector<16xi32>)
        %rev3A_775 = arith.constant 15 : i32
        %rev3A_776 = vector.broadcast %rev3A_775 : i32 to vector<16xi32>
        %rev3A_777 = tpu.iota {dimensions = array<i32: 0>} : vector<16xi32>
        %rev3A_778 = arith.subi %rev3A_776, %rev3A_777 : vector<16xi32>
        %rev3A_779 = tpu.dynamic_gather %masked_sort3A_708[%rev3A_778] in [0] : vector<16xf32>, vector<16xi32> -> vector<16xf32>
        %rev3A_780 = arith.constant 15 : i32
        %rev3A_781 = vector.broadcast %rev3A_780 : i32 to vector<16xi32>
        %rev3A_782 = tpu.iota {dimensions = array<i32: 0>} : vector<16xi32>
        %rev3A_783 = arith.subi %rev3A_781, %rev3A_782 : vector<16xi32>
        %rev3A_784 = tpu.dynamic_gather %masked_sort3A_709[%rev3A_783] in [0] : vector<16xi32>, vector<16xi32> -> vector<16xi32>
        %gt3A_785 = arith.cmpf ogt, %rev3A_779, %masked_sort3A_704 : vector<16xf32>
        %select_n3A_786 = arith.select %gt3A_785, %rev3A_779, %masked_sort3A_704 : vector<16xi1>, vector<16xf32>
        %select_n3A_787 = arith.select %gt3A_785, %rev3A_784, %masked_sort3A_705 : vector<16xi1>, vector<16xi32>
        %masked_sort3A_788 = arith.constant dense<true> : vector<16xi1>
        %masked_sort3A_789, %masked_sort3A_790, %masked_sort3A_791 = tpu.sort %select_n3A_786, %select_n3A_787 masked %masked_sort3A_788 {descending = true} : (vector<16xf32>, vector<16xi32>, vector<16xi1>) -> (vector<16xi1>, vector<16xf32>, vector<16xi32>)
        %rev3A_792 = arith.constant 15 : i32
        %rev3A_793 = vector.broadcast %rev3A_792 : i32 to vector<16xi32>
        %rev3A_794 = tpu.iota {dimensions = array<i32: 0>} : vector<16xi32>
        %rev3A_795 = arith.subi %rev3A_793, %rev3A_794 : vector<16xi32>
        %rev3A_796 = tpu.dynamic_gather %masked_sort3A_716[%rev3A_795] in [0] : vector<16xf32>, vector<16xi32> -> vector<16xf32>
        %rev3A_797 = arith.constant 15 : i32
        %rev3A_798 = vector.broadcast %rev3A_797 : i32 to vector<16xi32>
        %rev3A_799 = tpu.iota {dimensions = array<i32: 0>} : vector<16xi32>
        %rev3A_800 = arith.subi %rev3A_798, %rev3A_799 : vector<16xi32>
        %rev3A_801 = tpu.dynamic_gather %masked_sort3A_717[%rev3A_800] in [0] : vector<16xi32>, vector<16xi32> -> vector<16xi32>
        %gt3A_802 = arith.cmpf ogt, %rev3A_796, %masked_sort3A_712 : vector<16xf32>
        %select_n3A_803 = arith.select %gt3A_802, %rev3A_796, %masked_sort3A_712 : vector<16xi1>, vector<16xf32>
        %select_n3A_804 = arith.select %gt3A_802, %rev3A_801, %masked_sort3A_713 : vector<16xi1>, vector<16xi32>
        %masked_sort3A_805 = arith.constant dense<true> : vector<16xi1>
        %masked_sort3A_806, %masked_sort3A_807, %masked_sort3A_808 = tpu.sort %select_n3A_803, %select_n3A_804 masked %masked_sort3A_805 {descending = true} : (vector<16xf32>, vector<16xi32>, vector<16xi1>) -> (vector<16xi1>, vector<16xf32>, vector<16xi32>)
        %rev3A_809 = arith.constant 15 : i32
        %rev3A_810 = vector.broadcast %rev3A_809 : i32 to vector<16xi32>
        %rev3A_811 = tpu.iota {dimensions = array<i32: 0>} : vector<16xi32>
        %rev3A_812 = arith.subi %rev3A_810, %rev3A_811 : vector<16xi32>
        %rev3A_813 = tpu.dynamic_gather %masked_sort3A_724[%rev3A_812] in [0] : vector<16xf32>, vector<16xi32> -> vector<16xf32>
        %rev3A_814 = arith.constant 15 : i32
        %rev3A_815 = vector.broadcast %rev3A_814 : i32 to vector<16xi32>
        %rev3A_816 = tpu.iota {dimensions = array<i32: 0>} : vector<16xi32>
        %rev3A_817 = arith.subi %rev3A_815, %rev3A_816 : vector<16xi32>
        %rev3A_818 = tpu.dynamic_gather %masked_sort3A_725[%rev3A_817] in [0] : vector<16xi32>, vector<16xi32> -> vector<16xi32>
        %gt3A_819 = arith.cmpf ogt, %rev3A_813, %masked_sort3A_720 : vector<16xf32>
        %select_n3A_820 = arith.select %gt3A_819, %rev3A_813, %masked_sort3A_720 : vector<16xi1>, vector<16xf32>
        %select_n3A_821 = arith.select %gt3A_819, %rev3A_818, %masked_sort3A_721 : vector<16xi1>, vector<16xi32>
        %masked_sort3A_822 = arith.constant dense<true> : vector<16xi1>
        %masked_sort3A_823, %masked_sort3A_824, %masked_sort3A_825 = tpu.sort %select_n3A_820, %select_n3A_821 masked %masked_sort3A_822 {descending = true} : (vector<16xf32>, vector<16xi32>, vector<16xi1>) -> (vector<16xi1>, vector<16xf32>, vector<16xi32>)
        %rev3A_826 = arith.constant 15 : i32
        %rev3A_827 = vector.broadcast %rev3A_826 : i32 to vector<16xi32>
        %rev3A_828 = tpu.iota {dimensions = array<i32: 0>} : vector<16xi32>
        %rev3A_829 = arith.subi %rev3A_827, %rev3A_828 : vector<16xi32>
        %rev3A_830 = tpu.dynamic_gather %masked_sort3A_732[%rev3A_829] in [0] : vector<16xf32>, vector<16xi32> -> vector<16xf32>
        %rev3A_831 = arith.constant 15 : i32
        %rev3A_832 = vector.broadcast %rev3A_831 : i32 to vector<16xi32>
        %rev3A_833 = tpu.iota {dimensions = array<i32: 0>} : vector<16xi32>
        %rev3A_834 = arith.subi %rev3A_832, %rev3A_833 : vector<16xi32>
        %rev3A_835 = tpu.dynamic_gather %masked_sort3A_733[%rev3A_834] in [0] : vector<16xi32>, vector<16xi32> -> vector<16xi32>
        %gt3A_836 = arith.cmpf ogt, %rev3A_830, %masked_sort3A_728 : vector<16xf32>
        %select_n3A_837 = arith.select %gt3A_836, %rev3A_830, %masked_sort3A_728 : vector<16xi1>, vector<16xf32>
        %select_n3A_838 = arith.select %gt3A_836, %rev3A_835, %masked_sort3A_729 : vector<16xi1>, vector<16xi32>
        %masked_sort3A_839 = arith.constant dense<true> : vector<16xi1>
        %masked_sort3A_840, %masked_sort3A_841, %masked_sort3A_842 = tpu.sort %select_n3A_837, %select_n3A_838 masked %masked_sort3A_839 {descending = true} : (vector<16xf32>, vector<16xi32>, vector<16xi1>) -> (vector<16xi1>, vector<16xf32>, vector<16xi32>)
        %rev3A_843 = arith.constant 15 : i32
        %rev3A_844 = vector.broadcast %rev3A_843 : i32 to vector<16xi32>
        %rev3A_845 = tpu.iota {dimensions = array<i32: 0>} : vector<16xi32>
        %rev3A_846 = arith.subi %rev3A_844, %rev3A_845 : vector<16xi32>
        %rev3A_847 = tpu.dynamic_gather %masked_sort3A_740[%rev3A_846] in [0] : vector<16xf32>, vector<16xi32> -> vector<16xf32>
        %rev3A_848 = arith.constant 15 : i32
        %rev3A_849 = vector.broadcast %rev3A_848 : i32 to vector<16xi32>
        %rev3A_850 = tpu.iota {dimensions = array<i32: 0>} : vector<16xi32>
        %rev3A_851 = arith.subi %rev3A_849, %rev3A_850 : vector<16xi32>
        %rev3A_852 = tpu.dynamic_gather %masked_sort3A_741[%rev3A_851] in [0] : vector<16xi32>, vector<16xi32> -> vector<16xi32>
        %gt3A_853 = arith.cmpf ogt, %rev3A_847, %masked_sort3A_736 : vector<16xf32>
        %select_n3A_854 = arith.select %gt3A_853, %rev3A_847, %masked_sort3A_736 : vector<16xi1>, vector<16xf32>
        %select_n3A_855 = arith.select %gt3A_853, %rev3A_852, %masked_sort3A_737 : vector<16xi1>, vector<16xi32>
        %masked_sort3A_856 = arith.constant dense<true> : vector<16xi1>
        %masked_sort3A_857, %masked_sort3A_858, %masked_sort3A_859 = tpu.sort %select_n3A_854, %select_n3A_855 masked %masked_sort3A_856 {descending = true} : (vector<16xf32>, vector<16xi32>, vector<16xi1>) -> (vector<16xi1>, vector<16xf32>, vector<16xi32>)
        %rev3A_860 = arith.constant 15 : i32
        %rev3A_861 = vector.broadcast %rev3A_860 : i32 to vector<16xi32>
        %rev3A_862 = tpu.iota {dimensions = array<i32: 0>} : vector<16xi32>
        %rev3A_863 = arith.subi %rev3A_861, %rev3A_862 : vector<16xi32>
        %rev3A_864 = tpu.dynamic_gather %masked_sort3A_748[%rev3A_863] in [0] : vector<16xf32>, vector<16xi32> -> vector<16xf32>
        %rev3A_865 = arith.constant 15 : i32
        %rev3A_866 = vector.broadcast %rev3A_865 : i32 to vector<16xi32>
        %rev3A_867 = tpu.iota {dimensions = array<i32: 0>} : vector<16xi32>
        %rev3A_868 = arith.subi %rev3A_866, %rev3A_867 : vector<16xi32>
        %rev3A_869 = tpu.dynamic_gather %masked_sort3A_749[%rev3A_868] in [0] : vector<16xi32>, vector<16xi32> -> vector<16xi32>
        %gt3A_870 = arith.cmpf ogt, %rev3A_864, %masked_sort3A_744 : vector<16xf32>
        %select_n3A_871 = arith.select %gt3A_870, %rev3A_864, %masked_sort3A_744 : vector<16xi1>, vector<16xf32>
        %select_n3A_872 = arith.select %gt3A_870, %rev3A_869, %masked_sort3A_745 : vector<16xi1>, vector<16xi32>
        %masked_sort3A_873 = arith.constant dense<true> : vector<16xi1>
        %masked_sort3A_874, %masked_sort3A_875, %masked_sort3A_876 = tpu.sort %select_n3A_871, %select_n3A_872 masked %masked_sort3A_873 {descending = true} : (vector<16xf32>, vector<16xi32>, vector<16xi1>) -> (vector<16xi1>, vector<16xf32>, vector<16xi32>)
        %rev3A_877 = arith.constant 15 : i32
        %rev3A_878 = vector.broadcast %rev3A_877 : i32 to vector<16xi32>
        %rev3A_879 = tpu.iota {dimensions = array<i32: 0>} : vector<16xi32>
        %rev3A_880 = arith.subi %rev3A_878, %rev3A_879 : vector<16xi32>
        %rev3A_881 = tpu.dynamic_gather %masked_sort3A_756[%rev3A_880] in [0] : vector<16xf32>, vector<16xi32> -> vector<16xf32>
        %rev3A_882 = arith.constant 15 : i32
        %rev3A_883 = vector.broadcast %rev3A_882 : i32 to vector<16xi32>
        %rev3A_884 = tpu.iota {dimensions = array<i32: 0>} : vector<16xi32>
        %rev3A_885 = arith.subi %rev3A_883, %rev3A_884 : vector<16xi32>
        %rev3A_886 = tpu.dynamic_gather %masked_sort3A_757[%rev3A_885] in [0] : vector<16xi32>, vector<16xi32> -> vector<16xi32>
        %gt3A_887 = arith.cmpf ogt, %rev3A_881, %masked_sort3A_752 : vector<16xf32>
        %select_n3A_888 = arith.select %gt3A_887, %rev3A_881, %masked_sort3A_752 : vector<16xi1>, vector<16xf32>
        %select_n3A_889 = arith.select %gt3A_887, %rev3A_886, %masked_sort3A_753 : vector<16xi1>, vector<16xi32>
        %masked_sort3A_890 = arith.constant dense<true> : vector<16xi1>
        %masked_sort3A_891, %masked_sort3A_892, %masked_sort3A_893 = tpu.sort %select_n3A_888, %select_n3A_889 masked %masked_sort3A_890 {descending = true} : (vector<16xf32>, vector<16xi32>, vector<16xi1>) -> (vector<16xi1>, vector<16xf32>, vector<16xi32>)
        %rev3A_894 = arith.constant 15 : i32
        %rev3A_895 = vector.broadcast %rev3A_894 : i32 to vector<16xi32>
        %rev3A_896 = tpu.iota {dimensions = array<i32: 0>} : vector<16xi32>
        %rev3A_897 = arith.subi %rev3A_895, %rev3A_896 : vector<16xi32>
        %rev3A_898 = tpu.dynamic_gather %masked_sort3A_790[%rev3A_897] in [0] : vector<16xf32>, vector<16xi32> -> vector<16xf32>
        %rev3A_899 = arith.constant 15 : i32
        %rev3A_900 = vector.broadcast %rev3A_899 : i32 to vector<16xi32>
        %rev3A_901 = tpu.iota {dimensions = array<i32: 0>} : vector<16xi32>
        %rev3A_902 = arith.subi %rev3A_900, %rev3A_901 : vector<16xi32>
        %rev3A_903 = tpu.dynamic_gather %masked_sort3A_791[%rev3A_902] in [0] : vector<16xi32>, vector<16xi32> -> vector<16xi32>
        %gt3A_904 = arith.cmpf ogt, %rev3A_898, %masked_sort3A_773 : vector<16xf32>
        %select_n3A_905 = arith.select %gt3A_904, %rev3A_898, %masked_sort3A_773 : vector<16xi1>, vector<16xf32>
        %select_n3A_906 = arith.select %gt3A_904, %rev3A_903, %masked_sort3A_774 : vector<16xi1>, vector<16xi32>
        %masked_sort3A_907 = arith.constant dense<true> : vector<16xi1>
        %masked_sort3A_908, %masked_sort3A_909, %masked_sort3A_910 = tpu.sort %select_n3A_905, %select_n3A_906 masked %masked_sort3A_907 {descending = true} : (vector<16xf32>, vector<16xi32>, vector<16xi1>) -> (vector<16xi1>, vector<16xf32>, vector<16xi32>)
        %rev3A_911 = arith.constant 15 : i32
        %rev3A_912 = vector.broadcast %rev3A_911 : i32 to vector<16xi32>
        %rev3A_913 = tpu.iota {dimensions = array<i32: 0>} : vector<16xi32>
        %rev3A_914 = arith.subi %rev3A_912, %rev3A_913 : vector<16xi32>
        %rev3A_915 = tpu.dynamic_gather %masked_sort3A_824[%rev3A_914] in [0] : vector<16xf32>, vector<16xi32> -> vector<16xf32>
        %rev3A_916 = arith.constant 15 : i32
        %rev3A_917 = vector.broadcast %rev3A_916 : i32 to vector<16xi32>
        %rev3A_918 = tpu.iota {dimensions = array<i32: 0>} : vector<16xi32>
        %rev3A_919 = arith.subi %rev3A_917, %rev3A_918 : vector<16xi32>
        %rev3A_920 = tpu.dynamic_gather %masked_sort3A_825[%rev3A_919] in [0] : vector<16xi32>, vector<16xi32> -> vector<16xi32>
        %gt3A_921 = arith.cmpf ogt, %rev3A_915, %masked_sort3A_807 : vector<16xf32>
        %select_n3A_922 = arith.select %gt3A_921, %rev3A_915, %masked_sort3A_807 : vector<16xi1>, vector<16xf32>
        %select_n3A_923 = arith.select %gt3A_921, %rev3A_920, %masked_sort3A_808 : vector<16xi1>, vector<16xi32>
        %masked_sort3A_924 = arith.constant dense<true> : vector<16xi1>
        %masked_sort3A_925, %masked_sort3A_926, %masked_sort3A_927 = tpu.sort %select_n3A_922, %select_n3A_923 masked %masked_sort3A_924 {descending = true} : (vector<16xf32>, vector<16xi32>, vector<16xi1>) -> (vector<16xi1>, vector<16xf32>, vector<16xi32>)
        %rev3A_928 = arith.constant 15 : i32
        %rev3A_929 = vector.broadcast %rev3A_928 : i32 to vector<16xi32>
        %rev3A_930 = tpu.iota {dimensions = array<i32: 0>} : vector<16xi32>
        %rev3A_931 = arith.subi %rev3A_929, %rev3A_930 : vector<16xi32>
        %rev3A_932 = tpu.dynamic_gather %masked_sort3A_858[%rev3A_931] in [0] : vector<16xf32>, vector<16xi32> -> vector<16xf32>
        %rev3A_933 = arith.constant 15 : i32
        %rev3A_934 = vector.broadcast %rev3A_933 : i32 to vector<16xi32>
        %rev3A_935 = tpu.iota {dimensions = array<i32: 0>} : vector<16xi32>
        %rev3A_936 = arith.subi %rev3A_934, %rev3A_935 : vector<16xi32>
        %rev3A_937 = tpu.dynamic_gather %masked_sort3A_859[%rev3A_936] in [0] : vector<16xi32>, vector<16xi32> -> vector<16xi32>
        %gt3A_938 = arith.cmpf ogt, %rev3A_932, %masked_sort3A_841 : vector<16xf32>
        %select_n3A_939 = arith.select %gt3A_938, %rev3A_932, %masked_sort3A_841 : vector<16xi1>, vector<16xf32>
        %select_n3A_940 = arith.select %gt3A_938, %rev3A_937, %masked_sort3A_842 : vector<16xi1>, vector<16xi32>
        %masked_sort3A_941 = arith.constant dense<true> : vector<16xi1>
        %masked_sort3A_942, %masked_sort3A_943, %masked_sort3A_944 = tpu.sort %select_n3A_939, %select_n3A_940 masked %masked_sort3A_941 {descending = true} : (vector<16xf32>, vector<16xi32>, vector<16xi1>) -> (vector<16xi1>, vector<16xf32>, vector<16xi32>)
        %rev3A_945 = arith.constant 15 : i32
        %rev3A_946 = vector.broadcast %rev3A_945 : i32 to vector<16xi32>
        %rev3A_947 = tpu.iota {dimensions = array<i32: 0>} : vector<16xi32>
        %rev3A_948 = arith.subi %rev3A_946, %rev3A_947 : vector<16xi32>
        %rev3A_949 = tpu.dynamic_gather %masked_sort3A_892[%rev3A_948] in [0] : vector<16xf32>, vector<16xi32> -> vector<16xf32>
        %rev3A_950 = arith.constant 15 : i32
        %rev3A_951 = vector.broadcast %rev3A_950 : i32 to vector<16xi32>
        %rev3A_952 = tpu.iota {dimensions = array<i32: 0>} : vector<16xi32>
        %rev3A_953 = arith.subi %rev3A_951, %rev3A_952 : vector<16xi32>
        %rev3A_954 = tpu.dynamic_gather %masked_sort3A_893[%rev3A_953] in [0] : vector<16xi32>, vector<16xi32> -> vector<16xi32>
        %gt3A_955 = arith.cmpf ogt, %rev3A_949, %masked_sort3A_875 : vector<16xf32>
        %select_n3A_956 = arith.select %gt3A_955, %rev3A_949, %masked_sort3A_875 : vector<16xi1>, vector<16xf32>
        %select_n3A_957 = arith.select %gt3A_955, %rev3A_954, %masked_sort3A_876 : vector<16xi1>, vector<16xi32>
        %masked_sort3A_958 = arith.constant dense<true> : vector<16xi1>
        %masked_sort3A_959, %masked_sort3A_960, %masked_sort3A_961 = tpu.sort %select_n3A_956, %select_n3A_957 masked %masked_sort3A_958 {descending = true} : (vector<16xf32>, vector<16xi32>, vector<16xi1>) -> (vector<16xi1>, vector<16xf32>, vector<16xi32>)
        %rev3A_962 = arith.constant 15 : i32
        %rev3A_963 = vector.broadcast %rev3A_962 : i32 to vector<16xi32>
        %rev3A_964 = tpu.iota {dimensions = array<i32: 0>} : vector<16xi32>
        %rev3A_965 = arith.subi %rev3A_963, %rev3A_964 : vector<16xi32>
        %rev3A_966 = tpu.dynamic_gather %masked_sort3A_926[%rev3A_965] in [0] : vector<16xf32>, vector<16xi32> -> vector<16xf32>
        %rev3A_967 = arith.constant 15 : i32
        %rev3A_968 = vector.broadcast %rev3A_967 : i32 to vector<16xi32>
        %rev3A_969 = tpu.iota {dimensions = array<i32: 0>} : vector<16xi32>
        %rev3A_970 = arith.subi %rev3A_968, %rev3A_969 : vector<16xi32>
        %rev3A_971 = tpu.dynamic_gather %masked_sort3A_927[%rev3A_970] in [0] : vector<16xi32>, vector<16xi32> -> vector<16xi32>
        %gt3A_972 = arith.cmpf ogt, %rev3A_966, %masked_sort3A_909 : vector<16xf32>
        %select_n3A_973 = arith.select %gt3A_972, %rev3A_966, %masked_sort3A_909 : vector<16xi1>, vector<16xf32>
        %select_n3A_974 = arith.select %gt3A_972, %rev3A_971, %masked_sort3A_910 : vector<16xi1>, vector<16xi32>
        %masked_sort3A_975 = arith.constant dense<true> : vector<16xi1>
        %masked_sort3A_976, %masked_sort3A_977, %masked_sort3A_978 = tpu.sort %select_n3A_973, %select_n3A_974 masked %masked_sort3A_975 {descending = true} : (vector<16xf32>, vector<16xi32>, vector<16xi1>) -> (vector<16xi1>, vector<16xf32>, vector<16xi32>)
        %rev3A_979 = arith.constant 15 : i32
        %rev3A_980 = vector.broadcast %rev3A_979 : i32 to vector<16xi32>
        %rev3A_981 = tpu.iota {dimensions = array<i32: 0>} : vector<16xi32>
        %rev3A_982 = arith.subi %rev3A_980, %rev3A_981 : vector<16xi32>
        %rev3A_983 = tpu.dynamic_gather %masked_sort3A_960[%rev3A_982] in [0] : vector<16xf32>, vector<16xi32> -> vector<16xf32>
        %rev3A_984 = arith.constant 15 : i32
        %rev3A_985 = vector.broadcast %rev3A_984 : i32 to vector<16xi32>
        %rev3A_986 = tpu.iota {dimensions = array<i32: 0>} : vector<16xi32>
        %rev3A_987 = arith.subi %rev3A_985, %rev3A_986 : vector<16xi32>
        %rev3A_988 = tpu.dynamic_gather %masked_sort3A_961[%rev3A_987] in [0] : vector<16xi32>, vector<16xi32> -> vector<16xi32>
        %gt3A_989 = arith.cmpf ogt, %rev3A_983, %masked_sort3A_943 : vector<16xf32>
        %select_n3A_990 = arith.select %gt3A_989, %rev3A_983, %masked_sort3A_943 : vector<16xi1>, vector<16xf32>
        %select_n3A_991 = arith.select %gt3A_989, %rev3A_988, %masked_sort3A_944 : vector<16xi1>, vector<16xi32>
        %masked_sort3A_992 = arith.constant dense<true> : vector<16xi1>
        %masked_sort3A_993, %masked_sort3A_994, %masked_sort3A_995 = tpu.sort %select_n3A_990, %select_n3A_991 masked %masked_sort3A_992 {descending = true} : (vector<16xf32>, vector<16xi32>, vector<16xi1>) -> (vector<16xi1>, vector<16xf32>, vector<16xi32>)
        %rev3A_996 = arith.constant 15 : i32
        %rev3A_997 = vector.broadcast %rev3A_996 : i32 to vector<16xi32>
        %rev3A_998 = tpu.iota {dimensions = array<i32: 0>} : vector<16xi32>
        %rev3A_999 = arith.subi %rev3A_997, %rev3A_998 : vector<16xi32>
        %rev3A_1000 = tpu.dynamic_gather %masked_sort3A_994[%rev3A_999] in [0] : vector<16xf32>, vector<16xi32> -> vector<16xf32>
        %rev3A_1001 = arith.constant 15 : i32
        %rev3A_1002 = vector.broadcast %rev3A_1001 : i32 to vector<16xi32>
        %rev3A_1003 = tpu.iota {dimensions = array<i32: 0>} : vector<16xi32>
        %rev3A_1004 = arith.subi %rev3A_1002, %rev3A_1003 : vector<16xi32>
        %rev3A_1005 = tpu.dynamic_gather %masked_sort3A_995[%rev3A_1004] in [0] : vector<16xi32>, vector<16xi32> -> vector<16xi32>
        %gt3A_1006 = arith.cmpf ogt, %rev3A_1000, %masked_sort3A_977 : vector<16xf32>
        %select_n3A_1007 = arith.select %gt3A_1006, %rev3A_1000, %masked_sort3A_977 : vector<16xi1>, vector<16xf32>
        %select_n3A_1008 = arith.select %gt3A_1006, %rev3A_1005, %masked_sort3A_978 : vector<16xi1>, vector<16xi32>
        %masked_sort3A_1009 = arith.constant dense<true> : vector<16xi1>
        %masked_sort3A_1010, %masked_sort3A_1011, %masked_sort3A_1012 = tpu.sort %select_n3A_1007, %select_n3A_1008 masked %masked_sort3A_1009 {descending = true} : (vector<16xf32>, vector<16xi32>, vector<16xi1>) -> (vector<16xi1>, vector<16xf32>, vector<16xi32>)
        %broadcast_in_dim3A_1013 = vector.broadcast %scan3A_166 : i32 to vector<16xi32>
        %gather3A_1014 = tpu.vector_load_idx %arg7[%broadcast_in_dim3A_1013, %masked_sort3A_1012] : memref<4x4096xf32, #tpu.memory_space<vmem>>[vector<16xi32>, vector<16xi32>], vector<16xf32>,
        %sub3A_1015 = arith.subi %add3A_183, %mul3A_2 : i32
        %swap3A = arith.index_cast %sub3A_1015 : i32 to index
        %swap3A_1016 = arith.constant 0 : index
        %swap3A_1017 = tpu.vector_load %arg9[%swap3A, %swap3A_1016] {strides = array<i32>} : memref<128x16xf32, #tpu.memory_space<vmem>>, vector<16xf32>,
        tpu.vector_store %arg9[%swap3A, %swap3A_1016], %gather3A_1014 {strides = array<i32>} : memref<128x16xf32, #tpu.memory_space<vmem>>, vector<16xf32>,
        %scan3A_1018 = arith.constant 0 : i32
        scf.yield %scan3A_1018 : i32
      }
      %scan3A_130 = arith.constant 4 : i32
      %add3A_131 = arith.constant 8 : i32
      %add3A_132 = arith.addi %add3A_119, %add3A_131 : i32
      %min3A_133 = arith.minsi %add3A_132, %sub3A_9 : i32
      %dma_start3A_134 = arith.constant 0 : i32
      %dma_start3A_135 = tpu.memref_slice %arg3[%min3A_133, %dma_start3A_134] : memref<4096x4096xf32, #tpu.memory_space<hbm>> -> memref<4x4096xf32, #tpu.memory_space<hbm>>
      %dma_start3A_136 = arith.constant 0 : i32
      %dma_start3A_137 = tpu.memref_slice %arg3[%min3A_133, %dma_start3A_136] : memref<4096x4096xf32, #tpu.memory_space<hbm>> -> memref<4x4096xf32, #tpu.memory_space<hbm>>
      tpu.enqueue_dma source(%dma_start3A_137 : memref<4x4096xf32, #tpu.memory_space<hbm>>) target(%arg7 : memref<4x4096xf32, #tpu.memory_space<vmem>>) target_semaphore(%arg13 : memref<!tpu.dma_semaphore, #tpu.memory_space<semaphore_mem>>)
      %add3A_138 = arith.constant 4 : i32
      %add3A_139 = arith.addi %add3A_113, %add3A_138 : i32
      %dma_wait3A_140 = arith.constant 0 : i32
      %dma_wait3A_141 = tpu.memref_slice %arg3[%add3A_139, %dma_wait3A_140] : memref<4096x4096xf32, #tpu.memory_space<hbm>> -> memref<4x4096xf32, #tpu.memory_space<hbm>>
      %dma_wait3A_142 = arith.constant 0 : i32
      %dma_wait3A_143 = tpu.memref_slice %arg3[%add3A_139, %dma_wait3A_142] : memref<4096x4096xf32, #tpu.memory_space<hbm>> -> memref<4x4096xf32, #tpu.memory_space<hbm>>
      tpu.wait_dma2 semaphore(%arg14 : memref<!tpu.dma_semaphore, #tpu.memory_space<semaphore_mem>>) src(%dma_wait3A_143 : memref<4x4096xf32, #tpu.memory_space<hbm>>) dst(%arg8 : memref<4x4096xf32, #tpu.memory_space<vmem>>)
      %scan3A_144 = arith.constant 0 : i32
      %scan3A_145 = arith.constant 0 : i32
      %scan3A_146 = arith.constant 4 : i32
      %scan3A_147 = arith.addi %scan3A_145, %scan3A_146 : i32
      %scan3A_148 = arith.constant 1 : i32
      %scan3A_149 = scf.for %scan3A_166 = %scan3A_145 to %scan3A_147 step %scan3A_148 iter_args(%scan3A_167 = %scan3A_144) -> (i32)  : i32 {
        %add3A_168 = arith.addi %add3A_139, %scan3A_166 : i32
        %add3A_169 = arith.constant 4 : i32
        %add3A_170 = arith.addi %add3A_169, %scan3A_166 : i32
        %broadcast_in_dim3A = vector.broadcast %add3A_170 : i32 to vector<16xi32>
        %broadcast_in_dim3A_171 = vector.broadcast %add3A_168 : i32 to vector<16xi32>
        %broadcast_in_dim3A_172 = arith.constant -1.000000e+00 : f32
        %broadcast_in_dim3A_173 = vector.broadcast %broadcast_in_dim3A_172 : f32 to vector<16xf32>
        %eq3A = arith.constant 0 : i32
        %eq3A_174 = vector.broadcast %eq3A : i32 to vector<16xi32>
        %eq3A_175 = arith.cmpi eq, %iota3A, %eq3A_174 : vector<16xi32>
        tpu.vector_store_idx %arg6[%broadcast_in_dim3A, %broadcast_in_dim3A_171], %broadcast_in_dim3A_173 masked %eq3A_175 : memref<8x4096xf32, #tpu.memory_space<vmem>>[vector<16xi32>, vector<16xi32>], vector<16xf32>, vector<16xi1>
        %scan3A_176 = arith.constant 0 : i32
        %scan3A_177 = arith.constant 0 : i32
        %scan3A_178 = arith.constant 16 : i32
        %scan3A_179 = arith.addi %scan3A_177, %scan3A_178 : i32
        %scan3A_180 = arith.constant 1 : i32
        %scan3A_181 = scf.for %scan3A_1019 = %scan3A_177 to %scan3A_179 step %scan3A_180 iter_args(%scan3A_1020 = %scan3A_176) -> (i32)  : i32 {
          %mul3A_1021 = arith.constant 256 : i32
          %mul3A_1022 = arith.muli %scan3A_1019, %mul3A_1021 : i32
          %add3A_1023 = arith.constant 0 : i32
          %add3A_1024 = arith.addi %mul3A_1022, %add3A_1023 : i32
          %get3A_1025 = arith.index_cast %add3A_170 : i32 to index
          %get3A_1026 = arith.index_cast %add3A_1024 : i32 to index
          %get3A_1027 = tpu.vector_load %arg6[%get3A_1025, %get3A_1026] {strides = array<i32>} : memref<8x4096xf32, #tpu.memory_space<vmem>>, vector<16xf32>,
          %mul3A_1028 = arith.constant 256 : i32
          %mul3A_1029 = arith.muli %scan3A_1019, %mul3A_1028 : i32
          %add3A_1030 = arith.constant 16 : i32
          %add3A_1031 = arith.addi %mul3A_1029, %add3A_1030 : i32
          %get3A_1032 = arith.index_cast %add3A_170 : i32 to index
          %get3A_1033 = arith.index_cast %add3A_1031 : i32 to index
          %get3A_1034 = tpu.vector_load %arg6[%get3A_1032, %get3A_1033] {strides = array<i32>} : memref<8x4096xf32, #tpu.memory_space<vmem>>, vector<16xf32>,
          %max3A = arith.maximumf %get3A_1027, %get3A_1034 : vector<16xf32>
          %mul3A_1035 = arith.constant 256 : i32
          %mul3A_1036 = arith.muli %scan3A_1019, %mul3A_1035 : i32
          %add3A_1037 = arith.constant 32 : i32
          %add3A_1038 = arith.addi %mul3A_1036, %add3A_1037 : i32
          %get3A_1039 = arith.index_cast %add3A_170 : i32 to index
          %get3A_1040 = arith.index_cast %add3A_1038 : i32 to index
          %get3A_1041 = tpu.vector_load %arg6[%get3A_1039, %get3A_1040] {strides = array<i32>} : memref<8x4096xf32, #tpu.memory_space<vmem>>, vector<16xf32>,
          %max3A_1042 = arith.maximumf %max3A, %get3A_1041 : vector<16xf32>
          %mul3A_1043 = arith.constant 256 : i32
          %mul3A_1044 = arith.muli %scan3A_1019, %mul3A_1043 : i32
          %add3A_1045 = arith.constant 48 : i32
          %add3A_1046 = arith.addi %mul3A_1044, %add3A_1045 : i32
          %get3A_1047 = arith.index_cast %add3A_170 : i32 to index
          %get3A_1048 = arith.index_cast %add3A_1046 : i32 to index
          %get3A_1049 = tpu.vector_load %arg6[%get3A_1047, %get3A_1048] {strides = array<i32>} : memref<8x4096xf32, #tpu.memory_space<vmem>>, vector<16xf32>,
          %max3A_1050 = arith.maximumf %max3A_1042, %get3A_1049 : vector<16xf32>
          %mul3A_1051 = arith.constant 256 : i32
          %mul3A_1052 = arith.muli %scan3A_1019, %mul3A_1051 : i32
          %add3A_1053 = arith.constant 64 : i32
          %add3A_1054 = arith.addi %mul3A_1052, %add3A_1053 : i32
          %get3A_1055 = arith.index_cast %add3A_170 : i32 to index
          %get3A_1056 = arith.index_cast %add3A_1054 : i32 to index
          %get3A_1057 = tpu.vector_load %arg6[%get3A_1055, %get3A_1056] {strides = array<i32>} : memref<8x4096xf32, #tpu.memory_space<vmem>>, vector<16xf32>,
          %max3A_1058 = arith.maximumf %max3A_1050, %get3A_1057 : vector<16xf32>
          %mul3A_1059 = arith.constant 256 : i32
          %mul3A_1060 = arith.muli %scan3A_1019, %mul3A_1059 : i32
          %add3A_1061 = arith.constant 80 : i32
          %add3A_1062 = arith.addi %mul3A_1060, %add3A_1061 : i32
          %get3A_1063 = arith.index_cast %add3A_170 : i32 to index
          %get3A_1064 = arith.index_cast %add3A_1062 : i32 to index
          %get3A_1065 = tpu.vector_load %arg6[%get3A_1063, %get3A_1064] {strides = array<i32>} : memref<8x4096xf32, #tpu.memory_space<vmem>>, vector<16xf32>,
          %max3A_1066 = arith.maximumf %max3A_1058, %get3A_1065 : vector<16xf32>
          %mul3A_1067 = arith.constant 256 : i32
          %mul3A_1068 = arith.muli %scan3A_1019, %mul3A_1067 : i32
          %add3A_1069 = arith.constant 96 : i32
          %add3A_1070 = arith.addi %mul3A_1068, %add3A_1069 : i32
          %get3A_1071 = arith.index_cast %add3A_170 : i32 to index
          %get3A_1072 = arith.index_cast %add3A_1070 : i32 to index
          %get3A_1073 = tpu.vector_load %arg6[%get3A_1071, %get3A_1072] {strides = array<i32>} : memref<8x4096xf32, #tpu.memory_space<vmem>>, vector<16xf32>,
          %max3A_1074 = arith.maximumf %max3A_1066, %get3A_1073 : vector<16xf32>
          %mul3A_1075 = arith.constant 256 : i32
          %mul3A_1076 = arith.muli %scan3A_1019, %mul3A_1075 : i32
          %add3A_1077 = arith.constant 112 : i32
          %add3A_1078 = arith.addi %mul3A_1076, %add3A_1077 : i32
          %get3A_1079 = arith.index_cast %add3A_170 : i32 to index
          %get3A_1080 = arith.index_cast %add3A_1078 : i32 to index
          %get3A_1081 = tpu.vector_load %arg6[%get3A_1079, %get3A_1080] {strides = array<i32>} : memref<8x4096xf32, #tpu.memory_space<vmem>>, vector<16xf32>,
          %max3A_1082 = arith.maximumf %max3A_1074, %get3A_1081 : vector<16xf32>
          %mul3A_1083 = arith.constant 256 : i32
          %mul3A_1084 = arith.muli %scan3A_1019, %mul3A_1083 : i32
          %add3A_1085 = arith.constant 128 : i32
          %add3A_1086 = arith.addi %mul3A_1084, %add3A_1085 : i32
          %get3A_1087 = arith.index_cast %add3A_170 : i32 to index
          %get3A_1088 = arith.index_cast %add3A_1086 : i32 to index
          %get3A_1089 = tpu.vector_load %arg6[%get3A_1087, %get3A_1088] {strides = array<i32>} : memref<8x4096xf32, #tpu.memory_space<vmem>>, vector<16xf32>,
          %max3A_1090 = arith.maximumf %max3A_1082, %get3A_1089 : vector<16xf32>
          %mul3A_1091 = arith.constant 256 : i32
          %mul3A_1092 = arith.muli %scan3A_1019, %mul3A_1091 : i32
          %add3A_1093 = arith.constant 144 : i32
          %add3A_1094 = arith.addi %mul3A_1092, %add3A_1093 : i32
          %get3A_1095 = arith.index_cast %add3A_170 : i32 to index
          %get3A_1096 = arith.index_cast %add3A_1094 : i32 to index
          %get3A_1097 = tpu.vector_load %arg6[%get3A_1095, %get3A_1096] {strides = array<i32>} : memref<8x4096xf32, #tpu.memory_space<vmem>>, vector<16xf32>,
          %max3A_1098 = arith.maximumf %max3A_1090, %get3A_1097 : vector<16xf32>
          %mul3A_1099 = arith.constant 256 : i32
          %mul3A_1100 = arith.muli %scan3A_1019, %mul3A_1099 : i32
          %add3A_1101 = arith.constant 160 : i32
          %add3A_1102 = arith.addi %mul3A_1100, %add3A_1101 : i32
          %get3A_1103 = arith.index_cast %add3A_170 : i32 to index
          %get3A_1104 = arith.index_cast %add3A_1102 : i32 to index
          %get3A_1105 = tpu.vector_load %arg6[%get3A_1103, %get3A_1104] {strides = array<i32>} : memref<8x4096xf32, #tpu.memory_space<vmem>>, vector<16xf32>,
          %max3A_1106 = arith.maximumf %max3A_1098, %get3A_1105 : vector<16xf32>
          %mul3A_1107 = arith.constant 256 : i32
          %mul3A_1108 = arith.muli %scan3A_1019, %mul3A_1107 : i32
          %add3A_1109 = arith.constant 176 : i32
          %add3A_1110 = arith.addi %mul3A_1108, %add3A_1109 : i32
          %get3A_1111 = arith.index_cast %add3A_170 : i32 to index
          %get3A_1112 = arith.index_cast %add3A_1110 : i32 to index
          %get3A_1113 = tpu.vector_load %arg6[%get3A_1111, %get3A_1112] {strides = array<i32>} : memref<8x4096xf32, #tpu.memory_space<vmem>>, vector<16xf32>,
          %max3A_1114 = arith.maximumf %max3A_1106, %get3A_1113 : vector<16xf32>
          %mul3A_1115 = arith.constant 256 : i32
          %mul3A_1116 = arith.muli %scan3A_1019, %mul3A_1115 : i32
          %add3A_1117 = arith.constant 192 : i32
          %add3A_1118 = arith.addi %mul3A_1116, %add3A_1117 : i32
          %get3A_1119 = arith.index_cast %add3A_170 : i32 to index
          %get3A_1120 = arith.index_cast %add3A_1118 : i32 to index
          %get3A_1121 = tpu.vector_load %arg6[%get3A_1119, %get3A_1120] {strides = array<i32>} : memref<8x4096xf32, #tpu.memory_space<vmem>>, vector<16xf32>,
          %max3A_1122 = arith.maximumf %max3A_1114, %get3A_1121 : vector<16xf32>
          %mul3A_1123 = arith.constant 256 : i32
          %mul3A_1124 = arith.muli %scan3A_1019, %mul3A_1123 : i32
          %add3A_1125 = arith.constant 208 : i32
          %add3A_1126 = arith.addi %mul3A_1124, %add3A_1125 : i32
          %get3A_1127 = arith.index_cast %add3A_170 : i32 to index
          %get3A_1128 = arith.index_cast %add3A_1126 : i32 to index
          %get3A_1129 = tpu.vector_load %arg6[%get3A_1127, %get3A_1128] {strides = array<i32>} : memref<8x4096xf32, #tpu.memory_space<vmem>>, vector<16xf32>,
          %max3A_1130 = arith.maximumf %max3A_1122, %get3A_1129 : vector<16xf32>
          %mul3A_1131 = arith.constant 256 : i32
          %mul3A_1132 = arith.muli %scan3A_1019, %mul3A_1131 : i32
          %add3A_1133 = arith.constant 224 : i32
          %add3A_1134 = arith.addi %mul3A_1132, %add3A_1133 : i32
          %get3A_1135 = arith.index_cast %add3A_170 : i32 to index
          %get3A_1136 = arith.index_cast %add3A_1134 : i32 to index
          %get3A_1137 = tpu.vector_load %arg6[%get3A_1135, %get3A_1136] {strides = array<i32>} : memref<8x4096xf32, #tpu.memory_space<vmem>>, vector<16xf32>,
          %max3A_1138 = arith.maximumf %max3A_1130, %get3A_1137 : vector<16xf32>
          %mul3A_1139 = arith.constant 256 : i32
          %mul3A_1140 = arith.muli %scan3A_1019, %mul3A_1139 : i32
          %add3A_1141 = arith.constant 240 : i32
          %add3A_1142 = arith.addi %mul3A_1140, %add3A_1141 : i32
          %get3A_1143 = arith.index_cast %add3A_170 : i32 to index
          %get3A_1144 = arith.index_cast %add3A_1142 : i32 to index
          %get3A_1145 = tpu.vector_load %arg6[%get3A_1143, %get3A_1144] {strides = array<i32>} : memref<8x4096xf32, #tpu.memory_space<vmem>>, vector<16xf32>,
          %max3A_1146 = arith.maximumf %max3A_1138, %get3A_1145 : vector<16xf32>
          %mul3A_1147 = arith.constant 16 : i32
          %mul3A_1148 = arith.muli %scan3A_1019, %mul3A_1147 : i32
          %swap3A_1149 = arith.index_cast %mul3A_1148 : i32 to index
          %swap3A_1150 = tpu.vector_load %arg10[%swap3A_1149] {strides = array<i32>} : memref<256xf32, #tpu.memory_space<vmem>>, vector<16xf32>,
          tpu.vector_store %arg10[%swap3A_1149], %max3A_1146 {strides = array<i32>} : memref<256xf32, #tpu.memory_space<vmem>>, vector<16xf32>,
          %scan3A_1151 = arith.constant 0 : i32
          scf.yield %scan3A_1151 : i32
        }
        %scan3A_182 = arith.constant 16 : i32
        %add3A_183 = arith.addi %add3A_139, %scan3A_166 : i32
        %add3A_184 = arith.constant 4 : i32
        %add3A_185 = arith.addi %add3A_184, %scan3A_166 : i32
        %broadcast_in_dim3A_186 = vector.broadcast %add3A_185 : i32 to vector<16xi32>
        %get3A = arith.constant 0 : index
        %get3A_187 = tpu.vector_load %arg10[%get3A] {strides = array<i32>} : memref<256xf32, #tpu.memory_space<vmem>>, vector<16xf32>,
        %add3A_188 = arith.constant 0 : i32
        %add3A_189 = vector.broadcast %add3A_188 : i32 to vector<16xi32>
        %add3A_190 = arith.addi %add3A_189, %iota3A : vector<16xi32>
        %get3A_191 = arith.constant 16 : index
        %get3A_192 = tpu.vector_load %arg10[%get3A_191] {strides = array<i32>} : memref<256xf32, #tpu.memory_space<vmem>>, vector<16xf32>,
        %add3A_193 = arith.constant 16 : i32
        %add3A_194 = vector.broadcast %add3A_193 : i32 to vector<16xi32>
        %add3A_195 = arith.addi %add3A_194, %iota3A : vector<16xi32>
        %get3A_196 = arith.constant 32 : index
        %get3A_197 = tpu.vector_load %arg10[%get3A_196] {strides = array<i32>} : memref<256xf32, #tpu.memory_space<vmem>>, vector<16xf32>,
        %add3A_198 = arith.constant 32 : i32
        %add3A_199 = vector.broadcast %add3A_198 : i32 to vector<16xi32>
        %add3A_200 = arith.addi %add3A_199, %iota3A : vector<16xi32>
        %get3A_201 = arith.constant 48 : index
        %get3A_202 = tpu.vector_load %arg10[%get3A_201] {strides = array<i32>} : memref<256xf32, #tpu.memory_space<vmem>>, vector<16xf32>,
        %add3A_203 = arith.constant 48 : i32
        %add3A_204 = vector.broadcast %add3A_203 : i32 to vector<16xi32>
        %add3A_205 = arith.addi %add3A_204, %iota3A : vector<16xi32>
        %get3A_206 = arith.constant 64 : index
        %get3A_207 = tpu.vector_load %arg10[%get3A_206] {strides = array<i32>} : memref<256xf32, #tpu.memory_space<vmem>>, vector<16xf32>,
        %add3A_208 = arith.constant 64 : i32
        %add3A_209 = vector.broadcast %add3A_208 : i32 to vector<16xi32>
        %add3A_210 = arith.addi %add3A_209, %iota3A : vector<16xi32>
        %get3A_211 = arith.constant 80 : index
        %get3A_212 = tpu.vector_load %arg10[%get3A_211] {strides = array<i32>} : memref<256xf32, #tpu.memory_space<vmem>>, vector<16xf32>,
        %add3A_213 = arith.constant 80 : i32
        %add3A_214 = vector.broadcast %add3A_213 : i32 to vector<16xi32>
        %add3A_215 = arith.addi %add3A_214, %iota3A : vector<16xi32>
        %get3A_216 = arith.constant 96 : index
        %get3A_217 = tpu.vector_load %arg10[%get3A_216] {strides = array<i32>} : memref<256xf32, #tpu.memory_space<vmem>>, vector<16xf32>,
        %add3A_218 = arith.constant 96 : i32
        %add3A_219 = vector.broadcast %add3A_218 : i32 to vector<16xi32>
        %add3A_220 = arith.addi %add3A_219, %iota3A : vector<16xi32>
        %get3A_221 = arith.constant 112 : index
        %get3A_222 = tpu.vector_load %arg10[%get3A_221] {strides = array<i32>} : memref<256xf32, #tpu.memory_space<vmem>>, vector<16xf32>,
        %add3A_223 = arith.constant 112 : i32
        %add3A_224 = vector.broadcast %add3A_223 : i32 to vector<16xi32>
        %add3A_225 = arith.addi %add3A_224, %iota3A : vector<16xi32>
        %get3A_226 = arith.constant 128 : index
        %get3A_227 = tpu.vector_load %arg10[%get3A_226] {strides = array<i32>} : memref<256xf32, #tpu.memory_space<vmem>>, vector<16xf32>,
        %add3A_228 = arith.constant 128 : i32
        %add3A_229 = vector.broadcast %add3A_228 : i32 to vector<16xi32>
        %add3A_230 = arith.addi %add3A_229, %iota3A : vector<16xi32>
        %get3A_231 = arith.constant 144 : index
        %get3A_232 = tpu.vector_load %arg10[%get3A_231] {strides = array<i32>} : memref<256xf32, #tpu.memory_space<vmem>>, vector<16xf32>,
        %add3A_233 = arith.constant 144 : i32
        %add3A_234 = vector.broadcast %add3A_233 : i32 to vector<16xi32>
        %add3A_235 = arith.addi %add3A_234, %iota3A : vector<16xi32>
        %get3A_236 = arith.constant 160 : index
        %get3A_237 = tpu.vector_load %arg10[%get3A_236] {strides = array<i32>} : memref<256xf32, #tpu.memory_space<vmem>>, vector<16xf32>,
        %add3A_238 = arith.constant 160 : i32
        %add3A_239 = vector.broadcast %add3A_238 : i32 to vector<16xi32>
        %add3A_240 = arith.addi %add3A_239, %iota3A : vector<16xi32>
        %get3A_241 = arith.constant 176 : index
        %get3A_242 = tpu.vector_load %arg10[%get3A_241] {strides = array<i32>} : memref<256xf32, #tpu.memory_space<vmem>>, vector<16xf32>,
        %add3A_243 = arith.constant 176 : i32
        %add3A_244 = vector.broadcast %add3A_243 : i32 to vector<16xi32>
        %add3A_245 = arith.addi %add3A_244, %iota3A : vector<16xi32>
        %get3A_246 = arith.constant 192 : index
        %get3A_247 = tpu.vector_load %arg10[%get3A_246] {strides = array<i32>} : memref<256xf32, #tpu.memory_space<vmem>>, vector<16xf32>,
        %add3A_248 = arith.constant 192 : i32
        %add3A_249 = vector.broadcast %add3A_248 : i32 to vector<16xi32>
        %add3A_250 = arith.addi %add3A_249, %iota3A : vector<16xi32>
        %get3A_251 = arith.constant 208 : index
        %get3A_252 = tpu.vector_load %arg10[%get3A_251] {strides = array<i32>} : memref<256xf32, #tpu.memory_space<vmem>>, vector<16xf32>,
        %add3A_253 = arith.constant 208 : i32
        %add3A_254 = vector.broadcast %add3A_253 : i32 to vector<16xi32>
        %add3A_255 = arith.addi %add3A_254, %iota3A : vector<16xi32>
        %get3A_256 = arith.constant 224 : index
        %get3A_257 = tpu.vector_load %arg10[%get3A_256] {strides = array<i32>} : memref<256xf32, #tpu.memory_space<vmem>>, vector<16xf32>,
        %add3A_258 = arith.constant 224 : i32
        %add3A_259 = vector.broadcast %add3A_258 : i32 to vector<16xi32>
        %add3A_260 = arith.addi %add3A_259, %iota3A : vector<16xi32>
        %get3A_261 = arith.constant 240 : index
        %get3A_262 = tpu.vector_load %arg10[%get3A_261] {strides = array<i32>} : memref<256xf32, #tpu.memory_space<vmem>>, vector<16xf32>,
        %add3A_263 = arith.constant 240 : i32
        %add3A_264 = vector.broadcast %add3A_263 : i32 to vector<16xi32>
        %add3A_265 = arith.addi %add3A_264, %iota3A : vector<16xi32>
        %masked_sort3A = arith.constant dense<true> : vector<16xi1>
        %masked_sort3A_266, %masked_sort3A_267, %masked_sort3A_268 = tpu.sort %get3A_187, %add3A_190 masked %masked_sort3A {descending = true} : (vector<16xf32>, vector<16xi32>, vector<16xi1>) -> (vector<16xi1>, vector<16xf32>, vector<16xi32>)
        %masked_sort3A_269 = arith.constant dense<true> : vector<16xi1>
        %masked_sort3A_270, %masked_sort3A_271, %masked_sort3A_272 = tpu.sort %get3A_192, %add3A_195 masked %masked_sort3A_269 {descending = true} : (vector<16xf32>, vector<16xi32>, vector<16xi1>) -> (vector<16xi1>, vector<16xf32>, vector<16xi32>)
        %masked_sort3A_273 = arith.constant dense<true> : vector<16xi1>
        %masked_sort3A_274, %masked_sort3A_275, %masked_sort3A_276 = tpu.sort %get3A_197, %add3A_200 masked %masked_sort3A_273 {descending = true} : (vector<16xf32>, vector<16xi32>, vector<16xi1>) -> (vector<16xi1>, vector<16xf32>, vector<16xi32>)
        %masked_sort3A_277 = arith.constant dense<true> : vector<16xi1>
        %masked_sort3A_278, %masked_sort3A_279, %masked_sort3A_280 = tpu.sort %get3A_202, %add3A_205 masked %masked_sort3A_277 {descending = true} : (vector<16xf32>, vector<16xi32>, vector<16xi1>) -> (vector<16xi1>, vector<16xf32>, vector<16xi32>)
        %masked_sort3A_281 = arith.constant dense<true> : vector<16xi1>
        %masked_sort3A_282, %masked_sort3A_283, %masked_sort3A_284 = tpu.sort %get3A_207, %add3A_210 masked %masked_sort3A_281 {descending = true} : (vector<16xf32>, vector<16xi32>, vector<16xi1>) -> (vector<16xi1>, vector<16xf32>, vector<16xi32>)
        %masked_sort3A_285 = arith.constant dense<true> : vector<16xi1>
        %masked_sort3A_286, %masked_sort3A_287, %masked_sort3A_288 = tpu.sort %get3A_212, %add3A_215 masked %masked_sort3A_285 {descending = true} : (vector<16xf32>, vector<16xi32>, vector<16xi1>) -> (vector<16xi1>, vector<16xf32>, vector<16xi32>)
        %masked_sort3A_289 = arith.constant dense<true> : vector<16xi1>
        %masked_sort3A_290, %masked_sort3A_291, %masked_sort3A_292 = tpu.sort %get3A_217, %add3A_220 masked %masked_sort3A_289 {descending = true} : (vector<16xf32>, vector<16xi32>, vector<16xi1>) -> (vector<16xi1>, vector<16xf32>, vector<16xi32>)
        %masked_sort3A_293 = arith.constant dense<true> : vector<16xi1>
        %masked_sort3A_294, %masked_sort3A_295, %masked_sort3A_296 = tpu.sort %get3A_222, %add3A_225 masked %masked_sort3A_293 {descending = true} : (vector<16xf32>, vector<16xi32>, vector<16xi1>) -> (vector<16xi1>, vector<16xf32>, vector<16xi32>)
        %masked_sort3A_297 = arith.constant dense<true> : vector<16xi1>
        %masked_sort3A_298, %masked_sort3A_299, %masked_sort3A_300 = tpu.sort %get3A_227, %add3A_230 masked %masked_sort3A_297 {descending = true} : (vector<16xf32>, vector<16xi32>, vector<16xi1>) -> (vector<16xi1>, vector<16xf32>, vector<16xi32>)
        %masked_sort3A_301 = arith.constant dense<true> : vector<16xi1>
        %masked_sort3A_302, %masked_sort3A_303, %masked_sort3A_304 = tpu.sort %get3A_232, %add3A_235 masked %masked_sort3A_301 {descending = true} : (vector<16xf32>, vector<16xi32>, vector<16xi1>) -> (vector<16xi1>, vector<16xf32>, vector<16xi32>)
        %masked_sort3A_305 = arith.constant dense<true> : vector<16xi1>
        %masked_sort3A_306, %masked_sort3A_307, %masked_sort3A_308 = tpu.sort %get3A_237, %add3A_240 masked %masked_sort3A_305 {descending = true} : (vector<16xf32>, vector<16xi32>, vector<16xi1>) -> (vector<16xi1>, vector<16xf32>, vector<16xi32>)
        %masked_sort3A_309 = arith.constant dense<true> : vector<16xi1>
        %masked_sort3A_310, %masked_sort3A_311, %masked_sort3A_312 = tpu.sort %get3A_242, %add3A_245 masked %masked_sort3A_309 {descending = true} : (vector<16xf32>, vector<16xi32>, vector<16xi1>) -> (vector<16xi1>, vector<16xf32>, vector<16xi32>)
        %masked_sort3A_313 = arith.constant dense<true> : vector<16xi1>
        %masked_sort3A_314, %masked_sort3A_315, %masked_sort3A_316 = tpu.sort %get3A_247, %add3A_250 masked %masked_sort3A_313 {descending = true} : (vector<16xf32>, vector<16xi32>, vector<16xi1>) -> (vector<16xi1>, vector<16xf32>, vector<16xi32>)
        %masked_sort3A_317 = arith.constant dense<true> : vector<16xi1>
        %masked_sort3A_318, %masked_sort3A_319, %masked_sort3A_320 = tpu.sort %get3A_252, %add3A_255 masked %masked_sort3A_317 {descending = true} : (vector<16xf32>, vector<16xi32>, vector<16xi1>) -> (vector<16xi1>, vector<16xf32>, vector<16xi32>)
        %masked_sort3A_321 = arith.constant dense<true> : vector<16xi1>
        %masked_sort3A_322, %masked_sort3A_323, %masked_sort3A_324 = tpu.sort %get3A_257, %add3A_260 masked %masked_sort3A_321 {descending = true} : (vector<16xf32>, vector<16xi32>, vector<16xi1>) -> (vector<16xi1>, vector<16xf32>, vector<16xi32>)
        %masked_sort3A_325 = arith.constant dense<true> : vector<16xi1>
        %masked_sort3A_326, %masked_sort3A_327, %masked_sort3A_328 = tpu.sort %get3A_262, %add3A_265 masked %masked_sort3A_325 {descending = true} : (vector<16xf32>, vector<16xi32>, vector<16xi1>) -> (vector<16xi1>, vector<16xf32>, vector<16xi32>)
        %rev3A = arith.constant 15 : i32
        %rev3A_329 = vector.broadcast %rev3A : i32 to vector<16xi32>
        %rev3A_330 = tpu.iota {dimensions = array<i32: 0>} : vector<16xi32>
        %rev3A_331 = arith.subi %rev3A_329, %rev3A_330 : vector<16xi32>
        %rev3A_332 = tpu.dynamic_gather %masked_sort3A_271[%rev3A_331] in [0] : vector<16xf32>, vector<16xi32> -> vector<16xf32>
        %rev3A_333 = arith.constant 15 : i32
        %rev3A_334 = vector.broadcast %rev3A_333 : i32 to vector<16xi32>
        %rev3A_335 = tpu.iota {dimensions = array<i32: 0>} : vector<16xi32>
        %rev3A_336 = arith.subi %rev3A_334, %rev3A_335 : vector<16xi32>
        %rev3A_337 = tpu.dynamic_gather %masked_sort3A_272[%rev3A_336] in [0] : vector<16xi32>, vector<16xi32> -> vector<16xi32>
        %gt3A = arith.cmpf ogt, %rev3A_332, %masked_sort3A_267 : vector<16xf32>
        %select_n3A = arith.select %gt3A, %rev3A_332, %masked_sort3A_267 : vector<16xi1>, vector<16xf32>
        %select_n3A_338 = arith.select %gt3A, %rev3A_337, %masked_sort3A_268 : vector<16xi1>, vector<16xi32>
        %masked_sort3A_339 = arith.constant dense<true> : vector<16xi1>
        %masked_sort3A_340, %masked_sort3A_341, %masked_sort3A_342 = tpu.sort %select_n3A, %select_n3A_338 masked %masked_sort3A_339 {descending = true} : (vector<16xf32>, vector<16xi32>, vector<16xi1>) -> (vector<16xi1>, vector<16xf32>, vector<16xi32>)
        %rev3A_343 = arith.constant 15 : i32
        %rev3A_344 = vector.broadcast %rev3A_343 : i32 to vector<16xi32>
        %rev3A_345 = tpu.iota {dimensions = array<i32: 0>} : vector<16xi32>
        %rev3A_346 = arith.subi %rev3A_344, %rev3A_345 : vector<16xi32>
        %rev3A_347 = tpu.dynamic_gather %masked_sort3A_279[%rev3A_346] in [0] : vector<16xf32>, vector<16xi32> -> vector<16xf32>
        %rev3A_348 = arith.constant 15 : i32
        %rev3A_349 = vector.broadcast %rev3A_348 : i32 to vector<16xi32>
        %rev3A_350 = tpu.iota {dimensions = array<i32: 0>} : vector<16xi32>
        %rev3A_351 = arith.subi %rev3A_349, %rev3A_350 : vector<16xi32>
        %rev3A_352 = tpu.dynamic_gather %masked_sort3A_280[%rev3A_351] in [0] : vector<16xi32>, vector<16xi32> -> vector<16xi32>
        %gt3A_353 = arith.cmpf ogt, %rev3A_347, %masked_sort3A_275 : vector<16xf32>
        %select_n3A_354 = arith.select %gt3A_353, %rev3A_347, %masked_sort3A_275 : vector<16xi1>, vector<16xf32>
        %select_n3A_355 = arith.select %gt3A_353, %rev3A_352, %masked_sort3A_276 : vector<16xi1>, vector<16xi32>
        %masked_sort3A_356 = arith.constant dense<true> : vector<16xi1>
        %masked_sort3A_357, %masked_sort3A_358, %masked_sort3A_359 = tpu.sort %select_n3A_354, %select_n3A_355 masked %masked_sort3A_356 {descending = true} : (vector<16xf32>, vector<16xi32>, vector<16xi1>) -> (vector<16xi1>, vector<16xf32>, vector<16xi32>)
        %rev3A_360 = arith.constant 15 : i32
        %rev3A_361 = vector.broadcast %rev3A_360 : i32 to vector<16xi32>
        %rev3A_362 = tpu.iota {dimensions = array<i32: 0>} : vector<16xi32>
        %rev3A_363 = arith.subi %rev3A_361, %rev3A_362 : vector<16xi32>
        %rev3A_364 = tpu.dynamic_gather %masked_sort3A_287[%rev3A_363] in [0] : vector<16xf32>, vector<16xi32> -> vector<16xf32>
        %rev3A_365 = arith.constant 15 : i32
        %rev3A_366 = vector.broadcast %rev3A_365 : i32 to vector<16xi32>
        %rev3A_367 = tpu.iota {dimensions = array<i32: 0>} : vector<16xi32>
        %rev3A_368 = arith.subi %rev3A_366, %rev3A_367 : vector<16xi32>
        %rev3A_369 = tpu.dynamic_gather %masked_sort3A_288[%rev3A_368] in [0] : vector<16xi32>, vector<16xi32> -> vector<16xi32>
        %gt3A_370 = arith.cmpf ogt, %rev3A_364, %masked_sort3A_283 : vector<16xf32>
        %select_n3A_371 = arith.select %gt3A_370, %rev3A_364, %masked_sort3A_283 : vector<16xi1>, vector<16xf32>
        %select_n3A_372 = arith.select %gt3A_370, %rev3A_369, %masked_sort3A_284 : vector<16xi1>, vector<16xi32>
        %masked_sort3A_373 = arith.constant dense<true> : vector<16xi1>
        %masked_sort3A_374, %masked_sort3A_375, %masked_sort3A_376 = tpu.sort %select_n3A_371, %select_n3A_372 masked %masked_sort3A_373 {descending = true} : (vector<16xf32>, vector<16xi32>, vector<16xi1>) -> (vector<16xi1>, vector<16xf32>, vector<16xi32>)
        %rev3A_377 = arith.constant 15 : i32
        %rev3A_378 = vector.broadcast %rev3A_377 : i32 to vector<16xi32>
        %rev3A_379 = tpu.iota {dimensions = array<i32: 0>} : vector<16xi32>
        %rev3A_380 = arith.subi %rev3A_378, %rev3A_379 : vector<16xi32>
        %rev3A_381 = tpu.dynamic_gather %masked_sort3A_295[%rev3A_380] in [0] : vector<16xf32>, vector<16xi32> -> vector<16xf32>
        %rev3A_382 = arith.constant 15 : i32
        %rev3A_383 = vector.broadcast %rev3A_382 : i32 to vector<16xi32>
        %rev3A_384 = tpu.iota {dimensions = array<i32: 0>} : vector<16xi32>
        %rev3A_385 = arith.subi %rev3A_383, %rev3A_384 : vector<16xi32>
        %rev3A_386 = tpu.dynamic_gather %masked_sort3A_296[%rev3A_385] in [0] : vector<16xi32>, vector<16xi32> -> vector<16xi32>
        %gt3A_387 = arith.cmpf ogt, %rev3A_381, %masked_sort3A_291 : vector<16xf32>
        %select_n3A_388 = arith.select %gt3A_387, %rev3A_381, %masked_sort3A_291 : vector<16xi1>, vector<16xf32>
        %select_n3A_389 = arith.select %gt3A_387, %rev3A_386, %masked_sort3A_292 : vector<16xi1>, vector<16xi32>
        %masked_sort3A_390 = arith.constant dense<true> : vector<16xi1>
        %masked_sort3A_391, %masked_sort3A_392, %masked_sort3A_393 = tpu.sort %select_n3A_388, %select_n3A_389 masked %masked_sort3A_390 {descending = true} : (vector<16xf32>, vector<16xi32>, vector<16xi1>) -> (vector<16xi1>, vector<16xf32>, vector<16xi32>)
        %rev3A_394 = arith.constant 15 : i32
        %rev3A_395 = vector.broadcast %rev3A_394 : i32 to vector<16xi32>
        %rev3A_396 = tpu.iota {dimensions = array<i32: 0>} : vector<16xi32>
        %rev3A_397 = arith.subi %rev3A_395, %rev3A_396 : vector<16xi32>
        %rev3A_398 = tpu.dynamic_gather %masked_sort3A_303[%rev3A_397] in [0] : vector<16xf32>, vector<16xi32> -> vector<16xf32>
        %rev3A_399 = arith.constant 15 : i32
        %rev3A_400 = vector.broadcast %rev3A_399 : i32 to vector<16xi32>
        %rev3A_401 = tpu.iota {dimensions = array<i32: 0>} : vector<16xi32>
        %rev3A_402 = arith.subi %rev3A_400, %rev3A_401 : vector<16xi32>
        %rev3A_403 = tpu.dynamic_gather %masked_sort3A_304[%rev3A_402] in [0] : vector<16xi32>, vector<16xi32> -> vector<16xi32>
        %gt3A_404 = arith.cmpf ogt, %rev3A_398, %masked_sort3A_299 : vector<16xf32>
        %select_n3A_405 = arith.select %gt3A_404, %rev3A_398, %masked_sort3A_299 : vector<16xi1>, vector<16xf32>
        %select_n3A_406 = arith.select %gt3A_404, %rev3A_403, %masked_sort3A_300 : vector<16xi1>, vector<16xi32>
        %masked_sort3A_407 = arith.constant dense<true> : vector<16xi1>
        %masked_sort3A_408, %masked_sort3A_409, %masked_sort3A_410 = tpu.sort %select_n3A_405, %select_n3A_406 masked %masked_sort3A_407 {descending = true} : (vector<16xf32>, vector<16xi32>, vector<16xi1>) -> (vector<16xi1>, vector<16xf32>, vector<16xi32>)
        %rev3A_411 = arith.constant 15 : i32
        %rev3A_412 = vector.broadcast %rev3A_411 : i32 to vector<16xi32>
        %rev3A_413 = tpu.iota {dimensions = array<i32: 0>} : vector<16xi32>
        %rev3A_414 = arith.subi %rev3A_412, %rev3A_413 : vector<16xi32>
        %rev3A_415 = tpu.dynamic_gather %masked_sort3A_311[%rev3A_414] in [0] : vector<16xf32>, vector<16xi32> -> vector<16xf32>
        %rev3A_416 = arith.constant 15 : i32
        %rev3A_417 = vector.broadcast %rev3A_416 : i32 to vector<16xi32>
        %rev3A_418 = tpu.iota {dimensions = array<i32: 0>} : vector<16xi32>
        %rev3A_419 = arith.subi %rev3A_417, %rev3A_418 : vector<16xi32>
        %rev3A_420 = tpu.dynamic_gather %masked_sort3A_312[%rev3A_419] in [0] : vector<16xi32>, vector<16xi32> -> vector<16xi32>
        %gt3A_421 = arith.cmpf ogt, %rev3A_415, %masked_sort3A_307 : vector<16xf32>
        %select_n3A_422 = arith.select %gt3A_421, %rev3A_415, %masked_sort3A_307 : vector<16xi1>, vector<16xf32>
        %select_n3A_423 = arith.select %gt3A_421, %rev3A_420, %masked_sort3A_308 : vector<16xi1>, vector<16xi32>
        %masked_sort3A_424 = arith.constant dense<true> : vector<16xi1>
        %masked_sort3A_425, %masked_sort3A_426, %masked_sort3A_427 = tpu.sort %select_n3A_422, %select_n3A_423 masked %masked_sort3A_424 {descending = true} : (vector<16xf32>, vector<16xi32>, vector<16xi1>) -> (vector<16xi1>, vector<16xf32>, vector<16xi32>)
        %rev3A_428 = arith.constant 15 : i32
        %rev3A_429 = vector.broadcast %rev3A_428 : i32 to vector<16xi32>
        %rev3A_430 = tpu.iota {dimensions = array<i32: 0>} : vector<16xi32>
        %rev3A_431 = arith.subi %rev3A_429, %rev3A_430 : vector<16xi32>
        %rev3A_432 = tpu.dynamic_gather %masked_sort3A_319[%rev3A_431] in [0] : vector<16xf32>, vector<16xi32> -> vector<16xf32>
        %rev3A_433 = arith.constant 15 : i32
        %rev3A_434 = vector.broadcast %rev3A_433 : i32 to vector<16xi32>
        %rev3A_435 = tpu.iota {dimensions = array<i32: 0>} : vector<16xi32>
        %rev3A_436 = arith.subi %rev3A_434, %rev3A_435 : vector<16xi32>
        %rev3A_437 = tpu.dynamic_gather %masked_sort3A_320[%rev3A_436] in [0] : vector<16xi32>, vector<16xi32> -> vector<16xi32>
        %gt3A_438 = arith.cmpf ogt, %rev3A_432, %masked_sort3A_315 : vector<16xf32>
        %select_n3A_439 = arith.select %gt3A_438, %rev3A_432, %masked_sort3A_315 : vector<16xi1>, vector<16xf32>
        %select_n3A_440 = arith.select %gt3A_438, %rev3A_437, %masked_sort3A_316 : vector<16xi1>, vector<16xi32>
        %masked_sort3A_441 = arith.constant dense<true> : vector<16xi1>
        %masked_sort3A_442, %masked_sort3A_443, %masked_sort3A_444 = tpu.sort %select_n3A_439, %select_n3A_440 masked %masked_sort3A_441 {descending = true} : (vector<16xf32>, vector<16xi32>, vector<16xi1>) -> (vector<16xi1>, vector<16xf32>, vector<16xi32>)
        %rev3A_445 = arith.constant 15 : i32
        %rev3A_446 = vector.broadcast %rev3A_445 : i32 to vector<16xi32>
        %rev3A_447 = tpu.iota {dimensions = array<i32: 0>} : vector<16xi32>
        %rev3A_448 = arith.subi %rev3A_446, %rev3A_447 : vector<16xi32>
        %rev3A_449 = tpu.dynamic_gather %masked_sort3A_327[%rev3A_448] in [0] : vector<16xf32>, vector<16xi32> -> vector<16xf32>
        %rev3A_450 = arith.constant 15 : i32
        %rev3A_451 = vector.broadcast %rev3A_450 : i32 to vector<16xi32>
        %rev3A_452 = tpu.iota {dimensions = array<i32: 0>} : vector<16xi32>
        %rev3A_453 = arith.subi %rev3A_451, %rev3A_452 : vector<16xi32>
        %rev3A_454 = tpu.dynamic_gather %masked_sort3A_328[%rev3A_453] in [0] : vector<16xi32>, vector<16xi32> -> vector<16xi32>
        %gt3A_455 = arith.cmpf ogt, %rev3A_449, %masked_sort3A_323 : vector<16xf32>
        %select_n3A_456 = arith.select %gt3A_455, %rev3A_449, %masked_sort3A_323 : vector<16xi1>, vector<16xf32>
        %select_n3A_457 = arith.select %gt3A_455, %rev3A_454, %masked_sort3A_324 : vector<16xi1>, vector<16xi32>
        %masked_sort3A_458 = arith.constant dense<true> : vector<16xi1>
        %masked_sort3A_459, %masked_sort3A_460, %masked_sort3A_461 = tpu.sort %select_n3A_456, %select_n3A_457 masked %masked_sort3A_458 {descending = true} : (vector<16xf32>, vector<16xi32>, vector<16xi1>) -> (vector<16xi1>, vector<16xf32>, vector<16xi32>)
        %rev3A_462 = arith.constant 15 : i32
        %rev3A_463 = vector.broadcast %rev3A_462 : i32 to vector<16xi32>
        %rev3A_464 = tpu.iota {dimensions = array<i32: 0>} : vector<16xi32>
        %rev3A_465 = arith.subi %rev3A_463, %rev3A_464 : vector<16xi32>
        %rev3A_466 = tpu.dynamic_gather %masked_sort3A_358[%rev3A_465] in [0] : vector<16xf32>, vector<16xi32> -> vector<16xf32>
        %rev3A_467 = arith.constant 15 : i32
        %rev3A_468 = vector.broadcast %rev3A_467 : i32 to vector<16xi32>
        %rev3A_469 = tpu.iota {dimensions = array<i32: 0>} : vector<16xi32>
        %rev3A_470 = arith.subi %rev3A_468, %rev3A_469 : vector<16xi32>
        %rev3A_471 = tpu.dynamic_gather %masked_sort3A_359[%rev3A_470] in [0] : vector<16xi32>, vector<16xi32> -> vector<16xi32>
        %gt3A_472 = arith.cmpf ogt, %rev3A_466, %masked_sort3A_341 : vector<16xf32>
        %select_n3A_473 = arith.select %gt3A_472, %rev3A_466, %masked_sort3A_341 : vector<16xi1>, vector<16xf32>
        %select_n3A_474 = arith.select %gt3A_472, %rev3A_471, %masked_sort3A_342 : vector<16xi1>, vector<16xi32>
        %masked_sort3A_475 = arith.constant dense<true> : vector<16xi1>
        %masked_sort3A_476, %masked_sort3A_477, %masked_sort3A_478 = tpu.sort %select_n3A_473, %select_n3A_474 masked %masked_sort3A_475 {descending = true} : (vector<16xf32>, vector<16xi32>, vector<16xi1>) -> (vector<16xi1>, vector<16xf32>, vector<16xi32>)
        %rev3A_479 = arith.constant 15 : i32
        %rev3A_480 = vector.broadcast %rev3A_479 : i32 to vector<16xi32>
        %rev3A_481 = tpu.iota {dimensions = array<i32: 0>} : vector<16xi32>
        %rev3A_482 = arith.subi %rev3A_480, %rev3A_481 : vector<16xi32>
        %rev3A_483 = tpu.dynamic_gather %masked_sort3A_392[%rev3A_482] in [0] : vector<16xf32>, vector<16xi32> -> vector<16xf32>
        %rev3A_484 = arith.constant 15 : i32
        %rev3A_485 = vector.broadcast %rev3A_484 : i32 to vector<16xi32>
        %rev3A_486 = tpu.iota {dimensions = array<i32: 0>} : vector<16xi32>
        %rev3A_487 = arith.subi %rev3A_485, %rev3A_486 : vector<16xi32>
        %rev3A_488 = tpu.dynamic_gather %masked_sort3A_393[%rev3A_487] in [0] : vector<16xi32>, vector<16xi32> -> vector<16xi32>
        %gt3A_489 = arith.cmpf ogt, %rev3A_483, %masked_sort3A_375 : vector<16xf32>
        %select_n3A_490 = arith.select %gt3A_489, %rev3A_483, %masked_sort3A_375 : vector<16xi1>, vector<16xf32>
        %select_n3A_491 = arith.select %gt3A_489, %rev3A_488, %masked_sort3A_376 : vector<16xi1>, vector<16xi32>
        %masked_sort3A_492 = arith.constant dense<true> : vector<16xi1>
        %masked_sort3A_493, %masked_sort3A_494, %masked_sort3A_495 = tpu.sort %select_n3A_490, %select_n3A_491 masked %masked_sort3A_492 {descending = true} : (vector<16xf32>, vector<16xi32>, vector<16xi1>) -> (vector<16xi1>, vector<16xf32>, vector<16xi32>)
        %rev3A_496 = arith.constant 15 : i32
        %rev3A_497 = vector.broadcast %rev3A_496 : i32 to vector<16xi32>
        %rev3A_498 = tpu.iota {dimensions = array<i32: 0>} : vector<16xi32>
        %rev3A_499 = arith.subi %rev3A_497, %rev3A_498 : vector<16xi32>
        %rev3A_500 = tpu.dynamic_gather %masked_sort3A_426[%rev3A_499] in [0] : vector<16xf32>, vector<16xi32> -> vector<16xf32>
        %rev3A_501 = arith.constant 15 : i32
        %rev3A_502 = vector.broadcast %rev3A_501 : i32 to vector<16xi32>
        %rev3A_503 = tpu.iota {dimensions = array<i32: 0>} : vector<16xi32>
        %rev3A_504 = arith.subi %rev3A_502, %rev3A_503 : vector<16xi32>
        %rev3A_505 = tpu.dynamic_gather %masked_sort3A_427[%rev3A_504] in [0] : vector<16xi32>, vector<16xi32> -> vector<16xi32>
        %gt3A_506 = arith.cmpf ogt, %rev3A_500, %masked_sort3A_409 : vector<16xf32>
        %select_n3A_507 = arith.select %gt3A_506, %rev3A_500, %masked_sort3A_409 : vector<16xi1>, vector<16xf32>
        %select_n3A_508 = arith.select %gt3A_506, %rev3A_505, %masked_sort3A_410 : vector<16xi1>, vector<16xi32>
        %masked_sort3A_509 = arith.constant dense<true> : vector<16xi1>
        %masked_sort3A_510, %masked_sort3A_511, %masked_sort3A_512 = tpu.sort %select_n3A_507, %select_n3A_508 masked %masked_sort3A_509 {descending = true} : (vector<16xf32>, vector<16xi32>, vector<16xi1>) -> (vector<16xi1>, vector<16xf32>, vector<16xi32>)
        %rev3A_513 = arith.constant 15 : i32
        %rev3A_514 = vector.broadcast %rev3A_513 : i32 to vector<16xi32>
        %rev3A_515 = tpu.iota {dimensions = array<i32: 0>} : vector<16xi32>
        %rev3A_516 = arith.subi %rev3A_514, %rev3A_515 : vector<16xi32>
        %rev3A_517 = tpu.dynamic_gather %masked_sort3A_460[%rev3A_516] in [0] : vector<16xf32>, vector<16xi32> -> vector<16xf32>
        %rev3A_518 = arith.constant 15 : i32
        %rev3A_519 = vector.broadcast %rev3A_518 : i32 to vector<16xi32>
        %rev3A_520 = tpu.iota {dimensions = array<i32: 0>} : vector<16xi32>
        %rev3A_521 = arith.subi %rev3A_519, %rev3A_520 : vector<16xi32>
        %rev3A_522 = tpu.dynamic_gather %masked_sort3A_461[%rev3A_521] in [0] : vector<16xi32>, vector<16xi32> -> vector<16xi32>
        %gt3A_523 = arith.cmpf ogt, %rev3A_517, %masked_sort3A_443 : vector<16xf32>
        %select_n3A_524 = arith.select %gt3A_523, %rev3A_517, %masked_sort3A_443 : vector<16xi1>, vector<16xf32>
        %select_n3A_525 = arith.select %gt3A_523, %rev3A_522, %masked_sort3A_444 : vector<16xi1>, vector<16xi32>
        %masked_sort3A_526 = arith.constant dense<true> : vector<16xi1>
        %masked_sort3A_527, %masked_sort3A_528, %masked_sort3A_529 = tpu.sort %select_n3A_524, %select_n3A_525 masked %masked_sort3A_526 {descending = true} : (vector<16xf32>, vector<16xi32>, vector<16xi1>) -> (vector<16xi1>, vector<16xf32>, vector<16xi32>)
        %rev3A_530 = arith.constant 15 : i32
        %rev3A_531 = vector.broadcast %rev3A_530 : i32 to vector<16xi32>
        %rev3A_532 = tpu.iota {dimensions = array<i32: 0>} : vector<16xi32>
        %rev3A_533 = arith.subi %rev3A_531, %rev3A_532 : vector<16xi32>
        %rev3A_534 = tpu.dynamic_gather %masked_sort3A_494[%rev3A_533] in [0] : vector<16xf32>, vector<16xi32> -> vector<16xf32>
        %rev3A_535 = arith.constant 15 : i32
        %rev3A_536 = vector.broadcast %rev3A_535 : i32 to vector<16xi32>
        %rev3A_537 = tpu.iota {dimensions = array<i32: 0>} : vector<16xi32>
        %rev3A_538 = arith.subi %rev3A_536, %rev3A_537 : vector<16xi32>
        %rev3A_539 = tpu.dynamic_gather %masked_sort3A_495[%rev3A_538] in [0] : vector<16xi32>, vector<16xi32> -> vector<16xi32>
        %gt3A_540 = arith.cmpf ogt, %rev3A_534, %masked_sort3A_477 : vector<16xf32>
        %select_n3A_541 = arith.select %gt3A_540, %rev3A_534, %masked_sort3A_477 : vector<16xi1>, vector<16xf32>
        %select_n3A_542 = arith.select %gt3A_540, %rev3A_539, %masked_sort3A_478 : vector<16xi1>, vector<16xi32>
        %masked_sort3A_543 = arith.constant dense<true> : vector<16xi1>
        %masked_sort3A_544, %masked_sort3A_545, %masked_sort3A_546 = tpu.sort %select_n3A_541, %select_n3A_542 masked %masked_sort3A_543 {descending = true} : (vector<16xf32>, vector<16xi32>, vector<16xi1>) -> (vector<16xi1>, vector<16xf32>, vector<16xi32>)
        %rev3A_547 = arith.constant 15 : i32
        %rev3A_548 = vector.broadcast %rev3A_547 : i32 to vector<16xi32>
        %rev3A_549 = tpu.iota {dimensions = array<i32: 0>} : vector<16xi32>
        %rev3A_550 = arith.subi %rev3A_548, %rev3A_549 : vector<16xi32>
        %rev3A_551 = tpu.dynamic_gather %masked_sort3A_528[%rev3A_550] in [0] : vector<16xf32>, vector<16xi32> -> vector<16xf32>
        %rev3A_552 = arith.constant 15 : i32
        %rev3A_553 = vector.broadcast %rev3A_552 : i32 to vector<16xi32>
        %rev3A_554 = tpu.iota {dimensions = array<i32: 0>} : vector<16xi32>
        %rev3A_555 = arith.subi %rev3A_553, %rev3A_554 : vector<16xi32>
        %rev3A_556 = tpu.dynamic_gather %masked_sort3A_529[%rev3A_555] in [0] : vector<16xi32>, vector<16xi32> -> vector<16xi32>
        %gt3A_557 = arith.cmpf ogt, %rev3A_551, %masked_sort3A_511 : vector<16xf32>
        %select_n3A_558 = arith.select %gt3A_557, %rev3A_551, %masked_sort3A_511 : vector<16xi1>, vector<16xf32>
        %select_n3A_559 = arith.select %gt3A_557, %rev3A_556, %masked_sort3A_512 : vector<16xi1>, vector<16xi32>
        %masked_sort3A_560 = arith.constant dense<true> : vector<16xi1>
        %masked_sort3A_561, %masked_sort3A_562, %masked_sort3A_563 = tpu.sort %select_n3A_558, %select_n3A_559 masked %masked_sort3A_560 {descending = true} : (vector<16xf32>, vector<16xi32>, vector<16xi1>) -> (vector<16xi1>, vector<16xf32>, vector<16xi32>)
        %rev3A_564 = arith.constant 15 : i32
        %rev3A_565 = vector.broadcast %rev3A_564 : i32 to vector<16xi32>
        %rev3A_566 = tpu.iota {dimensions = array<i32: 0>} : vector<16xi32>
        %rev3A_567 = arith.subi %rev3A_565, %rev3A_566 : vector<16xi32>
        %rev3A_568 = tpu.dynamic_gather %masked_sort3A_562[%rev3A_567] in [0] : vector<16xf32>, vector<16xi32> -> vector<16xf32>
        %rev3A_569 = arith.constant 15 : i32
        %rev3A_570 = vector.broadcast %rev3A_569 : i32 to vector<16xi32>
        %rev3A_571 = tpu.iota {dimensions = array<i32: 0>} : vector<16xi32>
        %rev3A_572 = arith.subi %rev3A_570, %rev3A_571 : vector<16xi32>
        %rev3A_573 = tpu.dynamic_gather %masked_sort3A_563[%rev3A_572] in [0] : vector<16xi32>, vector<16xi32> -> vector<16xi32>
        %gt3A_574 = arith.cmpf ogt, %rev3A_568, %masked_sort3A_545 : vector<16xf32>
        %select_n3A_575 = arith.select %gt3A_574, %rev3A_568, %masked_sort3A_545 : vector<16xi1>, vector<16xf32>
        %select_n3A_576 = arith.select %gt3A_574, %rev3A_573, %masked_sort3A_546 : vector<16xi1>, vector<16xi32>
        %masked_sort3A_577 = arith.constant dense<true> : vector<16xi1>
        %masked_sort3A_578, %masked_sort3A_579, %masked_sort3A_580 = tpu.sort %select_n3A_575, %select_n3A_576 masked %masked_sort3A_577 {descending = true} : (vector<16xf32>, vector<16xi32>, vector<16xi1>) -> (vector<16xi1>, vector<16xf32>, vector<16xi32>)
        %jit3A = arith.constant 16 : i32
        %div3A = vector.broadcast %jit3A : i32 to vector<16xi32>
        %div3A_581 = arith.divsi %masked_sort3A_580, %div3A : vector<16xi32>
        %sign3A = arith.constant 0 : i32
        %sign3A_582 = vector.broadcast %sign3A : i32 to vector<16xi32>
        %sign3A_583 = arith.cmpi sgt, %masked_sort3A_580, %sign3A_582 : vector<16xi32>
        %sign3A_584 = arith.extui %sign3A_583 : vector<16xi1> to vector<16xi32>
        %sign3A_585 = arith.constant 0 : i32
        %sign3A_586 = vector.broadcast %sign3A_585 : i32 to vector<16xi32>
        %sign3A_587 = arith.cmpi slt, %masked_sort3A_580, %sign3A_586 : vector<16xi32>
        %sign3A_588 = arith.extui %sign3A_587 : vector<16xi1> to vector<16xi32>
        %sign3A_589 = arith.subi %sign3A_584, %sign3A_588 : vector<16xi32>
        %sign3A_590 = arith.constant 0 : i32
        %sign3A_591 = arith.cmpi sgt, %jit3A, %sign3A_590 : i32
        %sign3A_592 = arith.extui %sign3A_591 : i1 to i32
        %sign3A_593 = arith.constant 0 : i32
        %sign3A_594 = arith.cmpi slt, %jit3A, %sign3A_593 : i32
        %sign3A_595 = arith.extui %sign3A_594 : i1 to i32
        %sign3A_596 = arith.subi %sign3A_592, %sign3A_595 : i32
        %ne3A = vector.broadcast %sign3A_596 : i32 to vector<16xi32>
        %ne3A_597 = arith.cmpi ne, %sign3A_589, %ne3A : vector<16xi32>
        %rem3A = vector.broadcast %jit3A : i32 to vector<16xi32>
        %rem3A_598 = arith.remsi %masked_sort3A_580, %rem3A : vector<16xi32>
        %ne3A_599 = arith.constant 0 : i32
        %ne3A_600 = vector.broadcast %ne3A_599 : i32 to vector<16xi32>
        %ne3A_601 = arith.cmpi ne, %rem3A_598, %ne3A_600 : vector<16xi32>
        %and3A = arith.andi %ne3A_597, %ne3A_601 : vector<16xi1>
        %sub3A_602 = arith.constant 1 : i32
        %sub3A_603 = vector.broadcast %sub3A_602 : i32 to vector<16xi32>
        %sub3A_604 = arith.subi %div3A_581, %sub3A_603 : vector<16xi32>
        %select_n3A_605 = arith.select %and3A, %sub3A_604, %div3A_581 : vector<16xi1>, vector<16xi32>
        %mul3A_606 = arith.constant 256 : i32
        %mul3A_607 = vector.broadcast %mul3A_606 : i32 to vector<16xi32>
        %mul3A_608 = arith.muli %select_n3A_605, %mul3A_607 : vector<16xi32>
        %jit3A_609 = arith.constant 16 : i32
        %eq3A_610 = arith.constant 0 : i32
        %eq3A_611 = arith.cmpi eq, %jit3A_609, %eq3A_610 : i32
        %jit3A_612 = arith.constant 1 : i32
        %select_n3A_613 = arith.select %eq3A_611, %jit3A_612, %jit3A_609 : i32
        %rem3A_614 = vector.broadcast %select_n3A_613 : i32 to vector<16xi32>
        %rem3A_615 = arith.remsi %masked_sort3A_580, %rem3A_614 : vector<16xi32>
        %ne3A_616 = arith.constant 0 : i32
        %ne3A_617 = vector.broadcast %ne3A_616 : i32 to vector<16xi32>
        %ne3A_618 = arith.cmpi ne, %rem3A_615, %ne3A_617 : vector<16xi32>
        %lt3A = arith.constant 0 : i32
        %lt3A_619 = vector.broadcast %lt3A : i32 to vector<16xi32>
        %lt3A_620 = arith.cmpi slt, %rem3A_615, %lt3A_619 : vector<16xi32>
        %lt3A_621 = arith.constant 0 : i32
        %lt3A_622 = arith.cmpi slt, %select_n3A_613, %lt3A_621 : i32
        %ne3A_623 = vector.broadcast %lt3A_622 : i1 to vector<16xi1>
        %ne3A_624 = vector.broadcast %ne3A_623 : vector<16xi1> to vector<16xi1>
        %ne3A_625 = arith.xori %lt3A_620, %ne3A_624 : vector<16xi1>
        %and3A_626 = arith.andi %ne3A_625, %ne3A_618 : vector<16xi1>
        %add3A_627 = vector.broadcast %select_n3A_613 : i32 to vector<16xi32>
        %add3A_628 = arith.addi %rem3A_615, %add3A_627 : vector<16xi32>
        %select_n3A_629 = arith.select %and3A_626, %add3A_628, %rem3A_615 : vector<16xi1>, vector<16xi32>
        %add3A_630 = arith.addi %mul3A_608, %select_n3A_629 : vector<16xi32>
        %add3A_631 = arith.constant 0 : i32
        %add3A_632 = vector.broadcast %add3A_631 : i32 to vector<16xi32>
        %add3A_633 = arith.addi %add3A_630, %add3A_632 : vector<16xi32>
        %gather3A = tpu.vector_load_idx %arg6[%broadcast_in_dim3A_186, %add3A_633] : memref<8x4096xf32, #tpu.memory_space<vmem>>[vector<16xi32>, vector<16xi32>], vector<16xf32>,
        %add3A_634 = arith.constant 16 : i32
        %add3A_635 = vector.broadcast %add3A_634 : i32 to vector<16xi32>
        %add3A_636 = arith.addi %add3A_630, %add3A_635 : vector<16xi32>
        %gather3A_637 = tpu.vector_load_idx %arg6[%broadcast_in_dim3A_186, %add3A_636] : memref<8x4096xf32, #tpu.memory_space<vmem>>[vector<16xi32>, vector<16xi32>], vector<16xf32>,
        %add3A_638 = arith.constant 32 : i32
        %add3A_639 = vector.broadcast %add3A_638 : i32 to vector<16xi32>
        %add3A_640 = arith.addi %add3A_630, %add3A_639 : vector<16xi32>
        %gather3A_641 = tpu.vector_load_idx %arg6[%broadcast_in_dim3A_186, %add3A_640] : memref<8x4096xf32, #tpu.memory_space<vmem>>[vector<16xi32>, vector<16xi32>], vector<16xf32>,
        %add3A_642 = arith.constant 48 : i32
        %add3A_643 = vector.broadcast %add3A_642 : i32 to vector<16xi32>
        %add3A_644 = arith.addi %add3A_630, %add3A_643 : vector<16xi32>
        %gather3A_645 = tpu.vector_load_idx %arg6[%broadcast_in_dim3A_186, %add3A_644] : memref<8x4096xf32, #tpu.memory_space<vmem>>[vector<16xi32>, vector<16xi32>], vector<16xf32>,
        %add3A_646 = arith.constant 64 : i32
        %add3A_647 = vector.broadcast %add3A_646 : i32 to vector<16xi32>
        %add3A_648 = arith.addi %add3A_630, %add3A_647 : vector<16xi32>
        %gather3A_649 = tpu.vector_load_idx %arg6[%broadcast_in_dim3A_186, %add3A_648] : memref<8x4096xf32, #tpu.memory_space<vmem>>[vector<16xi32>, vector<16xi32>], vector<16xf32>,
        %add3A_650 = arith.constant 80 : i32
        %add3A_651 = vector.broadcast %add3A_650 : i32 to vector<16xi32>
        %add3A_652 = arith.addi %add3A_630, %add3A_651 : vector<16xi32>
        %gather3A_653 = tpu.vector_load_idx %arg6[%broadcast_in_dim3A_186, %add3A_652] : memref<8x4096xf32, #tpu.memory_space<vmem>>[vector<16xi32>, vector<16xi32>], vector<16xf32>,
        %add3A_654 = arith.constant 96 : i32
        %add3A_655 = vector.broadcast %add3A_654 : i32 to vector<16xi32>
        %add3A_656 = arith.addi %add3A_630, %add3A_655 : vector<16xi32>
        %gather3A_657 = tpu.vector_load_idx %arg6[%broadcast_in_dim3A_186, %add3A_656] : memref<8x4096xf32, #tpu.memory_space<vmem>>[vector<16xi32>, vector<16xi32>], vector<16xf32>,
        %add3A_658 = arith.constant 112 : i32
        %add3A_659 = vector.broadcast %add3A_658 : i32 to vector<16xi32>
        %add3A_660 = arith.addi %add3A_630, %add3A_659 : vector<16xi32>
        %gather3A_661 = tpu.vector_load_idx %arg6[%broadcast_in_dim3A_186, %add3A_660] : memref<8x4096xf32, #tpu.memory_space<vmem>>[vector<16xi32>, vector<16xi32>], vector<16xf32>,
        %add3A_662 = arith.constant 128 : i32
        %add3A_663 = vector.broadcast %add3A_662 : i32 to vector<16xi32>
        %add3A_664 = arith.addi %add3A_630, %add3A_663 : vector<16xi32>
        %gather3A_665 = tpu.vector_load_idx %arg6[%broadcast_in_dim3A_186, %add3A_664] : memref<8x4096xf32, #tpu.memory_space<vmem>>[vector<16xi32>, vector<16xi32>], vector<16xf32>,
        %add3A_666 = arith.constant 144 : i32
        %add3A_667 = vector.broadcast %add3A_666 : i32 to vector<16xi32>
        %add3A_668 = arith.addi %add3A_630, %add3A_667 : vector<16xi32>
        %gather3A_669 = tpu.vector_load_idx %arg6[%broadcast_in_dim3A_186, %add3A_668] : memref<8x4096xf32, #tpu.memory_space<vmem>>[vector<16xi32>, vector<16xi32>], vector<16xf32>,
        %add3A_670 = arith.constant 160 : i32
        %add3A_671 = vector.broadcast %add3A_670 : i32 to vector<16xi32>
        %add3A_672 = arith.addi %add3A_630, %add3A_671 : vector<16xi32>
        %gather3A_673 = tpu.vector_load_idx %arg6[%broadcast_in_dim3A_186, %add3A_672] : memref<8x4096xf32, #tpu.memory_space<vmem>>[vector<16xi32>, vector<16xi32>], vector<16xf32>,
        %add3A_674 = arith.constant 176 : i32
        %add3A_675 = vector.broadcast %add3A_674 : i32 to vector<16xi32>
        %add3A_676 = arith.addi %add3A_630, %add3A_675 : vector<16xi32>
        %gather3A_677 = tpu.vector_load_idx %arg6[%broadcast_in_dim3A_186, %add3A_676] : memref<8x4096xf32, #tpu.memory_space<vmem>>[vector<16xi32>, vector<16xi32>], vector<16xf32>,
        %add3A_678 = arith.constant 192 : i32
        %add3A_679 = vector.broadcast %add3A_678 : i32 to vector<16xi32>
        %add3A_680 = arith.addi %add3A_630, %add3A_679 : vector<16xi32>
        %gather3A_681 = tpu.vector_load_idx %arg6[%broadcast_in_dim3A_186, %add3A_680] : memref<8x4096xf32, #tpu.memory_space<vmem>>[vector<16xi32>, vector<16xi32>], vector<16xf32>,
        %add3A_682 = arith.constant 208 : i32
        %add3A_683 = vector.broadcast %add3A_682 : i32 to vector<16xi32>
        %add3A_684 = arith.addi %add3A_630, %add3A_683 : vector<16xi32>
        %gather3A_685 = tpu.vector_load_idx %arg6[%broadcast_in_dim3A_186, %add3A_684] : memref<8x4096xf32, #tpu.memory_space<vmem>>[vector<16xi32>, vector<16xi32>], vector<16xf32>,
        %add3A_686 = arith.constant 224 : i32
        %add3A_687 = vector.broadcast %add3A_686 : i32 to vector<16xi32>
        %add3A_688 = arith.addi %add3A_630, %add3A_687 : vector<16xi32>
        %gather3A_689 = tpu.vector_load_idx %arg6[%broadcast_in_dim3A_186, %add3A_688] : memref<8x4096xf32, #tpu.memory_space<vmem>>[vector<16xi32>, vector<16xi32>], vector<16xf32>,
        %add3A_690 = arith.constant 240 : i32
        %add3A_691 = vector.broadcast %add3A_690 : i32 to vector<16xi32>
        %add3A_692 = arith.addi %add3A_630, %add3A_691 : vector<16xi32>
        %gather3A_693 = tpu.vector_load_idx %arg6[%broadcast_in_dim3A_186, %add3A_692] : memref<8x4096xf32, #tpu.memory_space<vmem>>[vector<16xi32>, vector<16xi32>], vector<16xf32>,
        %masked_sort3A_694 = arith.constant dense<true> : vector<16xi1>
        %masked_sort3A_695, %masked_sort3A_696, %masked_sort3A_697 = tpu.sort %gather3A, %add3A_633 masked %masked_sort3A_694 {descending = true} : (vector<16xf32>, vector<16xi32>, vector<16xi1>) -> (vector<16xi1>, vector<16xf32>, vector<16xi32>)
        %masked_sort3A_698 = arith.constant dense<true> : vector<16xi1>
        %masked_sort3A_699, %masked_sort3A_700, %masked_sort3A_701 = tpu.sort %gather3A_637, %add3A_636 masked %masked_sort3A_698 {descending = true} : (vector<16xf32>, vector<16xi32>, vector<16xi1>) -> (vector<16xi1>, vector<16xf32>, vector<16xi32>)
        %masked_sort3A_702 = arith.constant dense<true> : vector<16xi1>
        %masked_sort3A_703, %masked_sort3A_704, %masked_sort3A_705 = tpu.sort %gather3A_641, %add3A_640 masked %masked_sort3A_702 {descending = true} : (vector<16xf32>, vector<16xi32>, vector<16xi1>) -> (vector<16xi1>, vector<16xf32>, vector<16xi32>)
        %masked_sort3A_706 = arith.constant dense<true> : vector<16xi1>
        %masked_sort3A_707, %masked_sort3A_708, %masked_sort3A_709 = tpu.sort %gather3A_645, %add3A_644 masked %masked_sort3A_706 {descending = true} : (vector<16xf32>, vector<16xi32>, vector<16xi1>) -> (vector<16xi1>, vector<16xf32>, vector<16xi32>)
        %masked_sort3A_710 = arith.constant dense<true> : vector<16xi1>
        %masked_sort3A_711, %masked_sort3A_712, %masked_sort3A_713 = tpu.sort %gather3A_649, %add3A_648 masked %masked_sort3A_710 {descending = true} : (vector<16xf32>, vector<16xi32>, vector<16xi1>) -> (vector<16xi1>, vector<16xf32>, vector<16xi32>)
        %masked_sort3A_714 = arith.constant dense<true> : vector<16xi1>
        %masked_sort3A_715, %masked_sort3A_716, %masked_sort3A_717 = tpu.sort %gather3A_653, %add3A_652 masked %masked_sort3A_714 {descending = true} : (vector<16xf32>, vector<16xi32>, vector<16xi1>) -> (vector<16xi1>, vector<16xf32>, vector<16xi32>)
        %masked_sort3A_718 = arith.constant dense<true> : vector<16xi1>
        %masked_sort3A_719, %masked_sort3A_720, %masked_sort3A_721 = tpu.sort %gather3A_657, %add3A_656 masked %masked_sort3A_718 {descending = true} : (vector<16xf32>, vector<16xi32>, vector<16xi1>) -> (vector<16xi1>, vector<16xf32>, vector<16xi32>)
        %masked_sort3A_722 = arith.constant dense<true> : vector<16xi1>
        %masked_sort3A_723, %masked_sort3A_724, %masked_sort3A_725 = tpu.sort %gather3A_661, %add3A_660 masked %masked_sort3A_722 {descending = true} : (vector<16xf32>, vector<16xi32>, vector<16xi1>) -> (vector<16xi1>, vector<16xf32>, vector<16xi32>)
        %masked_sort3A_726 = arith.constant dense<true> : vector<16xi1>
        %masked_sort3A_727, %masked_sort3A_728, %masked_sort3A_729 = tpu.sort %gather3A_665, %add3A_664 masked %masked_sort3A_726 {descending = true} : (vector<16xf32>, vector<16xi32>, vector<16xi1>) -> (vector<16xi1>, vector<16xf32>, vector<16xi32>)
        %masked_sort3A_730 = arith.constant dense<true> : vector<16xi1>
        %masked_sort3A_731, %masked_sort3A_732, %masked_sort3A_733 = tpu.sort %gather3A_669, %add3A_668 masked %masked_sort3A_730 {descending = true} : (vector<16xf32>, vector<16xi32>, vector<16xi1>) -> (vector<16xi1>, vector<16xf32>, vector<16xi32>)
        %masked_sort3A_734 = arith.constant dense<true> : vector<16xi1>
        %masked_sort3A_735, %masked_sort3A_736, %masked_sort3A_737 = tpu.sort %gather3A_673, %add3A_672 masked %masked_sort3A_734 {descending = true} : (vector<16xf32>, vector<16xi32>, vector<16xi1>) -> (vector<16xi1>, vector<16xf32>, vector<16xi32>)
        %masked_sort3A_738 = arith.constant dense<true> : vector<16xi1>
        %masked_sort3A_739, %masked_sort3A_740, %masked_sort3A_741 = tpu.sort %gather3A_677, %add3A_676 masked %masked_sort3A_738 {descending = true} : (vector<16xf32>, vector<16xi32>, vector<16xi1>) -> (vector<16xi1>, vector<16xf32>, vector<16xi32>)
        %masked_sort3A_742 = arith.constant dense<true> : vector<16xi1>
        %masked_sort3A_743, %masked_sort3A_744, %masked_sort3A_745 = tpu.sort %gather3A_681, %add3A_680 masked %masked_sort3A_742 {descending = true} : (vector<16xf32>, vector<16xi32>, vector<16xi1>) -> (vector<16xi1>, vector<16xf32>, vector<16xi32>)
        %masked_sort3A_746 = arith.constant dense<true> : vector<16xi1>
        %masked_sort3A_747, %masked_sort3A_748, %masked_sort3A_749 = tpu.sort %gather3A_685, %add3A_684 masked %masked_sort3A_746 {descending = true} : (vector<16xf32>, vector<16xi32>, vector<16xi1>) -> (vector<16xi1>, vector<16xf32>, vector<16xi32>)
        %masked_sort3A_750 = arith.constant dense<true> : vector<16xi1>
        %masked_sort3A_751, %masked_sort3A_752, %masked_sort3A_753 = tpu.sort %gather3A_689, %add3A_688 masked %masked_sort3A_750 {descending = true} : (vector<16xf32>, vector<16xi32>, vector<16xi1>) -> (vector<16xi1>, vector<16xf32>, vector<16xi32>)
        %masked_sort3A_754 = arith.constant dense<true> : vector<16xi1>
        %masked_sort3A_755, %masked_sort3A_756, %masked_sort3A_757 = tpu.sort %gather3A_693, %add3A_692 masked %masked_sort3A_754 {descending = true} : (vector<16xf32>, vector<16xi32>, vector<16xi1>) -> (vector<16xi1>, vector<16xf32>, vector<16xi32>)
        %rev3A_758 = arith.constant 15 : i32
        %rev3A_759 = vector.broadcast %rev3A_758 : i32 to vector<16xi32>
        %rev3A_760 = tpu.iota {dimensions = array<i32: 0>} : vector<16xi32>
        %rev3A_761 = arith.subi %rev3A_759, %rev3A_760 : vector<16xi32>
        %rev3A_762 = tpu.dynamic_gather %masked_sort3A_700[%rev3A_761] in [0] : vector<16xf32>, vector<16xi32> -> vector<16xf32>
        %rev3A_763 = arith.constant 15 : i32
        %rev3A_764 = vector.broadcast %rev3A_763 : i32 to vector<16xi32>
        %rev3A_765 = tpu.iota {dimensions = array<i32: 0>} : vector<16xi32>
        %rev3A_766 = arith.subi %rev3A_764, %rev3A_765 : vector<16xi32>
        %rev3A_767 = tpu.dynamic_gather %masked_sort3A_701[%rev3A_766] in [0] : vector<16xi32>, vector<16xi32> -> vector<16xi32>
        %gt3A_768 = arith.cmpf ogt, %rev3A_762, %masked_sort3A_696 : vector<16xf32>
        %select_n3A_769 = arith.select %gt3A_768, %rev3A_762, %masked_sort3A_696 : vector<16xi1>, vector<16xf32>
        %select_n3A_770 = arith.select %gt3A_768, %rev3A_767, %masked_sort3A_697 : vector<16xi1>, vector<16xi32>
        %masked_sort3A_771 = arith.constant dense<true> : vector<16xi1>
        %masked_sort3A_772, %masked_sort3A_773, %masked_sort3A_774 = tpu.sort %select_n3A_769, %select_n3A_770 masked %masked_sort3A_771 {descending = true} : (vector<16xf32>, vector<16xi32>, vector<16xi1>) -> (vector<16xi1>, vector<16xf32>, vector<16xi32>)
        %rev3A_775 = arith.constant 15 : i32
        %rev3A_776 = vector.broadcast %rev3A_775 : i32 to vector<16xi32>
        %rev3A_777 = tpu.iota {dimensions = array<i32: 0>} : vector<16xi32>
        %rev3A_778 = arith.subi %rev3A_776, %rev3A_777 : vector<16xi32>
        %rev3A_779 = tpu.dynamic_gather %masked_sort3A_708[%rev3A_778] in [0] : vector<16xf32>, vector<16xi32> -> vector<16xf32>
        %rev3A_780 = arith.constant 15 : i32
        %rev3A_781 = vector.broadcast %rev3A_780 : i32 to vector<16xi32>
        %rev3A_782 = tpu.iota {dimensions = array<i32: 0>} : vector<16xi32>
        %rev3A_783 = arith.subi %rev3A_781, %rev3A_782 : vector<16xi32>
        %rev3A_784 = tpu.dynamic_gather %masked_sort3A_709[%rev3A_783] in [0] : vector<16xi32>, vector<16xi32> -> vector<16xi32>
        %gt3A_785 = arith.cmpf ogt, %rev3A_779, %masked_sort3A_704 : vector<16xf32>
        %select_n3A_786 = arith.select %gt3A_785, %rev3A_779, %masked_sort3A_704 : vector<16xi1>, vector<16xf32>
        %select_n3A_787 = arith.select %gt3A_785, %rev3A_784, %masked_sort3A_705 : vector<16xi1>, vector<16xi32>
        %masked_sort3A_788 = arith.constant dense<true> : vector<16xi1>
        %masked_sort3A_789, %masked_sort3A_790, %masked_sort3A_791 = tpu.sort %select_n3A_786, %select_n3A_787 masked %masked_sort3A_788 {descending = true} : (vector<16xf32>, vector<16xi32>, vector<16xi1>) -> (vector<16xi1>, vector<16xf32>, vector<16xi32>)
        %rev3A_792 = arith.constant 15 : i32
        %rev3A_793 = vector.broadcast %rev3A_792 : i32 to vector<16xi32>
        %rev3A_794 = tpu.iota {dimensions = array<i32: 0>} : vector<16xi32>
        %rev3A_795 = arith.subi %rev3A_793, %rev3A_794 : vector<16xi32>
        %rev3A_796 = tpu.dynamic_gather %masked_sort3A_716[%rev3A_795] in [0] : vector<16xf32>, vector<16xi32> -> vector<16xf32>
        %rev3A_797 = arith.constant 15 : i32
        %rev3A_798 = vector.broadcast %rev3A_797 : i32 to vector<16xi32>
        %rev3A_799 = tpu.iota {dimensions = array<i32: 0>} : vector<16xi32>
        %rev3A_800 = arith.subi %rev3A_798, %rev3A_799 : vector<16xi32>
        %rev3A_801 = tpu.dynamic_gather %masked_sort3A_717[%rev3A_800] in [0] : vector<16xi32>, vector<16xi32> -> vector<16xi32>
        %gt3A_802 = arith.cmpf ogt, %rev3A_796, %masked_sort3A_712 : vector<16xf32>
        %select_n3A_803 = arith.select %gt3A_802, %rev3A_796, %masked_sort3A_712 : vector<16xi1>, vector<16xf32>
        %select_n3A_804 = arith.select %gt3A_802, %rev3A_801, %masked_sort3A_713 : vector<16xi1>, vector<16xi32>
        %masked_sort3A_805 = arith.constant dense<true> : vector<16xi1>
        %masked_sort3A_806, %masked_sort3A_807, %masked_sort3A_808 = tpu.sort %select_n3A_803, %select_n3A_804 masked %masked_sort3A_805 {descending = true} : (vector<16xf32>, vector<16xi32>, vector<16xi1>) -> (vector<16xi1>, vector<16xf32>, vector<16xi32>)
        %rev3A_809 = arith.constant 15 : i32
        %rev3A_810 = vector.broadcast %rev3A_809 : i32 to vector<16xi32>
        %rev3A_811 = tpu.iota {dimensions = array<i32: 0>} : vector<16xi32>
        %rev3A_812 = arith.subi %rev3A_810, %rev3A_811 : vector<16xi32>
        %rev3A_813 = tpu.dynamic_gather %masked_sort3A_724[%rev3A_812] in [0] : vector<16xf32>, vector<16xi32> -> vector<16xf32>
        %rev3A_814 = arith.constant 15 : i32
        %rev3A_815 = vector.broadcast %rev3A_814 : i32 to vector<16xi32>
        %rev3A_816 = tpu.iota {dimensions = array<i32: 0>} : vector<16xi32>
        %rev3A_817 = arith.subi %rev3A_815, %rev3A_816 : vector<16xi32>
        %rev3A_818 = tpu.dynamic_gather %masked_sort3A_725[%rev3A_817] in [0] : vector<16xi32>, vector<16xi32> -> vector<16xi32>
        %gt3A_819 = arith.cmpf ogt, %rev3A_813, %masked_sort3A_720 : vector<16xf32>
        %select_n3A_820 = arith.select %gt3A_819, %rev3A_813, %masked_sort3A_720 : vector<16xi1>, vector<16xf32>
        %select_n3A_821 = arith.select %gt3A_819, %rev3A_818, %masked_sort3A_721 : vector<16xi1>, vector<16xi32>
        %masked_sort3A_822 = arith.constant dense<true> : vector<16xi1>
        %masked_sort3A_823, %masked_sort3A_824, %masked_sort3A_825 = tpu.sort %select_n3A_820, %select_n3A_821 masked %masked_sort3A_822 {descending = true} : (vector<16xf32>, vector<16xi32>, vector<16xi1>) -> (vector<16xi1>, vector<16xf32>, vector<16xi32>)
        %rev3A_826 = arith.constant 15 : i32
        %rev3A_827 = vector.broadcast %rev3A_826 : i32 to vector<16xi32>
        %rev3A_828 = tpu.iota {dimensions = array<i32: 0>} : vector<16xi32>
        %rev3A_829 = arith.subi %rev3A_827, %rev3A_828 : vector<16xi32>
        %rev3A_830 = tpu.dynamic_gather %masked_sort3A_732[%rev3A_829] in [0] : vector<16xf32>, vector<16xi32> -> vector<16xf32>
        %rev3A_831 = arith.constant 15 : i32
        %rev3A_832 = vector.broadcast %rev3A_831 : i32 to vector<16xi32>
        %rev3A_833 = tpu.iota {dimensions = array<i32: 0>} : vector<16xi32>
        %rev3A_834 = arith.subi %rev3A_832, %rev3A_833 : vector<16xi32>
        %rev3A_835 = tpu.dynamic_gather %masked_sort3A_733[%rev3A_834] in [0] : vector<16xi32>, vector<16xi32> -> vector<16xi32>
        %gt3A_836 = arith.cmpf ogt, %rev3A_830, %masked_sort3A_728 : vector<16xf32>
        %select_n3A_837 = arith.select %gt3A_836, %rev3A_830, %masked_sort3A_728 : vector<16xi1>, vector<16xf32>
        %select_n3A_838 = arith.select %gt3A_836, %rev3A_835, %masked_sort3A_729 : vector<16xi1>, vector<16xi32>
        %masked_sort3A_839 = arith.constant dense<true> : vector<16xi1>
        %masked_sort3A_840, %masked_sort3A_841, %masked_sort3A_842 = tpu.sort %select_n3A_837, %select_n3A_838 masked %masked_sort3A_839 {descending = true} : (vector<16xf32>, vector<16xi32>, vector<16xi1>) -> (vector<16xi1>, vector<16xf32>, vector<16xi32>)
        %rev3A_843 = arith.constant 15 : i32
        %rev3A_844 = vector.broadcast %rev3A_843 : i32 to vector<16xi32>
        %rev3A_845 = tpu.iota {dimensions = array<i32: 0>} : vector<16xi32>
        %rev3A_846 = arith.subi %rev3A_844, %rev3A_845 : vector<16xi32>
        %rev3A_847 = tpu.dynamic_gather %masked_sort3A_740[%rev3A_846] in [0] : vector<16xf32>, vector<16xi32> -> vector<16xf32>
        %rev3A_848 = arith.constant 15 : i32
        %rev3A_849 = vector.broadcast %rev3A_848 : i32 to vector<16xi32>
        %rev3A_850 = tpu.iota {dimensions = array<i32: 0>} : vector<16xi32>
        %rev3A_851 = arith.subi %rev3A_849, %rev3A_850 : vector<16xi32>
        %rev3A_852 = tpu.dynamic_gather %masked_sort3A_741[%rev3A_851] in [0] : vector<16xi32>, vector<16xi32> -> vector<16xi32>
        %gt3A_853 = arith.cmpf ogt, %rev3A_847, %masked_sort3A_736 : vector<16xf32>
        %select_n3A_854 = arith.select %gt3A_853, %rev3A_847, %masked_sort3A_736 : vector<16xi1>, vector<16xf32>
        %select_n3A_855 = arith.select %gt3A_853, %rev3A_852, %masked_sort3A_737 : vector<16xi1>, vector<16xi32>
        %masked_sort3A_856 = arith.constant dense<true> : vector<16xi1>
        %masked_sort3A_857, %masked_sort3A_858, %masked_sort3A_859 = tpu.sort %select_n3A_854, %select_n3A_855 masked %masked_sort3A_856 {descending = true} : (vector<16xf32>, vector<16xi32>, vector<16xi1>) -> (vector<16xi1>, vector<16xf32>, vector<16xi32>)
        %rev3A_860 = arith.constant 15 : i32
        %rev3A_861 = vector.broadcast %rev3A_860 : i32 to vector<16xi32>
        %rev3A_862 = tpu.iota {dimensions = array<i32: 0>} : vector<16xi32>
        %rev3A_863 = arith.subi %rev3A_861, %rev3A_862 : vector<16xi32>
        %rev3A_864 = tpu.dynamic_gather %masked_sort3A_748[%rev3A_863] in [0] : vector<16xf32>, vector<16xi32> -> vector<16xf32>
        %rev3A_865 = arith.constant 15 : i32
        %rev3A_866 = vector.broadcast %rev3A_865 : i32 to vector<16xi32>
        %rev3A_867 = tpu.iota {dimensions = array<i32: 0>} : vector<16xi32>
        %rev3A_868 = arith.subi %rev3A_866, %rev3A_867 : vector<16xi32>
        %rev3A_869 = tpu.dynamic_gather %masked_sort3A_749[%rev3A_868] in [0] : vector<16xi32>, vector<16xi32> -> vector<16xi32>
        %gt3A_870 = arith.cmpf ogt, %rev3A_864, %masked_sort3A_744 : vector<16xf32>
        %select_n3A_871 = arith.select %gt3A_870, %rev3A_864, %masked_sort3A_744 : vector<16xi1>, vector<16xf32>
        %select_n3A_872 = arith.select %gt3A_870, %rev3A_869, %masked_sort3A_745 : vector<16xi1>, vector<16xi32>
        %masked_sort3A_873 = arith.constant dense<true> : vector<16xi1>
        %masked_sort3A_874, %masked_sort3A_875, %masked_sort3A_876 = tpu.sort %select_n3A_871, %select_n3A_872 masked %masked_sort3A_873 {descending = true} : (vector<16xf32>, vector<16xi32>, vector<16xi1>) -> (vector<16xi1>, vector<16xf32>, vector<16xi32>)
        %rev3A_877 = arith.constant 15 : i32
        %rev3A_878 = vector.broadcast %rev3A_877 : i32 to vector<16xi32>
        %rev3A_879 = tpu.iota {dimensions = array<i32: 0>} : vector<16xi32>
        %rev3A_880 = arith.subi %rev3A_878, %rev3A_879 : vector<16xi32>
        %rev3A_881 = tpu.dynamic_gather %masked_sort3A_756[%rev3A_880] in [0] : vector<16xf32>, vector<16xi32> -> vector<16xf32>
        %rev3A_882 = arith.constant 15 : i32
        %rev3A_883 = vector.broadcast %rev3A_882 : i32 to vector<16xi32>
        %rev3A_884 = tpu.iota {dimensions = array<i32: 0>} : vector<16xi32>
        %rev3A_885 = arith.subi %rev3A_883, %rev3A_884 : vector<16xi32>
        %rev3A_886 = tpu.dynamic_gather %masked_sort3A_757[%rev3A_885] in [0] : vector<16xi32>, vector<16xi32> -> vector<16xi32>
        %gt3A_887 = arith.cmpf ogt, %rev3A_881, %masked_sort3A_752 : vector<16xf32>
        %select_n3A_888 = arith.select %gt3A_887, %rev3A_881, %masked_sort3A_752 : vector<16xi1>, vector<16xf32>
        %select_n3A_889 = arith.select %gt3A_887, %rev3A_886, %masked_sort3A_753 : vector<16xi1>, vector<16xi32>
        %masked_sort3A_890 = arith.constant dense<true> : vector<16xi1>
        %masked_sort3A_891, %masked_sort3A_892, %masked_sort3A_893 = tpu.sort %select_n3A_888, %select_n3A_889 masked %masked_sort3A_890 {descending = true} : (vector<16xf32>, vector<16xi32>, vector<16xi1>) -> (vector<16xi1>, vector<16xf32>, vector<16xi32>)
        %rev3A_894 = arith.constant 15 : i32
        %rev3A_895 = vector.broadcast %rev3A_894 : i32 to vector<16xi32>
        %rev3A_896 = tpu.iota {dimensions = array<i32: 0>} : vector<16xi32>
        %rev3A_897 = arith.subi %rev3A_895, %rev3A_896 : vector<16xi32>
        %rev3A_898 = tpu.dynamic_gather %masked_sort3A_790[%rev3A_897] in [0] : vector<16xf32>, vector<16xi32> -> vector<16xf32>
        %rev3A_899 = arith.constant 15 : i32
        %rev3A_900 = vector.broadcast %rev3A_899 : i32 to vector<16xi32>
        %rev3A_901 = tpu.iota {dimensions = array<i32: 0>} : vector<16xi32>
        %rev3A_902 = arith.subi %rev3A_900, %rev3A_901 : vector<16xi32>
        %rev3A_903 = tpu.dynamic_gather %masked_sort3A_791[%rev3A_902] in [0] : vector<16xi32>, vector<16xi32> -> vector<16xi32>
        %gt3A_904 = arith.cmpf ogt, %rev3A_898, %masked_sort3A_773 : vector<16xf32>
        %select_n3A_905 = arith.select %gt3A_904, %rev3A_898, %masked_sort3A_773 : vector<16xi1>, vector<16xf32>
        %select_n3A_906 = arith.select %gt3A_904, %rev3A_903, %masked_sort3A_774 : vector<16xi1>, vector<16xi32>
        %masked_sort3A_907 = arith.constant dense<true> : vector<16xi1>
        %masked_sort3A_908, %masked_sort3A_909, %masked_sort3A_910 = tpu.sort %select_n3A_905, %select_n3A_906 masked %masked_sort3A_907 {descending = true} : (vector<16xf32>, vector<16xi32>, vector<16xi1>) -> (vector<16xi1>, vector<16xf32>, vector<16xi32>)
        %rev3A_911 = arith.constant 15 : i32
        %rev3A_912 = vector.broadcast %rev3A_911 : i32 to vector<16xi32>
        %rev3A_913 = tpu.iota {dimensions = array<i32: 0>} : vector<16xi32>
        %rev3A_914 = arith.subi %rev3A_912, %rev3A_913 : vector<16xi32>
        %rev3A_915 = tpu.dynamic_gather %masked_sort3A_824[%rev3A_914] in [0] : vector<16xf32>, vector<16xi32> -> vector<16xf32>
        %rev3A_916 = arith.constant 15 : i32
        %rev3A_917 = vector.broadcast %rev3A_916 : i32 to vector<16xi32>
        %rev3A_918 = tpu.iota {dimensions = array<i32: 0>} : vector<16xi32>
        %rev3A_919 = arith.subi %rev3A_917, %rev3A_918 : vector<16xi32>
        %rev3A_920 = tpu.dynamic_gather %masked_sort3A_825[%rev3A_919] in [0] : vector<16xi32>, vector<16xi32> -> vector<16xi32>
        %gt3A_921 = arith.cmpf ogt, %rev3A_915, %masked_sort3A_807 : vector<16xf32>
        %select_n3A_922 = arith.select %gt3A_921, %rev3A_915, %masked_sort3A_807 : vector<16xi1>, vector<16xf32>
        %select_n3A_923 = arith.select %gt3A_921, %rev3A_920, %masked_sort3A_808 : vector<16xi1>, vector<16xi32>
        %masked_sort3A_924 = arith.constant dense<true> : vector<16xi1>
        %masked_sort3A_925, %masked_sort3A_926, %masked_sort3A_927 = tpu.sort %select_n3A_922, %select_n3A_923 masked %masked_sort3A_924 {descending = true} : (vector<16xf32>, vector<16xi32>, vector<16xi1>) -> (vector<16xi1>, vector<16xf32>, vector<16xi32>)
        %rev3A_928 = arith.constant 15 : i32
        %rev3A_929 = vector.broadcast %rev3A_928 : i32 to vector<16xi32>
        %rev3A_930 = tpu.iota {dimensions = array<i32: 0>} : vector<16xi32>
        %rev3A_931 = arith.subi %rev3A_929, %rev3A_930 : vector<16xi32>
        %rev3A_932 = tpu.dynamic_gather %masked_sort3A_858[%rev3A_931] in [0] : vector<16xf32>, vector<16xi32> -> vector<16xf32>
        %rev3A_933 = arith.constant 15 : i32
        %rev3A_934 = vector.broadcast %rev3A_933 : i32 to vector<16xi32>
        %rev3A_935 = tpu.iota {dimensions = array<i32: 0>} : vector<16xi32>
        %rev3A_936 = arith.subi %rev3A_934, %rev3A_935 : vector<16xi32>
        %rev3A_937 = tpu.dynamic_gather %masked_sort3A_859[%rev3A_936] in [0] : vector<16xi32>, vector<16xi32> -> vector<16xi32>
        %gt3A_938 = arith.cmpf ogt, %rev3A_932, %masked_sort3A_841 : vector<16xf32>
        %select_n3A_939 = arith.select %gt3A_938, %rev3A_932, %masked_sort3A_841 : vector<16xi1>, vector<16xf32>
        %select_n3A_940 = arith.select %gt3A_938, %rev3A_937, %masked_sort3A_842 : vector<16xi1>, vector<16xi32>
        %masked_sort3A_941 = arith.constant dense<true> : vector<16xi1>
        %masked_sort3A_942, %masked_sort3A_943, %masked_sort3A_944 = tpu.sort %select_n3A_939, %select_n3A_940 masked %masked_sort3A_941 {descending = true} : (vector<16xf32>, vector<16xi32>, vector<16xi1>) -> (vector<16xi1>, vector<16xf32>, vector<16xi32>)
        %rev3A_945 = arith.constant 15 : i32
        %rev3A_946 = vector.broadcast %rev3A_945 : i32 to vector<16xi32>
        %rev3A_947 = tpu.iota {dimensions = array<i32: 0>} : vector<16xi32>
        %rev3A_948 = arith.subi %rev3A_946, %rev3A_947 : vector<16xi32>
        %rev3A_949 = tpu.dynamic_gather %masked_sort3A_892[%rev3A_948] in [0] : vector<16xf32>, vector<16xi32> -> vector<16xf32>
        %rev3A_950 = arith.constant 15 : i32
        %rev3A_951 = vector.broadcast %rev3A_950 : i32 to vector<16xi32>
        %rev3A_952 = tpu.iota {dimensions = array<i32: 0>} : vector<16xi32>
        %rev3A_953 = arith.subi %rev3A_951, %rev3A_952 : vector<16xi32>
        %rev3A_954 = tpu.dynamic_gather %masked_sort3A_893[%rev3A_953] in [0] : vector<16xi32>, vector<16xi32> -> vector<16xi32>
        %gt3A_955 = arith.cmpf ogt, %rev3A_949, %masked_sort3A_875 : vector<16xf32>
        %select_n3A_956 = arith.select %gt3A_955, %rev3A_949, %masked_sort3A_875 : vector<16xi1>, vector<16xf32>
        %select_n3A_957 = arith.select %gt3A_955, %rev3A_954, %masked_sort3A_876 : vector<16xi1>, vector<16xi32>
        %masked_sort3A_958 = arith.constant dense<true> : vector<16xi1>
        %masked_sort3A_959, %masked_sort3A_960, %masked_sort3A_961 = tpu.sort %select_n3A_956, %select_n3A_957 masked %masked_sort3A_958 {descending = true} : (vector<16xf32>, vector<16xi32>, vector<16xi1>) -> (vector<16xi1>, vector<16xf32>, vector<16xi32>)
        %rev3A_962 = arith.constant 15 : i32
        %rev3A_963 = vector.broadcast %rev3A_962 : i32 to vector<16xi32>
        %rev3A_964 = tpu.iota {dimensions = array<i32: 0>} : vector<16xi32>
        %rev3A_965 = arith.subi %rev3A_963, %rev3A_964 : vector<16xi32>
        %rev3A_966 = tpu.dynamic_gather %masked_sort3A_926[%rev3A_965] in [0] : vector<16xf32>, vector<16xi32> -> vector<16xf32>
        %rev3A_967 = arith.constant 15 : i32
        %rev3A_968 = vector.broadcast %rev3A_967 : i32 to vector<16xi32>
        %rev3A_969 = tpu.iota {dimensions = array<i32: 0>} : vector<16xi32>
        %rev3A_970 = arith.subi %rev3A_968, %rev3A_969 : vector<16xi32>
        %rev3A_971 = tpu.dynamic_gather %masked_sort3A_927[%rev3A_970] in [0] : vector<16xi32>, vector<16xi32> -> vector<16xi32>
        %gt3A_972 = arith.cmpf ogt, %rev3A_966, %masked_sort3A_909 : vector<16xf32>
        %select_n3A_973 = arith.select %gt3A_972, %rev3A_966, %masked_sort3A_909 : vector<16xi1>, vector<16xf32>
        %select_n3A_974 = arith.select %gt3A_972, %rev3A_971, %masked_sort3A_910 : vector<16xi1>, vector<16xi32>
        %masked_sort3A_975 = arith.constant dense<true> : vector<16xi1>
        %masked_sort3A_976, %masked_sort3A_977, %masked_sort3A_978 = tpu.sort %select_n3A_973, %select_n3A_974 masked %masked_sort3A_975 {descending = true} : (vector<16xf32>, vector<16xi32>, vector<16xi1>) -> (vector<16xi1>, vector<16xf32>, vector<16xi32>)
        %rev3A_979 = arith.constant 15 : i32
        %rev3A_980 = vector.broadcast %rev3A_979 : i32 to vector<16xi32>
        %rev3A_981 = tpu.iota {dimensions = array<i32: 0>} : vector<16xi32>
        %rev3A_982 = arith.subi %rev3A_980, %rev3A_981 : vector<16xi32>
        %rev3A_983 = tpu.dynamic_gather %masked_sort3A_960[%rev3A_982] in [0] : vector<16xf32>, vector<16xi32> -> vector<16xf32>
        %rev3A_984 = arith.constant 15 : i32
        %rev3A_985 = vector.broadcast %rev3A_984 : i32 to vector<16xi32>
        %rev3A_986 = tpu.iota {dimensions = array<i32: 0>} : vector<16xi32>
        %rev3A_987 = arith.subi %rev3A_985, %rev3A_986 : vector<16xi32>
        %rev3A_988 = tpu.dynamic_gather %masked_sort3A_961[%rev3A_987] in [0] : vector<16xi32>, vector<16xi32> -> vector<16xi32>
        %gt3A_989 = arith.cmpf ogt, %rev3A_983, %masked_sort3A_943 : vector<16xf32>
        %select_n3A_990 = arith.select %gt3A_989, %rev3A_983, %masked_sort3A_943 : vector<16xi1>, vector<16xf32>
        %select_n3A_991 = arith.select %gt3A_989, %rev3A_988, %masked_sort3A_944 : vector<16xi1>, vector<16xi32>
        %masked_sort3A_992 = arith.constant dense<true> : vector<16xi1>
        %masked_sort3A_993, %masked_sort3A_994, %masked_sort3A_995 = tpu.sort %select_n3A_990, %select_n3A_991 masked %masked_sort3A_992 {descending = true} : (vector<16xf32>, vector<16xi32>, vector<16xi1>) -> (vector<16xi1>, vector<16xf32>, vector<16xi32>)
        %rev3A_996 = arith.constant 15 : i32
        %rev3A_997 = vector.broadcast %rev3A_996 : i32 to vector<16xi32>
        %rev3A_998 = tpu.iota {dimensions = array<i32: 0>} : vector<16xi32>
        %rev3A_999 = arith.subi %rev3A_997, %rev3A_998 : vector<16xi32>
        %rev3A_1000 = tpu.dynamic_gather %masked_sort3A_994[%rev3A_999] in [0] : vector<16xf32>, vector<16xi32> -> vector<16xf32>
        %rev3A_1001 = arith.constant 15 : i32
        %rev3A_1002 = vector.broadcast %rev3A_1001 : i32 to vector<16xi32>
        %rev3A_1003 = tpu.iota {dimensions = array<i32: 0>} : vector<16xi32>
        %rev3A_1004 = arith.subi %rev3A_1002, %rev3A_1003 : vector<16xi32>
        %rev3A_1005 = tpu.dynamic_gather %masked_sort3A_995[%rev3A_1004] in [0] : vector<16xi32>, vector<16xi32> -> vector<16xi32>
        %gt3A_1006 = arith.cmpf ogt, %rev3A_1000, %masked_sort3A_977 : vector<16xf32>
        %select_n3A_1007 = arith.select %gt3A_1006, %rev3A_1000, %masked_sort3A_977 : vector<16xi1>, vector<16xf32>
        %select_n3A_1008 = arith.select %gt3A_1006, %rev3A_1005, %masked_sort3A_978 : vector<16xi1>, vector<16xi32>
        %masked_sort3A_1009 = arith.constant dense<true> : vector<16xi1>
        %masked_sort3A_1010, %masked_sort3A_1011, %masked_sort3A_1012 = tpu.sort %select_n3A_1007, %select_n3A_1008 masked %masked_sort3A_1009 {descending = true} : (vector<16xf32>, vector<16xi32>, vector<16xi1>) -> (vector<16xi1>, vector<16xf32>, vector<16xi32>)
        %broadcast_in_dim3A_1013 = vector.broadcast %scan3A_166 : i32 to vector<16xi32>
        %gather3A_1014 = tpu.vector_load_idx %arg8[%broadcast_in_dim3A_1013, %masked_sort3A_1012] : memref<4x4096xf32, #tpu.memory_space<vmem>>[vector<16xi32>, vector<16xi32>], vector<16xf32>,
        %sub3A_1015 = arith.subi %add3A_183, %mul3A_2 : i32
        %swap3A = arith.index_cast %sub3A_1015 : i32 to index
        %swap3A_1016 = arith.constant 0 : index
        %swap3A_1017 = tpu.vector_load %arg9[%swap3A, %swap3A_1016] {strides = array<i32>} : memref<128x16xf32, #tpu.memory_space<vmem>>, vector<16xf32>,
        tpu.vector_store %arg9[%swap3A, %swap3A_1016], %gather3A_1014 {strides = array<i32>} : memref<128x16xf32, #tpu.memory_space<vmem>>, vector<16xf32>,
        %scan3A_1018 = arith.constant 0 : i32
        scf.yield %scan3A_1018 : i32
      }
      %scan3A_150 = arith.constant 4 : i32
      %add3A_151 = arith.constant 8 : i32
      %add3A_152 = arith.addi %add3A_139, %add3A_151 : i32
      %min3A_153 = arith.minsi %add3A_152, %sub3A_9 : i32
      %dma_start3A_154 = arith.constant 0 : i32
      %dma_start3A_155 = tpu.memref_slice %arg3[%min3A_153, %dma_start3A_154] : memref<4096x4096xf32, #tpu.memory_space<hbm>> -> memref<4x4096xf32, #tpu.memory_space<hbm>>
      %dma_start3A_156 = arith.constant 0 : i32
      %dma_start3A_157 = tpu.memref_slice %arg3[%min3A_153, %dma_start3A_156] : memref<4096x4096xf32, #tpu.memory_space<hbm>> -> memref<4x4096xf32, #tpu.memory_space<hbm>>
      tpu.enqueue_dma source(%dma_start3A_157 : memref<4x4096xf32, #tpu.memory_space<hbm>>) target(%arg8 : memref<4x4096xf32, #tpu.memory_space<vmem>>) target_semaphore(%arg14 : memref<!tpu.dma_semaphore, #tpu.memory_space<semaphore_mem>>)
      %add3A_158 = arith.constant 16 : i32
      %add3A_159 = arith.addi %add3A_113, %add3A_158 : i32
      %min3A_160 = arith.minsi %add3A_159, %sub3A_5 : i32
      %dma_start3A_161 = arith.constant 0 : i32
      %dma_start3A_162 = tpu.memref_slice %arg2[%min3A_160, %dma_start3A_161] : memref<4096x4096xf32, #tpu.memory_space<hbm>> -> memref<8x4096xf32, #tpu.memory_space<hbm>>
      %dma_start3A_163 = arith.constant 0 : i32
      %dma_start3A_164 = tpu.memref_slice %arg2[%min3A_160, %dma_start3A_163] : memref<4096x4096xf32, #tpu.memory_space<hbm>> -> memref<8x4096xf32, #tpu.memory_space<hbm>>
      tpu.enqueue_dma source(%dma_start3A_164 : memref<8x4096xf32, #tpu.memory_space<hbm>>) target(%arg6 : memref<8x4096xf32, #tpu.memory_space<vmem>>) target_semaphore(%arg12 : memref<!tpu.dma_semaphore, #tpu.memory_space<semaphore_mem>>)
      %scan3A_165 = arith.constant 0 : i32
      scf.yield %scan3A_165 : i32
    }
    %scan3A_34 = arith.constant 8 : i32
    %dma_wait3A = arith.constant 0 : i32
    %dma_wait3A_35 = tpu.memref_slice %arg2[%sub3A_5, %dma_wait3A] : memref<4096x4096xf32, #tpu.memory_space<hbm>> -> memref<8x4096xf32, #tpu.memory_space<hbm>>
    %dma_wait3A_36 = arith.constant 0 : i32
    %dma_wait3A_37 = tpu.memref_slice %arg2[%sub3A_5, %dma_wait3A_36] : memref<4096x4096xf32, #tpu.memory_space<hbm>> -> memref<8x4096xf32, #tpu.memory_space<hbm>>
    tpu.wait_dma2 semaphore(%arg11 : memref<!tpu.dma_semaphore, #tpu.memory_space<semaphore_mem>>) src(%dma_wait3A_37 : memref<8x4096xf32, #tpu.memory_space<hbm>>) dst(%arg5 : memref<8x4096xf32, #tpu.memory_space<vmem>>)
    %dma_wait3A_38 = arith.constant 0 : i32
    %dma_wait3A_39 = tpu.memref_slice %arg2[%sub3A_5, %dma_wait3A_38] : memref<4096x4096xf32, #tpu.memory_space<hbm>> -> memref<8x4096xf32, #tpu.memory_space<hbm>>
    %dma_wait3A_40 = arith.constant 0 : i32
    %dma_wait3A_41 = tpu.memref_slice %arg2[%sub3A_5, %dma_wait3A_40] : memref<4096x4096xf32, #tpu.memory_space<hbm>> -> memref<8x4096xf32, #tpu.memory_space<hbm>>
    tpu.wait_dma2 semaphore(%arg12 : memref<!tpu.dma_semaphore, #tpu.memory_space<semaphore_mem>>) src(%dma_wait3A_41 : memref<8x4096xf32, #tpu.memory_space<hbm>>) dst(%arg6 : memref<8x4096xf32, #tpu.memory_space<vmem>>)
    %dma_wait3A_42 = arith.constant 0 : i32
    %dma_wait3A_43 = tpu.memref_slice %arg3[%sub3A_9, %dma_wait3A_42] : memref<4096x4096xf32, #tpu.memory_space<hbm>> -> memref<4x4096xf32, #tpu.memory_space<hbm>>
    %dma_wait3A_44 = arith.constant 0 : i32
    %dma_wait3A_45 = tpu.memref_slice %arg3[%sub3A_9, %dma_wait3A_44] : memref<4096x4096xf32, #tpu.memory_space<hbm>> -> memref<4x4096xf32, #tpu.memory_space<hbm>>
    tpu.wait_dma2 semaphore(%arg13 : memref<!tpu.dma_semaphore, #tpu.memory_space<semaphore_mem>>) src(%dma_wait3A_45 : memref<4x4096xf32, #tpu.memory_space<hbm>>) dst(%arg7 : memref<4x4096xf32, #tpu.memory_space<vmem>>)
    %dma_wait3A_46 = arith.constant 0 : i32
    %dma_wait3A_47 = tpu.memref_slice %arg3[%sub3A_9, %dma_wait3A_46] : memref<4096x4096xf32, #tpu.memory_space<hbm>> -> memref<4x4096xf32, #tpu.memory_space<hbm>>
    %dma_wait3A_48 = arith.constant 0 : i32
    %dma_wait3A_49 = tpu.memref_slice %arg3[%sub3A_9, %dma_wait3A_48] : memref<4096x4096xf32, #tpu.memory_space<hbm>> -> memref<4x4096xf32, #tpu.memory_space<hbm>>
    tpu.wait_dma2 semaphore(%arg14 : memref<!tpu.dma_semaphore, #tpu.memory_space<semaphore_mem>>) src(%dma_wait3A_49 : memref<4x4096xf32, #tpu.memory_space<hbm>>) dst(%arg8 : memref<4x4096xf32, #tpu.memory_space<vmem>>)
    "tpu.region"() ({
      %run_scoped3A = tpu.sem_alloc : memref<!tpu.dma_semaphore, #tpu.memory_space<semaphore_mem>>
      %dma_start3A_50 = arith.constant 0 : i32
      %dma_start3A_51 = tpu.memref_slice %arg4[%mul3A_2, %dma_start3A_50] : memref<4096x16xf32, #tpu.memory_space<hbm>> -> memref<128x16xf32, #tpu.memory_space<hbm>>
      %dma_start3A_52 = arith.constant 0 : i32
      %dma_start3A_53 = tpu.memref_slice %arg4[%mul3A_2, %dma_start3A_52] : memref<4096x16xf32, #tpu.memory_space<hbm>> -> memref<128x16xf32, #tpu.memory_space<hbm>>
      tpu.enqueue_dma source(%arg9 : memref<128x16xf32, #tpu.memory_space<vmem>>) target(%dma_start3A_53 : memref<128x16xf32, #tpu.memory_space<hbm>>) target_semaphore(%run_scoped3A : memref<!tpu.dma_semaphore, #tpu.memory_space<semaphore_mem>>)
      %dma_wait3A_54 = arith.constant 0 : i32
      %dma_wait3A_55 = tpu.memref_slice %arg4[%mul3A_2, %dma_wait3A_54] : memref<4096x16xf32, #tpu.memory_space<hbm>> -> memref<128x16xf32, #tpu.memory_space<hbm>>
      %dma_wait3A_56 = arith.constant 0 : i32
      %dma_wait3A_57 = tpu.memref_slice %arg4[%mul3A_2, %dma_wait3A_56] : memref<4096x16xf32, #tpu.memory_space<hbm>> -> memref<128x16xf32, #tpu.memory_space<hbm>>
      tpu.wait_dma2 semaphore(%run_scoped3A : memref<!tpu.dma_semaphore, #tpu.memory_space<semaphore_mem>>) src(%arg9 : memref<128x16xf32, #tpu.memory_space<vmem>>) dst(%dma_wait3A_57 : memref<128x16xf32, #tpu.memory_space<hbm>>)
      tpu.yield
    }) : () -> ()
    return
  }
}

module attributes {stable_mosaic.version = 14 : i64} {
  func.func @_tc_reg_body(%arg0: memref<4096x16xf32, #tpu.memory_space<vmem>>, %arg1: memref<4096x1xf32, #tpu.memory_space<vmem>>, %arg2: memref<1x1xf32, #tpu.memory_space<smem>>) attributes {dimension_semantics = [], scalar_prefetch = 0 : i64, scratch_operands = 0 : i64, tpu.core_type = #tpu.core_type<tc>} {
    %get3A = arith.constant 0 : index
    %get3A_0 = arith.constant 0 : index
    %get3A_1 = vector.load %arg0[%get3A, %get3A_0] : memref<4096x16xf32, #tpu.memory_space<vmem>>, vector<4096x16xf32>
    %mul3A = arith.constant 1.000000e+01 : f32
    %mul3A_2 = vector.broadcast %mul3A : f32 to vector<4096x16xf32>
    %mul3A_3 = arith.mulf %get3A_1, %mul3A_2 : vector<4096x16xf32>
    %exp3A = math.exp %mul3A_3 : vector<4096x16xf32>
    %get3A_4 = arith.constant 0 : index
    %get3A_5 = arith.constant 0 : index
    %get3A_6 = vector.load %arg1[%get3A_4, %get3A_5] : memref<4096x1xf32, #tpu.memory_space<vmem>>, vector<4096x1xf32>
    %div3A = vector.broadcast %get3A_6 : vector<4096x1xf32> to vector<4096x16xf32>
    %div3A_7 = arith.divf %exp3A, %div3A : vector<4096x16xf32>
    %add3A = arith.constant 9.99999993E-9 : f32
    %add3A_8 = vector.broadcast %add3A : f32 to vector<4096x16xf32>
    %add3A_9 = arith.addf %div3A_7, %add3A_8 : vector<4096x16xf32>
    %log3A = math.log %add3A_9 : vector<4096x16xf32>
    %neg3A = arith.constant 0.000000e+00 : f32
    %neg3A_10 = vector.broadcast %neg3A : f32 to vector<4096x16xf32>
    %neg3A_11 = arith.subf %neg3A_10, %log3A : vector<4096x16xf32>
    %iota3A = tpu.iota {dimensions = array<i32: 1>} : vector<4096x16xi32>
    %lt3A = arith.constant 10 : i32
    %lt3A_12 = vector.broadcast %lt3A : i32 to vector<4096x16xi32>
    %lt3A_13 = arith.cmpi slt, %iota3A, %lt3A_12 : vector<4096x16xi32>
    %jit3A = arith.constant 0.000000e+00 : f32
    %broadcast_in_dim3A = vector.broadcast %jit3A : f32 to vector<4096x16xf32>
    %select_n3A = arith.select %lt3A_13, %neg3A_11, %broadcast_in_dim3A : vector<4096x16xi1>, vector<4096x16xf32>
    %reduce_sum3A = vector.shape_cast %select_n3A : vector<4096x16xf32> to vector<1x4096x16xf32>
    %reduce_sum3A_14 = arith.constant dense<0.000000e+00> : vector<1xf32>
    %reduce_sum3A_15 = vector.multi_reduction <add>, %reduce_sum3A, %reduce_sum3A_14 [1, 2] : vector<1x4096x16xf32> to vector<1xf32>
    %reduce_sum3A_16 = vector.shape_cast %reduce_sum3A_15 : vector<1xf32> to vector<1x1x1xf32>
    %reduce_sum3A_17 = vector.extract %reduce_sum3A_16[0, 0, 0] : f32 from vector<1x1x1xf32>
    %div3A_18 = arith.constant 4.096000e+03 : f32
    %div3A_19 = arith.divf %reduce_sum3A_17, %div3A_18 : f32
    %swap3A = arith.constant 0 : index
    %swap3A_20 = arith.constant 0 : index
    %swap3A_21 = memref.load %arg2[%swap3A, %swap3A_20] : memref<1x1xf32, #tpu.memory_space<smem>>
    memref.store %div3A_19, %arg2[%swap3A, %swap3A_20] : memref<1x1xf32, #tpu.memory_space<smem>>
    return
  }
}

module attributes {stable_mosaic.version = 14 : i64} {
  func.func @_tc_dense_body(%arg0: i32, %arg1: memref<128x4096xf32, #tpu.memory_space<vmem>>, %arg2: memref<128x1024xf32, #tpu.memory_space<vmem>>, %arg3: memref<128x1024xf32, #tpu.memory_space<vmem>>, %arg4: memref<128x256xf32, #tpu.memory_space<vmem>>, %arg5: memref<128x256xf32, #tpu.memory_space<vmem>>, %arg6: memref<1x1xf32, #tpu.memory_space<smem>>, %arg7: memref<1x1xf32, #tpu.memory_space<smem>>, %arg8: memref<128x1xf32, #tpu.memory_space<vmem>>, %arg9: memref<2xf32, #tpu.memory_space<smem>>) attributes {dimension_semantics = [#tpu.dimension_semantics<arbitrary>], iteration_bounds = array<i64: 32>, scalar_prefetch = 0 : i64, scratch_operands = 1 : i64, tpu.core_type = #tpu.core_type<tc>, window_params = [{transform_indices = @transform_0, window_bounds = array<i64: 128, 4096>}, {transform_indices = @transform_1, window_bounds = array<i64: 128, 1024>}, {transform_indices = @transform_2, window_bounds = array<i64: 128, 1024>}, {transform_indices = @transform_3, window_bounds = array<i64: 128, 256>}, {transform_indices = @transform_4, window_bounds = array<i64: 128, 256>}, {transform_indices = @transform_5, window_bounds = array<i64: 1, 1>}, {transform_indices = @transform_6, window_bounds = array<i64: 1, 1>}, {transform_indices = @transform_7, window_bounds = array<i64: 128, 1>}]} {
    %eq3A = arith.constant 0 : i32
    %eq3A_0 = arith.cmpi eq, %arg0, %eq3A : i32
    %convert_element_type3A = arith.extui %eq3A_0 : i1 to i32
    %cond3A = arith.constant 0 : i32
    %cond3A_1 = arith.cmpi ne, %convert_element_type3A, %cond3A : i32
    scf.if %cond3A_1 {
      %swap3A_55 = arith.constant 0.000000e+00 : f32
      %swap3A_56 = arith.constant 0 : index
      %swap3A_57 = memref.load %arg9[%swap3A_56] : memref<2xf32, #tpu.memory_space<smem>>
      memref.store %swap3A_55, %arg9[%swap3A_56] : memref<2xf32, #tpu.memory_space<smem>>
      %swap3A_58 = arith.constant 0.000000e+00 : f32
      %swap3A_59 = arith.constant 1 : index
      %swap3A_60 = memref.load %arg9[%swap3A_59] : memref<2xf32, #tpu.memory_space<smem>>
      memref.store %swap3A_58, %arg9[%swap3A_59] : memref<2xf32, #tpu.memory_space<smem>>
    } else {
    }
    %mul3A = arith.constant 128 : i32
    %mul3A_2 = arith.muli %arg0, %mul3A : i32
    %iota3A = tpu.iota {dimensions = array<i32: 0>} : vector<128x4096xi32>
    %add3A = vector.broadcast %mul3A_2 : i32 to vector<128x4096xi32>
    %add3A_3 = arith.addi %add3A, %iota3A : vector<128x4096xi32>
    %iota3A_4 = tpu.iota {dimensions = array<i32: 1>} : vector<128x4096xi32>
    %get3A = arith.constant 0 : index
    %get3A_5 = arith.constant 0 : index
    %get3A_6 = vector.load %arg1[%get3A, %get3A_5] : memref<128x4096xf32, #tpu.memory_space<vmem>>, vector<128x4096xf32>
    %mul3A_7 = arith.constant 1.000000e+01 : f32
    %mul3A_8 = vector.broadcast %mul3A_7 : f32 to vector<128x4096xf32>
    %mul3A_9 = arith.mulf %get3A_6, %mul3A_8 : vector<128x4096xf32>
    %exp3A = math.exp %mul3A_9 : vector<128x4096xf32>
    %eq3A_10 = arith.cmpi eq, %iota3A_4, %add3A_3 : vector<128x4096xi32>
    %jit3A = arith.constant 0.000000e+00 : f32
    %broadcast_in_dim3A = vector.broadcast %jit3A : f32 to vector<128x4096xf32>
    %select_n3A = arith.select %eq3A_10, %broadcast_in_dim3A, %exp3A : vector<128x4096xi1>, vector<128x4096xf32>
    %reduce_sum3A = arith.constant dense<0.000000e+00> : vector<128xf32>
    %reduce_sum3A_11 = vector.multi_reduction <add>, %select_n3A, %reduce_sum3A [1] : vector<128x4096xf32> to vector<128xf32>
    %broadcast_in_dim3A_12 = vector.shape_cast %reduce_sum3A_11 : vector<128xf32> to vector<128x1xf32>
    %swap3A = arith.constant 0 : index
    %swap3A_13 = arith.constant 0 : index
    %swap3A_14 = vector.load %arg8[%swap3A, %swap3A_13] : memref<128x1xf32, #tpu.memory_space<vmem>>, vector<128x1xf32>
    tpu.vector_store %arg8[%swap3A, %swap3A_13], %broadcast_in_dim3A_12 {strides = array<i32>} : memref<128x1xf32, #tpu.memory_space<vmem>>, vector<128x1xf32>,
    %get3A_15 = arith.constant 0 : index
    %get3A_16 = arith.constant 0 : index
    %get3A_17 = vector.load %arg3[%get3A_15, %get3A_16] : memref<128x1024xf32, #tpu.memory_space<vmem>>, vector<128x1024xf32>
    %get3A_18 = arith.constant 0 : index
    %get3A_19 = arith.constant 0 : index
    %get3A_20 = vector.load %arg2[%get3A_18, %get3A_19] : memref<128x1024xf32, #tpu.memory_space<vmem>>, vector<128x1024xf32>
    %sub3A = arith.subf %get3A_17, %get3A_20 : vector<128x1024xf32>
    %get3A_21 = arith.constant 0 : index
    %get3A_22 = arith.constant 0 : index
    %get3A_23 = vector.load %arg5[%get3A_21, %get3A_22] : memref<128x256xf32, #tpu.memory_space<vmem>>, vector<128x256xf32>
    %get3A_24 = arith.constant 0 : index
    %get3A_25 = arith.constant 0 : index
    %get3A_26 = vector.load %arg4[%get3A_24, %get3A_25] : memref<128x256xf32, #tpu.memory_space<vmem>>, vector<128x256xf32>
    %sub3A_27 = arith.subf %get3A_23, %get3A_26 : vector<128x256xf32>
    %get3A_28 = arith.constant 0 : index
    %get3A_29 = memref.load %arg9[%get3A_28] : memref<2xf32, #tpu.memory_space<smem>>
    %mul3A_30 = arith.mulf %sub3A, %sub3A : vector<128x1024xf32>
    %reduce_sum3A_31 = vector.shape_cast %mul3A_30 : vector<128x1024xf32> to vector<1x128x1024xf32>
    %reduce_sum3A_32 = arith.constant dense<0.000000e+00> : vector<1xf32>
    %reduce_sum3A_33 = vector.multi_reduction <add>, %reduce_sum3A_31, %reduce_sum3A_32 [1, 2] : vector<1x128x1024xf32> to vector<1xf32>
    %reduce_sum3A_34 = vector.shape_cast %reduce_sum3A_33 : vector<1xf32> to vector<1x1x1xf32>
    %reduce_sum3A_35 = vector.extract %reduce_sum3A_34[0, 0, 0] : f32 from vector<1x1x1xf32>
    %add3A_36 = arith.addf %get3A_29, %reduce_sum3A_35 : f32
    %swap3A_37 = arith.constant 0 : index
    %swap3A_38 = memref.load %arg9[%swap3A_37] : memref<2xf32, #tpu.memory_space<smem>>
    memref.store %add3A_36, %arg9[%swap3A_37] : memref<2xf32, #tpu.memory_space<smem>>
    %get3A_39 = arith.constant 1 : index
    %get3A_40 = memref.load %arg9[%get3A_39] : memref<2xf32, #tpu.memory_space<smem>>
    %mul3A_41 = arith.mulf %sub3A_27, %sub3A_27 : vector<128x256xf32>
    %reduce_sum3A_42 = vector.shape_cast %mul3A_41 : vector<128x256xf32> to vector<1x128x256xf32>
    %reduce_sum3A_43 = arith.constant dense<0.000000e+00> : vector<1xf32>
    %reduce_sum3A_44 = vector.multi_reduction <add>, %reduce_sum3A_42, %reduce_sum3A_43 [1, 2] : vector<1x128x256xf32> to vector<1xf32>
    %reduce_sum3A_45 = vector.shape_cast %reduce_sum3A_44 : vector<1xf32> to vector<1x1x1xf32>
    %reduce_sum3A_46 = vector.extract %reduce_sum3A_45[0, 0, 0] : f32 from vector<1x1x1xf32>
    %add3A_47 = arith.addf %get3A_40, %reduce_sum3A_46 : f32
    %swap3A_48 = arith.constant 1 : index
    %swap3A_49 = memref.load %arg9[%swap3A_48] : memref<2xf32, #tpu.memory_space<smem>>
    memref.store %add3A_47, %arg9[%swap3A_48] : memref<2xf32, #tpu.memory_space<smem>>
    %eq3A_50 = arith.constant 31 : i32
    %eq3A_51 = arith.cmpi eq, %arg0, %eq3A_50 : i32
    %convert_element_type3A_52 = arith.extui %eq3A_51 : i1 to i32
    %cond3A_53 = arith.constant 0 : i32
    %cond3A_54 = arith.cmpi ne, %convert_element_type3A_52, %cond3A_53 : i32
    scf.if %cond3A_54 {
      %get3A_55 = arith.constant 0 : index
      %get3A_56 = memref.load %arg9[%get3A_55] : memref<2xf32, #tpu.memory_space<smem>>
      %div3A = arith.constant 0x4A800000 : f32
      %div3A_57 = arith.divf %get3A_56, %div3A : f32
      %swap3A_58 = arith.constant 0 : index
      %swap3A_59 = arith.constant 0 : index
      %swap3A_60 = memref.load %arg6[%swap3A_58, %swap3A_59] : memref<1x1xf32, #tpu.memory_space<smem>>
      memref.store %div3A_57, %arg6[%swap3A_58, %swap3A_59] : memref<1x1xf32, #tpu.memory_space<smem>>
      %get3A_61 = arith.constant 1 : index
      %get3A_62 = memref.load %arg9[%get3A_61] : memref<2xf32, #tpu.memory_space<smem>>
      %div3A_63 = arith.constant 0x49800000 : f32
      %div3A_64 = arith.divf %get3A_62, %div3A_63 : f32
      %swap3A_65 = arith.constant 0 : index
      %swap3A_66 = arith.constant 0 : index
      %swap3A_67 = memref.load %arg7[%swap3A_65, %swap3A_66] : memref<1x1xf32, #tpu.memory_space<smem>>
      memref.store %div3A_64, %arg7[%swap3A_65, %swap3A_66] : memref<1x1xf32, #tpu.memory_space<smem>>
    } else {
    }
    return
  }
  func.func @transform_0(%arg0: i32) -> (i32, i32) {
    %c0_i32 = arith.constant 0 : i32
    %c0_i32_0 = arith.constant 0 : i32
    return %arg0, %c0_i32 : i32, i32
  }
  func.func @transform_1(%arg0: i32) -> (i32, i32) {
    %c0_i32 = arith.constant 0 : i32
    %c0_i32_0 = arith.constant 0 : i32
    return %arg0, %c0_i32 : i32, i32
  }
  func.func @transform_2(%arg0: i32) -> (i32, i32) {
    %c0_i32 = arith.constant 0 : i32
    %c0_i32_0 = arith.constant 0 : i32
    return %arg0, %c0_i32 : i32, i32
  }
  func.func @transform_3(%arg0: i32) -> (i32, i32) {
    %c0_i32 = arith.constant 0 : i32
    %c0_i32_0 = arith.constant 0 : i32
    return %arg0, %c0_i32 : i32, i32
  }
  func.func @transform_4(%arg0: i32) -> (i32, i32) {
    %c0_i32 = arith.constant 0 : i32
    %c0_i32_0 = arith.constant 0 : i32
    return %arg0, %c0_i32 : i32, i32
  }
  func.func @transform_5(%arg0: i32) -> (i32, i32) {
    %c0_i32 = arith.constant 0 : i32
    %c0_i32_0 = arith.constant 0 : i32
    %c0_i32_1 = arith.constant 0 : i32
    return %c0_i32, %c0_i32_0 : i32, i32
  }
  func.func @transform_6(%arg0: i32) -> (i32, i32) {
    %c0_i32 = arith.constant 0 : i32
    %c0_i32_0 = arith.constant 0 : i32
    %c0_i32_1 = arith.constant 0 : i32
    return %c0_i32, %c0_i32_0 : i32, i32
  }
  func.func @transform_7(%arg0: i32) -> (i32, i32) {
    %c0_i32 = arith.constant 0 : i32
    %c0_i32_0 = arith.constant 0 : i32
    return %arg0, %c0_i32 : i32, i32
  }
}

</mosaic_0001>

<sc_bundles>
// kernel: kernel.5.cloned.1.call-start
scs
__scs_entry_jumppad:
0x0: {  	(pc) =	sbr.rel $0x88, $3  }
0x1: {  	(tag) =	ssettag $0x0;
	lr =	simm.s32 $0x1  }
0x2: {  	[smem:$0x3F9A] =	sst lr;
	_ =	strace $0xD0000000  }
0x3: {  	_ = 	snop  }
0x4: {  	_ = 	snop  }
0x5: {  	_ = 	snop  }
0x6: {  	_ = 	snop  }
0x7: {  	_ = 	snop  }
__scs_overlays_trampoline_lowered:
0x8: {  	[smem:$0x3FA9] =	sst s0  }
0x9: {  	[smem:$0x3FAA] =	sst s1  }
0xa: {  	[smem:$0x3FAB] =	sst s2  }
0xb: {  	[smem:$0x3FAC] =	sst s3  }
0xc: {  	[smem:$0x3FAD] =	sst s4  }
0xd: {  	[smem:$0x3FAE] =	sst s5  }
0xe: {  	[smem:$0x3FAF] =	sst s6  }
0xf: {  	[smem:$0x3FB0] =	sst s7  }
0x10: {  	[smem:$0x3FB1] =	sst s8  }
0x11: {  	[smem:$0x3FB2] =	sst s9;
	s0 =	simm.s32 @!p0 $0x0  }
0x12: {  	s1 =	sld [smem:$0x3F98];
	s0 =	simm.s32 @p0 $0x1  }
0x13: {  	[smem:$0x3FB3] =	sst s0;
	s0 =	simm.s32 @!p1 $0x0  }
0x14: {  	s2 =	sld [smem:$0x3F97];
	s0 =	simm.s32 @p1 $0x1  }
0x15: {  	[smem:$0x3FB4] =	sst s0;
	s0 =	simm.s32 @!p2 $0x0  }
0x16: {  	s3 =	sld [smem:$0x3FDB];
	s0 =	simm.s32 @p2 $0x1  }
0x17: {  	s4 =	simm.s32 $0x1BF5;
	[smem:$0x3FB6] =	sst s0  }
0x18: {  	s0 =	sld [smem:$0x3F99];
	_ =	swait.ge [sflag:s4], $0x0  }
0x19: {  	s7 =	sld [smem:$0x3F9A]  }
0x1a: {  	s8 =	sadd.s32 $0xFFFFE003, lr  }
0x1b: {  	s9 =	sadd.s32 $0xFFFFFEF7, lr;
	s5 =	simm.s32 $0xFFFFFFFF;
	p2 =	slt.u32 s8, $0xFFFFF086  }
0x1c: {  	p1 =	slt.u32 s9, $0xF7A;
	s5 =	simm.s32 @!p2 $0x0  }
0x1d: {  	s5 =	simm.s32 @p1 $0x1;
	p0 =	seq.s32 s7, s2  }
0x1e: {  	s7 =	smul.u32 @!p0 $0xF7A, s2;
	p2 =	seq.s32 @!p0 s5, $0x0  }
0x1f: {  	s9 =	smul.u32 $0xF7A, s1;
	s8 =	simm.s32 @!p0 $0x1BF5;
	p2 =	por !p2, p0  }
0x20: {  	[sflag:s8] =	ssyncset.s32 @!p0 $0xFFFFF086;
	s6 =	sadd.s32 @!p0 s3, s7;
	s7 =	simm.s32 @!p0 $0x108  }
0x21: {  	s3 =	sadd.s32 s3, s9;
	s6 =	sadd.s32 @!p0 $0x88, s6;
	s7 =	simm.s32 @p2 $0x1082  }
0x22: {  	[simem:s7], [sflag:s8] =	dma.local @!p0 [hbm:s6], $0xF7A  }
0x23: {  	s9 =	sor.u32 $0xD0000000, s2;
	s6 =	simm.s32 $0x108;
	_ =	swait.ge @!p0 [sflag:s8], $0x0  }
0x24: {  	s3 =	sadd.s32 $0x88, s3;
	s6 =	simm.s32 @!p1 $0x1082;
	[sflag:s4] =	ssyncset.s32 $0xFFFFF086  }
0x25: {  	[simem:s6], [sflag:s4] =	dma.local [hbm:s3], $0xF7A  }
0x26: {  	[smem:$0x3F9A] =	sst s1;
	(tag) =	ssettag s2;
	_ =	strace s9  }
0x27: {  	s1 =	sld [smem:$0x3FAA]  }
0x28: {  	s2 =	sld [smem:$0x3FAB]  }
0x29: {  	s4 =	sld [smem:$0x3FAD]  }
0x2a: {  	p0 =	seq.s32 s5, $0x0;
	s5 =	sld [smem:$0x3FAE]  }
0x2b: {  	s6 =	sld [smem:$0x3FAF]  }
0x2c: {  	s7 =	sld [smem:$0x3FB0]  }
0x2d: {  	s3 =	simm.s32 $0x108;
	s8 =	sld [smem:$0x3FB1]  }
0x2e: {  	s3 =	simm.s32 @!p0 $0x1082;
	s9 =	sld [smem:$0x3FB2]  }
0x2f: {  	lr =	sadd.s32 s0, s3;
	s0 =	sld [smem:$0x3FA9]  }
0x30: {  	s3 =	sld [smem:$0x3FAC]  }
0x31: {  	[smem:$0x3FB5] =	sst s10  }
0x32: {  	s10 =	sld [smem:$0x3FB3];
	_ =	sdelay $0x3  }
0x33: {  	p0 =	seq.s32 s10, $0x1;
	s10 =	sld [smem:$0x3FB5];
	_ =	sdelay $0x3  }
0x34: {  	[smem:$0x3FB5] =	sst s10  }
0x35: {  	s10 =	sld [smem:$0x3FB4];
	_ =	sdelay $0x3  }
0x36: {  	p1 =	seq.s32 s10, $0x1;
	s10 =	sld [smem:$0x3FB5];
	_ =	sdelay $0x3  }
0x37: {  	[smem:$0x3FB5] =	sst s10  }
0x38: {  	s10 =	sld [smem:$0x3FB6]  }
0x39: {  	_ = 	snop;
	(pc) =	sbr.ind lr, $3  }
0x3a: {  	_ = 	snop  }
0x3b: {  	_ = 	snop  }
0x3c: {  	p2 =	seq.s32 s10, $0x1;
	s10 =	sld [smem:$0x3FB5]  }
0x3d: {  	_ =	shalt  }
0x3e: {  	_ =	shalt  }
0x3f: {  	_ =	shalt  }
0x40: {  	_ =	shalt  }
0x41: {  	_ =	shalt  }
0x42: {  	_ =	shalt  }
0x43: {  	_ =	shalt  }
0x44: {  	_ =	shalt  }
0x45: {  	_ =	shalt  }
0x46: {  	_ =	shalt  }
0x47: {  	_ =	shalt  }
0x48: {  	_ =	shalt  }
0x49: {  	_ =	shalt  }
0x4a: {  	_ =	shalt  }
0x4b: {  	_ =	shalt  }
0x4c: {  	_ =	shalt  }
0x4d: {  	_ =	shalt  }
0x4e: {  	_ =	shalt  }
0x4f: {  	_ =	shalt  }
0x50: {  	_ =	shalt  }
0x51: {  	_ =	shalt  }
0x52: {  	_ =	shalt  }
0x53: {  	_ =	shalt  }
0x54: {  	_ =	shalt  }
0x55: {  	_ =	shalt  }
0x56: {  	_ =	shalt  }
0x57: {  	_ =	shalt  }
0x58: {  	_ =	shalt  }
0x59: {  	_ =	shalt  }
0x5a: {  	_ =	shalt  }
0x5b: {  	_ =	shalt  }
0x5c: {  	_ =	shalt  }
0x5d: {  	_ =	shalt  }
0x5e: {  	_ =	shalt  }
0x5f: {  	_ =	shalt  }
0x60: {  	_ =	shalt  }
0x61: {  	_ =	shalt  }
0x62: {  	_ =	shalt  }
0x63: {  	_ =	shalt  }
0x64: {  	_ =	shalt  }
0x65: {  	_ =	shalt  }
0x66: {  	_ =	shalt  }
0x67: {  	_ =	shalt  }
0x68: {  	_ =	shalt  }
0x69: {  	_ =	shalt  }
0x6a: {  	_ =	shalt  }
0x6b: {  	_ =	shalt  }
0x6c: {  	_ =	shalt  }
0x6d: {  	_ =	shalt  }
0x6e: {  	_ =	shalt  }
0x6f: {  	_ =	shalt  }
0x70: {  	_ =	shalt  }
0x71: {  	_ =	shalt  }
0x72: {  	_ =	shalt  }
0x73: {  	_ =	shalt  }
0x74: {  	_ =	shalt  }
0x75: {  	_ =	shalt  }
0x76: {  	_ =	shalt  }
0x77: {  	_ =	shalt  }
0x78: {  	_ =	shalt  }
0x79: {  	_ =	shalt  }
0x7a: {  	_ =	shalt  }
0x7b: {  	_ =	shalt  }
0x7c: {  	_ =	shalt  }
0x7d: {  	_ =	shalt  }
0x7e: {  	_ =	shalt  }
0x7f: {  	_ =	shalt  }
0x80: {  	_ =	shalt  }
0x81: {  	_ =	shalt  }
0x82: {  	_ =	shalt  }
0x83: {  	_ =	shalt  }
0x84: {  	_ =	shalt  }
0x85: {  	_ =	shalt  }
0x86: {  	_ =	shalt  }
0x87: {  	_ =	shalt  }
.Lfunc_end0:
.L_simem_size_0:
called_computation_lowered:
.L_overlay_start_0:
0x88: {  	s2 =	sld [smem:$0x3FD9]  }
0x89: {  	s3 =	sld [smem:$0x3FFE];
	_ =	sdelay $0x1  }
0x8a: {  	s1 =	srdreg.scid  }
0x8b: {  	s0 =	sand.u32 $0x1, s1  }
0x8c: {  	s17 =	sshll.u32 s0, $0xA;
	s2 =	sadd.s32 s3, s2  }
0x8d: {  	s2 =	sadd.s32 s2, s17  }
0x8e: {  	[smem:$0x3FC1] =	sst s2  }
0x8f: {  	_ = 	snop  }
0x90: {  	s2 =	sld [smem:$0x3FC9]  }
0x91: {  	s18 =	sld [smem:$0x3FC8];
	(tm) =	ssettm $0x1  }
0x92: {  	s4 =	sld [smem:$0x3FFB];
	_ =	sdelay $0x3  }
0x93: {  	_ =	strace s4  }
0x94: {  	s4 =	sld [smem:$0x3FFC];
	_ =	sdelay $0x3  }
0x95: {  	_ =	strace s4  }
0x96: {  	s4 =	sld [smem:$0x3FFD];
	_ =	sdelay $0x3  }
0x97: {  	_ =	strace s4  }
0x98: {  	_ =	strace $0x8FFFFFFF  }
0x99: {  	s19 =	sld [smem:$0x3FDB];
	_ =	sdelay $0x1  }
0x9a: {  	s5 =	simm.s32 $_scs_section_size  }
0x9b: {  	s6 =	simm.s32 $_size__tile_overlayer_lowered;
	s7 =	simm.s32 $_tile_overlayer_lowered  }
0x9c: {  	s22 =	simm.s32 $0x1BFF;
	s21 =	sshll.u32 s7, $0x1;
	s4 =	sadd.s32 s5, s19  }
0x9d: {  	s8 =	simm.s32 $0x0;
	s20 =	sshll.u32 s6, $0x1;
	s6 =	sadd.s32 s21, s4  }
0x9e: {  	[timem:s8], [sflag:s22] =	dma.local [hbm:s6], s20  }
0x9f: {  	_ =	swait.ge [sflag:s22], s20  }
0xa0: {  	s5 =	ssub.s32 $0x0, s20;
	[sflag:s22] =	ssyncset.done $0x0  }
0xa1: {  	[sflag:s22] =	ssyncadd.s32 s5;
	_ =	sdelay $0x1  }
0xa2: {  	s23 =	simm.s32 $0x1B8B  }
0xa3: {  	_ =	swait.ge [sflag:s23], $0x1  }
0xa4: {  	[sflag:s23] =	ssyncset.done $0x0  }
0xa5: {  	s25 =	simm.s32 $0x1B8E;
	s24 =	sld [smem:$0x3FFE];
	[sflag:s23] =	ssyncadd.s32 $0xFFFFFFFF  }
0xa6: {  	s26 =	simm.s32 $execute0_lowered;
	[smem:$0x3FD2] =	sst s25  }
0xa7: {  	s6 =	sshll.u32 s26, $0x1;
	_ =	strace $0x80000046;
	[dreg:$0x1] =	wrdreg $0xFFFFFFFF  }
0xa8: {  	s28 =	simm.s32 $_size_execute0_lowered;
	s4 =	sadd.s32 s4, s6;
	[dreg:$0x0] =	wrdreg $0x0  }
0xa9: {  	s6 =	sshll.u32 s28, $0x1;
	[dreg:$0x2] =	wrdreg s4  }
0xaa: {  	[dreg:$0x3] =	wrdreg s6  }
0xab: {  	[dreg:$0x4] =	wrdreg $0xC0  }
0xac: {  	_ =	task [dreg:s8], $0x5FFFF  }
0xad: {  	[dreg:$0x1] =	wrdreg $0xFFFFFFFF  }
0xae: {  	[dreg:$0x0] =	wrdreg $0x60  }
0xaf: {  	[dreg:$0x2] =	wrdreg s18  }
0xb0: {  	[dreg:$0x3] =	wrdreg s2  }
0xb1: {  	[dreg:$0x4] =	wrdreg s24  }
0xb2: {  	[dreg:$0x5] =	wrdreg $0x9  }
0xb3: {  	_ =	task.clear_ibuf [dreg:s8], $0x6FFFF;
	_ =	strace $0x90000046  }
0xb4: {  	s29 =	simm.s32 $0x9;
	_ =	strace $0x80000048  }
0xb5: {  	_ =	swait.ge [sflag:s29], $0x1  }
0xb6: {  	[sflag:s29] =	ssyncadd.s32 $0xFFFFFFFF  }
0xb7: {  	_ =	strace $0x90000048  }
0xb8: {  	_ =	sfence  }
0xb9: {  	s30 =	sld [smem:$0x0];
	_ =	sdelay $0x2  }
0xba: {  	s31 =	sshll.u32 s1, $0xD;
	s1 =	sshrl.u32 s1, $0x2  }
0xbb: {  	s3 =	sand.u32 $0x4000, s31;
	s1 =	sadd.s32 s1, s30  }
0xbc: {  	s0 =	sor.u32 s3, s0;
	s1 =	sshll.u32 s1, $0x11  }
0xbd: {  	s0 =	sor.u32 s1, s0  }
0xbe: {  	s0 =	sadd.s32 $0x8F2B, s0  }
0xbf: {  	[sflag:s0] =	ssyncadd.remote.s32 $0x1  }
0xc0: {  	_ =	sfence.sel $0xFFFF  }
0xc1: {  	[dreg:$0x0] =	wrdreg $0xFFFFFFFF;
	(pc) =	sbr.abs _section_cstart, $3  }
0xc2: {  	[dreg:$0x1] =	wrdreg $0xFFFFFFFF  }
0xc3: {  	_ =	task.clear_ibuf [dreg:s8], $0x2FFFF;
	_ =	strace $0x9FFFFFFF  }
0xc4: {  	(tm) =	ssettm $0x7FFFFFFF  }
0xc5: {  	_ =	shalt  }
tec
execute0_lowered:
.L_overlay_start_1:
0x0: {  	(tag) =	ssettag $0x1  }
0x1: {  	s1 =	rddreg [dreg:$0x0]  }
0x2: {  	s3 =	rddreg [dreg:$0x1]  }
0x3: {  	s0 =	rddreg [dreg:$0x2];
	s2 =	srdreg.scid  }
0x4: {  	s5 =	stileid.u32;
	s4 =	simm.s32 $0x0;
	s15 =	simm.s32 $0x8000  }
0x5: {  	s16 =	simm.s32 $0x200;
	s17 =	simm.s32 $0x400;
	s18 =	simm.s32 $0x10000  }
0x6: {  	s19 =	simm.s32 $0x14000;
	s20 =	simm.s32 $0x1;
	s21 =	simm.s32 $0x3  }
0x7: {  	s22 =	simm.s32 $0x4;
	s23 =	simm.s32 $0x2;
	s2 =	sand.u32 $0x1, s2  }
0x8: {  	s25 =	simm.s32 $0x5;
	s5 =	sshll.u32 s5, $0x8;
	s6 =	sshll.u32 s2, $0x7  }
0x9: {  	[smem:$0x7FF] =	sst s4;
	s2 =	ssub.s32 $0x2, s2;
	s5 =	sor.u32 s6, s5  }
0xa: {  	v0 =	vimm.f32 $-1.000000000e+00;
	v1 =	vlaneseq.u32;
	s11 =	sadd.s32 $0x40, s3;
	s7 =	sshrl.u32 s2, $0x1;
	s9 =	sshll.u32 s5, $0x9  }
0xb: {  	v18 =	vimm.s32 $0x0;
	v2 =	vor.u32 $0x10, v1;
	v3 =	vor.u32 $0x20, v1;
	_ =	strace $0x80000047;
	s2 =	ssub.s32 s2, s7;
	s30 =	sadd.s32 s3, s9  }
0xc: {  	v4 =	vor.u32 $0x30, v1;
	v5 =	vor.u32 $0x40, v1;
	v6 =	vor.u32 $0x50, v1;
	s8 =	sadd.s32 s1, s9;
	s9 =	sadd.s32 s9, s11;
	[dreg:$0x5] =	wrdreg s30  }
0xd: {  	v7 =	vor.u32 $0x60, v1;
	v8 =	vor.u32 $0x70, v1;
	v9 =	vor.u32 $0x80, v1;
	s6 =	sshll.u32 s5, $0x4;
	s31 =	smax.u32 s2, $0x1;
	[dreg:$0x6] =	wrdreg s9  }
0xe: {  	v10 =	vor.u32 $0x90, v1;
	v11 =	vor.u32 $0xA0, v1;
	v17 =	vmul.u32 $0xFFFFFFFF, v1;
	s0 =	sadd.s32 s6, s0;
	s10 =	sadd.s32 $0x1000, s8;
	[dreg:$0x8] =	wrdreg s31  }
0xf: {  	s26 =	simm.s32 $0x0;
	v12 =	vor.u32 $0xB0, v1;
	v13 =	vor.u32 $0xC0, v1;
	v14 =	vor.u32 $0xD0, v1;
	s0 =	sadd.s32 $0xC00, s0;
	[dreg:$0x4] =	wrdreg s10  }
0x10: {  	v15 =	vor.u32 $0xE0, v1;
	v16 =	vor.u32 $0xF0, v1;
	v17 =	vadd.s32 $0xF, v17;
	s7 =	sor.u32 $0x7C, s5;
	s6 =	sor.u32 $0x78, s5;
	[dreg:$0x7] =	wrdreg s0  }
.LBB2_1:
0x11: {  	[tilespmem:s4], [sflag:$0x1] =	stream.linear.gather [hbm4b:s8+s4], $0x8000, $0x38;
	[tilespmem:$0x1C100] =	vst v63  }
0x12: {  	s0 =	rddreg [dreg:$0x4]  }
0x13: {  	[tilespmem:s15], [sflag:$0x2] =	stream.linear.gather [hbm4b:s0+s4], $0x8000, $0x38;
	[tilespmem:$0x1C100] =	vst v63  }
0x14: {  	s30 =	rddreg [dreg:$0x5]  }
0x15: {  	[tilespmem:s18], [sflag:$0x3] =	stream.strided.gather [hbm4b:s30+s16], $0x4000, s17, s16, $0x38;
	[tilespmem:$0x1C100] =	vst v63  }
0x16: {  	s31 =	rddreg [dreg:$0x6];
	s28 =	simm.s32 $0x0  }
0x17: {  	[tilespmem:s19], [sflag:$0x4] =	stream.strided.gather [hbm4b:s31+s16], $0x4000, s17, s16, $0x38;
	[tilespmem:$0x1C100] =	vst v63  }
.LBB2_2:
0x18: {  	_ =	swait.ge [sflag:s20], $0x8000  }
0x19: {  	[sflag:s20] =	ssyncset.done $0x0  }
0x1a: {  	[sflag:s20] =	ssyncadd.s32 $0xFFFF8000  }
0x1b: {  	s0 =	sshll.u32 s28, $0x4;
	_ =	swait.ge [sflag:s21], $0x4000  }
0x1c: {  	s2 =	simm.s32 $0x400;
	s24 =	simm.s32 $0x0;
	[sflag:s21] =	ssyncset.done $0x0  }
0x1d: {  	s29 =	sor.u32 s5, s0;
	s0 =	simm.s32 $0x0;
	[sflag:s21] =	ssyncadd.s32 $0xFFFFC000  }
.LBB2_3:
0x1e: {  	s9 =	sor.u32 s29, s24  }
0x1f: {  	v19 =	vmov s24;
	v20 =	vmov s9  }
0x20: {  	v19 =	vshll.u32 v19, $0x7;
	v21 =	vshll.u32 v20, $0x3  }
0x21: {  	v20 =	vand.u32 $0x73, v20;
	v19 =	vbroadcast v19, $0x0;
	v21 =	vand.u32 $0x7FFFFC00, v21  }
0x22: {  	v20 =	vor.u32 v21, v20  }
0x23: {  	v20 =	vor.u32 v19, v20;
	_ =	sdelay $0x4  }
0x24: {  	[tilespmem:v20+s0+$0x0] =	vst.idx.msk $0x1, v0  }
0x25: {  	v20 =	vld [tilespmem:s2+$0xFFFFFC10]  }
0x26: {  	s12 =	simm.s32 $0x40;
	s10 =	smov.u32 s2;
	s30 =	simm.s32 $0x0;
	v21 =	vld [tilespmem:s2+$0xFFFFFC00]  }
.LBB2_4:
0x27: {  	p0 =	sne.s32 s12, $0x3C0;
	v22 =	vld [tilespmem:s10+$0xFFFFFC20]  }
0x28: {  	v23 =	vld [tilespmem:s10+$0xFFFFFC30]  }
0x29: {  	v24 =	vld [tilespmem:s10+$0xFFFFFC40]  }
0x2a: {  	v25 =	vld [tilespmem:s10+$0xFFFFFC50]  }
0x2b: {  	v20 =	vmax.f32 v21, v20;
	v21 =	vld [tilespmem:s10+$0xFFFFFC60]  }
0x2c: {  	v20 =	vmax.f32 v20, v22;
	v22 =	vld [tilespmem:s10+$0xFFFFFC70]  }
0x2d: {  	v20 =	vmax.f32 v20, v23;
	v23 =	vld [tilespmem:s10+$0x0]  }
0x2e: {  	v20 =	vmax.f32 v20, v24;
	v24 =	vld [tilespmem:s10+$0x10]  }
0x2f: {  	v20 =	vmax.f32 v20, v25;
	v25 =	vld [tilespmem:s10+$0x20]  }
0x30: {  	v20 =	vmax.f32 v20, v21;
	v21 =	vld [tilespmem:s10+$0x30]  }
0x31: {  	v20 =	vmax.f32 v20, v22;
	v22 =	vld [tilespmem:s10+$0x40]  }
0x32: {  	v20 =	vmax.f32 v20, v23;
	v23 =	vld [tilespmem:s10+$0x50]  }
0x33: {  	v20 =	vmax.f32 v20, v24;
	v24 =	vld [tilespmem:s10+$0x60]  }
0x34: {  	v20 =	vmax.f32 v20, v25;
	v25 =	vld [tilespmem:s10+$0x70]  }
0x35: {  	v20 =	vmax.f32 v20, v21  }
0x36: {  	v20 =	vmax.f32 v20, v22  }
0x37: {  	v20 =	vmax.f32 v20, v23  }
.Ltmp0:
0x38: {  	v20 =	vmax.f32 v20, v24;
	(pc) =	sbr.rel @p0 .LBB2_4-.Ltmp0, $4  }
0x39: {  	s13 =	sshra.s32 s30, $0x2;
	s30 =	smov.u32 s12;
	v20 =	vmax.f32 v20, v25  }
0x3a: {  	s10 =	sadd.s32 $0x800, s10;
	[tilespmem:s13+$0x1C000] =	vst v20  }
0x3b: {  	v20 =	vld [tilespmem:s10+$0xFFFFFC10]  }
0x3c: {  	s12 =	sadd.s32 $0x40, s12;
	v21 =	vld [tilespmem:s10+$0xFFFFFC00]  }
0x3d: {  	v22 =	vld [tilespmem:s10+$0xFFFFFC20]  }
0x3e: {  	v23 =	vld [tilespmem:s10+$0xFFFFFC30]  }
0x3f: {  	v24 =	vld [tilespmem:s10+$0xFFFFFC40]  }
0x40: {  	v25 =	vld [tilespmem:s10+$0xFFFFFC50]  }
0x41: {  	v32 =	vld [tilespmem:s10+$0xFFFFFC60];
	v20 =	vmax.f32 v21, v20  }
0x42: {  	v33 =	vld [tilespmem:s10+$0xFFFFFC70];
	v20 =	vmax.f32 v20, v22  }
0x43: {  	v34 =	vld [tilespmem:s10+$0x0];
	v20 =	vmax.f32 v20, v23  }
0x44: {  	v35 =	vld [tilespmem:s10+$0x10];
	v20 =	vmax.f32 v20, v24  }
0x45: {  	v36 =	vld [tilespmem:s10+$0x20];
	v20 =	vmax.f32 v20, v25  }
0x46: {  	v37 =	vld [tilespmem:s10+$0x30];
	v20 =	vmax.f32 v20, v32  }
0x47: {  	v38 =	vld [tilespmem:s10+$0x40];
	v20 =	vmax.f32 v20, v33  }
0x48: {  	v39 =	vld [tilespmem:s10+$0x50];
	v20 =	vmax.f32 v20, v34  }
0x49: {  	v40 =	vld [tilespmem:s10+$0x60];
	v20 =	vmax.f32 v20, v35  }
0x4a: {  	v41 =	vld [tilespmem:s10+$0x70];
	v20 =	vmax.f32 v20, v36  }
0x4b: {  	v20 =	vmax.f32 v20, v37  }
0x4c: {  	v20 =	vmax.f32 v20, v38  }
0x4d: {  	v20 =	vmax.f32 v20, v39  }
0x4e: {  	v20 =	vmax.f32 v20, v40  }
0x4f: {  	s31 =	sshra.s32 s30, $0x2;
	v20 =	vmax.f32 v20, v41  }
0x50: {  	[tilespmem:s31+$0x1C000] =	vst v20  }
0x51: {  	v20 =	vld [tilespmem:$0x1C000]  }
0x52: {  	v42 =	vld [tilespmem:$0x1C010]  }
0x53: {  	v43 =	vld [tilespmem:$0x1C020]  }
0x54: {  	v44 =	vld [tilespmem:$0x1C030]  }
0x55: {  	v45 =	vld [tilespmem:$0x1C040]  }
0x56: {  	v46 =	vld [tilespmem:$0x1C050];
	(xrf1) =	vsort.dscd.msk.f32 $0xffff, v20, v1  }
0x57: {  	v20 =	vld [tilespmem:$0x1C060];
	(xrf1) =	vsort.dscd.msk.f32 $0xffff, v42, v2  }
0x58: {  	v47 =	vld [tilespmem:$0x1C070];
	(xrf1) =	vsort.dscd.msk.f32 $0xffff, v43, v3  }
0x59: {  	v48 =	vld [tilespmem:$0x1C080];
	(xrf1) =	vsort.dscd.msk.f32 $0xffff, v44, v4  }
0x5a: {  	v49 =	vld [tilespmem:$0x1C090];
	(xrf1) =	vsort.dscd.msk.f32 $0xffff, v45, v5  }
0x5b: {  	v50 =	vld [tilespmem:$0x1C0A0];
	(xrf1) =	vsort.dscd.msk.f32 $0xffff, v46, v6  }
0x5c: {  	v51 =	vld [tilespmem:$0x1C0B0];
	(xrf1) =	vsort.dscd.msk.f32 $0xffff, v20, v7  }
0x5d: {  	v20 =	vld [tilespmem:$0x1C0C0];
	(xrf1) =	vsort.dscd.msk.f32 $0xffff, v47, v8  }
0x5e: {  	v52 =	vld [tilespmem:$0x1C0D0];
	(xrf1) =	vsort.dscd.msk.f32 $0xffff, v48, v9  }
0x5f: {  	v53 =	vld [tilespmem:$0x1C0E0];
	(xrf1) =	vsort.dscd.msk.f32 $0xffff, v49, v10  }
0x60: {  	v54 =	vld [tilespmem:$0x1C0F0];
	(xrf1) =	vsort.dscd.msk.f32 $0xffff, v50, v11  }
0x61: {  	(xrf1) =	vsort.dscd.msk.f32 $0xffff, v51, v12  }
0x62: {  	(xrf1) =	vsort.dscd.msk.f32 $0xffff, v20, v13  }
0x63: {  	(xrf1) =	vsort.dscd.msk.f32 $0xffff, v52, v14  }
0x64: {  	v20, v55, _ =	vpop (xrf1);
	(xrf1) =	vsort.dscd.msk.f32 $0xffff, v53, v15  }
0x65: {  	v57, v56, _ =	vpop (xrf1);
	(xrf1) =	vsort.dscd.msk.f32 $0xffff, v54, v16  }
0x66: {  	v59, v58, _ =	vpop (xrf1)  }
0x67: {  	v22 =	vperm.xlane v57, v17;
	v26, v27, _ =	vpop (xrf1)  }
0x68: {  	v24 =	vperm.xlane v56, v17;
	v28, v29, _ =	vpop (xrf1);
	v26 =	vperm.xlane v26, v17  }
0x69: {  	vm0 =	vgt.f32 v22, v20;
	v60 =	vperm.xlane v27, v17;
	v30, v31, _ =	vpop (xrf1)  }
0x6a: {  	v20 =	vsel vm0, v22, v20;
	v21 =	vsel vm0, v24, v55;
	v61, v32, _ =	vpop (xrf1);
	vm10 =	vgt.f32 v26, v59  }
0x6b: {  	v62 =	vperm.xlane v30, v17;
	(xrf1) =	vsort.dscd.msk.f32 $0xffff, v20, v21;
	v38 =	vperm.xlane v31, v17;
	v63, v33, _ =	vpop (xrf1)  }
0x6c: {  	v20 =	vsel vm10, v26, v59;
	v35 =	vsel vm10, v60, v58;
	v37, v36, _ =	vpop (xrf1);
	v39 =	vperm.xlane v63, v17  }
0x6d: {  	vm11 =	vgt.f32 v62, v28;
	(xrf1) =	vsort.dscd.msk.f32 $0xffff, v20, v35;
	v42 =	vperm.xlane v33, v17;
	v41, v40, _ =	vpop (xrf1)  }
0x6e: {  	v20 =	vsel vm11, v62, v28;
	v25 =	vsel vm11, v38, v29;
	v24, v28, _ =	vpop (xrf1);
	vm12 =	vgt.f32 v39, v61  }
0x6f: {  	v43 =	vperm.xlane v41, v17;
	(xrf1) =	vsort.dscd.msk.f32 $0xffff, v20, v25;
	v48 =	vperm.xlane v40, v17;
	v45, v44, _ =	vpop (xrf1)  }
0x70: {  	v20 =	vsel vm12, v39, v61;
	v21 =	vsel vm12, v42, v32;
	v46, v47, _ =	vpop (xrf1);
	v30 =	vperm.xlane v45, v17  }
0x71: {  	vm13 =	vgt.f32 v43, v37;
	(xrf1) =	vsort.dscd.msk.f32 $0xffff, v20, v21;
	v53 =	vperm.xlane v44, v17;
	v50, v49, _ =	vpop (xrf1)  }
0x72: {  	v20 =	vsel vm13, v43, v37;
	v23 =	vsel vm13, v48, v36;
	v51, v52, _ =	vpop (xrf1);
	vm14 =	vgt.f32 v30, v24  }
0x73: {  	(xrf1) =	vsort.dscd.msk.f32 $0xffff, v20, v23;
	v56 =	vperm.xlane v50, v17;
	v58 =	vperm.xlane v49, v17;
	v54, v55, _ =	vpop (xrf1)  }
0x74: {  	v20 =	vsel vm14, v30, v24;
	v57 =	vsel vm14, v53, v28;
	v59 =	vperm.xlane v54, v17  }
0x75: {  	(xrf1) =	vsort.dscd.msk.f32 $0xffff, v20, v57;
	vm15 =	vgt.f32 v56, v46;
	v20 =	vperm.xlane v55, v17  }
0x76: {  	v23 =	vsel vm15, v56, v46;
	v60 =	vsel vm15, v58, v47;
	vm4 =	vgt.f32 v59, v51  }
0x77: {  	(xrf1) =	vsort.dscd.msk.f32 $0xffff, v23, v60;
	v21 =	vsel vm4, v59, v51;
	v20 =	vsel vm4, v20, v52  }
0x78: {  	(xrf1) =	vsort.dscd.msk.f32 $0xffff, v21, v20;
	_ =	sdelay $0x6  }
0x79: {  	v20, v21, _ =	vpop (xrf1)  }
0x7a: {  	v62, v61, _ =	vpop (xrf1)  }
0x7b: {  	v36, v63, _ =	vpop (xrf1)  }
0x7c: {  	v22 =	vperm.xlane v62, v17;
	v26, v27, _ =	vpop (xrf1)  }
0x7d: {  	v23 =	vperm.xlane v61, v17;
	v26 =	vperm.xlane v26, v17;
	v37, v29, _ =	vpop (xrf1)  }
0x7e: {  	vm5 =	vgt.f32 v22, v20;
	v42 =	vperm.xlane v27, v17;
	v38, v39, _ =	vpop (xrf1)  }
0x7f: {  	v20 =	vsel vm5, v22, v20;
	v21 =	vsel vm5, v23, v21;
	vm6 =	vgt.f32 v26, v36;
	v41, v40, _ =	vpop (xrf1)  }
0x80: {  	(xrf1) =	vsort.dscd.msk.f32 $0xffff, v20, v21;
	v20 =	vsel vm6, v26, v36;
	v45 =	vperm.xlane v38, v17;
	v44, v43, _ =	vpop (xrf1)  }
0x81: {  	v23 =	vsel vm6, v42, v63;
	v46 =	vperm.xlane v39, v17;
	v47 =	vperm.xlane v44, v17  }
0x82: {  	(xrf1) =	vsort.dscd.msk.f32 $0xffff, v20, v23;
	vm7 =	vgt.f32 v45, v37;
	v20 =	vperm.xlane v43, v17  }
0x83: {  	v21 =	vsel vm7, v45, v37;
	v48 =	vsel vm7, v46, v29;
	vm8 =	vgt.f32 v47, v41  }
0x84: {  	(xrf1) =	vsort.dscd.msk.f32 $0xffff, v21, v48;
	v49 =	vsel vm8, v47, v41;
	v20 =	vsel vm8, v20, v40  }
0x85: {  	(xrf1) =	vsort.dscd.msk.f32 $0xffff, v49, v20;
	_ =	sdelay $0xa  }
0x86: {  	v20, v21, _ =	vpop (xrf1)  }
0x87: {  	v51, v50, _ =	vpop (xrf1)  }
0x88: {  	v52, v53, _ =	vpop (xrf1)  }
0x89: {  	v22 =	vperm.xlane v51, v17;
	v54, v55, _ =	vpop (xrf1)  }
0x8a: {  	v23 =	vperm.xlane v50, v17;
	v26 =	vperm.xlane v54, v17  }
0x8b: {  	vm9 =	vgt.f32 v22, v20;
	v27 =	vperm.xlane v55, v17  }
0x8c: {  	v20 =	vsel vm9, v22, v20;
	v21 =	vsel vm9, v23, v21;
	vm10 =	vgt.f32 v26, v52  }
0x8d: {  	(xrf1) =	vsort.dscd.msk.f32 $0xffff, v20, v21;
	v20 =	vsel vm10, v26, v52;
	v56 =	vsel vm10, v27, v53  }
0x8e: {  	(xrf1) =	vsort.dscd.msk.f32 $0xffff, v20, v56;
	_ =	sdelay $0xc  }
0x8f: {  	v20, v21, _ =	vpop (xrf1)  }
0x90: {  	v57, v58, _ =	vpop (xrf1)  }
0x91: {  	v22 =	vperm.xlane v57, v17  }
0x92: {  	v23 =	vperm.xlane v58, v17  }
0x93: {  	vm11 =	vgt.f32 v22, v20  }
0x94: {  	v20 =	vsel vm11, v22, v20;
	v21 =	vsel vm11, v23, v21  }
0x95: {  	(xrf1) =	vsort.dscd.msk.f32 $0xffff, v20, v21;
	_ =	sdelay $0xd  }
0x96: {  	_, v20, _ =	vpop (xrf1)  }
0x97: {  	v59 =	vshra.s32 v20, $0x1F  }
0x98: {  	v21 =	vshrl.u32 v59, $0x1C  }
0x99: {  	v21 =	vadd.s32 v21, v20  }
0x9a: {  	v21 =	vshra.s32 v21, $0x4  }
0x9b: {  	v60 =	vshll.u32 v21, $0x4  }
0x9c: {  	vm12 =	vlt.s32 v20, $0x1;
	vm1 =	vne.s32 v20, v60  }
0x9d: {  	vm0 =	vmand vm12, vm1  }
0x9e: {  	v61 =	vsel vm0, $0xFFFFFFFF, v18  }
0x9f: {  	v21 =	vadd.s32 v61, v21  }
0xa0: {  	v20 =	vand.u32 $0xF, v20;
	v22 =	vshll.u32 v21, $0x8  }
0xa1: {  	v21 =	vshll.u32 v21, $0xB;
	v22 =	vor.u32 v20, v22  }
0xa2: {  	v62 =	vor.u32 v19, v21;
	v63 =	vor.u32 $0x10, v22  }
0xa3: {  	v23 =	vor.u32 v20, v62;
	v26 =	vor.u32 $0x20, v22;
	v28 =	vor.u32 $0x30, v22  }
0xa4: {  	v30 =	vor.u32 $0x40, v22;
	v32 =	vor.u32 $0x50, v22;
	v34 =	vor.u32 $0x60, v22  }
0xa5: {  	v36 =	vor.u32 $0x70, v22;
	v38 =	vor.u32 $0x80, v22;
	v40 =	vor.u32 $0x90, v22  }
0xa6: {  	v42 =	vor.u32 $0xB0, v22;
	v46 =	vor.u32 $0xD0, v22;
	v47 =	vand.u32 $0x1F, v63  }
0xa7: {  	v48 =	vand.u32 $0x2F, v26;
	v49 =	vand.u32 $0x3F, v28;
	v50 =	vand.u32 $0x4F, v30  }
0xa8: {  	v51 =	vand.u32 $0x5F, v32;
	v35 =	vand.u32 $0x6F, v34;
	v37 =	vand.u32 $0x7F, v36  }
0xa9: {  	v39 =	vshll.u32 v38, $0x3;
	v53 =	vshll.u32 v40, $0x3;
	v41 =	vand.u32 $0x1F, v40  }
0xaa: {  	v44 =	vshll.u32 v42, $0x3;
	v56 =	vand.u32 $0x3F, v42;
	v57 =	vand.u32 $0x5F, v46  }
0xab: {  	v25 =	vor.u32 v47, v19;
	v27 =	vor.u32 v48, v19;
	v29 =	vor.u32 v49, v19  }
0xac: {  	v31 =	vor.u32 v50, v19;
	v33 =	vor.u32 v51, v19;
	v35 =	vor.u32 v35, v19  }
0xad: {  	v37 =	vor.u32 v37, v19;
	v52 =	vand.u32 $0xFFFFFC00, v39;
	v25 =	vor.u32 v21, v25  }
0xae: {  	v39 =	vand.u32 $0xFFFFFC00, v53;
	v44 =	vand.u32 $0xFFFFFC00, v44;
	v27 =	vor.u32 v21, v27  }
0xaf: {  	v48 =	vshll.u32 v46, $0x3;
	v29 =	vor.u32 v21, v29;
	v31 =	vor.u32 v21, v31  }
0xb0: {  	v33 =	vor.u32 v21, v33;
	v54 =	vor.u32 v39, v41;
	v39 =	vor.u32 $0xA0, v22  }
0xb1: {  	v35 =	vor.u32 v21, v35;
	v21 =	vor.u32 v21, v37;
	v55 =	vshll.u32 v39, $0x3;
	v23 =	vld.idx.msk [tilespmem:v23+s4+$0x0], $0xffff  }
0xb2: {  	v37 =	vor.u32 v52, v19;
	v43 =	vand.u32 $0x2F, v39;
	v41 =	vand.u32 $0xFFFFFC00, v55;
	v25 =	vld.idx.msk [tilespmem:v25+s4+$0x0], $0xffff  }
0xb3: {  	v41 =	vor.u32 v41, v43;
	v43 =	vor.u32 v44, v56;
	v44 =	vor.u32 $0xC0, v22;
	v27 =	vld.idx.msk [tilespmem:v27+s4+$0x0], $0xffff  }
0xb4: {  	v48 =	vand.u32 $0xFFFFFC00, v48;
	v20 =	vor.u32 v20, v37;
	v45 =	vshll.u32 v44, $0x3;
	v29 =	vld.idx.msk [tilespmem:v29+s4+$0x0], $0xffff  }
0xb5: {  	v37 =	vor.u32 v19, v54;
	v47 =	vand.u32 $0x4F, v44;
	v31 =	vld.idx.msk [tilespmem:v31+s4+$0x0], $0xffff;
	v45 =	vand.u32 $0xFFFFFC00, v45  }
0xb6: {  	v41 =	vor.u32 v19, v41;
	v43 =	vor.u32 v19, v43;
	v33 =	vld.idx.msk [tilespmem:v33+s4+$0x0], $0xffff;
	v45 =	vor.u32 v45, v47  }
0xb7: {  	v47 =	vor.u32 v48, v57;
	v48 =	vor.u32 $0xE0, v22;
	v45 =	vor.u32 v19, v45;
	(xrf1) =	vsort.dscd.msk.f32 $0xffff, v23, v22  }
0xb8: {  	v58 =	vld.idx.msk [tilespmem:v35+s4+$0x0], $0xffff;
	v59 =	vor.u32 v19, v47;
	v60 =	vshll.u32 v48, $0x3;
	v22 =	vor.u32 $0xF0, v22;
	(xrf1) =	vsort.dscd.msk.f32 $0xffff, v25, v63  }
0xb9: {  	v21 =	vld.idx.msk [tilespmem:v21+s4+$0x0], $0xffff;
	v61 =	vand.u32 $0x6F, v48;
	v62 =	vand.u32 $0xFFFFFC00, v60;
	v63 =	vshll.u32 v22, $0x3;
	(xrf1) =	vsort.dscd.msk.f32 $0xffff, v27, v26  }
0xba: {  	v20 =	vld.idx.msk [tilespmem:v20+s4+$0x0], $0xffff;
	v49 =	vand.u32 $0x7F, v22;
	v24 =	vor.u32 v62, v61;
	v50 =	vand.u32 $0xFFFFFC00, v63;
	(xrf1) =	vsort.dscd.msk.f32 $0xffff, v29, v28  }
0xbb: {  	v51 =	vld.idx.msk [tilespmem:v37+s4+$0x0], $0xffff;
	v24 =	vor.u32 v19, v24;
	v25 =	vor.u32 v50, v49;
	(xrf1) =	vsort.dscd.msk.f32 $0xffff, v31, v30  }
0xbc: {  	v52 =	vld.idx.msk [tilespmem:v41+s4+$0x0], $0xffff;
	v25 =	vor.u32 v19, v25;
	(xrf1) =	vsort.dscd.msk.f32 $0xffff, v33, v32  }
0xbd: {  	v53 =	vld.idx.msk [tilespmem:v43+s4+$0x0], $0xffff;
	(xrf1) =	vsort.dscd.msk.f32 $0xffff, v58, v34  }
0xbe: {  	v54 =	vld.idx.msk [tilespmem:v45+s4+$0x0], $0xffff;
	(xrf1) =	vsort.dscd.msk.f32 $0xffff, v21, v36  }
0xbf: {  	v55 =	vld.idx.msk [tilespmem:v59+s4+$0x0], $0xffff;
	(xrf1) =	vsort.dscd.msk.f32 $0xffff, v20, v38  }
0xc0: {  	v20 =	vld.idx.msk [tilespmem:v24+s4+$0x0], $0xffff;
	(xrf1) =	vsort.dscd.msk.f32 $0xffff, v51, v40  }
0xc1: {  	v56 =	vld.idx.msk [tilespmem:v25+s4+$0x0], $0xffff;
	(xrf1) =	vsort.dscd.msk.f32 $0xffff, v52, v39  }
0xc2: {  	(xrf1) =	vsort.dscd.msk.f32 $0xffff, v53, v42  }
0xc3: {  	(xrf1) =	vsort.dscd.msk.f32 $0xffff, v54, v44  }
0xc4: {  	(xrf1) =	vsort.dscd.msk.f32 $0xffff, v55, v46  }
0xc5: {  	v58, v57, _ =	vpop (xrf1);
	(xrf1) =	vsort.dscd.msk.f32 $0xffff, v20, v48  }
0xc6: {  	v20, v59, _ =	vpop (xrf1);
	(xrf1) =	vsort.dscd.msk.f32 $0xffff, v56, v22  }
0xc7: {  	v22, v24, _ =	vpop (xrf1)  }
0xc8: {  	v20 =	vperm.xlane v20, v17;
	v61, v60, _ =	vpop (xrf1)  }
0xc9: {  	v25 =	vperm.xlane v59, v17;
	v63, v62, _ =	vpop (xrf1);
	v26 =	vperm.xlane v61, v17  }
0xca: {  	vm13 =	vgt.f32 v20, v58;
	v36 =	vperm.xlane v60, v17;
	v30, v31, _ =	vpop (xrf1)  }
0xcb: {  	v20 =	vsel vm13, v20, v58;
	v23 =	vsel vm13, v25, v57;
	v38, v37, _ =	vpop (xrf1);
	vm14 =	vgt.f32 v26, v22  }
0xcc: {  	v39 =	vperm.xlane v30, v17;
	(xrf1) =	vsort.dscd.msk.f32 $0xffff, v20, v23;
	v44 =	vperm.xlane v31, v17;
	v41, v40, _ =	vpop (xrf1)  }
0xcd: {  	v20 =	vsel vm14, v26, v22;
	v21 =	vsel vm14, v36, v24;
	v43, v42, _ =	vpop (xrf1);
	v45 =	vperm.xlane v41, v17  }
0xce: {  	vm15 =	vgt.f32 v39, v63;
	(xrf1) =	vsort.dscd.msk.f32 $0xffff, v20, v21;
	v48 =	vperm.xlane v40, v17;
	v47, v46, _ =	vpop (xrf1)  }
0xcf: {  	v20 =	vsel vm15, v39, v63;
	v24 =	vsel vm15, v44, v62;
	v25, v28, _ =	vpop (xrf1);
	vm4 =	vgt.f32 v45, v38  }
0xd0: {  	v49 =	vperm.xlane v47, v17;
	(xrf1) =	vsort.dscd.msk.f32 $0xffff, v20, v24;
	v54 =	vperm.xlane v46, v17;
	v51, v50, _ =	vpop (xrf1)  }
0xd1: {  	v20 =	vsel vm4, v45, v38;
	v21 =	vsel vm4, v48, v37;
	v52, v53, _ =	vpop (xrf1);
	v30 =	vperm.xlane v51, v17  }
0xd2: {  	vm5 =	vgt.f32 v49, v43;
	(xrf1) =	vsort.dscd.msk.f32 $0xffff, v20, v21;
	v59 =	vperm.xlane v50, v17;
	v56, v55, _ =	vpop (xrf1)  }
0xd3: {  	v20 =	vsel vm5, v49, v43;
	v23 =	vsel vm5, v54, v42;
	v57, v58, _ =	vpop (xrf1);
	vm6 =	vgt.f32 v30, v25  }
0xd4: {  	(xrf1) =	vsort.dscd.msk.f32 $0xffff, v20, v23;
	v62 =	vperm.xlane v56, v17;
	v34 =	vperm.xlane v55, v17;
	v60, v61, _ =	vpop (xrf1)  }
0xd5: {  	v20 =	vsel vm6, v30, v25;
	v63 =	vsel vm6, v59, v28;
	v35 =	vperm.xlane v60, v17  }
0xd6: {  	(xrf1) =	vsort.dscd.msk.f32 $0xffff, v20, v63;
	vm7 =	vgt.f32 v62, v52;
	v20 =	vperm.xlane v61, v17  }
0xd7: {  	v23 =	vsel vm7, v62, v52;
	v36 =	vsel vm7, v34, v53;
	vm8 =	vgt.f32 v35, v57  }
0xd8: {  	(xrf1) =	vsort.dscd.msk.f32 $0xffff, v23, v36;
	v21 =	vsel vm8, v35, v57;
	v20 =	vsel vm8, v20, v58  }
0xd9: {  	(xrf1) =	vsort.dscd.msk.f32 $0xffff, v21, v20;
	_ =	sdelay $0x6  }
0xda: {  	v20, v21, _ =	vpop (xrf1)  }
0xdb: {  	v38, v37, _ =	vpop (xrf1)  }
0xdc: {  	v40, v39, _ =	vpop (xrf1)  }
0xdd: {  	v22 =	vperm.xlane v38, v17;
	v26, v27, _ =	vpop (xrf1)  }
0xde: {  	v23 =	vperm.xlane v37, v17;
	v26 =	vperm.xlane v26, v17;
	v41, v29, _ =	vpop (xrf1)  }
0xdf: {  	vm9 =	vgt.f32 v22, v20;
	v46 =	vperm.xlane v27, v17;
	v42, v43, _ =	vpop (xrf1)  }
0xe0: {  	v20 =	vsel vm9, v22, v20;
	v21 =	vsel vm9, v23, v21;
	vm10 =	vgt.f32 v26, v40;
	v45, v44, _ =	vpop (xrf1)  }
0xe1: {  	(xrf1) =	vsort.dscd.msk.f32 $0xffff, v20, v21;
	v20 =	vsel vm10, v26, v40;
	v49 =	vperm.xlane v42, v17;
	v48, v47, _ =	vpop (xrf1)  }
0xe2: {  	v23 =	vsel vm10, v46, v39;
	v50 =	vperm.xlane v43, v17;
	v51 =	vperm.xlane v48, v17  }
0xe3: {  	(xrf1) =	vsort.dscd.msk.f32 $0xffff, v20, v23;
	vm11 =	vgt.f32 v49, v41;
	v20 =	vperm.xlane v47, v17  }
0xe4: {  	v21 =	vsel vm11, v49, v41;
	v52 =	vsel vm11, v50, v29;
	vm12 =	vgt.f32 v51, v45  }
0xe5: {  	(xrf1) =	vsort.dscd.msk.f32 $0xffff, v21, v52;
	v53 =	vsel vm12, v51, v45;
	v20 =	vsel vm12, v20, v44  }
0xe6: {  	(xrf1) =	vsort.dscd.msk.f32 $0xffff, v53, v20;
	_ =	sdelay $0xa  }
0xe7: {  	v20, v21, _ =	vpop (xrf1)  }
0xe8: {  	v55, v54, _ =	vpop (xrf1)  }
0xe9: {  	v56, v57, _ =	vpop (xrf1)  }
0xea: {  	v22 =	vperm.xlane v55, v17;
	v58, v59, _ =	vpop (xrf1)  }
0xeb: {  	v23 =	vperm.xlane v54, v17;
	v26 =	vperm.xlane v58, v17  }
0xec: {  	vm13 =	vgt.f32 v22, v20;
	v27 =	vperm.xlane v59, v17  }
0xed: {  	v20 =	vsel vm13, v22, v20;
	v21 =	vsel vm13, v23, v21;
	vm14 =	vgt.f32 v26, v56  }
0xee: {  	(xrf1) =	vsort.dscd.msk.f32 $0xffff, v20, v21;
	v20 =	vsel vm14, v26, v56;
	v60 =	vsel vm14, v27, v57  }
0xef: {  	(xrf1) =	vsort.dscd.msk.f32 $0xffff, v20, v60;
	_ =	sdelay $0xc  }
0xf0: {  	v20, v21, _ =	vpop (xrf1)  }
0xf1: {  	v61, v62, _ =	vpop (xrf1)  }
0xf2: {  	v22 =	vperm.xlane v61, v17  }
0xf3: {  	v23 =	vperm.xlane v62, v17  }
0xf4: {  	vm15 =	vgt.f32 v22, v20  }
0xf5: {  	v20 =	vsel vm15, v22, v20;
	v21 =	vsel vm15, v23, v21  }
0xf6: {  	(xrf1) =	vsort.dscd.msk.f32 $0xffff, v20, v21;
	_ =	sdelay $0xd  }
0xf7: {  	_, v20, _ =	vpop (xrf1)  }
0xf8: {  	v63 =	vshll.u32 v20, $0x2  }
0xf9: {  	v20 =	vand.u32 $0x7F, v20;
	v21 =	vand.u32 $0xFFFFFE00, v63  }
0xfa: {  	v20 =	vor.u32 v21, v20  }
0xfb: {  	v19 =	vor.u32 v19, v20;
	_ =	sdelay $0x3  }
0xfc: {  	s24 =	sadd.s32 $0x1, s24  }
0xfd: {  	p0 =	sne.s32 s24, $0x4;
	v19 =	vld.idx.msk [tilespmem:v19+s18+$0x0], $0xffff  }
.Ltmp1:
0xfe: {  	_ = 	snop;
	(pc) =	sbr.rel @p0 .LBB2_3-.Ltmp1, $4  }
0xff: {  	s9 =	ssub.s32 s9, s5  }
0x100: {  	s9 =	sshll.u32 s9, $0x9  }
0x101: {  	s9 =	sshra.s32 s9, $0x2  }
0x102: {  	s2 =	sadd.s32 $0x80, s2;
	[tilespmem:s9+$0x18000] =	vst v19  }
0x103: {  	s30 =	sor.u32 $0x8, s29  }
0x104: {  	s0 =	smin.u32 s30, s7  }
0x105: {  	s2 =	sshll.u32 s0, $0x4  }
0x106: {  	s0 =	sshll.u32 s0, $0x9;
	s2 =	sand.u32 $0x40, s2  }
0x107: {  	s0 =	sand.u32 $0x1FF000, s0;
	s2 =	sadd.s32 s3, s2  }
0x108: {  	s0 =	sadd.s32 s0, s2  }
0x109: {  	[tilespmem:s18], [sflag:$0x3] =	stream.strided.gather [hbm4b:s0+s16], $0x4000, s17, s16, $0x38;
	[tilespmem:$0x1C100] =	vst v63  }
0x10a: {  	_ =	swait.ge [sflag:s22], $0x4000  }
0x10b: {  	s31 =	simm.s32 $0x0;
	s12 =	simm.s32 $0x600;
	[sflag:s22] =	ssyncset.done $0x0  }
0x10c: {  	s24 =	simm.s32 $0x0;
	s0 =	sor.u32 $0x4, s29;
	[sflag:s22] =	ssyncadd.s32 $0xFFFFC000  }
.LBB2_7:
0x10d: {  	s2 =	sor.u32 $0x4, s24  }
0x10e: {  	s9 =	sor.u32 s0, s24;
	v19 =	vmov s2  }
0x10f: {  	v20 =	vmov s9;
	v19 =	vshll.u32 v19, $0x7  }
0x110: {  	v21 =	vshll.u32 v20, $0x3;
	v19 =	vand.u32 $0x380, v19  }
0x111: {  	v20 =	vand.u32 $0x7F, v20;
	v21 =	vand.u32 $0xFFFFFC00, v21;
	v19 =	vbroadcast v19, $0x0  }
0x112: {  	v20 =	vor.u32 v20, v21  }
0x113: {  	v20 =	vor.u32 v19, v20;
	_ =	sdelay $0x4  }
0x114: {  	[tilespmem:v20+s31+$0x0] =	vst.idx.msk $0x1, v0  }
0x115: {  	v20 =	vld [tilespmem:s12+$0xFFFFFC10]  }
0x116: {  	s13 =	simm.s32 $0x40;
	s10 =	simm.s32 $0x0;
	s2 =	smov.u32 s12;
	v21 =	vld [tilespmem:s12+$0xFFFFFC00]  }
.LBB2_8:
0x117: {  	p0 =	sne.s32 s13, $0x3C0;
	v22 =	vld [tilespmem:s2+$0xFFFFFC20]  }
0x118: {  	v23 =	vld [tilespmem:s2+$0xFFFFFC30]  }
0x119: {  	v24 =	vld [tilespmem:s2+$0xFFFFFC40]  }
0x11a: {  	v25 =	vld [tilespmem:s2+$0xFFFFFC50]  }
0x11b: {  	v20 =	vmax.f32 v21, v20;
	v21 =	vld [tilespmem:s2+$0xFFFFFC60]  }
0x11c: {  	v20 =	vmax.f32 v20, v22;
	v22 =	vld [tilespmem:s2+$0xFFFFFC70]  }
0x11d: {  	v20 =	vmax.f32 v20, v23;
	v23 =	vld [tilespmem:s2+$0x0]  }
0x11e: {  	v20 =	vmax.f32 v20, v24;
	v24 =	vld [tilespmem:s2+$0x10]  }
0x11f: {  	v20 =	vmax.f32 v20, v25;
	v25 =	vld [tilespmem:s2+$0x20]  }
0x120: {  	v20 =	vmax.f32 v20, v21;
	v21 =	vld [tilespmem:s2+$0x30]  }
0x121: {  	v20 =	vmax.f32 v20, v22;
	v22 =	vld [tilespmem:s2+$0x40]  }
0x122: {  	v20 =	vmax.f32 v20, v23;
	v23 =	vld [tilespmem:s2+$0x50]  }
0x123: {  	v20 =	vmax.f32 v20, v24;
	v24 =	vld [tilespmem:s2+$0x60]  }
0x124: {  	v20 =	vmax.f32 v20, v25;
	v25 =	vld [tilespmem:s2+$0x70]  }
0x125: {  	v20 =	vmax.f32 v20, v21  }
0x126: {  	v20 =	vmax.f32 v20, v22  }
0x127: {  	v20 =	vmax.f32 v20, v23  }
.Ltmp2:
0x128: {  	v20 =	vmax.f32 v20, v24;
	(pc) =	sbr.rel @p0 .LBB2_8-.Ltmp2, $4  }
0x129: {  	s14 =	sshra.s32 s10, $0x2;
	s10 =	smov.u32 s13;
	v20 =	vmax.f32 v20, v25  }
0x12a: {  	s2 =	sadd.s32 $0x800, s2;
	[tilespmem:s14+$0x1C000] =	vst v20  }
0x12b: {  	v20 =	vld [tilespmem:s2+$0xFFFFFC10]  }
0x12c: {  	s13 =	sadd.s32 $0x40, s13;
	v21 =	vld [tilespmem:s2+$0xFFFFFC00]  }
0x12d: {  	v22 =	vld [tilespmem:s2+$0xFFFFFC20]  }
0x12e: {  	v23 =	vld [tilespmem:s2+$0xFFFFFC30]  }
0x12f: {  	v24 =	vld [tilespmem:s2+$0xFFFFFC40]  }
0x130: {  	v25 =	vld [tilespmem:s2+$0xFFFFFC50]  }
0x131: {  	v63 =	vld [tilespmem:s2+$0xFFFFFC60];
	v20 =	vmax.f32 v21, v20  }
0x132: {  	v28 =	vld [tilespmem:s2+$0xFFFFFC70];
	v20 =	vmax.f32 v20, v22  }
0x133: {  	v29 =	vld [tilespmem:s2+$0x0];
	v20 =	vmax.f32 v20, v23  }
0x134: {  	v30 =	vld [tilespmem:s2+$0x10];
	v20 =	vmax.f32 v20, v24  }
0x135: {  	v31 =	vld [tilespmem:s2+$0x20];
	v20 =	vmax.f32 v20, v25  }
0x136: {  	v32 =	vld [tilespmem:s2+$0x30];
	v20 =	vmax.f32 v20, v63  }
0x137: {  	v33 =	vld [tilespmem:s2+$0x40];
	v20 =	vmax.f32 v20, v28  }
0x138: {  	v34 =	vld [tilespmem:s2+$0x50];
	v20 =	vmax.f32 v20, v29  }
0x139: {  	v35 =	vld [tilespmem:s2+$0x60];
	v20 =	vmax.f32 v20, v30  }
0x13a: {  	v36 =	vld [tilespmem:s2+$0x70];
	v20 =	vmax.f32 v20, v31  }
0x13b: {  	v20 =	vmax.f32 v20, v32  }
0x13c: {  	v20 =	vmax.f32 v20, v33  }
0x13d: {  	v20 =	vmax.f32 v20, v34  }
0x13e: {  	v20 =	vmax.f32 v20, v35  }
0x13f: {  	s13 =	sshra.s32 s10, $0x2;
	v20 =	vmax.f32 v20, v36  }
0x140: {  	[tilespmem:s13+$0x1C000] =	vst v20  }
0x141: {  	v20 =	vld [tilespmem:$0x1C000]  }
0x142: {  	v37 =	vld [tilespmem:$0x1C010]  }
0x143: {  	v38 =	vld [tilespmem:$0x1C020]  }
0x144: {  	v39 =	vld [tilespmem:$0x1C030]  }
0x145: {  	v40 =	vld [tilespmem:$0x1C040]  }
0x146: {  	v41 =	vld [tilespmem:$0x1C050];
	(xrf1) =	vsort.dscd.msk.f32 $0xffff, v20, v1  }
0x147: {  	v20 =	vld [tilespmem:$0x1C060];
	(xrf1) =	vsort.dscd.msk.f32 $0xffff, v37, v2  }
0x148: {  	v42 =	vld [tilespmem:$0x1C070];
	(xrf1) =	vsort.dscd.msk.f32 $0xffff, v38, v3  }
0x149: {  	v43 =	vld [tilespmem:$0x1C080];
	(xrf1) =	vsort.dscd.msk.f32 $0xffff, v39, v4  }
0x14a: {  	v44 =	vld [tilespmem:$0x1C090];
	(xrf1) =	vsort.dscd.msk.f32 $0xffff, v40, v5  }
0x14b: {  	v45 =	vld [tilespmem:$0x1C0A0];
	(xrf1) =	vsort.dscd.msk.f32 $0xffff, v41, v6  }
0x14c: {  	v46 =	vld [tilespmem:$0x1C0B0];
	(xrf1) =	vsort.dscd.msk.f32 $0xffff, v20, v7  }
0x14d: {  	v20 =	vld [tilespmem:$0x1C0C0];
	(xrf1) =	vsort.dscd.msk.f32 $0xffff, v42, v8  }
0x14e: {  	v47 =	vld [tilespmem:$0x1C0D0];
	(xrf1) =	vsort.dscd.msk.f32 $0xffff, v43, v9  }
0x14f: {  	v48 =	vld [tilespmem:$0x1C0E0];
	(xrf1) =	vsort.dscd.msk.f32 $0xffff, v44, v10  }
0x150: {  	v49 =	vld [tilespmem:$0x1C0F0];
	(xrf1) =	vsort.dscd.msk.f32 $0xffff, v45, v11  }
0x151: {  	(xrf1) =	vsort.dscd.msk.f32 $0xffff, v46, v12  }
0x152: {  	(xrf1) =	vsort.dscd.msk.f32 $0xffff, v20, v13  }
0x153: {  	(xrf1) =	vsort.dscd.msk.f32 $0xffff, v47, v14  }
0x154: {  	v20, v50, _ =	vpop (xrf1);
	(xrf1) =	vsort.dscd.msk.f32 $0xffff, v48, v15  }
0x155: {  	v52, v51, _ =	vpop (xrf1);
	(xrf1) =	vsort.dscd.msk.f32 $0xffff, v49, v16  }
0x156: {  	v54, v53, _ =	vpop (xrf1)  }
0x157: {  	v22 =	vperm.xlane v52, v17;
	v26, v27, _ =	vpop (xrf1)  }
0x158: {  	v24 =	vperm.xlane v51, v17;
	v28, v29, _ =	vpop (xrf1);
	v26 =	vperm.xlane v26, v17  }
0x159: {  	vm0 =	vgt.f32 v22, v20;
	v55 =	vperm.xlane v27, v17;
	v30, v31, _ =	vpop (xrf1)  }
0x15a: {  	v20 =	vsel vm0, v22, v20;
	v21 =	vsel vm0, v24, v50;
	v56, v32, _ =	vpop (xrf1);
	vm10 =	vgt.f32 v26, v54  }
0x15b: {  	v57 =	vperm.xlane v30, v17;
	(xrf1) =	vsort.dscd.msk.f32 $0xffff, v20, v21;
	v62 =	vperm.xlane v31, v17;
	v58, v33, _ =	vpop (xrf1)  }
0x15c: {  	v20 =	vsel vm10, v26, v54;
	v59 =	vsel vm10, v55, v53;
	v61, v60, _ =	vpop (xrf1);
	v63 =	vperm.xlane v58, v17  }
0x15d: {  	vm11 =	vgt.f32 v57, v28;
	(xrf1) =	vsort.dscd.msk.f32 $0xffff, v20, v59;
	v38 =	vperm.xlane v33, v17;
	v37, v36, _ =	vpop (xrf1)  }
0x15e: {  	v20 =	vsel vm11, v57, v28;
	v25 =	vsel vm11, v62, v29;
	v24, v28, _ =	vpop (xrf1);
	vm12 =	vgt.f32 v63, v56  }
0x15f: {  	v39 =	vperm.xlane v37, v17;
	(xrf1) =	vsort.dscd.msk.f32 $0xffff, v20, v25;
	v44 =	vperm.xlane v36, v17;
	v41, v40, _ =	vpop (xrf1)  }
0x160: {  	v20 =	vsel vm12, v63, v56;
	v21 =	vsel vm12, v38, v32;
	v42, v43, _ =	vpop (xrf1);
	v30 =	vperm.xlane v41, v17  }
0x161: {  	vm13 =	vgt.f32 v39, v61;
	(xrf1) =	vsort.dscd.msk.f32 $0xffff, v20, v21;
	v49 =	vperm.xlane v40, v17;
	v46, v45, _ =	vpop (xrf1)  }
0x162: {  	v20 =	vsel vm13, v39, v61;
	v23 =	vsel vm13, v44, v60;
	v47, v48, _ =	vpop (xrf1);
	vm14 =	vgt.f32 v30, v24  }
0x163: {  	(xrf1) =	vsort.dscd.msk.f32 $0xffff, v20, v23;
	v52 =	vperm.xlane v46, v17;
	v54 =	vperm.xlane v45, v17;
	v50, v51, _ =	vpop (xrf1)  }
0x164: {  	v20 =	vsel vm14, v30, v24;
	v53 =	vsel vm14, v49, v28;
	v55 =	vperm.xlane v50, v17  }
0x165: {  	(xrf1) =	vsort.dscd.msk.f32 $0xffff, v20, v53;
	vm15 =	vgt.f32 v52, v42;
	v20 =	vperm.xlane v51, v17  }
0x166: {  	v23 =	vsel vm15, v52, v42;
	v56 =	vsel vm15, v54, v43;
	vm4 =	vgt.f32 v55, v47  }
0x167: {  	(xrf1) =	vsort.dscd.msk.f32 $0xffff, v23, v56;
	v21 =	vsel vm4, v55, v47;
	v20 =	vsel vm4, v20, v48  }
0x168: {  	(xrf1) =	vsort.dscd.msk.f32 $0xffff, v21, v20;
	_ =	sdelay $0x6  }
0x169: {  	v20, v21, _ =	vpop (xrf1)  }
0x16a: {  	v58, v57, _ =	vpop (xrf1)  }
0x16b: {  	v60, v59, _ =	vpop (xrf1)  }
0x16c: {  	v22 =	vperm.xlane v58, v17;
	v26, v27, _ =	vpop (xrf1)  }
0x16d: {  	v23 =	vperm.xlane v57, v17;
	v26 =	vperm.xlane v26, v17;
	v61, v29, _ =	vpop (xrf1)  }
0x16e: {  	vm5 =	vgt.f32 v22, v20;
	v38 =	vperm.xlane v27, v17;
	v62, v63, _ =	vpop (xrf1)  }
0x16f: {  	v20 =	vsel vm5, v22, v20;
	v21 =	vsel vm5, v23, v21;
	vm6 =	vgt.f32 v26, v60;
	v37, v36, _ =	vpop (xrf1)  }
0x170: {  	(xrf1) =	vsort.dscd.msk.f32 $0xffff, v20, v21;
	v20 =	vsel vm6, v26, v60;
	v41 =	vperm.xlane v62, v17;
	v40, v39, _ =	vpop (xrf1)  }
0x171: {  	v23 =	vsel vm6, v38, v59;
	v42 =	vperm.xlane v63, v17;
	v43 =	vperm.xlane v40, v17  }
0x172: {  	(xrf1) =	vsort.dscd.msk.f32 $0xffff, v20, v23;
	vm7 =	vgt.f32 v41, v61;
	v20 =	vperm.xlane v39, v17  }
0x173: {  	v21 =	vsel vm7, v41, v61;
	v44 =	vsel vm7, v42, v29;
	vm8 =	vgt.f32 v43, v37  }
0x174: {  	(xrf1) =	vsort.dscd.msk.f32 $0xffff, v21, v44;
	v45 =	vsel vm8, v43, v37;
	v20 =	vsel vm8, v20, v36  }
0x175: {  	(xrf1) =	vsort.dscd.msk.f32 $0xffff, v45, v20;
	_ =	sdelay $0xa  }
0x176: {  	v20, v21, _ =	vpop (xrf1)  }
0x177: {  	v47, v46, _ =	vpop (xrf1)  }
0x178: {  	v48, v49, _ =	vpop (xrf1)  }
0x179: {  	v22 =	vperm.xlane v47, v17;
	v50, v51, _ =	vpop (xrf1)  }
0x17a: {  	v23 =	vperm.xlane v46, v17;
	v26 =	vperm.xlane v50, v17  }
0x17b: {  	vm9 =	vgt.f32 v22, v20;
	v27 =	vperm.xlane v51, v17  }
0x17c: {  	v20 =	vsel vm9, v22, v20;
	v21 =	vsel vm9, v23, v21;
	vm10 =	vgt.f32 v26, v48  }
0x17d: {  	(xrf1) =	vsort.dscd.msk.f32 $0xffff, v20, v21;
	v20 =	vsel vm10, v26, v48;
	v52 =	vsel vm10, v27, v49  }
0x17e: {  	(xrf1) =	vsort.dscd.msk.f32 $0xffff, v20, v52;
	_ =	sdelay $0xc  }
0x17f: {  	v20, v21, _ =	vpop (xrf1)  }
0x180: {  	v53, v54, _ =	vpop (xrf1)  }
0x181: {  	v22 =	vperm.xlane v53, v17  }
0x182: {  	v23 =	vperm.xlane v54, v17  }
0x183: {  	vm11 =	vgt.f32 v22, v20  }
0x184: {  	v20 =	vsel vm11, v22, v20;
	v21 =	vsel vm11, v23, v21  }
0x185: {  	(xrf1) =	vsort.dscd.msk.f32 $0xffff, v20, v21;
	_ =	sdelay $0xd  }
0x186: {  	_, v20, _ =	vpop (xrf1)  }
0x187: {  	v55 =	vshra.s32 v20, $0x1F  }
0x188: {  	v21 =	vshrl.u32 v55, $0x1C  }
0x189: {  	v21 =	vadd.s32 v21, v20  }
0x18a: {  	v21 =	vshra.s32 v21, $0x4  }
0x18b: {  	v56 =	vshll.u32 v21, $0x4  }
0x18c: {  	vm12 =	vlt.s32 v20, $0x1;
	vm1 =	vne.s32 v20, v56  }
0x18d: {  	vm0 =	vmand vm12, vm1  }
0x18e: {  	v57 =	vsel vm0, $0xFFFFFFFF, v18  }
0x18f: {  	v21 =	vadd.s32 v57, v21  }
0x190: {  	v20 =	vand.u32 $0xF, v20;
	v22 =	vshll.u32 v21, $0x8;
	v21 =	vshll.u32 v21, $0xB  }
0x191: {  	v22 =	vor.u32 v20, v22;
	v58 =	vor.u32 v19, v21  }
0x192: {  	v59 =	vor.u32 $0x10, v22;
	v23 =	vor.u32 v20, v58  }
0x193: {  	v61 =	vor.u32 $0x20, v22;
	v63 =	vor.u32 $0x30, v22;
	v30 =	vor.u32 $0x40, v22  }
0x194: {  	v32 =	vor.u32 $0x50, v22;
	v34 =	vor.u32 $0x60, v22;
	v36 =	vor.u32 $0x70, v22  }
0x195: {  	v38 =	vor.u32 $0x80, v22;
	v40 =	vor.u32 $0x90, v22;
	v42 =	vor.u32 $0xB0, v22  }
0x196: {  	v52 =	vor.u32 $0xC0, v22;
	v54 =	vor.u32 $0xE0, v22;
	v60 =	vand.u32 $0x1F, v59  }
0x197: {  	v62 =	vand.u32 $0x2F, v61;
	v44 =	vand.u32 $0x3F, v63;
	v45 =	vand.u32 $0x4F, v30  }
0x198: {  	v46 =	vand.u32 $0x5F, v32;
	v35 =	vand.u32 $0x6F, v34;
	v37 =	vand.u32 $0x7F, v36  }
0x199: {  	v39 =	vshll.u32 v38, $0x3;
	v48 =	vshll.u32 v40, $0x3;
	v41 =	vand.u32 $0x1F, v40  }
0x19a: {  	v51 =	vand.u32 $0x3F, v42;
	v57 =	vshll.u32 v54, $0x3;
	v25 =	vor.u32 v60, v19  }
0x19b: {  	v27 =	vor.u32 v62, v19;
	v29 =	vor.u32 v44, v19;
	v31 =	vor.u32 v45, v19  }
0x19c: {  	v33 =	vor.u32 v46, v19;
	v35 =	vor.u32 v35, v19;
	v37 =	vor.u32 v37, v19  }
0x19d: {  	v47 =	vand.u32 $0xFFFFFC00, v39;
	v39 =	vand.u32 $0xFFFFFC00, v48;
	v44 =	vshll.u32 v42, $0x3  }
0x19e: {  	v45 =	vshll.u32 v52, $0x3;
	v46 =	vor.u32 $0xD0, v22;
	v25 =	vor.u32 v21, v25  }
0x19f: {  	v27 =	vor.u32 v21, v27;
	v29 =	vor.u32 v21, v29;
	v31 =	vor.u32 v21, v31  }
0x1a0: {  	v33 =	vor.u32 v21, v33;
	v35 =	vor.u32 v21, v35;
	v21 =	vor.u32 v21, v37  }
0x1a1: {  	v37 =	vor.u32 v47, v19;
	v49 =	vor.u32 v39, v41;
	v39 =	vor.u32 $0xA0, v22  }
0x1a2: {  	v44 =	vand.u32 $0xFFFFFC00, v44;
	v47 =	vand.u32 $0x4F, v52;
	v45 =	vand.u32 $0xFFFFFC00, v45;
	v23 =	vld.idx.msk [tilespmem:v23+s4+$0x0], $0xffff  }
0x1a3: {  	v48 =	vshll.u32 v46, $0x3;
	v53 =	vand.u32 $0x5F, v46;
	v20 =	vor.u32 v20, v37;
	v25 =	vld.idx.msk [tilespmem:v25+s4+$0x0], $0xffff  }
0x1a4: {  	v37 =	vor.u32 v19, v49;
	v50 =	vshll.u32 v39, $0x3;
	v43 =	vand.u32 $0x2F, v39;
	v27 =	vld.idx.msk [tilespmem:v27+s4+$0x0], $0xffff  }
0x1a5: {  	v45 =	vor.u32 v45, v47;
	v48 =	vand.u32 $0xFFFFFC00, v48;
	v41 =	vand.u32 $0xFFFFFC00, v50;
	v29 =	vld.idx.msk [tilespmem:v29+s4+$0x0], $0xffff  }
0x1a6: {  	v45 =	vor.u32 v19, v45;
	v47 =	vor.u32 v48, v53;
	v41 =	vor.u32 v41, v43;
	v31 =	vld.idx.msk [tilespmem:v31+s4+$0x0], $0xffff  }
0x1a7: {  	v43 =	vor.u32 v44, v51;
	v41 =	vor.u32 v19, v41;
	v33 =	vld.idx.msk [tilespmem:v33+s4+$0x0], $0xffff;
	(xrf1) =	vsort.dscd.msk.f32 $0xffff, v23, v22  }
0x1a8: {  	v58 =	vand.u32 $0x6F, v54;
	v43 =	vor.u32 v19, v43;
	v55 =	vld.idx.msk [tilespmem:v35+s4+$0x0], $0xffff;
	v22 =	vor.u32 $0xF0, v22;
	(xrf1) =	vsort.dscd.msk.f32 $0xffff, v25, v59  }
0x1a9: {  	v56 =	vor.u32 v19, v47;
	v21 =	vld.idx.msk [tilespmem:v21+s4+$0x0], $0xffff;
	v60 =	vshll.u32 v22, $0x3;
	v59 =	vand.u32 $0xFFFFFC00, v57;
	(xrf1) =	vsort.dscd.msk.f32 $0xffff, v27, v61  }
0x1aa: {  	v20 =	vld.idx.msk [tilespmem:v20+s4+$0x0], $0xffff;
	v62 =	vand.u32 $0xFFFFFC00, v60;
	v24 =	vor.u32 v59, v58;
	v61 =	vand.u32 $0x7F, v22;
	(xrf1) =	vsort.dscd.msk.f32 $0xffff, v29, v63  }
0x1ab: {  	v63 =	vld.idx.msk [tilespmem:v37+s4+$0x0], $0xffff;
	v24 =	vor.u32 v19, v24;
	v25 =	vor.u32 v62, v61;
	(xrf1) =	vsort.dscd.msk.f32 $0xffff, v31, v30  }
0x1ac: {  	v30 =	vld.idx.msk [tilespmem:v41+s4+$0x0], $0xffff;
	v19 =	vor.u32 v19, v25;
	(xrf1) =	vsort.dscd.msk.f32 $0xffff, v33, v32  }
0x1ad: {  	v31 =	vld.idx.msk [tilespmem:v43+s4+$0x0], $0xffff;
	(xrf1) =	vsort.dscd.msk.f32 $0xffff, v55, v34  }
0x1ae: {  	v32 =	vld.idx.msk [tilespmem:v45+s4+$0x0], $0xffff;
	(xrf1) =	vsort.dscd.msk.f32 $0xffff, v21, v36  }
0x1af: {  	v33 =	vld.idx.msk [tilespmem:v56+s4+$0x0], $0xffff;
	(xrf1) =	vsort.dscd.msk.f32 $0xffff, v20, v38  }
0x1b0: {  	v20 =	vld.idx.msk [tilespmem:v24+s4+$0x0], $0xffff;
	(xrf1) =	vsort.dscd.msk.f32 $0xffff, v63, v40  }
0x1b1: {  	v19 =	vld.idx.msk [tilespmem:v19+s4+$0x0], $0xffff;
	(xrf1) =	vsort.dscd.msk.f32 $0xffff, v30, v39  }
0x1b2: {  	(xrf1) =	vsort.dscd.msk.f32 $0xffff, v31, v42  }
0x1b3: {  	(xrf1) =	vsort.dscd.msk.f32 $0xffff, v32, v52  }
0x1b4: {  	(xrf1) =	vsort.dscd.msk.f32 $0xffff, v33, v46  }
0x1b5: {  	v35, v34, _ =	vpop (xrf1);
	(xrf1) =	vsort.dscd.msk.f32 $0xffff, v20, v54  }
0x1b6: {  	v20, v24, _ =	vpop (xrf1);
	(xrf1) =	vsort.dscd.msk.f32 $0xffff, v19, v22  }
0x1b7: {  	v19, v22, _ =	vpop (xrf1)  }
0x1b8: {  	v20 =	vperm.xlane v20, v17;
	v37, v36, _ =	vpop (xrf1)  }
0x1b9: {  	v24 =	vperm.xlane v24, v17;
	v39, v38, _ =	vpop (xrf1);
	v25 =	vperm.xlane v37, v17  }
0x1ba: {  	vm13 =	vgt.f32 v20, v35;
	v42 =	vperm.xlane v36, v17;
	v40, v41, _ =	vpop (xrf1)  }
0x1bb: {  	v20 =	vsel vm13, v20, v35;
	v23 =	vsel vm13, v24, v34;
	v44, v43, _ =	vpop (xrf1);
	vm14 =	vgt.f32 v25, v19  }
0x1bc: {  	v45 =	vperm.xlane v40, v17;
	(xrf1) =	vsort.dscd.msk.f32 $0xffff, v20, v23;
	v48 =	vperm.xlane v41, v17;
	v47, v46, _ =	vpop (xrf1)  }
0x1bd: {  	v19 =	vsel vm14, v25, v19;
	v20 =	vsel vm14, v42, v22;
	v21, v22, _ =	vpop (xrf1);
	v49 =	vperm.xlane v47, v17  }
0x1be: {  	vm15 =	vgt.f32 v45, v39;
	(xrf1) =	vsort.dscd.msk.f32 $0xffff, v19, v20;
	v20 =	vperm.xlane v46, v17;
	v51, v50, _ =	vpop (xrf1)  }
0x1bf: {  	v19 =	vsel vm15, v45, v39;
	v23 =	vsel vm15, v48, v38;
	v24, v27, _ =	vpop (xrf1);
	vm4 =	vgt.f32 v49, v44  }
0x1c0: {  	v52 =	vperm.xlane v51, v17;
	(xrf1) =	vsort.dscd.msk.f32 $0xffff, v19, v23;
	v54, v53, _ =	vpop (xrf1);
	v20 =	vsel vm4, v20, v43  }
0x1c1: {  	v57 =	vperm.xlane v50, v17;
	v19 =	vsel vm4, v49, v44;
	v55, v56, _ =	vpop (xrf1);
	v29 =	vperm.xlane v54, v17  }
0x1c2: {  	vm5 =	vgt.f32 v52, v21;
	(xrf1) =	vsort.dscd.msk.f32 $0xffff, v19, v20;
	v61 =	vperm.xlane v53, v17;
	v59, v58, _ =	vpop (xrf1)  }
0x1c3: {  	v19 =	vsel vm5, v52, v21;
	v22 =	vsel vm5, v57, v22;
	v20, v60, _ =	vpop (xrf1);
	vm6 =	vgt.f32 v29, v24  }
0x1c4: {  	(xrf1) =	vsort.dscd.msk.f32 $0xffff, v19, v22;
	v35 =	vperm.xlane v59, v17;
	v37 =	vperm.xlane v58, v17;
	v62, v63, _ =	vpop (xrf1)  }
0x1c5: {  	v19 =	vsel vm6, v29, v24;
	v36 =	vsel vm6, v61, v27;
	v38 =	vperm.xlane v62, v17  }
0x1c6: {  	(xrf1) =	vsort.dscd.msk.f32 $0xffff, v19, v36;
	vm7 =	vgt.f32 v35, v55;
	v19 =	vperm.xlane v63, v17  }
0x1c7: {  	v22 =	vsel vm7, v35, v55;
	v39 =	vsel vm7, v37, v56;
	vm8 =	vgt.f32 v38, v20  }
0x1c8: {  	(xrf1) =	vsort.dscd.msk.f32 $0xffff, v22, v39;
	v20 =	vsel vm8, v38, v20;
	v19 =	vsel vm8, v19, v60  }
0x1c9: {  	(xrf1) =	vsort.dscd.msk.f32 $0xffff, v20, v19;
	_ =	sdelay $0x6  }
0x1ca: {  	v19, v20, _ =	vpop (xrf1)  }
0x1cb: {  	v41, v40, _ =	vpop (xrf1)  }
0x1cc: {  	v43, v42, _ =	vpop (xrf1)  }
0x1cd: {  	v21 =	vperm.xlane v41, v17;
	v25, v26, _ =	vpop (xrf1)  }
0x1ce: {  	v22 =	vperm.xlane v40, v17;
	v25 =	vperm.xlane v25, v17;
	v44, v28, _ =	vpop (xrf1)  }
0x1cf: {  	vm9 =	vgt.f32 v21, v19;
	v49 =	vperm.xlane v26, v17;
	v45, v46, _ =	vpop (xrf1)  }
0x1d0: {  	v19 =	vsel vm9, v21, v19;
	v20 =	vsel vm9, v22, v20;
	vm10 =	vgt.f32 v25, v43;
	v48, v47, _ =	vpop (xrf1)  }
0x1d1: {  	(xrf1) =	vsort.dscd.msk.f32 $0xffff, v19, v20;
	v19 =	vsel vm10, v25, v43;
	v20 =	vperm.xlane v45, v17;
	v51, v50, _ =	vpop (xrf1)  }
0x1d2: {  	v22 =	vsel vm10, v49, v42;
	v52 =	vperm.xlane v46, v17;
	v53 =	vperm.xlane v51, v17  }
0x1d3: {  	(xrf1) =	vsort.dscd.msk.f32 $0xffff, v19, v22;
	vm11 =	vgt.f32 v20, v44;
	v19 =	vperm.xlane v50, v17  }
0x1d4: {  	v20 =	vsel vm11, v20, v44;
	v54 =	vsel vm11, v52, v28;
	vm12 =	vgt.f32 v53, v48  }
0x1d5: {  	(xrf1) =	vsort.dscd.msk.f32 $0xffff, v20, v54;
	v20 =	vsel vm12, v53, v48;
	v19 =	vsel vm12, v19, v47  }
0x1d6: {  	(xrf1) =	vsort.dscd.msk.f32 $0xffff, v20, v19;
	_ =	sdelay $0xa  }
0x1d7: {  	v19, v20, _ =	vpop (xrf1)  }
0x1d8: {  	v56, v55, _ =	vpop (xrf1)  }
0x1d9: {  	v57, v58, _ =	vpop (xrf1)  }
0x1da: {  	v21 =	vperm.xlane v56, v17;
	v59, v60, _ =	vpop (xrf1)  }
0x1db: {  	v22 =	vperm.xlane v55, v17;
	v25 =	vperm.xlane v59, v17  }
0x1dc: {  	vm13 =	vgt.f32 v21, v19;
	v26 =	vperm.xlane v60, v17  }
0x1dd: {  	v19 =	vsel vm13, v21, v19;
	v20 =	vsel vm13, v22, v20;
	vm14 =	vgt.f32 v25, v57  }
0x1de: {  	(xrf1) =	vsort.dscd.msk.f32 $0xffff, v19, v20;
	v19 =	vsel vm14, v25, v57;
	v20 =	vsel vm14, v26, v58  }
0x1df: {  	(xrf1) =	vsort.dscd.msk.f32 $0xffff, v19, v20;
	_ =	sdelay $0xc  }
0x1e0: {  	v19, v20, _ =	vpop (xrf1)  }
0x1e1: {  	v61, v62, _ =	vpop (xrf1)  }
0x1e2: {  	v21 =	vperm.xlane v61, v17  }
0x1e3: {  	v22 =	vperm.xlane v62, v17  }
0x1e4: {  	vm15 =	vgt.f32 v21, v19  }
0x1e5: {  	v19 =	vsel vm15, v21, v19;
	v20 =	vsel vm15, v22, v20  }
0x1e6: {  	(xrf1) =	vsort.dscd.msk.f32 $0xffff, v19, v20;
	_ =	sdelay $0xa  }
0x1e7: {  	v19 =	vmov s24  }
0x1e8: {  	v19 =	vshll.u32 v19, $0x7  }
0x1e9: {  	v19 =	vand.u32 $0x180, v19  }
0x1ea: {  	v19 =	vbroadcast v19, $0x0;
	_, v20, _ =	vpop (xrf1)  }
0x1eb: {  	v63 =	vand.u32 $0x7F, v20;
	v20 =	vshll.u32 v20, $0x2  }
0x1ec: {  	v20 =	vand.u32 $0xFFFFFE00, v20;
	v19 =	vor.u32 v19, v63  }
0x1ed: {  	v19 =	vor.u32 v20, v19;
	_ =	sdelay $0x3  }
0x1ee: {  	s24 =	sadd.s32 $0x1, s24  }
0x1ef: {  	p0 =	sne.s32 s24, $0x4;
	v19 =	vld.idx.msk [tilespmem:v19+s19+$0x0], $0xffff  }
.Ltmp3:
0x1f0: {  	_ = 	snop;
	(pc) =	sbr.rel @p0 .LBB2_7-.Ltmp3, $4  }
0x1f1: {  	s14 =	ssub.s32 s9, s5  }
0x1f2: {  	s2 =	sshll.u32 s14, $0x9  }
0x1f3: {  	s2 =	sshra.s32 s2, $0x2  }
0x1f4: {  	s12 =	sadd.s32 $0x80, s12;
	[tilespmem:s2+$0x18000] =	vst v19  }
0x1f5: {  	s31 =	sor.u32 $0xC, s29  }
0x1f6: {  	s0 =	smin.u32 s31, s7  }
0x1f7: {  	s0 =	sshll.u32 s0, $0x9  }
0x1f8: {  	s0 =	sand.u32 $0x1FF000, s0  }
0x1f9: {  	s0 =	sadd.s32 s0, s11  }
0x1fa: {  	[tilespmem:s19], [sflag:$0x4] =	stream.strided.gather [hbm4b:s0+s16], $0x4000, s17, s16, $0x38;
	[tilespmem:$0x1C100] =	vst v63  }
0x1fb: {  	s0 =	sadd.s32 $0x10, s29  }
0x1fc: {  	s2 =	smin.u32 s0, s6  }
0x1fd: {  	s2 =	sshll.u32 s2, $0x9  }
0x1fe: {  	s9 =	sadd.s32 s1, s2;
	s2 =	simm.s32 $0x0  }
0x1ff: {  	[tilespmem:s2], [sflag:$0x1] =	stream.linear.gather [hbm4b:s9+s2], $0x8000, $0x38;
	[tilespmem:$0x1C100] =	vst v63  }
0x200: {  	_ =	swait.ge [sflag:s23], $0x8000  }
0x201: {  	[sflag:s23] =	ssyncset.done $0x0  }
0x202: {  	[sflag:s23] =	ssyncadd.s32 $0xFFFF8000  }
0x203: {  	_ =	swait.ge [sflag:s21], $0x4000  }
0x204: {  	[sflag:s21] =	ssyncset.done $0x0  }
0x205: {  	s24 =	simm.s32 $0x8400;
	[sflag:s21] =	ssyncadd.s32 $0xFFFFC000  }
.LBB2_11:
0x206: {  	s9 =	sor.u32 s30, s2  }
0x207: {  	v19 =	vmov s2;
	v20 =	vmov s9  }
0x208: {  	v19 =	vshll.u32 v19, $0x7;
	v21 =	vshll.u32 v20, $0x3  }
0x209: {  	v20 =	vand.u32 $0x7B, v20;
	v19 =	vbroadcast v19, $0x0;
	v21 =	vand.u32 $0x7FFFFC00, v21  }
0x20a: {  	v20 =	vor.u32 v21, v20  }
0x20b: {  	v20 =	vor.u32 v19, v20;
	_ =	sdelay $0x4  }
0x20c: {  	[tilespmem:v20+s15+$0x0] =	vst.idx.msk $0x1, v0  }
0x20d: {  	v20 =	vld [tilespmem:s24+$0xFFFFFC10]  }
0x20e: {  	s13 =	simm.s32 $0x40;
	s12 =	smov.u32 s24;
	s10 =	simm.s32 $0x0;
	v21 =	vld [tilespmem:s24+$0xFFFFFC00]  }
.LBB2_12:
0x20f: {  	p0 =	sne.s32 s13, $0x3C0;
	v22 =	vld [tilespmem:s12+$0xFFFFFC20]  }
0x210: {  	v23 =	vld [tilespmem:s12+$0xFFFFFC30]  }
0x211: {  	v24 =	vld [tilespmem:s12+$0xFFFFFC40]  }
0x212: {  	v25 =	vld [tilespmem:s12+$0xFFFFFC50]  }
0x213: {  	v20 =	vmax.f32 v21, v20;
	v21 =	vld [tilespmem:s12+$0xFFFFFC60]  }
0x214: {  	v20 =	vmax.f32 v20, v22;
	v22 =	vld [tilespmem:s12+$0xFFFFFC70]  }
0x215: {  	v20 =	vmax.f32 v20, v23;
	v23 =	vld [tilespmem:s12+$0x0]  }
0x216: {  	v20 =	vmax.f32 v20, v24;
	v24 =	vld [tilespmem:s12+$0x10]  }
0x217: {  	v20 =	vmax.f32 v20, v25;
	v25 =	vld [tilespmem:s12+$0x20]  }
0x218: {  	v20 =	vmax.f32 v20, v21;
	v21 =	vld [tilespmem:s12+$0x30]  }
0x219: {  	v20 =	vmax.f32 v20, v22;
	v22 =	vld [tilespmem:s12+$0x40]  }
0x21a: {  	v20 =	vmax.f32 v20, v23;
	v23 =	vld [tilespmem:s12+$0x50]  }
0x21b: {  	v20 =	vmax.f32 v20, v24;
	v24 =	vld [tilespmem:s12+$0x60]  }
0x21c: {  	v20 =	vmax.f32 v20, v25;
	v25 =	vld [tilespmem:s12+$0x70]  }
0x21d: {  	v20 =	vmax.f32 v20, v21  }
0x21e: {  	v20 =	vmax.f32 v20, v22  }
0x21f: {  	v20 =	vmax.f32 v20, v23  }
.Ltmp4:
0x220: {  	v20 =	vmax.f32 v20, v24;
	(pc) =	sbr.rel @p0 .LBB2_12-.Ltmp4, $4  }
0x221: {  	s14 =	sshra.s32 s10, $0x2;
	s10 =	smov.u32 s13;
	v20 =	vmax.f32 v20, v25  }
0x222: {  	s12 =	sadd.s32 $0x800, s12;
	[tilespmem:s14+$0x1C000] =	vst v20  }
0x223: {  	v20 =	vld [tilespmem:s12+$0xFFFFFC10]  }
0x224: {  	s13 =	sadd.s32 $0x40, s13;
	v21 =	vld [tilespmem:s12+$0xFFFFFC00]  }
0x225: {  	v22 =	vld [tilespmem:s12+$0xFFFFFC20]  }
0x226: {  	v23 =	vld [tilespmem:s12+$0xFFFFFC30]  }
0x227: {  	v24 =	vld [tilespmem:s12+$0xFFFFFC40]  }
0x228: {  	v25 =	vld [tilespmem:s12+$0xFFFFFC50]  }
0x229: {  	v32 =	vld [tilespmem:s12+$0xFFFFFC60];
	v20 =	vmax.f32 v21, v20  }
0x22a: {  	v33 =	vld [tilespmem:s12+$0xFFFFFC70];
	v20 =	vmax.f32 v20, v22  }
0x22b: {  	v34 =	vld [tilespmem:s12+$0x0];
	v20 =	vmax.f32 v20, v23  }
0x22c: {  	v35 =	vld [tilespmem:s12+$0x10];
	v20 =	vmax.f32 v20, v24  }
0x22d: {  	v36 =	vld [tilespmem:s12+$0x20];
	v20 =	vmax.f32 v20, v25  }
0x22e: {  	v37 =	vld [tilespmem:s12+$0x30];
	v20 =	vmax.f32 v20, v32  }
0x22f: {  	v38 =	vld [tilespmem:s12+$0x40];
	v20 =	vmax.f32 v20, v33  }
0x230: {  	v39 =	vld [tilespmem:s12+$0x50];
	v20 =	vmax.f32 v20, v34  }
0x231: {  	v40 =	vld [tilespmem:s12+$0x60];
	v20 =	vmax.f32 v20, v35  }
0x232: {  	v41 =	vld [tilespmem:s12+$0x70];
	v20 =	vmax.f32 v20, v36  }
0x233: {  	v20 =	vmax.f32 v20, v37  }
0x234: {  	v20 =	vmax.f32 v20, v38  }
0x235: {  	v20 =	vmax.f32 v20, v39  }
0x236: {  	v20 =	vmax.f32 v20, v40  }
0x237: {  	s10 =	sshra.s32 s10, $0x2;
	v20 =	vmax.f32 v20, v41  }
0x238: {  	[tilespmem:s10+$0x1C000] =	vst v20  }
0x239: {  	v20 =	vld [tilespmem:$0x1C000]  }
0x23a: {  	v42 =	vld [tilespmem:$0x1C010]  }
0x23b: {  	v43 =	vld [tilespmem:$0x1C020]  }
0x23c: {  	v44 =	vld [tilespmem:$0x1C030]  }
0x23d: {  	v45 =	vld [tilespmem:$0x1C040]  }
0x23e: {  	v46 =	vld [tilespmem:$0x1C050];
	(xrf1) =	vsort.dscd.msk.f32 $0xffff, v20, v1  }
0x23f: {  	v20 =	vld [tilespmem:$0x1C060];
	(xrf1) =	vsort.dscd.msk.f32 $0xffff, v42, v2  }
0x240: {  	v47 =	vld [tilespmem:$0x1C070];
	(xrf1) =	vsort.dscd.msk.f32 $0xffff, v43, v3  }
0x241: {  	v48 =	vld [tilespmem:$0x1C080];
	(xrf1) =	vsort.dscd.msk.f32 $0xffff, v44, v4  }
0x242: {  	v49 =	vld [tilespmem:$0x1C090];
	(xrf1) =	vsort.dscd.msk.f32 $0xffff, v45, v5  }
0x243: {  	v50 =	vld [tilespmem:$0x1C0A0];
	(xrf1) =	vsort.dscd.msk.f32 $0xffff, v46, v6  }
0x244: {  	v51 =	vld [tilespmem:$0x1C0B0];
	(xrf1) =	vsort.dscd.msk.f32 $0xffff, v20, v7  }
0x245: {  	v20 =	vld [tilespmem:$0x1C0C0];
	(xrf1) =	vsort.dscd.msk.f32 $0xffff, v47, v8  }
0x246: {  	v52 =	vld [tilespmem:$0x1C0D0];
	(xrf1) =	vsort.dscd.msk.f32 $0xffff, v48, v9  }
0x247: {  	v53 =	vld [tilespmem:$0x1C0E0];
	(xrf1) =	vsort.dscd.msk.f32 $0xffff, v49, v10  }
0x248: {  	v54 =	vld [tilespmem:$0x1C0F0];
	(xrf1) =	vsort.dscd.msk.f32 $0xffff, v50, v11  }
0x249: {  	(xrf1) =	vsort.dscd.msk.f32 $0xffff, v51, v12  }
0x24a: {  	(xrf1) =	vsort.dscd.msk.f32 $0xffff, v20, v13  }
0x24b: {  	(xrf1) =	vsort.dscd.msk.f32 $0xffff, v52, v14  }
0x24c: {  	v20, v55, _ =	vpop (xrf1);
	(xrf1) =	vsort.dscd.msk.f32 $0xffff, v53, v15  }
0x24d: {  	v57, v56, _ =	vpop (xrf1);
	(xrf1) =	vsort.dscd.msk.f32 $0xffff, v54, v16  }
0x24e: {  	v59, v58, _ =	vpop (xrf1)  }
0x24f: {  	v22 =	vperm.xlane v57, v17;
	v26, v27, _ =	vpop (xrf1)  }
0x250: {  	v24 =	vperm.xlane v56, v17;
	v28, v29, _ =	vpop (xrf1);
	v26 =	vperm.xlane v26, v17  }
0x251: {  	vm0 =	vgt.f32 v22, v20;
	v60 =	vperm.xlane v27, v17;
	v30, v31, _ =	vpop (xrf1)  }
0x252: {  	v20 =	vsel vm0, v22, v20;
	v21 =	vsel vm0, v24, v55;
	v61, v32, _ =	vpop (xrf1);
	vm10 =	vgt.f32 v26, v59  }
0x253: {  	v62 =	vperm.xlane v30, v17;
	(xrf1) =	vsort.dscd.msk.f32 $0xffff, v20, v21;
	v38 =	vperm.xlane v31, v17;
	v63, v33, _ =	vpop (xrf1)  }
0x254: {  	v20 =	vsel vm10, v26, v59;
	v35 =	vsel vm10, v60, v58;
	v37, v36, _ =	vpop (xrf1);
	v39 =	vperm.xlane v63, v17  }
0x255: {  	vm11 =	vgt.f32 v62, v28;
	(xrf1) =	vsort.dscd.msk.f32 $0xffff, v20, v35;
	v42 =	vperm.xlane v33, v17;
	v41, v40, _ =	vpop (xrf1)  }
0x256: {  	v20 =	vsel vm11, v62, v28;
	v25 =	vsel vm11, v38, v29;
	v24, v28, _ =	vpop (xrf1);
	vm12 =	vgt.f32 v39, v61  }
0x257: {  	v43 =	vperm.xlane v41, v17;
	(xrf1) =	vsort.dscd.msk.f32 $0xffff, v20, v25;
	v48 =	vperm.xlane v40, v17;
	v45, v44, _ =	vpop (xrf1)  }
0x258: {  	v20 =	vsel vm12, v39, v61;
	v21 =	vsel vm12, v42, v32;
	v46, v47, _ =	vpop (xrf1);
	v30 =	vperm.xlane v45, v17  }
0x259: {  	vm13 =	vgt.f32 v43, v37;
	(xrf1) =	vsort.dscd.msk.f32 $0xffff, v20, v21;
	v53 =	vperm.xlane v44, v17;
	v50, v49, _ =	vpop (xrf1)  }
0x25a: {  	v20 =	vsel vm13, v43, v37;
	v23 =	vsel vm13, v48, v36;
	v51, v52, _ =	vpop (xrf1);
	vm14 =	vgt.f32 v30, v24  }
0x25b: {  	(xrf1) =	vsort.dscd.msk.f32 $0xffff, v20, v23;
	v56 =	vperm.xlane v50, v17;
	v58 =	vperm.xlane v49, v17;
	v54, v55, _ =	vpop (xrf1)  }
0x25c: {  	v20 =	vsel vm14, v30, v24;
	v57 =	vsel vm14, v53, v28;
	v59 =	vperm.xlane v54, v17  }
0x25d: {  	(xrf1) =	vsort.dscd.msk.f32 $0xffff, v20, v57;
	vm15 =	vgt.f32 v56, v46;
	v20 =	vperm.xlane v55, v17  }
0x25e: {  	v23 =	vsel vm15, v56, v46;
	v60 =	vsel vm15, v58, v47;
	vm4 =	vgt.f32 v59, v51  }
0x25f: {  	(xrf1) =	vsort.dscd.msk.f32 $0xffff, v23, v60;
	v21 =	vsel vm4, v59, v51;
	v20 =	vsel vm4, v20, v52  }
0x260: {  	(xrf1) =	vsort.dscd.msk.f32 $0xffff, v21, v20;
	_ =	sdelay $0x6  }
0x261: {  	v20, v21, _ =	vpop (xrf1)  }
0x262: {  	v62, v61, _ =	vpop (xrf1)  }
0x263: {  	v36, v63, _ =	vpop (xrf1)  }
0x264: {  	v22 =	vperm.xlane v62, v17;
	v26, v27, _ =	vpop (xrf1)  }
0x265: {  	v23 =	vperm.xlane v61, v17;
	v26 =	vperm.xlane v26, v17;
	v37, v29, _ =	vpop (xrf1)  }
0x266: {  	vm5 =	vgt.f32 v22, v20;
	v42 =	vperm.xlane v27, v17;
	v38, v39, _ =	vpop (xrf1)  }
0x267: {  	v20 =	vsel vm5, v22, v20;
	v21 =	vsel vm5, v23, v21;
	vm6 =	vgt.f32 v26, v36;
	v41, v40, _ =	vpop (xrf1)  }
0x268: {  	(xrf1) =	vsort.dscd.msk.f32 $0xffff, v20, v21;
	v20 =	vsel vm6, v26, v36;
	v45 =	vperm.xlane v38, v17;
	v44, v43, _ =	vpop (xrf1)  }
0x269: {  	v23 =	vsel vm6, v42, v63;
	v46 =	vperm.xlane v39, v17;
	v47 =	vperm.xlane v44, v17  }
0x26a: {  	(xrf1) =	vsort.dscd.msk.f32 $0xffff, v20, v23;
	vm7 =	vgt.f32 v45, v37;
	v20 =	vperm.xlane v43, v17  }
0x26b: {  	v21 =	vsel vm7, v45, v37;
	v48 =	vsel vm7, v46, v29;
	vm8 =	vgt.f32 v47, v41  }
0x26c: {  	(xrf1) =	vsort.dscd.msk.f32 $0xffff, v21, v48;
	v49 =	vsel vm8, v47, v41;
	v20 =	vsel vm8, v20, v40  }
0x26d: {  	(xrf1) =	vsort.dscd.msk.f32 $0xffff, v49, v20;
	_ =	sdelay $0xa  }
0x26e: {  	v20, v21, _ =	vpop (xrf1)  }
0x26f: {  	v51, v50, _ =	vpop (xrf1)  }
0x270: {  	v52, v53, _ =	vpop (xrf1)  }
0x271: {  	v22 =	vperm.xlane v51, v17;
	v54, v55, _ =	vpop (xrf1)  }
0x272: {  	v23 =	vperm.xlane v50, v17;
	v26 =	vperm.xlane v54, v17  }
0x273: {  	vm9 =	vgt.f32 v22, v20;
	v27 =	vperm.xlane v55, v17  }
0x274: {  	v20 =	vsel vm9, v22, v20;
	v21 =	vsel vm9, v23, v21;
	vm10 =	vgt.f32 v26, v52  }
0x275: {  	(xrf1) =	vsort.dscd.msk.f32 $0xffff, v20, v21;
	v20 =	vsel vm10, v26, v52;
	v56 =	vsel vm10, v27, v53  }
0x276: {  	(xrf1) =	vsort.dscd.msk.f32 $0xffff, v20, v56;
	_ =	sdelay $0xc  }
0x277: {  	v20, v21, _ =	vpop (xrf1)  }
0x278: {  	v57, v58, _ =	vpop (xrf1)  }
0x279: {  	v22 =	vperm.xlane v57, v17  }
0x27a: {  	v23 =	vperm.xlane v58, v17  }
0x27b: {  	vm11 =	vgt.f32 v22, v20  }
0x27c: {  	v20 =	vsel vm11, v22, v20;
	v21 =	vsel vm11, v23, v21  }
0x27d: {  	(xrf1) =	vsort.dscd.msk.f32 $0xffff, v20, v21;
	_ =	sdelay $0xd  }
0x27e: {  	_, v20, _ =	vpop (xrf1)  }
0x27f: {  	v59 =	vshra.s32 v20, $0x1F  }
0x280: {  	v21 =	vshrl.u32 v59, $0x1C  }
0x281: {  	v21 =	vadd.s32 v21, v20  }
0x282: {  	v21 =	vshra.s32 v21, $0x4  }
0x283: {  	v60 =	vshll.u32 v21, $0x4  }
0x284: {  	vm12 =	vlt.s32 v20, $0x1;
	vm1 =	vne.s32 v20, v60  }
0x285: {  	vm0 =	vmand vm12, vm1  }
0x286: {  	v61 =	vsel vm0, $0xFFFFFFFF, v18  }
0x287: {  	v21 =	vadd.s32 v61, v21  }
0x288: {  	v20 =	vand.u32 $0xF, v20;
	v22 =	vshll.u32 v21, $0x8  }
0x289: {  	v21 =	vshll.u32 v21, $0xB;
	v22 =	vor.u32 v20, v22  }
0x28a: {  	v62 =	vor.u32 v19, v21;
	v63 =	vor.u32 $0x10, v22  }
0x28b: {  	v23 =	vor.u32 v20, v62;
	v26 =	vor.u32 $0x20, v22;
	v28 =	vor.u32 $0x30, v22  }
0x28c: {  	v30 =	vor.u32 $0x40, v22;
	v32 =	vor.u32 $0x50, v22;
	v34 =	vor.u32 $0x60, v22  }
0x28d: {  	v36 =	vor.u32 $0x70, v22;
	v38 =	vor.u32 $0x80, v22;
	v40 =	vor.u32 $0x90, v22  }
0x28e: {  	v42 =	vor.u32 $0xB0, v22;
	v46 =	vor.u32 $0xD0, v22;
	v47 =	vand.u32 $0x1F, v63  }
0x28f: {  	v48 =	vand.u32 $0x2F, v26;
	v49 =	vand.u32 $0x3F, v28;
	v50 =	vand.u32 $0x4F, v30  }
0x290: {  	v51 =	vand.u32 $0x5F, v32;
	v35 =	vand.u32 $0x6F, v34;
	v37 =	vand.u32 $0x7F, v36  }
0x291: {  	v39 =	vshll.u32 v38, $0x3;
	v53 =	vshll.u32 v40, $0x3;
	v41 =	vand.u32 $0x1F, v40  }
0x292: {  	v44 =	vshll.u32 v42, $0x3;
	v56 =	vand.u32 $0x3F, v42;
	v57 =	vand.u32 $0x5F, v46  }
0x293: {  	v25 =	vor.u32 v47, v19;
	v27 =	vor.u32 v48, v19;
	v29 =	vor.u32 v49, v19  }
0x294: {  	v31 =	vor.u32 v50, v19;
	v33 =	vor.u32 v51, v19;
	v35 =	vor.u32 v35, v19  }
0x295: {  	v37 =	vor.u32 v37, v19;
	v52 =	vand.u32 $0xFFFFFC00, v39;
	v25 =	vor.u32 v21, v25  }
0x296: {  	v39 =	vand.u32 $0xFFFFFC00, v53;
	v44 =	vand.u32 $0xFFFFFC00, v44;
	v27 =	vor.u32 v21, v27  }
0x297: {  	v48 =	vshll.u32 v46, $0x3;
	v29 =	vor.u32 v21, v29;
	v31 =	vor.u32 v21, v31  }
0x298: {  	v33 =	vor.u32 v21, v33;
	v54 =	vor.u32 v39, v41;
	v39 =	vor.u32 $0xA0, v22  }
0x299: {  	v35 =	vor.u32 v21, v35;
	v21 =	vor.u32 v21, v37;
	v55 =	vshll.u32 v39, $0x3;
	v23 =	vld.idx.msk [tilespmem:v23+s15+$0x0], $0xffff  }
0x29a: {  	v37 =	vor.u32 v52, v19;
	v43 =	vand.u32 $0x2F, v39;
	v41 =	vand.u32 $0xFFFFFC00, v55;
	v25 =	vld.idx.msk [tilespmem:v25+s15+$0x0], $0xffff  }
0x29b: {  	v41 =	vor.u32 v41, v43;
	v43 =	vor.u32 v44, v56;
	v44 =	vor.u32 $0xC0, v22;
	v27 =	vld.idx.msk [tilespmem:v27+s15+$0x0], $0xffff  }
0x29c: {  	v48 =	vand.u32 $0xFFFFFC00, v48;
	v20 =	vor.u32 v20, v37;
	v45 =	vshll.u32 v44, $0x3;
	v29 =	vld.idx.msk [tilespmem:v29+s15+$0x0], $0xffff  }
0x29d: {  	v37 =	vor.u32 v19, v54;
	v47 =	vand.u32 $0x4F, v44;
	v31 =	vld.idx.msk [tilespmem:v31+s15+$0x0], $0xffff;
	v45 =	vand.u32 $0xFFFFFC00, v45  }
0x29e: {  	v41 =	vor.u32 v19, v41;
	v43 =	vor.u32 v19, v43;
	v33 =	vld.idx.msk [tilespmem:v33+s15+$0x0], $0xffff;
	v45 =	vor.u32 v45, v47  }
0x29f: {  	v47 =	vor.u32 v48, v57;
	v48 =	vor.u32 $0xE0, v22;
	v45 =	vor.u32 v19, v45;
	(xrf1) =	vsort.dscd.msk.f32 $0xffff, v23, v22  }
0x2a0: {  	v58 =	vld.idx.msk [tilespmem:v35+s15+$0x0], $0xffff;
	v59 =	vor.u32 v19, v47;
	v60 =	vshll.u32 v48, $0x3;
	v22 =	vor.u32 $0xF0, v22;
	(xrf1) =	vsort.dscd.msk.f32 $0xffff, v25, v63  }
0x2a1: {  	v21 =	vld.idx.msk [tilespmem:v21+s15+$0x0], $0xffff;
	v61 =	vand.u32 $0x6F, v48;
	v62 =	vand.u32 $0xFFFFFC00, v60;
	v63 =	vshll.u32 v22, $0x3;
	(xrf1) =	vsort.dscd.msk.f32 $0xffff, v27, v26  }
0x2a2: {  	v20 =	vld.idx.msk [tilespmem:v20+s15+$0x0], $0xffff;
	v49 =	vand.u32 $0x7F, v22;
	v24 =	vor.u32 v62, v61;
	v50 =	vand.u32 $0xFFFFFC00, v63;
	(xrf1) =	vsort.dscd.msk.f32 $0xffff, v29, v28  }
0x2a3: {  	v51 =	vld.idx.msk [tilespmem:v37+s15+$0x0], $0xffff;
	v24 =	vor.u32 v19, v24;
	v25 =	vor.u32 v50, v49;
	(xrf1) =	vsort.dscd.msk.f32 $0xffff, v31, v30  }
0x2a4: {  	v52 =	vld.idx.msk [tilespmem:v41+s15+$0x0], $0xffff;
	v25 =	vor.u32 v19, v25;
	(xrf1) =	vsort.dscd.msk.f32 $0xffff, v33, v32  }
0x2a5: {  	v53 =	vld.idx.msk [tilespmem:v43+s15+$0x0], $0xffff;
	(xrf1) =	vsort.dscd.msk.f32 $0xffff, v58, v34  }
0x2a6: {  	v54 =	vld.idx.msk [tilespmem:v45+s15+$0x0], $0xffff;
	(xrf1) =	vsort.dscd.msk.f32 $0xffff, v21, v36  }
0x2a7: {  	v55 =	vld.idx.msk [tilespmem:v59+s15+$0x0], $0xffff;
	(xrf1) =	vsort.dscd.msk.f32 $0xffff, v20, v38  }
0x2a8: {  	v20 =	vld.idx.msk [tilespmem:v24+s15+$0x0], $0xffff;
	(xrf1) =	vsort.dscd.msk.f32 $0xffff, v51, v40  }
0x2a9: {  	v56 =	vld.idx.msk [tilespmem:v25+s15+$0x0], $0xffff;
	(xrf1) =	vsort.dscd.msk.f32 $0xffff, v52, v39  }
0x2aa: {  	(xrf1) =	vsort.dscd.msk.f32 $0xffff, v53, v42  }
0x2ab: {  	(xrf1) =	vsort.dscd.msk.f32 $0xffff, v54, v44  }
0x2ac: {  	(xrf1) =	vsort.dscd.msk.f32 $0xffff, v55, v46  }
0x2ad: {  	v58, v57, _ =	vpop (xrf1);
	(xrf1) =	vsort.dscd.msk.f32 $0xffff, v20, v48  }
0x2ae: {  	v20, v59, _ =	vpop (xrf1);
	(xrf1) =	vsort.dscd.msk.f32 $0xffff, v56, v22  }
0x2af: {  	v22, v24, _ =	vpop (xrf1)  }
0x2b0: {  	v20 =	vperm.xlane v20, v17;
	v61, v60, _ =	vpop (xrf1)  }
0x2b1: {  	v25 =	vperm.xlane v59, v17;
	v63, v62, _ =	vpop (xrf1);
	v26 =	vperm.xlane v61, v17  }
0x2b2: {  	vm13 =	vgt.f32 v20, v58;
	v36 =	vperm.xlane v60, v17;
	v30, v31, _ =	vpop (xrf1)  }
0x2b3: {  	v20 =	vsel vm13, v20, v58;
	v23 =	vsel vm13, v25, v57;
	v38, v37, _ =	vpop (xrf1);
	vm14 =	vgt.f32 v26, v22  }
0x2b4: {  	v39 =	vperm.xlane v30, v17;
	(xrf1) =	vsort.dscd.msk.f32 $0xffff, v20, v23;
	v44 =	vperm.xlane v31, v17;
	v41, v40, _ =	vpop (xrf1)  }
0x2b5: {  	v20 =	vsel vm14, v26, v22;
	v21 =	vsel vm14, v36, v24;
	v43, v42, _ =	vpop (xrf1);
	v45 =	vperm.xlane v41, v17  }
0x2b6: {  	vm15 =	vgt.f32 v39, v63;
	(xrf1) =	vsort.dscd.msk.f32 $0xffff, v20, v21;
	v48 =	vperm.xlane v40, v17;
	v47, v46, _ =	vpop (xrf1)  }
0x2b7: {  	v20 =	vsel vm15, v39, v63;
	v24 =	vsel vm15, v44, v62;
	v25, v28, _ =	vpop (xrf1);
	vm4 =	vgt.f32 v45, v38  }
0x2b8: {  	v49 =	vperm.xlane v47, v17;
	(xrf1) =	vsort.dscd.msk.f32 $0xffff, v20, v24;
	v54 =	vperm.xlane v46, v17;
	v51, v50, _ =	vpop (xrf1)  }
0x2b9: {  	v20 =	vsel vm4, v45, v38;
	v21 =	vsel vm4, v48, v37;
	v52, v53, _ =	vpop (xrf1);
	v30 =	vperm.xlane v51, v17  }
0x2ba: {  	vm5 =	vgt.f32 v49, v43;
	(xrf1) =	vsort.dscd.msk.f32 $0xffff, v20, v21;
	v59 =	vperm.xlane v50, v17;
	v56, v55, _ =	vpop (xrf1)  }
0x2bb: {  	v20 =	vsel vm5, v49, v43;
	v23 =	vsel vm5, v54, v42;
	v57, v58, _ =	vpop (xrf1);
	vm6 =	vgt.f32 v30, v25  }
0x2bc: {  	(xrf1) =	vsort.dscd.msk.f32 $0xffff, v20, v23;
	v62 =	vperm.xlane v56, v17;
	v34 =	vperm.xlane v55, v17;
	v60, v61, _ =	vpop (xrf1)  }
0x2bd: {  	v20 =	vsel vm6, v30, v25;
	v63 =	vsel vm6, v59, v28;
	v35 =	vperm.xlane v60, v17  }
0x2be: {  	(xrf1) =	vsort.dscd.msk.f32 $0xffff, v20, v63;
	vm7 =	vgt.f32 v62, v52;
	v20 =	vperm.xlane v61, v17  }
0x2bf: {  	v23 =	vsel vm7, v62, v52;
	v36 =	vsel vm7, v34, v53;
	vm8 =	vgt.f32 v35, v57  }
0x2c0: {  	(xrf1) =	vsort.dscd.msk.f32 $0xffff, v23, v36;
	v21 =	vsel vm8, v35, v57;
	v20 =	vsel vm8, v20, v58  }
0x2c1: {  	(xrf1) =	vsort.dscd.msk.f32 $0xffff, v21, v20;
	_ =	sdelay $0x6  }
0x2c2: {  	v20, v21, _ =	vpop (xrf1)  }
0x2c3: {  	v38, v37, _ =	vpop (xrf1)  }
0x2c4: {  	v40, v39, _ =	vpop (xrf1)  }
0x2c5: {  	v22 =	vperm.xlane v38, v17;
	v26, v27, _ =	vpop (xrf1)  }
0x2c6: {  	v23 =	vperm.xlane v37, v17;
	v26 =	vperm.xlane v26, v17;
	v41, v29, _ =	vpop (xrf1)  }
0x2c7: {  	vm9 =	vgt.f32 v22, v20;
	v46 =	vperm.xlane v27, v17;
	v42, v43, _ =	vpop (xrf1)  }
0x2c8: {  	v20 =	vsel vm9, v22, v20;
	v21 =	vsel vm9, v23, v21;
	vm10 =	vgt.f32 v26, v40;
	v45, v44, _ =	vpop (xrf1)  }
0x2c9: {  	(xrf1) =	vsort.dscd.msk.f32 $0xffff, v20, v21;
	v20 =	vsel vm10, v26, v40;
	v49 =	vperm.xlane v42, v17;
	v48, v47, _ =	vpop (xrf1)  }
0x2ca: {  	v23 =	vsel vm10, v46, v39;
	v50 =	vperm.xlane v43, v17;
	v51 =	vperm.xlane v48, v17  }
0x2cb: {  	(xrf1) =	vsort.dscd.msk.f32 $0xffff, v20, v23;
	vm11 =	vgt.f32 v49, v41;
	v20 =	vperm.xlane v47, v17  }
0x2cc: {  	v21 =	vsel vm11, v49, v41;
	v52 =	vsel vm11, v50, v29;
	vm12 =	vgt.f32 v51, v45  }
0x2cd: {  	(xrf1) =	vsort.dscd.msk.f32 $0xffff, v21, v52;
	v53 =	vsel vm12, v51, v45;
	v20 =	vsel vm12, v20, v44  }
0x2ce: {  	(xrf1) =	vsort.dscd.msk.f32 $0xffff, v53, v20;
	_ =	sdelay $0xa  }
0x2cf: {  	v20, v21, _ =	vpop (xrf1)  }
0x2d0: {  	v55, v54, _ =	vpop (xrf1)  }
0x2d1: {  	v56, v57, _ =	vpop (xrf1)  }
0x2d2: {  	v22 =	vperm.xlane v55, v17;
	v58, v59, _ =	vpop (xrf1)  }
0x2d3: {  	v23 =	vperm.xlane v54, v17;
	v26 =	vperm.xlane v58, v17  }
0x2d4: {  	vm13 =	vgt.f32 v22, v20;
	v27 =	vperm.xlane v59, v17  }
0x2d5: {  	v20 =	vsel vm13, v22, v20;
	v21 =	vsel vm13, v23, v21;
	vm14 =	vgt.f32 v26, v56  }
0x2d6: {  	(xrf1) =	vsort.dscd.msk.f32 $0xffff, v20, v21;
	v20 =	vsel vm14, v26, v56;
	v60 =	vsel vm14, v27, v57  }
0x2d7: {  	(xrf1) =	vsort.dscd.msk.f32 $0xffff, v20, v60;
	_ =	sdelay $0xc  }
0x2d8: {  	v20, v21, _ =	vpop (xrf1)  }
0x2d9: {  	v61, v62, _ =	vpop (xrf1)  }
0x2da: {  	v22 =	vperm.xlane v61, v17  }
0x2db: {  	v23 =	vperm.xlane v62, v17  }
0x2dc: {  	vm15 =	vgt.f32 v22, v20  }
0x2dd: {  	v20 =	vsel vm15, v22, v20;
	v21 =	vsel vm15, v23, v21  }
0x2de: {  	(xrf1) =	vsort.dscd.msk.f32 $0xffff, v20, v21;
	_ =	sdelay $0xd  }
0x2df: {  	_, v20, _ =	vpop (xrf1)  }
0x2e0: {  	v63 =	vshll.u32 v20, $0x2  }
0x2e1: {  	v20 =	vand.u32 $0x7F, v20;
	v21 =	vand.u32 $0xFFFFFE00, v63  }
0x2e2: {  	v20 =	vor.u32 v21, v20  }
0x2e3: {  	v19 =	vor.u32 v19, v20;
	_ =	sdelay $0x3  }
0x2e4: {  	s2 =	sadd.s32 $0x1, s2  }
0x2e5: {  	p0 =	sne.s32 s2, $0x4;
	v19 =	vld.idx.msk [tilespmem:v19+s18+$0x0], $0xffff  }
.Ltmp5:
0x2e6: {  	_ = 	snop;
	(pc) =	sbr.rel @p0 .LBB2_11-.Ltmp5, $4  }
0x2e7: {  	s9 =	ssub.s32 s9, s5  }
0x2e8: {  	s9 =	sshll.u32 s9, $0x9  }
0x2e9: {  	s9 =	sshra.s32 s9, $0x2  }
0x2ea: {  	s24 =	sadd.s32 $0x80, s24;
	[tilespmem:s9+$0x18000] =	vst v19  }
0x2eb: {  	s0 =	smin.u32 s0, s7  }
0x2ec: {  	s2 =	sshll.u32 s0, $0x4  }
0x2ed: {  	s0 =	sshll.u32 s0, $0x9;
	s2 =	sand.u32 $0x40, s2  }
0x2ee: {  	s0 =	sand.u32 $0x1FF000, s0;
	s2 =	sadd.s32 s3, s2  }
0x2ef: {  	s0 =	sadd.s32 s0, s2  }
0x2f0: {  	[tilespmem:s18], [sflag:$0x3] =	stream.strided.gather [hbm4b:s0+s16], $0x4000, s17, s16, $0x38;
	[tilespmem:$0x1C100] =	vst v63  }
0x2f1: {  	_ =	swait.ge [sflag:s22], $0x4000  }
0x2f2: {  	[sflag:s22] =	ssyncset.done $0x0  }
0x2f3: {  	s2 =	simm.s32 $0x8600;
	s0 =	simm.s32 $0x0;
	[sflag:s22] =	ssyncadd.s32 $0xFFFFC000  }
.LBB2_15:
0x2f4: {  	s10 =	sor.u32 $0x4, s0  }
0x2f5: {  	s9 =	sor.u32 s31, s0;
	v19 =	vmov s10  }
0x2f6: {  	v20 =	vmov s9;
	v19 =	vshll.u32 v19, $0x7  }
0x2f7: {  	v21 =	vshll.u32 v20, $0x3;
	v19 =	vand.u32 $0x380, v19  }
0x2f8: {  	v20 =	vand.u32 $0x7F, v20;
	v21 =	vand.u32 $0xFFFFFC00, v21;
	v19 =	vbroadcast v19, $0x0  }
0x2f9: {  	v20 =	vor.u32 v20, v21  }
0x2fa: {  	v20 =	vor.u32 v19, v20;
	_ =	sdelay $0x4  }
0x2fb: {  	[tilespmem:v20+s15+$0x0] =	vst.idx.msk $0x1, v0  }
0x2fc: {  	v20 =	vld [tilespmem:s2+$0xFFFFFC10]  }
0x2fd: {  	s13 =	simm.s32 $0x40;
	s12 =	smov.u32 s2;
	s10 =	simm.s32 $0x0;
	v21 =	vld [tilespmem:s2+$0xFFFFFC00]  }
.LBB2_16:
0x2fe: {  	p0 =	sne.s32 s13, $0x3C0;
	v22 =	vld [tilespmem:s12+$0xFFFFFC20]  }
0x2ff: {  	v23 =	vld [tilespmem:s12+$0xFFFFFC30]  }
0x300: {  	v24 =	vld [tilespmem:s12+$0xFFFFFC40]  }
0x301: {  	v25 =	vld [tilespmem:s12+$0xFFFFFC50]  }
0x302: {  	v20 =	vmax.f32 v21, v20;
	v21 =	vld [tilespmem:s12+$0xFFFFFC60]  }
0x303: {  	v20 =	vmax.f32 v20, v22;
	v22 =	vld [tilespmem:s12+$0xFFFFFC70]  }
0x304: {  	v20 =	vmax.f32 v20, v23;
	v23 =	vld [tilespmem:s12+$0x0]  }
0x305: {  	v20 =	vmax.f32 v20, v24;
	v24 =	vld [tilespmem:s12+$0x10]  }
0x306: {  	v20 =	vmax.f32 v20, v25;
	v25 =	vld [tilespmem:s12+$0x20]  }
0x307: {  	v20 =	vmax.f32 v20, v21;
	v21 =	vld [tilespmem:s12+$0x30]  }
0x308: {  	v20 =	vmax.f32 v20, v22;
	v22 =	vld [tilespmem:s12+$0x40]  }
0x309: {  	v20 =	vmax.f32 v20, v23;
	v23 =	vld [tilespmem:s12+$0x50]  }
0x30a: {  	v20 =	vmax.f32 v20, v24;
	v24 =	vld [tilespmem:s12+$0x60]  }
0x30b: {  	v20 =	vmax.f32 v20, v25;
	v25 =	vld [tilespmem:s12+$0x70]  }
0x30c: {  	v20 =	vmax.f32 v20, v21  }
0x30d: {  	v20 =	vmax.f32 v20, v22  }
0x30e: {  	v20 =	vmax.f32 v20, v23  }
.Ltmp6:
0x30f: {  	v20 =	vmax.f32 v20, v24;
	(pc) =	sbr.rel @p0 .LBB2_16-.Ltmp6, $4  }
0x310: {  	s14 =	sshra.s32 s10, $0x2;
	s10 =	smov.u32 s13;
	v20 =	vmax.f32 v20, v25  }
0x311: {  	s12 =	sadd.s32 $0x800, s12;
	[tilespmem:s14+$0x1C000] =	vst v20  }
0x312: {  	v20 =	vld [tilespmem:s12+$0xFFFFFC10]  }
0x313: {  	s13 =	sadd.s32 $0x40, s13;
	v21 =	vld [tilespmem:s12+$0xFFFFFC00]  }
0x314: {  	v22 =	vld [tilespmem:s12+$0xFFFFFC20]  }
0x315: {  	v23 =	vld [tilespmem:s12+$0xFFFFFC30]  }
0x316: {  	v24 =	vld [tilespmem:s12+$0xFFFFFC40]  }
0x317: {  	v25 =	vld [tilespmem:s12+$0xFFFFFC50]  }
0x318: {  	v63 =	vld [tilespmem:s12+$0xFFFFFC60];
	v20 =	vmax.f32 v21, v20  }
0x319: {  	v28 =	vld [tilespmem:s12+$0xFFFFFC70];
	v20 =	vmax.f32 v20, v22  }
0x31a: {  	v29 =	vld [tilespmem:s12+$0x0];
	v20 =	vmax.f32 v20, v23  }
0x31b: {  	v30 =	vld [tilespmem:s12+$0x10];
	v20 =	vmax.f32 v20, v24  }
0x31c: {  	v31 =	vld [tilespmem:s12+$0x20];
	v20 =	vmax.f32 v20, v25  }
0x31d: {  	v32 =	vld [tilespmem:s12+$0x30];
	v20 =	vmax.f32 v20, v63  }
0x31e: {  	v33 =	vld [tilespmem:s12+$0x40];
	v20 =	vmax.f32 v20, v28  }
0x31f: {  	v34 =	vld [tilespmem:s12+$0x50];
	v20 =	vmax.f32 v20, v29  }
0x320: {  	v35 =	vld [tilespmem:s12+$0x60];
	v20 =	vmax.f32 v20, v30  }
0x321: {  	v36 =	vld [tilespmem:s12+$0x70];
	v20 =	vmax.f32 v20, v31  }
0x322: {  	v20 =	vmax.f32 v20, v32  }
0x323: {  	v20 =	vmax.f32 v20, v33  }
0x324: {  	v20 =	vmax.f32 v20, v34  }
0x325: {  	v20 =	vmax.f32 v20, v35  }
0x326: {  	s10 =	sshra.s32 s10, $0x2;
	v20 =	vmax.f32 v20, v36  }
0x327: {  	[tilespmem:s10+$0x1C000] =	vst v20  }
0x328: {  	v20 =	vld [tilespmem:$0x1C000]  }
0x329: {  	v37 =	vld [tilespmem:$0x1C010]  }
0x32a: {  	v38 =	vld [tilespmem:$0x1C020]  }
0x32b: {  	v39 =	vld [tilespmem:$0x1C030]  }
0x32c: {  	v40 =	vld [tilespmem:$0x1C040]  }
0x32d: {  	v41 =	vld [tilespmem:$0x1C050];
	(xrf1) =	vsort.dscd.msk.f32 $0xffff, v20, v1  }
0x32e: {  	v20 =	vld [tilespmem:$0x1C060];
	(xrf1) =	vsort.dscd.msk.f32 $0xffff, v37, v2  }
0x32f: {  	v42 =	vld [tilespmem:$0x1C070];
	(xrf1) =	vsort.dscd.msk.f32 $0xffff, v38, v3  }
0x330: {  	v43 =	vld [tilespmem:$0x1C080];
	(xrf1) =	vsort.dscd.msk.f32 $0xffff, v39, v4  }
0x331: {  	v44 =	vld [tilespmem:$0x1C090];
	(xrf1) =	vsort.dscd.msk.f32 $0xffff, v40, v5  }
0x332: {  	v45 =	vld [tilespmem:$0x1C0A0];
	(xrf1) =	vsort.dscd.msk.f32 $0xffff, v41, v6  }
0x333: {  	v46 =	vld [tilespmem:$0x1C0B0];
	(xrf1) =	vsort.dscd.msk.f32 $0xffff, v20, v7  }
0x334: {  	v20 =	vld [tilespmem:$0x1C0C0];
	(xrf1) =	vsort.dscd.msk.f32 $0xffff, v42, v8  }
0x335: {  	v47 =	vld [tilespmem:$0x1C0D0];
	(xrf1) =	vsort.dscd.msk.f32 $0xffff, v43, v9  }
0x336: {  	v48 =	vld [tilespmem:$0x1C0E0];
	(xrf1) =	vsort.dscd.msk.f32 $0xffff, v44, v10  }
0x337: {  	v49 =	vld [tilespmem:$0x1C0F0];
	(xrf1) =	vsort.dscd.msk.f32 $0xffff, v45, v11  }
0x338: {  	(xrf1) =	vsort.dscd.msk.f32 $0xffff, v46, v12  }
0x339: {  	(xrf1) =	vsort.dscd.msk.f32 $0xffff, v20, v13  }
0x33a: {  	(xrf1) =	vsort.dscd.msk.f32 $0xffff, v47, v14  }
0x33b: {  	v20, v50, _ =	vpop (xrf1);
	(xrf1) =	vsort.dscd.msk.f32 $0xffff, v48, v15  }
0x33c: {  	v52, v51, _ =	vpop (xrf1);
	(xrf1) =	vsort.dscd.msk.f32 $0xffff, v49, v16  }
0x33d: {  	v54, v53, _ =	vpop (xrf1)  }
0x33e: {  	v22 =	vperm.xlane v52, v17;
	v26, v27, _ =	vpop (xrf1)  }
0x33f: {  	v24 =	vperm.xlane v51, v17;
	v28, v29, _ =	vpop (xrf1);
	v26 =	vperm.xlane v26, v17  }
0x340: {  	vm0 =	vgt.f32 v22, v20;
	v55 =	vperm.xlane v27, v17;
	v30, v31, _ =	vpop (xrf1)  }
0x341: {  	v20 =	vsel vm0, v22, v20;
	v21 =	vsel vm0, v24, v50;
	v56, v32, _ =	vpop (xrf1);
	vm10 =	vgt.f32 v26, v54  }
0x342: {  	v57 =	vperm.xlane v30, v17;
	(xrf1) =	vsort.dscd.msk.f32 $0xffff, v20, v21;
	v62 =	vperm.xlane v31, v17;
	v58, v33, _ =	vpop (xrf1)  }
0x343: {  	v20 =	vsel vm10, v26, v54;
	v59 =	vsel vm10, v55, v53;
	v61, v60, _ =	vpop (xrf1);
	v63 =	vperm.xlane v58, v17  }
0x344: {  	vm11 =	vgt.f32 v57, v28;
	(xrf1) =	vsort.dscd.msk.f32 $0xffff, v20, v59;
	v38 =	vperm.xlane v33, v17;
	v37, v36, _ =	vpop (xrf1)  }
0x345: {  	v20 =	vsel vm11, v57, v28;
	v25 =	vsel vm11, v62, v29;
	v24, v28, _ =	vpop (xrf1);
	vm12 =	vgt.f32 v63, v56  }
0x346: {  	v39 =	vperm.xlane v37, v17;
	(xrf1) =	vsort.dscd.msk.f32 $0xffff, v20, v25;
	v44 =	vperm.xlane v36, v17;
	v41, v40, _ =	vpop (xrf1)  }
0x347: {  	v20 =	vsel vm12, v63, v56;
	v21 =	vsel vm12, v38, v32;
	v42, v43, _ =	vpop (xrf1);
	v30 =	vperm.xlane v41, v17  }
0x348: {  	vm13 =	vgt.f32 v39, v61;
	(xrf1) =	vsort.dscd.msk.f32 $0xffff, v20, v21;
	v49 =	vperm.xlane v40, v17;
	v46, v45, _ =	vpop (xrf1)  }
0x349: {  	v20 =	vsel vm13, v39, v61;
	v23 =	vsel vm13, v44, v60;
	v47, v48, _ =	vpop (xrf1);
	vm14 =	vgt.f32 v30, v24  }
0x34a: {  	(xrf1) =	vsort.dscd.msk.f32 $0xffff, v20, v23;
	v52 =	vperm.xlane v46, v17;
	v54 =	vperm.xlane v45, v17;
	v50, v51, _ =	vpop (xrf1)  }
0x34b: {  	v20 =	vsel vm14, v30, v24;
	v53 =	vsel vm14, v49, v28;
	v55 =	vperm.xlane v50, v17  }
0x34c: {  	(xrf1) =	vsort.dscd.msk.f32 $0xffff, v20, v53;
	vm15 =	vgt.f32 v52, v42;
	v20 =	vperm.xlane v51, v17  }
0x34d: {  	v23 =	vsel vm15, v52, v42;
	v56 =	vsel vm15, v54, v43;
	vm4 =	vgt.f32 v55, v47  }
0x34e: {  	(xrf1) =	vsort.dscd.msk.f32 $0xffff, v23, v56;
	v21 =	vsel vm4, v55, v47;
	v20 =	vsel vm4, v20, v48  }
0x34f: {  	(xrf1) =	vsort.dscd.msk.f32 $0xffff, v21, v20;
	_ =	sdelay $0x6  }
0x350: {  	v20, v21, _ =	vpop (xrf1)  }
0x351: {  	v58, v57, _ =	vpop (xrf1)  }
0x352: {  	v60, v59, _ =	vpop (xrf1)  }
0x353: {  	v22 =	vperm.xlane v58, v17;
	v26, v27, _ =	vpop (xrf1)  }
0x354: {  	v23 =	vperm.xlane v57, v17;
	v26 =	vperm.xlane v26, v17;
	v61, v29, _ =	vpop (xrf1)  }
0x355: {  	vm5 =	vgt.f32 v22, v20;
	v38 =	vperm.xlane v27, v17;
	v62, v63, _ =	vpop (xrf1)  }
0x356: {  	v20 =	vsel vm5, v22, v20;
	v21 =	vsel vm5, v23, v21;
	vm6 =	vgt.f32 v26, v60;
	v37, v36, _ =	vpop (xrf1)  }
0x357: {  	(xrf1) =	vsort.dscd.msk.f32 $0xffff, v20, v21;
	v20 =	vsel vm6, v26, v60;
	v41 =	vperm.xlane v62, v17;
	v40, v39, _ =	vpop (xrf1)  }
0x358: {  	v23 =	vsel vm6, v38, v59;
	v42 =	vperm.xlane v63, v17;
	v43 =	vperm.xlane v40, v17  }
0x359: {  	(xrf1) =	vsort.dscd.msk.f32 $0xffff, v20, v23;
	vm7 =	vgt.f32 v41, v61;
	v20 =	vperm.xlane v39, v17  }
0x35a: {  	v21 =	vsel vm7, v41, v61;
	v44 =	vsel vm7, v42, v29;
	vm8 =	vgt.f32 v43, v37  }
0x35b: {  	(xrf1) =	vsort.dscd.msk.f32 $0xffff, v21, v44;
	v45 =	vsel vm8, v43, v37;
	v20 =	vsel vm8, v20, v36  }
0x35c: {  	(xrf1) =	vsort.dscd.msk.f32 $0xffff, v45, v20;
	_ =	sdelay $0xa  }
0x35d: {  	v20, v21, _ =	vpop (xrf1)  }
0x35e: {  	v47, v46, _ =	vpop (xrf1)  }
0x35f: {  	v48, v49, _ =	vpop (xrf1)  }
0x360: {  	v22 =	vperm.xlane v47, v17;
	v50, v51, _ =	vpop (xrf1)  }
0x361: {  	v23 =	vperm.xlane v46, v17;
	v26 =	vperm.xlane v50, v17  }
0x362: {  	vm9 =	vgt.f32 v22, v20;
	v27 =	vperm.xlane v51, v17  }
0x363: {  	v20 =	vsel vm9, v22, v20;
	v21 =	vsel vm9, v23, v21;
	vm10 =	vgt.f32 v26, v48  }
0x364: {  	(xrf1) =	vsort.dscd.msk.f32 $0xffff, v20, v21;
	v20 =	vsel vm10, v26, v48;
	v52 =	vsel vm10, v27, v49  }
0x365: {  	(xrf1) =	vsort.dscd.msk.f32 $0xffff, v20, v52;
	_ =	sdelay $0xc  }
0x366: {  	v20, v21, _ =	vpop (xrf1)  }
0x367: {  	v53, v54, _ =	vpop (xrf1)  }
0x368: {  	v22 =	vperm.xlane v53, v17  }
0x369: {  	v23 =	vperm.xlane v54, v17  }
0x36a: {  	vm11 =	vgt.f32 v22, v20  }
0x36b: {  	v20 =	vsel vm11, v22, v20;
	v21 =	vsel vm11, v23, v21  }
0x36c: {  	(xrf1) =	vsort.dscd.msk.f32 $0xffff, v20, v21;
	_ =	sdelay $0xd  }
0x36d: {  	_, v20, _ =	vpop (xrf1)  }
0x36e: {  	v55 =	vshra.s32 v20, $0x1F  }
0x36f: {  	v21 =	vshrl.u32 v55, $0x1C  }
0x370: {  	v21 =	vadd.s32 v21, v20  }
0x371: {  	v21 =	vshra.s32 v21, $0x4  }
0x372: {  	v56 =	vshll.u32 v21, $0x4  }
0x373: {  	vm12 =	vlt.s32 v20, $0x1;
	vm1 =	vne.s32 v20, v56  }
0x374: {  	vm0 =	vmand vm12, vm1  }
0x375: {  	v57 =	vsel vm0, $0xFFFFFFFF, v18  }
0x376: {  	v21 =	vadd.s32 v57, v21  }
0x377: {  	v20 =	vand.u32 $0xF, v20;
	v22 =	vshll.u32 v21, $0x8;
	v21 =	vshll.u32 v21, $0xB  }
0x378: {  	v22 =	vor.u32 v20, v22;
	v58 =	vor.u32 v19, v21  }
0x379: {  	v59 =	vor.u32 $0x10, v22;
	v23 =	vor.u32 v20, v58  }
0x37a: {  	v61 =	vor.u32 $0x20, v22;
	v63 =	vor.u32 $0x30, v22;
	v30 =	vor.u32 $0x40, v22  }
0x37b: {  	v32 =	vor.u32 $0x50, v22;
	v34 =	vor.u32 $0x60, v22;
	v36 =	vor.u32 $0x70, v22  }
0x37c: {  	v38 =	vor.u32 $0x80, v22;
	v40 =	vor.u32 $0x90, v22;
	v42 =	vor.u32 $0xB0, v22  }
0x37d: {  	v52 =	vor.u32 $0xC0, v22;
	v54 =	vor.u32 $0xE0, v22;
	v60 =	vand.u32 $0x1F, v59  }
0x37e: {  	v62 =	vand.u32 $0x2F, v61;
	v44 =	vand.u32 $0x3F, v63;
	v45 =	vand.u32 $0x4F, v30  }
0x37f: {  	v46 =	vand.u32 $0x5F, v32;
	v35 =	vand.u32 $0x6F, v34;
	v37 =	vand.u32 $0x7F, v36  }
0x380: {  	v39 =	vshll.u32 v38, $0x3;
	v48 =	vshll.u32 v40, $0x3;
	v41 =	vand.u32 $0x1F, v40  }
0x381: {  	v51 =	vand.u32 $0x3F, v42;
	v57 =	vshll.u32 v54, $0x3;
	v25 =	vor.u32 v60, v19  }
0x382: {  	v27 =	vor.u32 v62, v19;
	v29 =	vor.u32 v44, v19;
	v31 =	vor.u32 v45, v19  }
0x383: {  	v33 =	vor.u32 v46, v19;
	v35 =	vor.u32 v35, v19;
	v37 =	vor.u32 v37, v19  }
0x384: {  	v47 =	vand.u32 $0xFFFFFC00, v39;
	v39 =	vand.u32 $0xFFFFFC00, v48;
	v44 =	vshll.u32 v42, $0x3  }
0x385: {  	v45 =	vshll.u32 v52, $0x3;
	v46 =	vor.u32 $0xD0, v22;
	v25 =	vor.u32 v21, v25  }
0x386: {  	v27 =	vor.u32 v21, v27;
	v29 =	vor.u32 v21, v29;
	v31 =	vor.u32 v21, v31  }
0x387: {  	v33 =	vor.u32 v21, v33;
	v35 =	vor.u32 v21, v35;
	v21 =	vor.u32 v21, v37  }
0x388: {  	v37 =	vor.u32 v47, v19;
	v49 =	vor.u32 v39, v41;
	v39 =	vor.u32 $0xA0, v22  }
0x389: {  	v44 =	vand.u32 $0xFFFFFC00, v44;
	v47 =	vand.u32 $0x4F, v52;
	v45 =	vand.u32 $0xFFFFFC00, v45;
	v23 =	vld.idx.msk [tilespmem:v23+s15+$0x0], $0xffff  }
0x38a: {  	v48 =	vshll.u32 v46, $0x3;
	v53 =	vand.u32 $0x5F, v46;
	v20 =	vor.u32 v20, v37;
	v25 =	vld.idx.msk [tilespmem:v25+s15+$0x0], $0xffff  }
0x38b: {  	v37 =	vor.u32 v19, v49;
	v50 =	vshll.u32 v39, $0x3;
	v43 =	vand.u32 $0x2F, v39;
	v27 =	vld.idx.msk [tilespmem:v27+s15+$0x0], $0xffff  }
0x38c: {  	v45 =	vor.u32 v45, v47;
	v48 =	vand.u32 $0xFFFFFC00, v48;
	v41 =	vand.u32 $0xFFFFFC00, v50;
	v29 =	vld.idx.msk [tilespmem:v29+s15+$0x0], $0xffff  }
0x38d: {  	v45 =	vor.u32 v19, v45;
	v47 =	vor.u32 v48, v53;
	v41 =	vor.u32 v41, v43;
	v31 =	vld.idx.msk [tilespmem:v31+s15+$0x0], $0xffff  }
0x38e: {  	v43 =	vor.u32 v44, v51;
	v41 =	vor.u32 v19, v41;
	v33 =	vld.idx.msk [tilespmem:v33+s15+$0x0], $0xffff;
	(xrf1) =	vsort.dscd.msk.f32 $0xffff, v23, v22  }
0x38f: {  	v58 =	vand.u32 $0x6F, v54;
	v43 =	vor.u32 v19, v43;
	v55 =	vld.idx.msk [tilespmem:v35+s15+$0x0], $0xffff;
	v22 =	vor.u32 $0xF0, v22;
	(xrf1) =	vsort.dscd.msk.f32 $0xffff, v25, v59  }
0x390: {  	v56 =	vor.u32 v19, v47;
	v21 =	vld.idx.msk [tilespmem:v21+s15+$0x0], $0xffff;
	v60 =	vshll.u32 v22, $0x3;
	v59 =	vand.u32 $0xFFFFFC00, v57;
	(xrf1) =	vsort.dscd.msk.f32 $0xffff, v27, v61  }
0x391: {  	v20 =	vld.idx.msk [tilespmem:v20+s15+$0x0], $0xffff;
	v62 =	vand.u32 $0xFFFFFC00, v60;
	v24 =	vor.u32 v59, v58;
	v61 =	vand.u32 $0x7F, v22;
	(xrf1) =	vsort.dscd.msk.f32 $0xffff, v29, v63  }
0x392: {  	v63 =	vld.idx.msk [tilespmem:v37+s15+$0x0], $0xffff;
	v24 =	vor.u32 v19, v24;
	v25 =	vor.u32 v62, v61;
	(xrf1) =	vsort.dscd.msk.f32 $0xffff, v31, v30  }
0x393: {  	v30 =	vld.idx.msk [tilespmem:v41+s15+$0x0], $0xffff;
	v19 =	vor.u32 v19, v25;
	(xrf1) =	vsort.dscd.msk.f32 $0xffff, v33, v32  }
0x394: {  	v31 =	vld.idx.msk [tilespmem:v43+s15+$0x0], $0xffff;
	(xrf1) =	vsort.dscd.msk.f32 $0xffff, v55, v34  }
0x395: {  	v32 =	vld.idx.msk [tilespmem:v45+s15+$0x0], $0xffff;
	(xrf1) =	vsort.dscd.msk.f32 $0xffff, v21, v36  }
0x396: {  	v33 =	vld.idx.msk [tilespmem:v56+s15+$0x0], $0xffff;
	(xrf1) =	vsort.dscd.msk.f32 $0xffff, v20, v38  }
0x397: {  	v20 =	vld.idx.msk [tilespmem:v24+s15+$0x0], $0xffff;
	(xrf1) =	vsort.dscd.msk.f32 $0xffff, v63, v40  }
0x398: {  	v19 =	vld.idx.msk [tilespmem:v19+s15+$0x0], $0xffff;
	(xrf1) =	vsort.dscd.msk.f32 $0xffff, v30, v39  }
0x399: {  	(xrf1) =	vsort.dscd.msk.f32 $0xffff, v31, v42  }
0x39a: {  	(xrf1) =	vsort.dscd.msk.f32 $0xffff, v32, v52  }
0x39b: {  	(xrf1) =	vsort.dscd.msk.f32 $0xffff, v33, v46  }
0x39c: {  	v35, v34, _ =	vpop (xrf1);
	(xrf1) =	vsort.dscd.msk.f32 $0xffff, v20, v54  }
0x39d: {  	v20, v24, _ =	vpop (xrf1);
	(xrf1) =	vsort.dscd.msk.f32 $0xffff, v19, v22  }
0x39e: {  	v19, v22, _ =	vpop (xrf1)  }
0x39f: {  	v20 =	vperm.xlane v20, v17;
	v37, v36, _ =	vpop (xrf1)  }
0x3a0: {  	v24 =	vperm.xlane v24, v17;
	v39, v38, _ =	vpop (xrf1);
	v25 =	vperm.xlane v37, v17  }
0x3a1: {  	vm13 =	vgt.f32 v20, v35;
	v42 =	vperm.xlane v36, v17;
	v40, v41, _ =	vpop (xrf1)  }
0x3a2: {  	v20 =	vsel vm13, v20, v35;
	v23 =	vsel vm13, v24, v34;
	v44, v43, _ =	vpop (xrf1);
	vm14 =	vgt.f32 v25, v19  }
0x3a3: {  	v45 =	vperm.xlane v40, v17;
	(xrf1) =	vsort.dscd.msk.f32 $0xffff, v20, v23;
	v48 =	vperm.xlane v41, v17;
	v47, v46, _ =	vpop (xrf1)  }
0x3a4: {  	v19 =	vsel vm14, v25, v19;
	v20 =	vsel vm14, v42, v22;
	v21, v22, _ =	vpop (xrf1);
	v49 =	vperm.xlane v47, v17  }
0x3a5: {  	vm15 =	vgt.f32 v45, v39;
	(xrf1) =	vsort.dscd.msk.f32 $0xffff, v19, v20;
	v20 =	vperm.xlane v46, v17;
	v51, v50, _ =	vpop (xrf1)  }
0x3a6: {  	v19 =	vsel vm15, v45, v39;
	v23 =	vsel vm15, v48, v38;
	v24, v27, _ =	vpop (xrf1);
	vm4 =	vgt.f32 v49, v44  }
0x3a7: {  	v52 =	vperm.xlane v51, v17;
	(xrf1) =	vsort.dscd.msk.f32 $0xffff, v19, v23;
	v54, v53, _ =	vpop (xrf1);
	v20 =	vsel vm4, v20, v43  }
0x3a8: {  	v57 =	vperm.xlane v50, v17;
	v19 =	vsel vm4, v49, v44;
	v55, v56, _ =	vpop (xrf1);
	v29 =	vperm.xlane v54, v17  }
0x3a9: {  	vm5 =	vgt.f32 v52, v21;
	(xrf1) =	vsort.dscd.msk.f32 $0xffff, v19, v20;
	v61 =	vperm.xlane v53, v17;
	v59, v58, _ =	vpop (xrf1)  }
0x3aa: {  	v19 =	vsel vm5, v52, v21;
	v22 =	vsel vm5, v57, v22;
	v20, v60, _ =	vpop (xrf1);
	vm6 =	vgt.f32 v29, v24  }
0x3ab: {  	(xrf1) =	vsort.dscd.msk.f32 $0xffff, v19, v22;
	v35 =	vperm.xlane v59, v17;
	v37 =	vperm.xlane v58, v17;
	v62, v63, _ =	vpop (xrf1)  }
0x3ac: {  	v19 =	vsel vm6, v29, v24;
	v36 =	vsel vm6, v61, v27;
	v38 =	vperm.xlane v62, v17  }
0x3ad: {  	(xrf1) =	vsort.dscd.msk.f32 $0xffff, v19, v36;
	vm7 =	vgt.f32 v35, v55;
	v19 =	vperm.xlane v63, v17  }
0x3ae: {  	v22 =	vsel vm7, v35, v55;
	v39 =	vsel vm7, v37, v56;
	vm8 =	vgt.f32 v38, v20  }
0x3af: {  	(xrf1) =	vsort.dscd.msk.f32 $0xffff, v22, v39;
	v20 =	vsel vm8, v38, v20;
	v19 =	vsel vm8, v19, v60  }
0x3b0: {  	(xrf1) =	vsort.dscd.msk.f32 $0xffff, v20, v19;
	_ =	sdelay $0x6  }
0x3b1: {  	v19, v20, _ =	vpop (xrf1)  }
0x3b2: {  	v41, v40, _ =	vpop (xrf1)  }
0x3b3: {  	v43, v42, _ =	vpop (xrf1)  }
0x3b4: {  	v21 =	vperm.xlane v41, v17;
	v25, v26, _ =	vpop (xrf1)  }
0x3b5: {  	v22 =	vperm.xlane v40, v17;
	v25 =	vperm.xlane v25, v17;
	v44, v28, _ =	vpop (xrf1)  }
0x3b6: {  	vm9 =	vgt.f32 v21, v19;
	v49 =	vperm.xlane v26, v17;
	v45, v46, _ =	vpop (xrf1)  }
0x3b7: {  	v19 =	vsel vm9, v21, v19;
	v20 =	vsel vm9, v22, v20;
	vm10 =	vgt.f32 v25, v43;
	v48, v47, _ =	vpop (xrf1)  }
0x3b8: {  	(xrf1) =	vsort.dscd.msk.f32 $0xffff, v19, v20;
	v19 =	vsel vm10, v25, v43;
	v20 =	vperm.xlane v45, v17;
	v51, v50, _ =	vpop (xrf1)  }
0x3b9: {  	v22 =	vsel vm10, v49, v42;
	v52 =	vperm.xlane v46, v17;
	v53 =	vperm.xlane v51, v17  }
0x3ba: {  	(xrf1) =	vsort.dscd.msk.f32 $0xffff, v19, v22;
	vm11 =	vgt.f32 v20, v44;
	v19 =	vperm.xlane v50, v17  }
0x3bb: {  	v20 =	vsel vm11, v20, v44;
	v54 =	vsel vm11, v52, v28;
	vm12 =	vgt.f32 v53, v48  }
0x3bc: {  	(xrf1) =	vsort.dscd.msk.f32 $0xffff, v20, v54;
	v20 =	vsel vm12, v53, v48;
	v19 =	vsel vm12, v19, v47  }
0x3bd: {  	(xrf1) =	vsort.dscd.msk.f32 $0xffff, v20, v19;
	_ =	sdelay $0xa  }
0x3be: {  	v19, v20, _ =	vpop (xrf1)  }
0x3bf: {  	v56, v55, _ =	vpop (xrf1)  }
0x3c0: {  	v57, v58, _ =	vpop (xrf1)  }
0x3c1: {  	v21 =	vperm.xlane v56, v17;
	v59, v60, _ =	vpop (xrf1)  }
0x3c2: {  	v22 =	vperm.xlane v55, v17;
	v25 =	vperm.xlane v59, v17  }
0x3c3: {  	vm13 =	vgt.f32 v21, v19;
	v26 =	vperm.xlane v60, v17  }
0x3c4: {  	v19 =	vsel vm13, v21, v19;
	v20 =	vsel vm13, v22, v20;
	vm14 =	vgt.f32 v25, v57  }
0x3c5: {  	(xrf1) =	vsort.dscd.msk.f32 $0xffff, v19, v20;
	v19 =	vsel vm14, v25, v57;
	v20 =	vsel vm14, v26, v58  }
0x3c6: {  	(xrf1) =	vsort.dscd.msk.f32 $0xffff, v19, v20;
	_ =	sdelay $0xc  }
0x3c7: {  	v19, v20, _ =	vpop (xrf1)  }
0x3c8: {  	v61, v62, _ =	vpop (xrf1)  }
0x3c9: {  	v21 =	vperm.xlane v61, v17  }
0x3ca: {  	v22 =	vperm.xlane v62, v17  }
0x3cb: {  	vm15 =	vgt.f32 v21, v19  }
0x3cc: {  	v19 =	vsel vm15, v21, v19;
	v20 =	vsel vm15, v22, v20  }
0x3cd: {  	(xrf1) =	vsort.dscd.msk.f32 $0xffff, v19, v20;
	_ =	sdelay $0xa  }
0x3ce: {  	v19 =	vmov s0  }
0x3cf: {  	v19 =	vshll.u32 v19, $0x7  }
0x3d0: {  	v19 =	vand.u32 $0x180, v19  }
0x3d1: {  	v19 =	vbroadcast v19, $0x0;
	_, v20, _ =	vpop (xrf1)  }
0x3d2: {  	v63 =	vand.u32 $0x7F, v20;
	v20 =	vshll.u32 v20, $0x2  }
0x3d3: {  	v20 =	vand.u32 $0xFFFFFE00, v20;
	v19 =	vor.u32 v19, v63  }
0x3d4: {  	v19 =	vor.u32 v20, v19;
	_ =	sdelay $0x3  }
0x3d5: {  	s0 =	sadd.s32 $0x1, s0  }
0x3d6: {  	p0 =	sne.s32 s0, $0x4;
	v19 =	vld.idx.msk [tilespmem:v19+s19+$0x0], $0xffff  }
.Ltmp7:
0x3d7: {  	_ = 	snop;
	(pc) =	sbr.rel @p0 .LBB2_15-.Ltmp7, $4  }
0x3d8: {  	s9 =	ssub.s32 s9, s5  }
0x3d9: {  	s9 =	sshll.u32 s9, $0x9  }
0x3da: {  	s9 =	sshra.s32 s9, $0x2  }
0x3db: {  	s2 =	sadd.s32 $0x80, s2;
	[tilespmem:s9+$0x18000] =	vst v19  }
0x3dc: {  	s0 =	sadd.s32 $0x14, s29  }
0x3dd: {  	s0 =	smin.u32 s0, s7  }
0x3de: {  	s0 =	sshll.u32 s0, $0x9  }
0x3df: {  	s28 =	sadd.s32 $0x1, s28;
	s0 =	sand.u32 $0x1FF000, s0  }
0x3e0: {  	p0 =	sne.s32 s28, $0x8;
	s0 =	sadd.s32 s0, s11  }
0x3e1: {  	[tilespmem:s19], [sflag:$0x4] =	stream.strided.gather [hbm4b:s0+s16], $0x4000, s17, s16, $0x38;
	[tilespmem:$0x1C100] =	vst v63  }
.Ltmp8:
0x3e2: {  	s31 =	sadd.s32 $0x18, s29;
	(pc) =	sbr.rel @p0 .LBB2_2-.Ltmp8, $4  }
0x3e3: {  	s0 =	smin.u32 s31, s6  }
0x3e4: {  	s0 =	sshll.u32 s0, $0x9  }
0x3e5: {  	s0 =	sadd.s32 s1, s0  }
0x3e6: {  	[tilespmem:s15], [sflag:$0x2] =	stream.linear.gather [hbm4b:s0+s4], $0x8000, $0x38;
	[tilespmem:$0x1C100] =	vst v63  }
0x3e7: {  	_ =	swait.ge [sflag:s20], $0x8000  }
0x3e8: {  	[sflag:s20] =	ssyncset.done $0x0  }
0x3e9: {  	[sflag:s20] =	ssyncadd.s32 $0xFFFF8000  }
0x3ea: {  	_ =	swait.ge [sflag:s23], $0x8000  }
0x3eb: {  	[sflag:s23] =	ssyncset.done $0x0  }
0x3ec: {  	[sflag:s23] =	ssyncadd.s32 $0xFFFF8000  }
0x3ed: {  	_ =	swait.ge [sflag:s21], $0x4000  }
0x3ee: {  	[sflag:s21] =	ssyncset.done $0x0  }
0x3ef: {  	[sflag:s21] =	ssyncadd.s32 $0xFFFFC000  }
0x3f0: {  	_ =	swait.ge [sflag:s22], $0x4000  }
0x3f1: {  	[sflag:s22] =	ssyncset.done $0x0  }
0x3f2: {  	s2 =	simm.s32 $0x18000;
	s0 =	rddreg [dreg:$0x7];
	[sflag:s22] =	ssyncadd.s32 $0xFFFFC000  }
0x3f3: {  	[hbm4b:s0+s4] =	stream.linear.scatter [tilespmem:s2], [sflag:$0x5], $0x4000, $0x38;
	[tilespmem:$0x1C100] =	vst v63  }
0x3f4: {  	_ =	swait.ge [sflag:s25], $0x4000  }
0x3f5: {  	s26 =	sadd.s32 $0x1, s26;
	s31 =	rddreg [dreg:$0x8]  }
0x3f6: {  	p0 =	sne.s32 s26, s31  }
.Ltmp9:
0x3f7: {  	_ = 	snop;
	(pc) =	sbr.rel @p0 .LBB2_1-.Ltmp9, $3  }
0x3f8: {  	_ =	sdelay $0x1  }
0x3f9: {  	[sflag:s25] =	ssyncset.done $0x0  }
0x3fa: {  	[sflag:s25] =	ssyncadd.s32 $0xFFFFC000  }
0x3fb: {  	_ =	sfence.sel $0x180000  }
0x3fc: {  	[bflag:$0x0] =	sbarrier.arrive $0xFFFF  }
0x3fd: {  	_ =	strace $0x90000047  }
0x3fe: {  	s0 =	stileid.u32;
	[bflag:$0x2] =	sbarrier.arrive $0xFFFF  }
0x3ff: {  	p0 =	sne.s32 s0, $0x0;
	s0 =	rddreg [dreg:$0x3]  }
0x400: {  	s0 =	sadd.s32 @!p0 $0x100000, s0  }
0x401: {  	[sflag:s0] =	ssyncadd.tile.s32 @!p0 $0x1;
	_ =	shalt  }
.Lfunc_end2:
_tile_overlayer_lowered:
.L_overlay_start_2:
0x402: {  	(tag) =	ssettag $0x2  }
0x403: {  	s0 =	rddreg [dreg:$0x0];
	s2 =	stileid.u32  }
0x404: {  	s1 =	rddreg [dreg:$0x1];
	p0 =	sne.s32 s2, $0x0  }
0x405: {  	s3 =	rddreg [dreg:$0x2];
	[bflag:$0x3] =	sbarrier.arrive $0xFFFF;
	s2 =	simm.s32 @!p0 $0x1C05  }
0x406: {  	[timem:s3], [sflag:s2] =	dma.local @!p0 [hbm:s0], s1  }
0x407: {  	s0 =	simm.s32 @!p0 $0x5  }
0x408: {  	_ =	swait.ge @!p0 [sflag:s0], s1  }
0x409: {  	s1 =	ssub.s32 @!p0 $0x0, s1;
	[sflag:s0] =	ssyncset.done @!p0 $0x0  }
0x40a: {  	[sflag:s0] =	ssyncadd.s32 @!p0 s1  }
0x40b: {  	[bflag:$0x3] =	sbarrier.arrive $0xFFFF  }
0x40c: {  	_ =	shalt  }

</sc_bundles>
